<compile_context>
chip_gen: v7x
topology: tpu7x:2x2x1
jax: 0.10.2.dev20260603
libtpu: 0.0.44.dev20260713+nightly
codegen_flags: <defaults>
</compile_context>

<pallas_src>
import functools
import jax
import jax.numpy as jnp
from jax import lax
from jax.experimental import pallas as pl
from jax.experimental.pallas import tpu as pltpu
from jax.experimental.pallas import tpu_sc as plsc

M = 16384
N = 4096
C = 128
CS = 64
BQ = 256
NBLK = M // BQ

NW = 32
QW = M // NW
QB = 64
NCHUNK = QW // QB


def _knn_block(pos_skip_ref, x_skip_ref, posT_ref, x_ref, w1_ref, w2_ref,
               b_ref, i0_ref, i1_ref, i2_ref, n0_ref, n1_ref, n2_ref,
               base_ref, xw_ref):
    @pl.when(pl.program_id(0) == 0)
    def _():
        xw_ref[...] = jax.lax.dot_general(
            x_ref[...], w1_ref[...], (((1,), (1,)), ((), ())),
            preferred_element_type=jnp.float32,
            precision=jax.lax.Precision.HIGHEST)

    q = pos_skip_ref[...]
    p = posT_ref[...]
    qsq = jnp.sum(q * q, axis=1, keepdims=True)
    psq = jnp.sum(p * p, axis=0, keepdims=True)
    cross = jax.lax.dot_general(
        q, p, (((1,), (0,)), ((), ())),
        preferred_element_type=jnp.float32)
    d2 = (qsq + psq) - (cross + cross)

    lane = jax.lax.broadcasted_iota(jnp.int32, (BQ, N), 1)
    inf = jnp.float32(jnp.inf)
    ws = []
    irefs = (i0_ref, i1_ref, i2_ref)
    nrefs = (n0_ref, n1_ref, n2_ref)
    for k in range(3):
        m = jnp.min(d2, axis=1, keepdims=True)
        hit = d2 == m
        i = jnp.min(jnp.where(hit, lane, N), axis=1, keepdims=True)
        irefs[k][...] = i
        ws.append(1.0 / jnp.maximum(m, 1e-16))
        d2 = jnp.where(hit, inf, d2)
    den = ws[0] + ws[1] + ws[2]
    for k in range(3):
        nrefs[k][...] = ws[k] / den

    base_ref[...] = jax.lax.dot_general(
        x_skip_ref[...], w2_ref[...], (((1,), (1,)), ((), ())),
        preferred_element_type=jnp.float32,
        precision=jax.lax.Precision.HIGHEST) + b_ref[...]


def _sc_combine(xw_hbm, base_hbm, idx0_hbm, idx1_hbm, idx2_hbm,
                w0_hbm, w1_hbm, w2_hbm, out_hbm,
                ib0, ib1, ib2, wb0, wb1, wb2,
                rowsA, rowsB, bbA, bbB, outv,
                gsemA, gsemB, bsemA, bsemB):
    wid = lax.axis_index("s") * 2 + lax.axis_index("c")
    base = wid * QW
    rows = (rowsA, rowsB)
    bb = (bbA, bbB)
    gsem = (gsemA, gsemB)
    bsem = (bsemA, bsemB)
    ibig = (ib0, ib1, ib2)
    wbig = (wb0, wb1, wb2)

    for ih, dst in ((idx0_hbm, ib0), (idx1_hbm, ib1), (idx2_hbm, ib2),
                    (w0_hbm, wb0), (w1_hbm, wb1), (w2_hbm, wb2)):
        pltpu.sync_copy(ih.at[pl.ds(base, QW)], dst)

    def stage(ci):
        s = ci & 1
        qoff = base + ci * QB
        cps = [pltpu.async_copy(
                   xw_hbm.at[ibig[k].at[pl.ds(ci * QB, QB)]],
                   rows[s][k], gsem[s])
               for k in range(3)]
        cps.append(pltpu.async_copy(base_hbm.at[pl.ds(qoff, QB)], bb[s],
                                    bsem[s]))
        return cps

    pending = {0: stage(0)}
    for ci in range(NCHUNK):
        if ci + 1 < NCHUNK:
            pending[ci + 1] = stage(ci + 1)
        for cp in pending.pop(ci):
            cp.wait()
        s = ci & 1
        r0, r1, r2 = rows[s]
        bbr = bb[s]
        coff = ci * QB

        def qbody(qa, c, r0=r0, r1=r1, r2=r2, bbr=bbr, coff=coff):
            g16 = (qa // 16) * 16
            ql = qa - g16
            lane = jnp.full((16,), ql, jnp.int32)
            s0 = jnp.take(wb0[pl.ds(coff + g16, 16)], lane)
            s1 = jnp.take(wb1[pl.ds(coff + g16, 16)], lane)
            s2 = jnp.take(wb2[pl.ds(coff + g16, 16)], lane)
            for cb in range(C // 16):
                sl = pl.ds(cb * 16, 16)
                outv[qa, sl] = (bbr[qa, sl] + s0 * r0[qa, sl]
                                + s1 * r1[qa, sl] + s2 * r2[qa, sl])
            return c

        lax.fori_loop(0, QB, qbody, 0)
        pltpu.sync_copy(outv, out_hbm.at[pl.ds(base + ci * QB, QB)])


def kernel(x, pos, batch, x_skip, pos_skip, batch_skip, W, b):
    posT = pos.T.astype(jnp.bfloat16).astype(jnp.float32)
    ps_r = pos_skip.astype(jnp.bfloat16).astype(jnp.float32)
    b2 = b.reshape(1, C)

    i0, i1, i2, n0, n1, n2, base, xw = pl.pallas_call(
        _knn_block,
        grid=(NBLK,),
        in_specs=[
            pl.BlockSpec((BQ, 3), lambda i: (i, 0)),
            pl.BlockSpec((BQ, CS), lambda i: (i, 0)),
            pl.BlockSpec((3, N), lambda i: (0, 0)),
            pl.BlockSpec((N, C), lambda i: (0, 0)),
            pl.BlockSpec((C, C), lambda i: (0, 0)),
            pl.BlockSpec((C, CS), lambda i: (0, 0)),
            pl.BlockSpec((1, C), lambda i: (0, 0)),
        ],
        out_specs=(
            [pl.BlockSpec((BQ, 1), lambda i: (i, 0)) for _ in range(6)]
            + [pl.BlockSpec((BQ, C), lambda i: (i, 0)),
               pl.BlockSpec((N, C), lambda i: (0, 0))]
        ),
        out_shape=(
            [jax.ShapeDtypeStruct((M, 1), jnp.int32) for _ in range(3)]
            + [jax.ShapeDtypeStruct((M, 1), jnp.float32) for _ in range(3)]
            + [jax.ShapeDtypeStruct((M, C), jnp.float32),
               jax.ShapeDtypeStruct((N, C), jnp.float32)]
        ),
    )(ps_r, x_skip, posT, x, W[:, :C], W[:, C:], b2)

    sc = functools.partial(
        pl.kernel,
        out_type=jax.ShapeDtypeStruct((M, C), jnp.float32),
        mesh=plsc.VectorSubcoreMesh(core_axis_name="c", subcore_axis_name="s"),
        scratch_types=[
            pltpu.VMEM((QW,), jnp.int32),
            pltpu.VMEM((QW,), jnp.int32),
            pltpu.VMEM((QW,), jnp.int32),
            pltpu.VMEM((QW,), jnp.float32),
            pltpu.VMEM((QW,), jnp.float32),
            pltpu.VMEM((QW,), jnp.float32),
            tuple(pltpu.VMEM((QB, C), jnp.float32) for _ in range(3)),
            tuple(pltpu.VMEM((QB, C), jnp.float32) for _ in range(3)),
            pltpu.VMEM((QB, C), jnp.float32),
            pltpu.VMEM((QB, C), jnp.float32),
            pltpu.VMEM((QB, C), jnp.float32),
            pltpu.SemaphoreType.DMA,
            pltpu.SemaphoreType.DMA,
            pltpu.SemaphoreType.DMA,
            pltpu.SemaphoreType.DMA,
        ],
    )(_sc_combine)
    out = sc(xw, base, i0.reshape(M), i1.reshape(M), i2.reshape(M),
             n0.reshape(M), n1.reshape(M), n2.reshape(M))

    return (out, pos_skip, batch_skip)

# --- scband reference (transcript-rebuilt; emitter-appended) ---
"""Pipeline reference for scband-fpmodule-17154099380546 (READ-ONLY COPY).

The authoritative reference and input builder live on the scoring server;
editing this copy changes nothing except your own understanding.
"""

import jax, jax.numpy as jnp
import numpy as np

K = 3

def setup_inputs(seed: int = 0):
    key = jax.random.key(seed)
    ks = jax.random.split(key, 8)
    x = jax.random.normal(ks[0], (4096, 128), dtype=jnp.float32)
    pos = jax.random.uniform(ks[1], (4096, 3), dtype=jnp.float32)
    batch = jnp.zeros((4096,), dtype=jnp.int32)
    x_skip = jax.random.normal(ks[2], (16384, 64), dtype=jnp.float32)
    pos_skip = jax.random.uniform(ks[3], (16384, 3), dtype=jnp.float32)
    batch_skip = jnp.zeros((16384,), dtype=jnp.int32)
    # Learned params for self.nn = Linear(192, 128)
    W = jax.random.normal(ks[4], (128, 192), dtype=jnp.float32) * (1.0 / np.sqrt(192.0))
    b = jnp.zeros((128,), dtype=jnp.float32)
    return {"x": x, "pos": pos, "batch": batch, "x_skip": x_skip, "pos_skip": pos_skip, "batch_skip": batch_skip, "W": W, "b": b}

def knn_interpolate(x, pos, pos_skip, k):
    # squared pairwise distances [M, N] (single batch: all batch ids are 0)
    d2 = (jnp.sum(pos_skip * pos_skip, axis=1)[:, None]
          + jnp.sum(pos * pos, axis=1)[None, :]
          - 2.0 * (pos_skip @ pos.T))
    neg_vals, idx = jax.lax.top_k(-d2, k)          # k nearest coarse points per dense point
    sq_dist = jnp.clip(-neg_vals, 1e-16, None)     # torch_geometric clamps min=1e-16
    weights = 1.0 / sq_dist                        # [M, k]
    feats = jnp.take(x, idx, axis=0)               # gather [M, k, C]
    num = jnp.sum(feats * weights[..., None], axis=1)
    den = jnp.sum(weights, axis=1, keepdims=True)
    return num / den

def reference(x, pos, batch, x_skip, pos_skip, batch_skip, W, b):
    interp = knn_interpolate(x, pos, pos_skip, K)  # [M, 128]
    h = jnp.concatenate([interp, x_skip], axis=1)  # [M, 192]
    out = h @ W.T + b                              # self.nn
    return (out, pos_skip, batch_skip)

if __name__ == "__main__":
    import jax
    _d = setup_inputs()
    print(jax.jit(kernel)(*tuple(_d.values())))

</pallas_src>

<mosaic_0001>
#map = affine_map<(d0, d1) -> (0, 0)>
#map1 = affine_map<(d0, d1) -> (0)>
module attributes {stable_mosaic.version = 14 : i64} {
  func.func @_sc_combine(%arg0: i32, %arg1: i32, %arg2: memref<4096x128xf32, #tpu.memory_space<hbm>>, %arg3: memref<16384x128xf32, #tpu.memory_space<hbm>>, %arg4: memref<16384xi32, #tpu.memory_space<hbm>>, %arg5: memref<16384xi32, #tpu.memory_space<hbm>>, %arg6: memref<16384xi32, #tpu.memory_space<hbm>>, %arg7: memref<16384xf32, #tpu.memory_space<hbm>>, %arg8: memref<16384xf32, #tpu.memory_space<hbm>>, %arg9: memref<16384xf32, #tpu.memory_space<hbm>>, %arg10: memref<16384x128xf32, #tpu.memory_space<hbm>>, %arg11: memref<512xi32, #tpu.memory_space<vmem>>, %arg12: memref<512xi32, #tpu.memory_space<vmem>>, %arg13: memref<512xi32, #tpu.memory_space<vmem>>, %arg14: memref<512xf32, #tpu.memory_space<vmem>>, %arg15: memref<512xf32, #tpu.memory_space<vmem>>, %arg16: memref<512xf32, #tpu.memory_space<vmem>>, %arg17: memref<64x128xf32, #tpu.memory_space<vmem>>, %arg18: memref<64x128xf32, #tpu.memory_space<vmem>>, %arg19: memref<64x128xf32, #tpu.memory_space<vmem>>, %arg20: memref<64x128xf32, #tpu.memory_space<vmem>>, %arg21: memref<64x128xf32, #tpu.memory_space<vmem>>, %arg22: memref<64x128xf32, #tpu.memory_space<vmem>>, %arg23: memref<64x128xf32, #tpu.memory_space<vmem>>, %arg24: memref<64x128xf32, #tpu.memory_space<vmem>>, %arg25: memref<64x128xf32, #tpu.memory_space<vmem>>, %arg26: memref<!tpu.dma_semaphore, #tpu.memory_space<semaphore_mem>>, %arg27: memref<!tpu.dma_semaphore, #tpu.memory_space<semaphore_mem>>, %arg28: memref<!tpu.dma_semaphore, #tpu.memory_space<semaphore_mem>>, %arg29: memref<!tpu.dma_semaphore, #tpu.memory_space<semaphore_mem>>) attributes {dimension_semantics = [#tpu.dimension_semantics<core_parallel>, #tpu.dimension_semantics<subcore_parallel>], iteration_bounds = array<i64: 2, 16>, scalar_prefetch = 0 : i64, scratch_operands = 19 : i64, tpu.core_type = #tpu.core_type<sc_vector_subcore>, window_params = [{transform_indices = #map}, {transform_indices = #map}, {transform_indices = #map1}, {transform_indices = #map1}, {transform_indices = #map1}, {transform_indices = #map1}, {transform_indices = #map1}, {transform_indices = #map1}, {transform_indices = #map}]} {
    %mul3A = arith.constant 2 : i32
    %mul3A_0 = arith.muli %arg1, %mul3A : i32
    %add3A = arith.addi %mul3A_0, %arg0 : i32
    %mul3A_1 = arith.constant 512 : i32
    %mul3A_2 = arith.muli %add3A, %mul3A_1 : i32
    "tpu.region"() ({
      %run_scoped3A = tpu.sem_alloc : memref<!tpu.dma_semaphore, #tpu.memory_space<semaphore_mem>>
      %dma_start3A_384 = tpu.memref_slice %arg4[%mul3A_2] : memref<16384xi32, #tpu.memory_space<hbm>> -> memref<512xi32, #tpu.memory_space<hbm>>
      %dma_start3A_385 = tpu.memref_slice %arg4[%mul3A_2] : memref<16384xi32, #tpu.memory_space<hbm>> -> memref<512xi32, #tpu.memory_space<hbm>>
      tpu.enqueue_dma source(%dma_start3A_385 : memref<512xi32, #tpu.memory_space<hbm>>) target(%arg11 : memref<512xi32, #tpu.memory_space<vmem>>) target_semaphore(%run_scoped3A : memref<!tpu.dma_semaphore, #tpu.memory_space<semaphore_mem>>)
      %dma_wait3A_386 = tpu.memref_slice %arg4[%mul3A_2] : memref<16384xi32, #tpu.memory_space<hbm>> -> memref<512xi32, #tpu.memory_space<hbm>>
      %dma_wait3A_387 = tpu.memref_slice %arg4[%mul3A_2] : memref<16384xi32, #tpu.memory_space<hbm>> -> memref<512xi32, #tpu.memory_space<hbm>>
      tpu.wait_dma2 semaphore(%run_scoped3A : memref<!tpu.dma_semaphore, #tpu.memory_space<semaphore_mem>>) src(%dma_wait3A_387 : memref<512xi32, #tpu.memory_space<hbm>>) dst(%arg11 : memref<512xi32, #tpu.memory_space<vmem>>)
      tpu.yield
    }) : () -> ()
    "tpu.region"() ({
      %run_scoped3A = tpu.sem_alloc : memref<!tpu.dma_semaphore, #tpu.memory_space<semaphore_mem>>
      %dma_start3A_384 = tpu.memref_slice %arg5[%mul3A_2] : memref<16384xi32, #tpu.memory_space<hbm>> -> memref<512xi32, #tpu.memory_space<hbm>>
      %dma_start3A_385 = tpu.memref_slice %arg5[%mul3A_2] : memref<16384xi32, #tpu.memory_space<hbm>> -> memref<512xi32, #tpu.memory_space<hbm>>
      tpu.enqueue_dma source(%dma_start3A_385 : memref<512xi32, #tpu.memory_space<hbm>>) target(%arg12 : memref<512xi32, #tpu.memory_space<vmem>>) target_semaphore(%run_scoped3A : memref<!tpu.dma_semaphore, #tpu.memory_space<semaphore_mem>>)
      %dma_wait3A_386 = tpu.memref_slice %arg5[%mul3A_2] : memref<16384xi32, #tpu.memory_space<hbm>> -> memref<512xi32, #tpu.memory_space<hbm>>
      %dma_wait3A_387 = tpu.memref_slice %arg5[%mul3A_2] : memref<16384xi32, #tpu.memory_space<hbm>> -> memref<512xi32, #tpu.memory_space<hbm>>
      tpu.wait_dma2 semaphore(%run_scoped3A : memref<!tpu.dma_semaphore, #tpu.memory_space<semaphore_mem>>) src(%dma_wait3A_387 : memref<512xi32, #tpu.memory_space<hbm>>) dst(%arg12 : memref<512xi32, #tpu.memory_space<vmem>>)
      tpu.yield
    }) : () -> ()
    "tpu.region"() ({
      %run_scoped3A = tpu.sem_alloc : memref<!tpu.dma_semaphore, #tpu.memory_space<semaphore_mem>>
      %dma_start3A_384 = tpu.memref_slice %arg6[%mul3A_2] : memref<16384xi32, #tpu.memory_space<hbm>> -> memref<512xi32, #tpu.memory_space<hbm>>
      %dma_start3A_385 = tpu.memref_slice %arg6[%mul3A_2] : memref<16384xi32, #tpu.memory_space<hbm>> -> memref<512xi32, #tpu.memory_space<hbm>>
      tpu.enqueue_dma source(%dma_start3A_385 : memref<512xi32, #tpu.memory_space<hbm>>) target(%arg13 : memref<512xi32, #tpu.memory_space<vmem>>) target_semaphore(%run_scoped3A : memref<!tpu.dma_semaphore, #tpu.memory_space<semaphore_mem>>)
      %dma_wait3A_386 = tpu.memref_slice %arg6[%mul3A_2] : memref<16384xi32, #tpu.memory_space<hbm>> -> memref<512xi32, #tpu.memory_space<hbm>>
      %dma_wait3A_387 = tpu.memref_slice %arg6[%mul3A_2] : memref<16384xi32, #tpu.memory_space<hbm>> -> memref<512xi32, #tpu.memory_space<hbm>>
      tpu.wait_dma2 semaphore(%run_scoped3A : memref<!tpu.dma_semaphore, #tpu.memory_space<semaphore_mem>>) src(%dma_wait3A_387 : memref<512xi32, #tpu.memory_space<hbm>>) dst(%arg13 : memref<512xi32, #tpu.memory_space<vmem>>)
      tpu.yield
    }) : () -> ()
    "tpu.region"() ({
      %run_scoped3A = tpu.sem_alloc : memref<!tpu.dma_semaphore, #tpu.memory_space<semaphore_mem>>
      %dma_start3A_384 = tpu.memref_slice %arg7[%mul3A_2] : memref<16384xf32, #tpu.memory_space<hbm>> -> memref<512xf32, #tpu.memory_space<hbm>>
      %dma_start3A_385 = tpu.memref_slice %arg7[%mul3A_2] : memref<16384xf32, #tpu.memory_space<hbm>> -> memref<512xf32, #tpu.memory_space<hbm>>
      tpu.enqueue_dma source(%dma_start3A_385 : memref<512xf32, #tpu.memory_space<hbm>>) target(%arg14 : memref<512xf32, #tpu.memory_space<vmem>>) target_semaphore(%run_scoped3A : memref<!tpu.dma_semaphore, #tpu.memory_space<semaphore_mem>>)
      %dma_wait3A_386 = tpu.memref_slice %arg7[%mul3A_2] : memref<16384xf32, #tpu.memory_space<hbm>> -> memref<512xf32, #tpu.memory_space<hbm>>
      %dma_wait3A_387 = tpu.memref_slice %arg7[%mul3A_2] : memref<16384xf32, #tpu.memory_space<hbm>> -> memref<512xf32, #tpu.memory_space<hbm>>
      tpu.wait_dma2 semaphore(%run_scoped3A : memref<!tpu.dma_semaphore, #tpu.memory_space<semaphore_mem>>) src(%dma_wait3A_387 : memref<512xf32, #tpu.memory_space<hbm>>) dst(%arg14 : memref<512xf32, #tpu.memory_space<vmem>>)
      tpu.yield
    }) : () -> ()
    "tpu.region"() ({
      %run_scoped3A = tpu.sem_alloc : memref<!tpu.dma_semaphore, #tpu.memory_space<semaphore_mem>>
      %dma_start3A_384 = tpu.memref_slice %arg8[%mul3A_2] : memref<16384xf32, #tpu.memory_space<hbm>> -> memref<512xf32, #tpu.memory_space<hbm>>
      %dma_start3A_385 = tpu.memref_slice %arg8[%mul3A_2] : memref<16384xf32, #tpu.memory_space<hbm>> -> memref<512xf32, #tpu.memory_space<hbm>>
      tpu.enqueue_dma source(%dma_start3A_385 : memref<512xf32, #tpu.memory_space<hbm>>) target(%arg15 : memref<512xf32, #tpu.memory_space<vmem>>) target_semaphore(%run_scoped3A : memref<!tpu.dma_semaphore, #tpu.memory_space<semaphore_mem>>)
      %dma_wait3A_386 = tpu.memref_slice %arg8[%mul3A_2] : memref<16384xf32, #tpu.memory_space<hbm>> -> memref<512xf32, #tpu.memory_space<hbm>>
      %dma_wait3A_387 = tpu.memref_slice %arg8[%mul3A_2] : memref<16384xf32, #tpu.memory_space<hbm>> -> memref<512xf32, #tpu.memory_space<hbm>>
      tpu.wait_dma2 semaphore(%run_scoped3A : memref<!tpu.dma_semaphore, #tpu.memory_space<semaphore_mem>>) src(%dma_wait3A_387 : memref<512xf32, #tpu.memory_space<hbm>>) dst(%arg15 : memref<512xf32, #tpu.memory_space<vmem>>)
      tpu.yield
    }) : () -> ()
    "tpu.region"() ({
      %run_scoped3A = tpu.sem_alloc : memref<!tpu.dma_semaphore, #tpu.memory_space<semaphore_mem>>
      %dma_start3A_384 = tpu.memref_slice %arg9[%mul3A_2] : memref<16384xf32, #tpu.memory_space<hbm>> -> memref<512xf32, #tpu.memory_space<hbm>>
      %dma_start3A_385 = tpu.memref_slice %arg9[%mul3A_2] : memref<16384xf32, #tpu.memory_space<hbm>> -> memref<512xf32, #tpu.memory_space<hbm>>
      tpu.enqueue_dma source(%dma_start3A_385 : memref<512xf32, #tpu.memory_space<hbm>>) target(%arg16 : memref<512xf32, #tpu.memory_space<vmem>>) target_semaphore(%run_scoped3A : memref<!tpu.dma_semaphore, #tpu.memory_space<semaphore_mem>>)
      %dma_wait3A_386 = tpu.memref_slice %arg9[%mul3A_2] : memref<16384xf32, #tpu.memory_space<hbm>> -> memref<512xf32, #tpu.memory_space<hbm>>
      %dma_wait3A_387 = tpu.memref_slice %arg9[%mul3A_2] : memref<16384xf32, #tpu.memory_space<hbm>> -> memref<512xf32, #tpu.memory_space<hbm>>
      tpu.wait_dma2 semaphore(%run_scoped3A : memref<!tpu.dma_semaphore, #tpu.memory_space<semaphore_mem>>) src(%dma_wait3A_387 : memref<512xf32, #tpu.memory_space<hbm>>) dst(%arg16 : memref<512xf32, #tpu.memory_space<vmem>>)
      tpu.yield
    }) : () -> ()
    %add3A_3 = arith.constant 0 : i32
    %add3A_4 = arith.addi %mul3A_2, %add3A_3 : i32
    %dma_start3A = arith.constant 0 : i32
    %dma_start3A_5 = tpu.memref_slice %arg11[%dma_start3A] : memref<512xi32, #tpu.memory_space<vmem>> -> memref<64xi32, #tpu.memory_space<vmem>>
    %dma_start3A_6 = arith.constant 0 : i32
    %dma_start3A_7 = arith.constant 0 : i32
    %dma_start3A_8 = tpu.memref_slice %arg2[%dma_start3A_6, %dma_start3A_7] : memref<4096x128xf32, #tpu.memory_space<hbm>> -> memref<4096x128xf32, #tpu.memory_space<hbm>>
    tpu.enqueue_indirect_dma source(%dma_start3A_8 : memref<4096x128xf32, #tpu.memory_space<hbm>>) target(%arg17 : memref<64x128xf32, #tpu.memory_space<vmem>>) offsets(%dma_start3A_5 : memref<64xi32, #tpu.memory_space<vmem>>) semaphore(%arg26 : memref<!tpu.dma_semaphore, #tpu.memory_space<semaphore_mem>>)
    %dma_start3A_9 = arith.constant 0 : i32
    %dma_start3A_10 = tpu.memref_slice %arg12[%dma_start3A_9] : memref<512xi32, #tpu.memory_space<vmem>> -> memref<64xi32, #tpu.memory_space<vmem>>
    %dma_start3A_11 = arith.constant 0 : i32
    %dma_start3A_12 = arith.constant 0 : i32
    %dma_start3A_13 = tpu.memref_slice %arg2[%dma_start3A_11, %dma_start3A_12] : memref<4096x128xf32, #tpu.memory_space<hbm>> -> memref<4096x128xf32, #tpu.memory_space<hbm>>
    tpu.enqueue_indirect_dma source(%dma_start3A_13 : memref<4096x128xf32, #tpu.memory_space<hbm>>) target(%arg18 : memref<64x128xf32, #tpu.memory_space<vmem>>) offsets(%dma_start3A_10 : memref<64xi32, #tpu.memory_space<vmem>>) semaphore(%arg26 : memref<!tpu.dma_semaphore, #tpu.memory_space<semaphore_mem>>)
    %dma_start3A_14 = arith.constant 0 : i32
    %dma_start3A_15 = tpu.memref_slice %arg13[%dma_start3A_14] : memref<512xi32, #tpu.memory_space<vmem>> -> memref<64xi32, #tpu.memory_space<vmem>>
    %dma_start3A_16 = arith.constant 0 : i32
    %dma_start3A_17 = arith.constant 0 : i32
    %dma_start3A_18 = tpu.memref_slice %arg2[%dma_start3A_16, %dma_start3A_17] : memref<4096x128xf32, #tpu.memory_space<hbm>> -> memref<4096x128xf32, #tpu.memory_space<hbm>>
    tpu.enqueue_indirect_dma source(%dma_start3A_18 : memref<4096x128xf32, #tpu.memory_space<hbm>>) target(%arg19 : memref<64x128xf32, #tpu.memory_space<vmem>>) offsets(%dma_start3A_15 : memref<64xi32, #tpu.memory_space<vmem>>) semaphore(%arg26 : memref<!tpu.dma_semaphore, #tpu.memory_space<semaphore_mem>>)
    %dma_start3A_19 = arith.constant 0 : i32
    %dma_start3A_20 = tpu.memref_slice %arg3[%add3A_4, %dma_start3A_19] : memref<16384x128xf32, #tpu.memory_space<hbm>> -> memref<64x128xf32, #tpu.memory_space<hbm>>
    %dma_start3A_21 = arith.constant 0 : i32
    %dma_start3A_22 = tpu.memref_slice %arg3[%add3A_4, %dma_start3A_21] : memref<16384x128xf32, #tpu.memory_space<hbm>> -> memref<64x128xf32, #tpu.memory_space<hbm>>
    tpu.enqueue_dma source(%dma_start3A_22 : memref<64x128xf32, #tpu.memory_space<hbm>>) target(%arg23 : memref<64x128xf32, #tpu.memory_space<vmem>>) target_semaphore(%arg28 : memref<!tpu.dma_semaphore, #tpu.memory_space<semaphore_mem>>)
    %add3A_23 = arith.constant 64 : i32
    %add3A_24 = arith.addi %mul3A_2, %add3A_23 : i32
    %dma_start3A_25 = arith.constant 64 : i32
    %dma_start3A_26 = tpu.memref_slice %arg11[%dma_start3A_25] : memref<512xi32, #tpu.memory_space<vmem>> -> memref<64xi32, #tpu.memory_space<vmem>>
    %dma_start3A_27 = arith.constant 0 : i32
    %dma_start3A_28 = arith.constant 0 : i32
    %dma_start3A_29 = tpu.memref_slice %arg2[%dma_start3A_27, %dma_start3A_28] : memref<4096x128xf32, #tpu.memory_space<hbm>> -> memref<4096x128xf32, #tpu.memory_space<hbm>>
    tpu.enqueue_indirect_dma source(%dma_start3A_29 : memref<4096x128xf32, #tpu.memory_space<hbm>>) target(%arg20 : memref<64x128xf32, #tpu.memory_space<vmem>>) offsets(%dma_start3A_26 : memref<64xi32, #tpu.memory_space<vmem>>) semaphore(%arg27 : memref<!tpu.dma_semaphore, #tpu.memory_space<semaphore_mem>>)
    %dma_start3A_30 = arith.constant 64 : i32
    %dma_start3A_31 = tpu.memref_slice %arg12[%dma_start3A_30] : memref<512xi32, #tpu.memory_space<vmem>> -> memref<64xi32, #tpu.memory_space<vmem>>
    %dma_start3A_32 = arith.constant 0 : i32
    %dma_start3A_33 = arith.constant 0 : i32
    %dma_start3A_34 = tpu.memref_slice %arg2[%dma_start3A_32, %dma_start3A_33] : memref<4096x128xf32, #tpu.memory_space<hbm>> -> memref<4096x128xf32, #tpu.memory_space<hbm>>
    tpu.enqueue_indirect_dma source(%dma_start3A_34 : memref<4096x128xf32, #tpu.memory_space<hbm>>) target(%arg21 : memref<64x128xf32, #tpu.memory_space<vmem>>) offsets(%dma_start3A_31 : memref<64xi32, #tpu.memory_space<vmem>>) semaphore(%arg27 : memref<!tpu.dma_semaphore, #tpu.memory_space<semaphore_mem>>)
    %dma_start3A_35 = arith.constant 64 : i32
    %dma_start3A_36 = tpu.memref_slice %arg13[%dma_start3A_35] : memref<512xi32, #tpu.memory_space<vmem>> -> memref<64xi32, #tpu.memory_space<vmem>>
    %dma_start3A_37 = arith.constant 0 : i32
    %dma_start3A_38 = arith.constant 0 : i32
    %dma_start3A_39 = tpu.memref_slice %arg2[%dma_start3A_37, %dma_start3A_38] : memref<4096x128xf32, #tpu.memory_space<hbm>> -> memref<4096x128xf32, #tpu.memory_space<hbm>>
    tpu.enqueue_indirect_dma source(%dma_start3A_39 : memref<4096x128xf32, #tpu.memory_space<hbm>>) target(%arg22 : memref<64x128xf32, #tpu.memory_space<vmem>>) offsets(%dma_start3A_36 : memref<64xi32, #tpu.memory_space<vmem>>) semaphore(%arg27 : memref<!tpu.dma_semaphore, #tpu.memory_space<semaphore_mem>>)
    %dma_start3A_40 = arith.constant 0 : i32
    %dma_start3A_41 = tpu.memref_slice %arg3[%add3A_24, %dma_start3A_40] : memref<16384x128xf32, #tpu.memory_space<hbm>> -> memref<64x128xf32, #tpu.memory_space<hbm>>
    %dma_start3A_42 = arith.constant 0 : i32
    %dma_start3A_43 = tpu.memref_slice %arg3[%add3A_24, %dma_start3A_42] : memref<16384x128xf32, #tpu.memory_space<hbm>> -> memref<64x128xf32, #tpu.memory_space<hbm>>
    tpu.enqueue_dma source(%dma_start3A_43 : memref<64x128xf32, #tpu.memory_space<hbm>>) target(%arg24 : memref<64x128xf32, #tpu.memory_space<vmem>>) target_semaphore(%arg29 : memref<!tpu.dma_semaphore, #tpu.memory_space<semaphore_mem>>)
    %dma_wait3A = arith.constant 0 : i32
    %dma_wait3A_44 = tpu.memref_slice %arg11[%dma_wait3A] : memref<512xi32, #tpu.memory_space<vmem>> -> memref<64xi32, #tpu.memory_space<vmem>>
    %dma_wait3A_45 = arith.constant 0 : i32
    %dma_wait3A_46 = arith.constant 0 : i32
    %dma_wait3A_47 = tpu.memref_slice %arg2[%dma_wait3A_45, %dma_wait3A_46] : memref<4096x128xf32, #tpu.memory_space<hbm>> -> memref<4096x128xf32, #tpu.memory_space<hbm>>
    tpu.wait_indirect_dma semaphore(%arg26 : memref<!tpu.dma_semaphore, #tpu.memory_space<semaphore_mem>>) src(%dma_wait3A_47 : memref<4096x128xf32, #tpu.memory_space<hbm>>) dst(%arg17 : memref<64x128xf32, #tpu.memory_space<vmem>>)
    %dma_wait3A_48 = arith.constant 0 : i32
    %dma_wait3A_49 = tpu.memref_slice %arg12[%dma_wait3A_48] : memref<512xi32, #tpu.memory_space<vmem>> -> memref<64xi32, #tpu.memory_space<vmem>>
    %dma_wait3A_50 = arith.constant 0 : i32
    %dma_wait3A_51 = arith.constant 0 : i32
    %dma_wait3A_52 = tpu.memref_slice %arg2[%dma_wait3A_50, %dma_wait3A_51] : memref<4096x128xf32, #tpu.memory_space<hbm>> -> memref<4096x128xf32, #tpu.memory_space<hbm>>
    tpu.wait_indirect_dma semaphore(%arg26 : memref<!tpu.dma_semaphore, #tpu.memory_space<semaphore_mem>>) src(%dma_wait3A_52 : memref<4096x128xf32, #tpu.memory_space<hbm>>) dst(%arg18 : memref<64x128xf32, #tpu.memory_space<vmem>>)
    %dma_wait3A_53 = arith.constant 0 : i32
    %dma_wait3A_54 = tpu.memref_slice %arg13[%dma_wait3A_53] : memref<512xi32, #tpu.memory_space<vmem>> -> memref<64xi32, #tpu.memory_space<vmem>>
    %dma_wait3A_55 = arith.constant 0 : i32
    %dma_wait3A_56 = arith.constant 0 : i32
    %dma_wait3A_57 = tpu.memref_slice %arg2[%dma_wait3A_55, %dma_wait3A_56] : memref<4096x128xf32, #tpu.memory_space<hbm>> -> memref<4096x128xf32, #tpu.memory_space<hbm>>
    tpu.wait_indirect_dma semaphore(%arg26 : memref<!tpu.dma_semaphore, #tpu.memory_space<semaphore_mem>>) src(%dma_wait3A_57 : memref<4096x128xf32, #tpu.memory_space<hbm>>) dst(%arg19 : memref<64x128xf32, #tpu.memory_space<vmem>>)
    %dma_wait3A_58 = arith.constant 0 : i32
    %dma_wait3A_59 = tpu.memref_slice %arg3[%add3A_4, %dma_wait3A_58] : memref<16384x128xf32, #tpu.memory_space<hbm>> -> memref<64x128xf32, #tpu.memory_space<hbm>>
    %dma_wait3A_60 = arith.constant 0 : i32
    %dma_wait3A_61 = tpu.memref_slice %arg3[%add3A_4, %dma_wait3A_60] : memref<16384x128xf32, #tpu.memory_space<hbm>> -> memref<64x128xf32, #tpu.memory_space<hbm>>
    tpu.wait_dma2 semaphore(%arg28 : memref<!tpu.dma_semaphore, #tpu.memory_space<semaphore_mem>>) src(%dma_wait3A_61 : memref<64x128xf32, #tpu.memory_space<hbm>>) dst(%arg23 : memref<64x128xf32, #tpu.memory_space<vmem>>)
    %scan3A = arith.constant 0 : i32
    %scan3A_62 = arith.constant 0 : i32
    %scan3A_63 = arith.constant 64 : i32
    %scan3A_64 = arith.addi %scan3A_62, %scan3A_63 : i32
    %scan3A_65 = arith.constant 1 : i32
    scf.for %scan3A_384 = %scan3A_62 to %scan3A_64 step %scan3A_65  : i32 {
      %jit3A = arith.constant 16 : i32
      %div3A = arith.divsi %scan3A_384, %jit3A : i32
      %sign3A = arith.constant 0 : i32
      %sign3A_385 = arith.cmpi sgt, %scan3A_384, %sign3A : i32
      %sign3A_386 = arith.extui %sign3A_385 : i1 to i32
      %sign3A_387 = arith.constant 0 : i32
      %sign3A_388 = arith.cmpi slt, %scan3A_384, %sign3A_387 : i32
      %sign3A_389 = arith.extui %sign3A_388 : i1 to i32
      %sign3A_390 = arith.subi %sign3A_386, %sign3A_389 : i32
      %sign3A_391 = arith.constant 0 : i32
      %sign3A_392 = arith.cmpi sgt, %jit3A, %sign3A_391 : i32
      %sign3A_393 = arith.extui %sign3A_392 : i1 to i32
      %sign3A_394 = arith.constant 0 : i32
      %sign3A_395 = arith.cmpi slt, %jit3A, %sign3A_394 : i32
      %sign3A_396 = arith.extui %sign3A_395 : i1 to i32
      %sign3A_397 = arith.subi %sign3A_393, %sign3A_396 : i32
      %ne3A = arith.cmpi ne, %sign3A_390, %sign3A_397 : i32
      %rem3A = arith.remsi %scan3A_384, %jit3A : i32
      %ne3A_398 = arith.constant 0 : i32
      %ne3A_399 = arith.cmpi ne, %rem3A, %ne3A_398 : i32
      %and3A = arith.andi %ne3A, %ne3A_399 : i1
      %sub3A = arith.constant 1 : i32
      %sub3A_400 = arith.subi %div3A, %sub3A : i32
      %select_n3A = arith.select %and3A, %sub3A_400, %div3A : i32
      %mul3A_401 = arith.constant 16 : i32
      %mul3A_402 = arith.muli %select_n3A, %mul3A_401 : i32
      %sub3A_403 = arith.subi %scan3A_384, %mul3A_402 : i32
      %broadcast_in_dim3A = vector.broadcast %sub3A_403 : i32 to vector<16xi32>
      %add3A_404 = arith.constant 0 : i32
      %add3A_405 = arith.addi %add3A_404, %mul3A_402 : i32
      %get3A = arith.index_cast %add3A_405 : i32 to index
      %get3A_406 = tpu.vector_load %arg14[%get3A] {strides = array<i32>} : memref<512xf32, #tpu.memory_space<vmem>>, vector<16xf32>,
      %get3A_407 = vector.shape_cast %get3A_406 : vector<16xf32> to vector<16xf32>
      %lt3A = arith.constant 0 : i32
      %lt3A_408 = vector.broadcast %lt3A : i32 to vector<16xi32>
      %lt3A_409 = arith.cmpi slt, %broadcast_in_dim3A, %lt3A_408 : vector<16xi32>
      %add3A_410 = arith.constant 16 : i32
      %add3A_411 = vector.broadcast %add3A_410 : i32 to vector<16xi32>
      %add3A_412 = arith.addi %broadcast_in_dim3A, %add3A_411 : vector<16xi32>
      %select_n3A_413 = arith.select %lt3A_409, %add3A_412, %broadcast_in_dim3A : vector<16xi1>, vector<16xi32>
      %broadcast_in_dim3A_414 = vector.shape_cast %select_n3A_413 : vector<16xi32> to vector<16x1xi32>
      %gather3A = vector.shape_cast %broadcast_in_dim3A_414 : vector<16x1xi32> to vector<16xi32>
      %gather3A_415 = tpu.dynamic_gather %get3A_407[%gather3A] in [0] : vector<16xf32>, vector<16xi32> -> vector<16xf32>
      %add3A_416 = arith.constant 0 : i32
      %add3A_417 = arith.addi %add3A_416, %mul3A_402 : i32
      %get3A_418 = arith.index_cast %add3A_417 : i32 to index
      %get3A_419 = tpu.vector_load %arg15[%get3A_418] {strides = array<i32>} : memref<512xf32, #tpu.memory_space<vmem>>, vector<16xf32>,
      %get3A_420 = vector.shape_cast %get3A_419 : vector<16xf32> to vector<16xf32>
      %lt3A_421 = arith.constant 0 : i32
      %lt3A_422 = vector.broadcast %lt3A_421 : i32 to vector<16xi32>
      %lt3A_423 = arith.cmpi slt, %broadcast_in_dim3A, %lt3A_422 : vector<16xi32>
      %add3A_424 = arith.constant 16 : i32
      %add3A_425 = vector.broadcast %add3A_424 : i32 to vector<16xi32>
      %add3A_426 = arith.addi %broadcast_in_dim3A, %add3A_425 : vector<16xi32>
      %select_n3A_427 = arith.select %lt3A_423, %add3A_426, %broadcast_in_dim3A : vector<16xi1>, vector<16xi32>
      %broadcast_in_dim3A_428 = vector.shape_cast %select_n3A_427 : vector<16xi32> to vector<16x1xi32>
      %gather3A_429 = vector.shape_cast %broadcast_in_dim3A_428 : vector<16x1xi32> to vector<16xi32>
      %gather3A_430 = tpu.dynamic_gather %get3A_420[%gather3A_429] in [0] : vector<16xf32>, vector<16xi32> -> vector<16xf32>
      %add3A_431 = arith.constant 0 : i32
      %add3A_432 = arith.addi %add3A_431, %mul3A_402 : i32
      %get3A_433 = arith.index_cast %add3A_432 : i32 to index
      %get3A_434 = tpu.vector_load %arg16[%get3A_433] {strides = array<i32>} : memref<512xf32, #tpu.memory_space<vmem>>, vector<16xf32>,
      %get3A_435 = vector.shape_cast %get3A_434 : vector<16xf32> to vector<16xf32>
      %lt3A_436 = arith.constant 0 : i32
      %lt3A_437 = vector.broadcast %lt3A_436 : i32 to vector<16xi32>
      %lt3A_438 = arith.cmpi slt, %broadcast_in_dim3A, %lt3A_437 : vector<16xi32>
      %add3A_439 = arith.constant 16 : i32
      %add3A_440 = vector.broadcast %add3A_439 : i32 to vector<16xi32>
      %add3A_441 = arith.addi %broadcast_in_dim3A, %add3A_440 : vector<16xi32>
      %select_n3A_442 = arith.select %lt3A_438, %add3A_441, %broadcast_in_dim3A : vector<16xi1>, vector<16xi32>
      %broadcast_in_dim3A_443 = vector.shape_cast %select_n3A_442 : vector<16xi32> to vector<16x1xi32>
      %gather3A_444 = vector.shape_cast %broadcast_in_dim3A_443 : vector<16x1xi32> to vector<16xi32>
      %gather3A_445 = tpu.dynamic_gather %get3A_435[%gather3A_444] in [0] : vector<16xf32>, vector<16xi32> -> vector<16xf32>
      %get3A_446 = arith.index_cast %scan3A_384 : i32 to index
      %get3A_447 = arith.constant 0 : index
      %get3A_448 = tpu.vector_load %arg23[%get3A_446, %get3A_447] {strides = array<i32>} : memref<64x128xf32, #tpu.memory_space<vmem>>, vector<1x16xf32>,
      %get3A_449 = vector.shape_cast %get3A_448 : vector<1x16xf32> to vector<16xf32>
      %get3A_450 = arith.index_cast %scan3A_384 : i32 to index
      %get3A_451 = arith.constant 0 : index
      %get3A_452 = tpu.vector_load %arg17[%get3A_450, %get3A_451] {strides = array<i32>} : memref<64x128xf32, #tpu.memory_space<vmem>>, vector<1x16xf32>,
      %get3A_453 = vector.shape_cast %get3A_452 : vector<1x16xf32> to vector<16xf32>
      %mul3A_454 = arith.mulf %gather3A_415, %get3A_453 : vector<16xf32>
      %add3A_455 = arith.addf %get3A_449, %mul3A_454 : vector<16xf32>
      %get3A_456 = arith.index_cast %scan3A_384 : i32 to index
      %get3A_457 = arith.constant 0 : index
      %get3A_458 = tpu.vector_load %arg18[%get3A_456, %get3A_457] {strides = array<i32>} : memref<64x128xf32, #tpu.memory_space<vmem>>, vector<1x16xf32>,
      %get3A_459 = vector.shape_cast %get3A_458 : vector<1x16xf32> to vector<16xf32>
      %mul3A_460 = arith.mulf %gather3A_430, %get3A_459 : vector<16xf32>
      %add3A_461 = arith.addf %add3A_455, %mul3A_460 : vector<16xf32>
      %get3A_462 = arith.index_cast %scan3A_384 : i32 to index
      %get3A_463 = arith.constant 0 : index
      %get3A_464 = tpu.vector_load %arg19[%get3A_462, %get3A_463] {strides = array<i32>} : memref<64x128xf32, #tpu.memory_space<vmem>>, vector<1x16xf32>,
      %get3A_465 = vector.shape_cast %get3A_464 : vector<1x16xf32> to vector<16xf32>
      %mul3A_466 = arith.mulf %gather3A_445, %get3A_465 : vector<16xf32>
      %add3A_467 = arith.addf %add3A_461, %mul3A_466 : vector<16xf32>
      %swap3A = arith.index_cast %scan3A_384 : i32 to index
      %swap3A_468 = arith.constant 0 : index
      %swap3A_469 = tpu.vector_load %arg25[%swap3A, %swap3A_468] {strides = array<i32>} : memref<64x128xf32, #tpu.memory_space<vmem>>, vector<1x16xf32>,
      %swap3A_470 = vector.shape_cast %swap3A_469 : vector<1x16xf32> to vector<16xf32>
      %swap3A_471 = vector.shape_cast %add3A_467 : vector<16xf32> to vector<1x16xf32>
      tpu.vector_store %arg25[%swap3A, %swap3A_468], %swap3A_471 {strides = array<i32>} : memref<64x128xf32, #tpu.memory_space<vmem>>, vector<1x16xf32>,
      %get3A_472 = arith.index_cast %scan3A_384 : i32 to index
      %get3A_473 = arith.constant 16 : index
      %get3A_474 = tpu.vector_load %arg23[%get3A_472, %get3A_473] {strides = array<i32>} : memref<64x128xf32, #tpu.memory_space<vmem>>, vector<1x16xf32>,
      %get3A_475 = vector.shape_cast %get3A_474 : vector<1x16xf32> to vector<16xf32>
      %get3A_476 = arith.index_cast %scan3A_384 : i32 to index
      %get3A_477 = arith.constant 16 : index
      %get3A_478 = tpu.vector_load %arg17[%get3A_476, %get3A_477] {strides = array<i32>} : memref<64x128xf32, #tpu.memory_space<vmem>>, vector<1x16xf32>,
      %get3A_479 = vector.shape_cast %get3A_478 : vector<1x16xf32> to vector<16xf32>
      %mul3A_480 = arith.mulf %gather3A_415, %get3A_479 : vector<16xf32>
      %add3A_481 = arith.addf %get3A_475, %mul3A_480 : vector<16xf32>
      %get3A_482 = arith.index_cast %scan3A_384 : i32 to index
      %get3A_483 = arith.constant 16 : index
      %get3A_484 = tpu.vector_load %arg18[%get3A_482, %get3A_483] {strides = array<i32>} : memref<64x128xf32, #tpu.memory_space<vmem>>, vector<1x16xf32>,
      %get3A_485 = vector.shape_cast %get3A_484 : vector<1x16xf32> to vector<16xf32>
      %mul3A_486 = arith.mulf %gather3A_430, %get3A_485 : vector<16xf32>
      %add3A_487 = arith.addf %add3A_481, %mul3A_486 : vector<16xf32>
      %get3A_488 = arith.index_cast %scan3A_384 : i32 to index
      %get3A_489 = arith.constant 16 : index
      %get3A_490 = tpu.vector_load %arg19[%get3A_488, %get3A_489] {strides = array<i32>} : memref<64x128xf32, #tpu.memory_space<vmem>>, vector<1x16xf32>,
      %get3A_491 = vector.shape_cast %get3A_490 : vector<1x16xf32> to vector<16xf32>
      %mul3A_492 = arith.mulf %gather3A_445, %get3A_491 : vector<16xf32>
      %add3A_493 = arith.addf %add3A_487, %mul3A_492 : vector<16xf32>
      %swap3A_494 = arith.index_cast %scan3A_384 : i32 to index
      %swap3A_495 = arith.constant 16 : index
      %swap3A_496 = tpu.vector_load %arg25[%swap3A_494, %swap3A_495] {strides = array<i32>} : memref<64x128xf32, #tpu.memory_space<vmem>>, vector<1x16xf32>,
      %swap3A_497 = vector.shape_cast %swap3A_496 : vector<1x16xf32> to vector<16xf32>
      %swap3A_498 = vector.shape_cast %add3A_493 : vector<16xf32> to vector<1x16xf32>
      tpu.vector_store %arg25[%swap3A_494, %swap3A_495], %swap3A_498 {strides = array<i32>} : memref<64x128xf32, #tpu.memory_space<vmem>>, vector<1x16xf32>,
      %get3A_499 = arith.index_cast %scan3A_384 : i32 to index
      %get3A_500 = arith.constant 32 : index
      %get3A_501 = tpu.vector_load %arg23[%get3A_499, %get3A_500] {strides = array<i32>} : memref<64x128xf32, #tpu.memory_space<vmem>>, vector<1x16xf32>,
      %get3A_502 = vector.shape_cast %get3A_501 : vector<1x16xf32> to vector<16xf32>
      %get3A_503 = arith.index_cast %scan3A_384 : i32 to index
      %get3A_504 = arith.constant 32 : index
      %get3A_505 = tpu.vector_load %arg17[%get3A_503, %get3A_504] {strides = array<i32>} : memref<64x128xf32, #tpu.memory_space<vmem>>, vector<1x16xf32>,
      %get3A_506 = vector.shape_cast %get3A_505 : vector<1x16xf32> to vector<16xf32>
      %mul3A_507 = arith.mulf %gather3A_415, %get3A_506 : vector<16xf32>
      %add3A_508 = arith.addf %get3A_502, %mul3A_507 : vector<16xf32>
      %get3A_509 = arith.index_cast %scan3A_384 : i32 to index
      %get3A_510 = arith.constant 32 : index
      %get3A_511 = tpu.vector_load %arg18[%get3A_509, %get3A_510] {strides = array<i32>} : memref<64x128xf32, #tpu.memory_space<vmem>>, vector<1x16xf32>,
      %get3A_512 = vector.shape_cast %get3A_511 : vector<1x16xf32> to vector<16xf32>
      %mul3A_513 = arith.mulf %gather3A_430, %get3A_512 : vector<16xf32>
      %add3A_514 = arith.addf %add3A_508, %mul3A_513 : vector<16xf32>
      %get3A_515 = arith.index_cast %scan3A_384 : i32 to index
      %get3A_516 = arith.constant 32 : index
      %get3A_517 = tpu.vector_load %arg19[%get3A_515, %get3A_516] {strides = array<i32>} : memref<64x128xf32, #tpu.memory_space<vmem>>, vector<1x16xf32>,
      %get3A_518 = vector.shape_cast %get3A_517 : vector<1x16xf32> to vector<16xf32>
      %mul3A_519 = arith.mulf %gather3A_445, %get3A_518 : vector<16xf32>
      %add3A_520 = arith.addf %add3A_514, %mul3A_519 : vector<16xf32>
      %swap3A_521 = arith.index_cast %scan3A_384 : i32 to index
      %swap3A_522 = arith.constant 32 : index
      %swap3A_523 = tpu.vector_load %arg25[%swap3A_521, %swap3A_522] {strides = array<i32>} : memref<64x128xf32, #tpu.memory_space<vmem>>, vector<1x16xf32>,
      %swap3A_524 = vector.shape_cast %swap3A_523 : vector<1x16xf32> to vector<16xf32>
      %swap3A_525 = vector.shape_cast %add3A_520 : vector<16xf32> to vector<1x16xf32>
      tpu.vector_store %arg25[%swap3A_521, %swap3A_522], %swap3A_525 {strides = array<i32>} : memref<64x128xf32, #tpu.memory_space<vmem>>, vector<1x16xf32>,
      %get3A_526 = arith.index_cast %scan3A_384 : i32 to index
      %get3A_527 = arith.constant 48 : index
      %get3A_528 = tpu.vector_load %arg23[%get3A_526, %get3A_527] {strides = array<i32>} : memref<64x128xf32, #tpu.memory_space<vmem>>, vector<1x16xf32>,
      %get3A_529 = vector.shape_cast %get3A_528 : vector<1x16xf32> to vector<16xf32>
      %get3A_530 = arith.index_cast %scan3A_384 : i32 to index
      %get3A_531 = arith.constant 48 : index
      %get3A_532 = tpu.vector_load %arg17[%get3A_530, %get3A_531] {strides = array<i32>} : memref<64x128xf32, #tpu.memory_space<vmem>>, vector<1x16xf32>,
      %get3A_533 = vector.shape_cast %get3A_532 : vector<1x16xf32> to vector<16xf32>
      %mul3A_534 = arith.mulf %gather3A_415, %get3A_533 : vector<16xf32>
      %add3A_535 = arith.addf %get3A_529, %mul3A_534 : vector<16xf32>
      %get3A_536 = arith.index_cast %scan3A_384 : i32 to index
      %get3A_537 = arith.constant 48 : index
      %get3A_538 = tpu.vector_load %arg18[%get3A_536, %get3A_537] {strides = array<i32>} : memref<64x128xf32, #tpu.memory_space<vmem>>, vector<1x16xf32>,
      %get3A_539 = vector.shape_cast %get3A_538 : vector<1x16xf32> to vector<16xf32>
      %mul3A_540 = arith.mulf %gather3A_430, %get3A_539 : vector<16xf32>
      %add3A_541 = arith.addf %add3A_535, %mul3A_540 : vector<16xf32>
      %get3A_542 = arith.index_cast %scan3A_384 : i32 to index
      %get3A_543 = arith.constant 48 : index
      %get3A_544 = tpu.vector_load %arg19[%get3A_542, %get3A_543] {strides = array<i32>} : memref<64x128xf32, #tpu.memory_space<vmem>>, vector<1x16xf32>,
      %get3A_545 = vector.shape_cast %get3A_544 : vector<1x16xf32> to vector<16xf32>
      %mul3A_546 = arith.mulf %gather3A_445, %get3A_545 : vector<16xf32>
      %add3A_547 = arith.addf %add3A_541, %mul3A_546 : vector<16xf32>
      %swap3A_548 = arith.index_cast %scan3A_384 : i32 to index
      %swap3A_549 = arith.constant 48 : index
      %swap3A_550 = tpu.vector_load %arg25[%swap3A_548, %swap3A_549] {strides = array<i32>} : memref<64x128xf32, #tpu.memory_space<vmem>>, vector<1x16xf32>,
      %swap3A_551 = vector.shape_cast %swap3A_550 : vector<1x16xf32> to vector<16xf32>
      %swap3A_552 = vector.shape_cast %add3A_547 : vector<16xf32> to vector<1x16xf32>
      tpu.vector_store %arg25[%swap3A_548, %swap3A_549], %swap3A_552 {strides = array<i32>} : memref<64x128xf32, #tpu.memory_space<vmem>>, vector<1x16xf32>,
      %get3A_553 = arith.index_cast %scan3A_384 : i32 to index
      %get3A_554 = arith.constant 64 : index
      %get3A_555 = tpu.vector_load %arg23[%get3A_553, %get3A_554] {strides = array<i32>} : memref<64x128xf32, #tpu.memory_space<vmem>>, vector<1x16xf32>,
      %get3A_556 = vector.shape_cast %get3A_555 : vector<1x16xf32> to vector<16xf32>
      %get3A_557 = arith.index_cast %scan3A_384 : i32 to index
      %get3A_558 = arith.constant 64 : index
      %get3A_559 = tpu.vector_load %arg17[%get3A_557, %get3A_558] {strides = array<i32>} : memref<64x128xf32, #tpu.memory_space<vmem>>, vector<1x16xf32>,
      %get3A_560 = vector.shape_cast %get3A_559 : vector<1x16xf32> to vector<16xf32>
      %mul3A_561 = arith.mulf %gather3A_415, %get3A_560 : vector<16xf32>
      %add3A_562 = arith.addf %get3A_556, %mul3A_561 : vector<16xf32>
      %get3A_563 = arith.index_cast %scan3A_384 : i32 to index
      %get3A_564 = arith.constant 64 : index
      %get3A_565 = tpu.vector_load %arg18[%get3A_563, %get3A_564] {strides = array<i32>} : memref<64x128xf32, #tpu.memory_space<vmem>>, vector<1x16xf32>,
      %get3A_566 = vector.shape_cast %get3A_565 : vector<1x16xf32> to vector<16xf32>
      %mul3A_567 = arith.mulf %gather3A_430, %get3A_566 : vector<16xf32>
      %add3A_568 = arith.addf %add3A_562, %mul3A_567 : vector<16xf32>
      %get3A_569 = arith.index_cast %scan3A_384 : i32 to index
      %get3A_570 = arith.constant 64 : index
      %get3A_571 = tpu.vector_load %arg19[%get3A_569, %get3A_570] {strides = array<i32>} : memref<64x128xf32, #tpu.memory_space<vmem>>, vector<1x16xf32>,
      %get3A_572 = vector.shape_cast %get3A_571 : vector<1x16xf32> to vector<16xf32>
      %mul3A_573 = arith.mulf %gather3A_445, %get3A_572 : vector<16xf32>
      %add3A_574 = arith.addf %add3A_568, %mul3A_573 : vector<16xf32>
      %swap3A_575 = arith.index_cast %scan3A_384 : i32 to index
      %swap3A_576 = arith.constant 64 : index
      %swap3A_577 = tpu.vector_load %arg25[%swap3A_575, %swap3A_576] {strides = array<i32>} : memref<64x128xf32, #tpu.memory_space<vmem>>, vector<1x16xf32>,
      %swap3A_578 = vector.shape_cast %swap3A_577 : vector<1x16xf32> to vector<16xf32>
      %swap3A_579 = vector.shape_cast %add3A_574 : vector<16xf32> to vector<1x16xf32>
      tpu.vector_store %arg25[%swap3A_575, %swap3A_576], %swap3A_579 {strides = array<i32>} : memref<64x128xf32, #tpu.memory_space<vmem>>, vector<1x16xf32>,
      %get3A_580 = arith.index_cast %scan3A_384 : i32 to index
      %get3A_581 = arith.constant 80 : index
      %get3A_582 = tpu.vector_load %arg23[%get3A_580, %get3A_581] {strides = array<i32>} : memref<64x128xf32, #tpu.memory_space<vmem>>, vector<1x16xf32>,
      %get3A_583 = vector.shape_cast %get3A_582 : vector<1x16xf32> to vector<16xf32>
      %get3A_584 = arith.index_cast %scan3A_384 : i32 to index
      %get3A_585 = arith.constant 80 : index
      %get3A_586 = tpu.vector_load %arg17[%get3A_584, %get3A_585] {strides = array<i32>} : memref<64x128xf32, #tpu.memory_space<vmem>>, vector<1x16xf32>,
      %get3A_587 = vector.shape_cast %get3A_586 : vector<1x16xf32> to vector<16xf32>
      %mul3A_588 = arith.mulf %gather3A_415, %get3A_587 : vector<16xf32>
      %add3A_589 = arith.addf %get3A_583, %mul3A_588 : vector<16xf32>
      %get3A_590 = arith.index_cast %scan3A_384 : i32 to index
      %get3A_591 = arith.constant 80 : index
      %get3A_592 = tpu.vector_load %arg18[%get3A_590, %get3A_591] {strides = array<i32>} : memref<64x128xf32, #tpu.memory_space<vmem>>, vector<1x16xf32>,
      %get3A_593 = vector.shape_cast %get3A_592 : vector<1x16xf32> to vector<16xf32>
      %mul3A_594 = arith.mulf %gather3A_430, %get3A_593 : vector<16xf32>
      %add3A_595 = arith.addf %add3A_589, %mul3A_594 : vector<16xf32>
      %get3A_596 = arith.index_cast %scan3A_384 : i32 to index
      %get3A_597 = arith.constant 80 : index
      %get3A_598 = tpu.vector_load %arg19[%get3A_596, %get3A_597] {strides = array<i32>} : memref<64x128xf32, #tpu.memory_space<vmem>>, vector<1x16xf32>,
      %get3A_599 = vector.shape_cast %get3A_598 : vector<1x16xf32> to vector<16xf32>
      %mul3A_600 = arith.mulf %gather3A_445, %get3A_599 : vector<16xf32>
      %add3A_601 = arith.addf %add3A_595, %mul3A_600 : vector<16xf32>
      %swap3A_602 = arith.index_cast %scan3A_384 : i32 to index
      %swap3A_603 = arith.constant 80 : index
      %swap3A_604 = tpu.vector_load %arg25[%swap3A_602, %swap3A_603] {strides = array<i32>} : memref<64x128xf32, #tpu.memory_space<vmem>>, vector<1x16xf32>,
      %swap3A_605 = vector.shape_cast %swap3A_604 : vector<1x16xf32> to vector<16xf32>
      %swap3A_606 = vector.shape_cast %add3A_601 : vector<16xf32> to vector<1x16xf32>
      tpu.vector_store %arg25[%swap3A_602, %swap3A_603], %swap3A_606 {strides = array<i32>} : memref<64x128xf32, #tpu.memory_space<vmem>>, vector<1x16xf32>,
      %get3A_607 = arith.index_cast %scan3A_384 : i32 to index
      %get3A_608 = arith.constant 96 : index
      %get3A_609 = tpu.vector_load %arg23[%get3A_607, %get3A_608] {strides = array<i32>} : memref<64x128xf32, #tpu.memory_space<vmem>>, vector<1x16xf32>,
      %get3A_610 = vector.shape_cast %get3A_609 : vector<1x16xf32> to vector<16xf32>
      %get3A_611 = arith.index_cast %scan3A_384 : i32 to index
      %get3A_612 = arith.constant 96 : index
      %get3A_613 = tpu.vector_load %arg17[%get3A_611, %get3A_612] {strides = array<i32>} : memref<64x128xf32, #tpu.memory_space<vmem>>, vector<1x16xf32>,
      %get3A_614 = vector.shape_cast %get3A_613 : vector<1x16xf32> to vector<16xf32>
      %mul3A_615 = arith.mulf %gather3A_415, %get3A_614 : vector<16xf32>
      %add3A_616 = arith.addf %get3A_610, %mul3A_615 : vector<16xf32>
      %get3A_617 = arith.index_cast %scan3A_384 : i32 to index
      %get3A_618 = arith.constant 96 : index
      %get3A_619 = tpu.vector_load %arg18[%get3A_617, %get3A_618] {strides = array<i32>} : memref<64x128xf32, #tpu.memory_space<vmem>>, vector<1x16xf32>,
      %get3A_620 = vector.shape_cast %get3A_619 : vector<1x16xf32> to vector<16xf32>
      %mul3A_621 = arith.mulf %gather3A_430, %get3A_620 : vector<16xf32>
      %add3A_622 = arith.addf %add3A_616, %mul3A_621 : vector<16xf32>
      %get3A_623 = arith.index_cast %scan3A_384 : i32 to index
      %get3A_624 = arith.constant 96 : index
      %get3A_625 = tpu.vector_load %arg19[%get3A_623, %get3A_624] {strides = array<i32>} : memref<64x128xf32, #tpu.memory_space<vmem>>, vector<1x16xf32>,
      %get3A_626 = vector.shape_cast %get3A_625 : vector<1x16xf32> to vector<16xf32>
      %mul3A_627 = arith.mulf %gather3A_445, %get3A_626 : vector<16xf32>
      %add3A_628 = arith.addf %add3A_622, %mul3A_627 : vector<16xf32>
      %swap3A_629 = arith.index_cast %scan3A_384 : i32 to index
      %swap3A_630 = arith.constant 96 : index
      %swap3A_631 = tpu.vector_load %arg25[%swap3A_629, %swap3A_630] {strides = array<i32>} : memref<64x128xf32, #tpu.memory_space<vmem>>, vector<1x16xf32>,
      %swap3A_632 = vector.shape_cast %swap3A_631 : vector<1x16xf32> to vector<16xf32>
      %swap3A_633 = vector.shape_cast %add3A_628 : vector<16xf32> to vector<1x16xf32>
      tpu.vector_store %arg25[%swap3A_629, %swap3A_630], %swap3A_633 {strides = array<i32>} : memref<64x128xf32, #tpu.memory_space<vmem>>, vector<1x16xf32>,
      %get3A_634 = arith.index_cast %scan3A_384 : i32 to index
      %get3A_635 = arith.constant 112 : index
      %get3A_636 = tpu.vector_load %arg23[%get3A_634, %get3A_635] {strides = array<i32>} : memref<64x128xf32, #tpu.memory_space<vmem>>, vector<1x16xf32>,
      %get3A_637 = vector.shape_cast %get3A_636 : vector<1x16xf32> to vector<16xf32>
      %get3A_638 = arith.index_cast %scan3A_384 : i32 to index
      %get3A_639 = arith.constant 112 : index
      %get3A_640 = tpu.vector_load %arg17[%get3A_638, %get3A_639] {strides = array<i32>} : memref<64x128xf32, #tpu.memory_space<vmem>>, vector<1x16xf32>,
      %get3A_641 = vector.shape_cast %get3A_640 : vector<1x16xf32> to vector<16xf32>
      %mul3A_642 = arith.mulf %gather3A_415, %get3A_641 : vector<16xf32>
      %add3A_643 = arith.addf %get3A_637, %mul3A_642 : vector<16xf32>
      %get3A_644 = arith.index_cast %scan3A_384 : i32 to index
      %get3A_645 = arith.constant 112 : index
      %get3A_646 = tpu.vector_load %arg18[%get3A_644, %get3A_645] {strides = array<i32>} : memref<64x128xf32, #tpu.memory_space<vmem>>, vector<1x16xf32>,
      %get3A_647 = vector.shape_cast %get3A_646 : vector<1x16xf32> to vector<16xf32>
      %mul3A_648 = arith.mulf %gather3A_430, %get3A_647 : vector<16xf32>
      %add3A_649 = arith.addf %add3A_643, %mul3A_648 : vector<16xf32>
      %get3A_650 = arith.index_cast %scan3A_384 : i32 to index
      %get3A_651 = arith.constant 112 : index
      %get3A_652 = tpu.vector_load %arg19[%get3A_650, %get3A_651] {strides = array<i32>} : memref<64x128xf32, #tpu.memory_space<vmem>>, vector<1x16xf32>,
      %get3A_653 = vector.shape_cast %get3A_652 : vector<1x16xf32> to vector<16xf32>
      %mul3A_654 = arith.mulf %gather3A_445, %get3A_653 : vector<16xf32>
      %add3A_655 = arith.addf %add3A_649, %mul3A_654 : vector<16xf32>
      %swap3A_656 = arith.index_cast %scan3A_384 : i32 to index
      %swap3A_657 = arith.constant 112 : index
      %swap3A_658 = tpu.vector_load %arg25[%swap3A_656, %swap3A_657] {strides = array<i32>} : memref<64x128xf32, #tpu.memory_space<vmem>>, vector<1x16xf32>,
      %swap3A_659 = vector.shape_cast %swap3A_658 : vector<1x16xf32> to vector<16xf32>
      %swap3A_660 = vector.shape_cast %add3A_655 : vector<16xf32> to vector<1x16xf32>
      tpu.vector_store %arg25[%swap3A_656, %swap3A_657], %swap3A_660 {strides = array<i32>} : memref<64x128xf32, #tpu.memory_space<vmem>>, vector<1x16xf32>,
    }
    %scan3A_66 = arith.constant 64 : i32
    %add3A_67 = arith.constant 0 : i32
    %add3A_68 = arith.addi %mul3A_2, %add3A_67 : i32
    "tpu.region"() ({
      %run_scoped3A = tpu.sem_alloc : memref<!tpu.dma_semaphore, #tpu.memory_space<semaphore_mem>>
      %dma_start3A_384 = arith.constant 0 : i32
      %dma_start3A_385 = tpu.memref_slice %arg10[%add3A_68, %dma_start3A_384] : memref<16384x128xf32, #tpu.memory_space<hbm>> -> memref<64x128xf32, #tpu.memory_space<hbm>>
      %dma_start3A_386 = arith.constant 0 : i32
      %dma_start3A_387 = tpu.memref_slice %arg10[%add3A_68, %dma_start3A_386] : memref<16384x128xf32, #tpu.memory_space<hbm>> -> memref<64x128xf32, #tpu.memory_space<hbm>>
      tpu.enqueue_dma source(%arg25 : memref<64x128xf32, #tpu.memory_space<vmem>>) target(%dma_start3A_387 : memref<64x128xf32, #tpu.memory_space<hbm>>) target_semaphore(%run_scoped3A : memref<!tpu.dma_semaphore, #tpu.memory_space<semaphore_mem>>)
      %dma_wait3A_388 = arith.constant 0 : i32
      %dma_wait3A_389 = tpu.memref_slice %arg10[%add3A_68, %dma_wait3A_388] : memref<16384x128xf32, #tpu.memory_space<hbm>> -> memref<64x128xf32, #tpu.memory_space<hbm>>
      %dma_wait3A_390 = arith.constant 0 : i32
      %dma_wait3A_391 = tpu.memref_slice %arg10[%add3A_68, %dma_wait3A_390] : memref<16384x128xf32, #tpu.memory_space<hbm>> -> memref<64x128xf32, #tpu.memory_space<hbm>>
      tpu.wait_dma2 semaphore(%run_scoped3A : memref<!tpu.dma_semaphore, #tpu.memory_space<semaphore_mem>>) src(%arg25 : memref<64x128xf32, #tpu.memory_space<vmem>>) dst(%dma_wait3A_391 : memref<64x128xf32, #tpu.memory_space<hbm>>)
      tpu.yield
    }) : () -> ()
    %add3A_69 = arith.constant 128 : i32
    %add3A_70 = arith.addi %mul3A_2, %add3A_69 : i32
    %dma_start3A_71 = arith.constant 128 : i32
    %dma_start3A_72 = tpu.memref_slice %arg11[%dma_start3A_71] : memref<512xi32, #tpu.memory_space<vmem>> -> memref<64xi32, #tpu.memory_space<vmem>>
    %dma_start3A_73 = arith.constant 0 : i32
    %dma_start3A_74 = arith.constant 0 : i32
    %dma_start3A_75 = tpu.memref_slice %arg2[%dma_start3A_73, %dma_start3A_74] : memref<4096x128xf32, #tpu.memory_space<hbm>> -> memref<4096x128xf32, #tpu.memory_space<hbm>>
    tpu.enqueue_indirect_dma source(%dma_start3A_75 : memref<4096x128xf32, #tpu.memory_space<hbm>>) target(%arg17 : memref<64x128xf32, #tpu.memory_space<vmem>>) offsets(%dma_start3A_72 : memref<64xi32, #tpu.memory_space<vmem>>) semaphore(%arg26 : memref<!tpu.dma_semaphore, #tpu.memory_space<semaphore_mem>>)
    %dma_start3A_76 = arith.constant 128 : i32
    %dma_start3A_77 = tpu.memref_slice %arg12[%dma_start3A_76] : memref<512xi32, #tpu.memory_space<vmem>> -> memref<64xi32, #tpu.memory_space<vmem>>
    %dma_start3A_78 = arith.constant 0 : i32
    %dma_start3A_79 = arith.constant 0 : i32
    %dma_start3A_80 = tpu.memref_slice %arg2[%dma_start3A_78, %dma_start3A_79] : memref<4096x128xf32, #tpu.memory_space<hbm>> -> memref<4096x128xf32, #tpu.memory_space<hbm>>
    tpu.enqueue_indirect_dma source(%dma_start3A_80 : memref<4096x128xf32, #tpu.memory_space<hbm>>) target(%arg18 : memref<64x128xf32, #tpu.memory_space<vmem>>) offsets(%dma_start3A_77 : memref<64xi32, #tpu.memory_space<vmem>>) semaphore(%arg26 : memref<!tpu.dma_semaphore, #tpu.memory_space<semaphore_mem>>)
    %dma_start3A_81 = arith.constant 128 : i32
    %dma_start3A_82 = tpu.memref_slice %arg13[%dma_start3A_81] : memref<512xi32, #tpu.memory_space<vmem>> -> memref<64xi32, #tpu.memory_space<vmem>>
    %dma_start3A_83 = arith.constant 0 : i32
    %dma_start3A_84 = arith.constant 0 : i32
    %dma_start3A_85 = tpu.memref_slice %arg2[%dma_start3A_83, %dma_start3A_84] : memref<4096x128xf32, #tpu.memory_space<hbm>> -> memref<4096x128xf32, #tpu.memory_space<hbm>>
    tpu.enqueue_indirect_dma source(%dma_start3A_85 : memref<4096x128xf32, #tpu.memory_space<hbm>>) target(%arg19 : memref<64x128xf32, #tpu.memory_space<vmem>>) offsets(%dma_start3A_82 : memref<64xi32, #tpu.memory_space<vmem>>) semaphore(%arg26 : memref<!tpu.dma_semaphore, #tpu.memory_space<semaphore_mem>>)
    %dma_start3A_86 = arith.constant 0 : i32
    %dma_start3A_87 = tpu.memref_slice %arg3[%add3A_70, %dma_start3A_86] : memref<16384x128xf32, #tpu.memory_space<hbm>> -> memref<64x128xf32, #tpu.memory_space<hbm>>
    %dma_start3A_88 = arith.constant 0 : i32
    %dma_start3A_89 = tpu.memref_slice %arg3[%add3A_70, %dma_start3A_88] : memref<16384x128xf32, #tpu.memory_space<hbm>> -> memref<64x128xf32, #tpu.memory_space<hbm>>
    tpu.enqueue_dma source(%dma_start3A_89 : memref<64x128xf32, #tpu.memory_space<hbm>>) target(%arg23 : memref<64x128xf32, #tpu.memory_space<vmem>>) target_semaphore(%arg28 : memref<!tpu.dma_semaphore, #tpu.memory_space<semaphore_mem>>)
    %dma_wait3A_90 = arith.constant 64 : i32
    %dma_wait3A_91 = tpu.memref_slice %arg11[%dma_wait3A_90] : memref<512xi32, #tpu.memory_space<vmem>> -> memref<64xi32, #tpu.memory_space<vmem>>
    %dma_wait3A_92 = arith.constant 0 : i32
    %dma_wait3A_93 = arith.constant 0 : i32
    %dma_wait3A_94 = tpu.memref_slice %arg2[%dma_wait3A_92, %dma_wait3A_93] : memref<4096x128xf32, #tpu.memory_space<hbm>> -> memref<4096x128xf32, #tpu.memory_space<hbm>>
    tpu.wait_indirect_dma semaphore(%arg27 : memref<!tpu.dma_semaphore, #tpu.memory_space<semaphore_mem>>) src(%dma_wait3A_94 : memref<4096x128xf32, #tpu.memory_space<hbm>>) dst(%arg20 : memref<64x128xf32, #tpu.memory_space<vmem>>)
    %dma_wait3A_95 = arith.constant 64 : i32
    %dma_wait3A_96 = tpu.memref_slice %arg12[%dma_wait3A_95] : memref<512xi32, #tpu.memory_space<vmem>> -> memref<64xi32, #tpu.memory_space<vmem>>
    %dma_wait3A_97 = arith.constant 0 : i32
    %dma_wait3A_98 = arith.constant 0 : i32
    %dma_wait3A_99 = tpu.memref_slice %arg2[%dma_wait3A_97, %dma_wait3A_98] : memref<4096x128xf32, #tpu.memory_space<hbm>> -> memref<4096x128xf32, #tpu.memory_space<hbm>>
    tpu.wait_indirect_dma semaphore(%arg27 : memref<!tpu.dma_semaphore, #tpu.memory_space<semaphore_mem>>) src(%dma_wait3A_99 : memref<4096x128xf32, #tpu.memory_space<hbm>>) dst(%arg21 : memref<64x128xf32, #tpu.memory_space<vmem>>)
    %dma_wait3A_100 = arith.constant 64 : i32
    %dma_wait3A_101 = tpu.memref_slice %arg13[%dma_wait3A_100] : memref<512xi32, #tpu.memory_space<vmem>> -> memref<64xi32, #tpu.memory_space<vmem>>
    %dma_wait3A_102 = arith.constant 0 : i32
    %dma_wait3A_103 = arith.constant 0 : i32
    %dma_wait3A_104 = tpu.memref_slice %arg2[%dma_wait3A_102, %dma_wait3A_103] : memref<4096x128xf32, #tpu.memory_space<hbm>> -> memref<4096x128xf32, #tpu.memory_space<hbm>>
    tpu.wait_indirect_dma semaphore(%arg27 : memref<!tpu.dma_semaphore, #tpu.memory_space<semaphore_mem>>) src(%dma_wait3A_104 : memref<4096x128xf32, #tpu.memory_space<hbm>>) dst(%arg22 : memref<64x128xf32, #tpu.memory_space<vmem>>)
    %dma_wait3A_105 = arith.constant 0 : i32
    %dma_wait3A_106 = tpu.memref_slice %arg3[%add3A_24, %dma_wait3A_105] : memref<16384x128xf32, #tpu.memory_space<hbm>> -> memref<64x128xf32, #tpu.memory_space<hbm>>
    %dma_wait3A_107 = arith.constant 0 : i32
    %dma_wait3A_108 = tpu.memref_slice %arg3[%add3A_24, %dma_wait3A_107] : memref<16384x128xf32, #tpu.memory_space<hbm>> -> memref<64x128xf32, #tpu.memory_space<hbm>>
    tpu.wait_dma2 semaphore(%arg29 : memref<!tpu.dma_semaphore, #tpu.memory_space<semaphore_mem>>) src(%dma_wait3A_108 : memref<64x128xf32, #tpu.memory_space<hbm>>) dst(%arg24 : memref<64x128xf32, #tpu.memory_space<vmem>>)
    %scan3A_109 = arith.constant 0 : i32
    %scan3A_110 = arith.constant 0 : i32
    %scan3A_111 = arith.constant 64 : i32
    %scan3A_112 = arith.addi %scan3A_110, %scan3A_111 : i32
    %scan3A_113 = arith.constant 1 : i32
    scf.for %scan3A_384 = %scan3A_110 to %scan3A_112 step %scan3A_113  : i32 {
      %jit3A = arith.constant 16 : i32
      %div3A = arith.divsi %scan3A_384, %jit3A : i32
      %sign3A = arith.constant 0 : i32
      %sign3A_385 = arith.cmpi sgt, %scan3A_384, %sign3A : i32
      %sign3A_386 = arith.extui %sign3A_385 : i1 to i32
      %sign3A_387 = arith.constant 0 : i32
      %sign3A_388 = arith.cmpi slt, %scan3A_384, %sign3A_387 : i32
      %sign3A_389 = arith.extui %sign3A_388 : i1 to i32
      %sign3A_390 = arith.subi %sign3A_386, %sign3A_389 : i32
      %sign3A_391 = arith.constant 0 : i32
      %sign3A_392 = arith.cmpi sgt, %jit3A, %sign3A_391 : i32
      %sign3A_393 = arith.extui %sign3A_392 : i1 to i32
      %sign3A_394 = arith.constant 0 : i32
      %sign3A_395 = arith.cmpi slt, %jit3A, %sign3A_394 : i32
      %sign3A_396 = arith.extui %sign3A_395 : i1 to i32
      %sign3A_397 = arith.subi %sign3A_393, %sign3A_396 : i32
      %ne3A = arith.cmpi ne, %sign3A_390, %sign3A_397 : i32
      %rem3A = arith.remsi %scan3A_384, %jit3A : i32
      %ne3A_398 = arith.constant 0 : i32
      %ne3A_399 = arith.cmpi ne, %rem3A, %ne3A_398 : i32
      %and3A = arith.andi %ne3A, %ne3A_399 : i1
      %sub3A = arith.constant 1 : i32
      %sub3A_400 = arith.subi %div3A, %sub3A : i32
      %select_n3A = arith.select %and3A, %sub3A_400, %div3A : i32
      %mul3A_401 = arith.constant 16 : i32
      %mul3A_402 = arith.muli %select_n3A, %mul3A_401 : i32
      %sub3A_403 = arith.subi %scan3A_384, %mul3A_402 : i32
      %broadcast_in_dim3A = vector.broadcast %sub3A_403 : i32 to vector<16xi32>
      %add3A_404 = arith.constant 64 : i32
      %add3A_405 = arith.addi %add3A_404, %mul3A_402 : i32
      %get3A = arith.index_cast %add3A_405 : i32 to index
      %get3A_406 = tpu.vector_load %arg14[%get3A] {strides = array<i32>} : memref<512xf32, #tpu.memory_space<vmem>>, vector<16xf32>,
      %get3A_407 = vector.shape_cast %get3A_406 : vector<16xf32> to vector<16xf32>
      %lt3A = arith.constant 0 : i32
      %lt3A_408 = vector.broadcast %lt3A : i32 to vector<16xi32>
      %lt3A_409 = arith.cmpi slt, %broadcast_in_dim3A, %lt3A_408 : vector<16xi32>
      %add3A_410 = arith.constant 16 : i32
      %add3A_411 = vector.broadcast %add3A_410 : i32 to vector<16xi32>
      %add3A_412 = arith.addi %broadcast_in_dim3A, %add3A_411 : vector<16xi32>
      %select_n3A_413 = arith.select %lt3A_409, %add3A_412, %broadcast_in_dim3A : vector<16xi1>, vector<16xi32>
      %broadcast_in_dim3A_414 = vector.shape_cast %select_n3A_413 : vector<16xi32> to vector<16x1xi32>
      %gather3A = vector.shape_cast %broadcast_in_dim3A_414 : vector<16x1xi32> to vector<16xi32>
      %gather3A_415 = tpu.dynamic_gather %get3A_407[%gather3A] in [0] : vector<16xf32>, vector<16xi32> -> vector<16xf32>
      %add3A_416 = arith.constant 64 : i32
      %add3A_417 = arith.addi %add3A_416, %mul3A_402 : i32
      %get3A_418 = arith.index_cast %add3A_417 : i32 to index
      %get3A_419 = tpu.vector_load %arg15[%get3A_418] {strides = array<i32>} : memref<512xf32, #tpu.memory_space<vmem>>, vector<16xf32>,
      %get3A_420 = vector.shape_cast %get3A_419 : vector<16xf32> to vector<16xf32>
      %lt3A_421 = arith.constant 0 : i32
      %lt3A_422 = vector.broadcast %lt3A_421 : i32 to vector<16xi32>
      %lt3A_423 = arith.cmpi slt, %broadcast_in_dim3A, %lt3A_422 : vector<16xi32>
      %add3A_424 = arith.constant 16 : i32
      %add3A_425 = vector.broadcast %add3A_424 : i32 to vector<16xi32>
      %add3A_426 = arith.addi %broadcast_in_dim3A, %add3A_425 : vector<16xi32>
      %select_n3A_427 = arith.select %lt3A_423, %add3A_426, %broadcast_in_dim3A : vector<16xi1>, vector<16xi32>
      %broadcast_in_dim3A_428 = vector.shape_cast %select_n3A_427 : vector<16xi32> to vector<16x1xi32>
      %gather3A_429 = vector.shape_cast %broadcast_in_dim3A_428 : vector<16x1xi32> to vector<16xi32>
      %gather3A_430 = tpu.dynamic_gather %get3A_420[%gather3A_429] in [0] : vector<16xf32>, vector<16xi32> -> vector<16xf32>
      %add3A_431 = arith.constant 64 : i32
      %add3A_432 = arith.addi %add3A_431, %mul3A_402 : i32
      %get3A_433 = arith.index_cast %add3A_432 : i32 to index
      %get3A_434 = tpu.vector_load %arg16[%get3A_433] {strides = array<i32>} : memref<512xf32, #tpu.memory_space<vmem>>, vector<16xf32>,
      %get3A_435 = vector.shape_cast %get3A_434 : vector<16xf32> to vector<16xf32>
      %lt3A_436 = arith.constant 0 : i32
      %lt3A_437 = vector.broadcast %lt3A_436 : i32 to vector<16xi32>
      %lt3A_438 = arith.cmpi slt, %broadcast_in_dim3A, %lt3A_437 : vector<16xi32>
      %add3A_439 = arith.constant 16 : i32
      %add3A_440 = vector.broadcast %add3A_439 : i32 to vector<16xi32>
      %add3A_441 = arith.addi %broadcast_in_dim3A, %add3A_440 : vector<16xi32>
      %select_n3A_442 = arith.select %lt3A_438, %add3A_441, %broadcast_in_dim3A : vector<16xi1>, vector<16xi32>
      %broadcast_in_dim3A_443 = vector.shape_cast %select_n3A_442 : vector<16xi32> to vector<16x1xi32>
      %gather3A_444 = vector.shape_cast %broadcast_in_dim3A_443 : vector<16x1xi32> to vector<16xi32>
      %gather3A_445 = tpu.dynamic_gather %get3A_435[%gather3A_444] in [0] : vector<16xf32>, vector<16xi32> -> vector<16xf32>
      %get3A_446 = arith.index_cast %scan3A_384 : i32 to index
      %get3A_447 = arith.constant 0 : index
      %get3A_448 = tpu.vector_load %arg24[%get3A_446, %get3A_447] {strides = array<i32>} : memref<64x128xf32, #tpu.memory_space<vmem>>, vector<1x16xf32>,
      %get3A_449 = vector.shape_cast %get3A_448 : vector<1x16xf32> to vector<16xf32>
      %get3A_450 = arith.index_cast %scan3A_384 : i32 to index
      %get3A_451 = arith.constant 0 : index
      %get3A_452 = tpu.vector_load %arg20[%get3A_450, %get3A_451] {strides = array<i32>} : memref<64x128xf32, #tpu.memory_space<vmem>>, vector<1x16xf32>,
      %get3A_453 = vector.shape_cast %get3A_452 : vector<1x16xf32> to vector<16xf32>
      %mul3A_454 = arith.mulf %gather3A_415, %get3A_453 : vector<16xf32>
      %add3A_455 = arith.addf %get3A_449, %mul3A_454 : vector<16xf32>
      %get3A_456 = arith.index_cast %scan3A_384 : i32 to index
      %get3A_457 = arith.constant 0 : index
      %get3A_458 = tpu.vector_load %arg21[%get3A_456, %get3A_457] {strides = array<i32>} : memref<64x128xf32, #tpu.memory_space<vmem>>, vector<1x16xf32>,
      %get3A_459 = vector.shape_cast %get3A_458 : vector<1x16xf32> to vector<16xf32>
      %mul3A_460 = arith.mulf %gather3A_430, %get3A_459 : vector<16xf32>
      %add3A_461 = arith.addf %add3A_455, %mul3A_460 : vector<16xf32>
      %get3A_462 = arith.index_cast %scan3A_384 : i32 to index
      %get3A_463 = arith.constant 0 : index
      %get3A_464 = tpu.vector_load %arg22[%get3A_462, %get3A_463] {strides = array<i32>} : memref<64x128xf32, #tpu.memory_space<vmem>>, vector<1x16xf32>,
      %get3A_465 = vector.shape_cast %get3A_464 : vector<1x16xf32> to vector<16xf32>
      %mul3A_466 = arith.mulf %gather3A_445, %get3A_465 : vector<16xf32>
      %add3A_467 = arith.addf %add3A_461, %mul3A_466 : vector<16xf32>
      %swap3A = arith.index_cast %scan3A_384 : i32 to index
      %swap3A_468 = arith.constant 0 : index
      %swap3A_469 = tpu.vector_load %arg25[%swap3A, %swap3A_468] {strides = array<i32>} : memref<64x128xf32, #tpu.memory_space<vmem>>, vector<1x16xf32>,
      %swap3A_470 = vector.shape_cast %swap3A_469 : vector<1x16xf32> to vector<16xf32>
      %swap3A_471 = vector.shape_cast %add3A_467 : vector<16xf32> to vector<1x16xf32>
      tpu.vector_store %arg25[%swap3A, %swap3A_468], %swap3A_471 {strides = array<i32>} : memref<64x128xf32, #tpu.memory_space<vmem>>, vector<1x16xf32>,
      %get3A_472 = arith.index_cast %scan3A_384 : i32 to index
      %get3A_473 = arith.constant 16 : index
      %get3A_474 = tpu.vector_load %arg24[%get3A_472, %get3A_473] {strides = array<i32>} : memref<64x128xf32, #tpu.memory_space<vmem>>, vector<1x16xf32>,
      %get3A_475 = vector.shape_cast %get3A_474 : vector<1x16xf32> to vector<16xf32>
      %get3A_476 = arith.index_cast %scan3A_384 : i32 to index
      %get3A_477 = arith.constant 16 : index
      %get3A_478 = tpu.vector_load %arg20[%get3A_476, %get3A_477] {strides = array<i32>} : memref<64x128xf32, #tpu.memory_space<vmem>>, vector<1x16xf32>,
      %get3A_479 = vector.shape_cast %get3A_478 : vector<1x16xf32> to vector<16xf32>
      %mul3A_480 = arith.mulf %gather3A_415, %get3A_479 : vector<16xf32>
      %add3A_481 = arith.addf %get3A_475, %mul3A_480 : vector<16xf32>
      %get3A_482 = arith.index_cast %scan3A_384 : i32 to index
      %get3A_483 = arith.constant 16 : index
      %get3A_484 = tpu.vector_load %arg21[%get3A_482, %get3A_483] {strides = array<i32>} : memref<64x128xf32, #tpu.memory_space<vmem>>, vector<1x16xf32>,
      %get3A_485 = vector.shape_cast %get3A_484 : vector<1x16xf32> to vector<16xf32>
      %mul3A_486 = arith.mulf %gather3A_430, %get3A_485 : vector<16xf32>
      %add3A_487 = arith.addf %add3A_481, %mul3A_486 : vector<16xf32>
      %get3A_488 = arith.index_cast %scan3A_384 : i32 to index
      %get3A_489 = arith.constant 16 : index
      %get3A_490 = tpu.vector_load %arg22[%get3A_488, %get3A_489] {strides = array<i32>} : memref<64x128xf32, #tpu.memory_space<vmem>>, vector<1x16xf32>,
      %get3A_491 = vector.shape_cast %get3A_490 : vector<1x16xf32> to vector<16xf32>
      %mul3A_492 = arith.mulf %gather3A_445, %get3A_491 : vector<16xf32>
      %add3A_493 = arith.addf %add3A_487, %mul3A_492 : vector<16xf32>
      %swap3A_494 = arith.index_cast %scan3A_384 : i32 to index
      %swap3A_495 = arith.constant 16 : index
      %swap3A_496 = tpu.vector_load %arg25[%swap3A_494, %swap3A_495] {strides = array<i32>} : memref<64x128xf32, #tpu.memory_space<vmem>>, vector<1x16xf32>,
      %swap3A_497 = vector.shape_cast %swap3A_496 : vector<1x16xf32> to vector<16xf32>
      %swap3A_498 = vector.shape_cast %add3A_493 : vector<16xf32> to vector<1x16xf32>
      tpu.vector_store %arg25[%swap3A_494, %swap3A_495], %swap3A_498 {strides = array<i32>} : memref<64x128xf32, #tpu.memory_space<vmem>>, vector<1x16xf32>,
      %get3A_499 = arith.index_cast %scan3A_384 : i32 to index
      %get3A_500 = arith.constant 32 : index
      %get3A_501 = tpu.vector_load %arg24[%get3A_499, %get3A_500] {strides = array<i32>} : memref<64x128xf32, #tpu.memory_space<vmem>>, vector<1x16xf32>,
      %get3A_502 = vector.shape_cast %get3A_501 : vector<1x16xf32> to vector<16xf32>
      %get3A_503 = arith.index_cast %scan3A_384 : i32 to index
      %get3A_504 = arith.constant 32 : index
      %get3A_505 = tpu.vector_load %arg20[%get3A_503, %get3A_504] {strides = array<i32>} : memref<64x128xf32, #tpu.memory_space<vmem>>, vector<1x16xf32>,
      %get3A_506 = vector.shape_cast %get3A_505 : vector<1x16xf32> to vector<16xf32>
      %mul3A_507 = arith.mulf %gather3A_415, %get3A_506 : vector<16xf32>
      %add3A_508 = arith.addf %get3A_502, %mul3A_507 : vector<16xf32>
      %get3A_509 = arith.index_cast %scan3A_384 : i32 to index
      %get3A_510 = arith.constant 32 : index
      %get3A_511 = tpu.vector_load %arg21[%get3A_509, %get3A_510] {strides = array<i32>} : memref<64x128xf32, #tpu.memory_space<vmem>>, vector<1x16xf32>,
      %get3A_512 = vector.shape_cast %get3A_511 : vector<1x16xf32> to vector<16xf32>
      %mul3A_513 = arith.mulf %gather3A_430, %get3A_512 : vector<16xf32>
      %add3A_514 = arith.addf %add3A_508, %mul3A_513 : vector<16xf32>
      %get3A_515 = arith.index_cast %scan3A_384 : i32 to index
      %get3A_516 = arith.constant 32 : index
      %get3A_517 = tpu.vector_load %arg22[%get3A_515, %get3A_516] {strides = array<i32>} : memref<64x128xf32, #tpu.memory_space<vmem>>, vector<1x16xf32>,
      %get3A_518 = vector.shape_cast %get3A_517 : vector<1x16xf32> to vector<16xf32>
      %mul3A_519 = arith.mulf %gather3A_445, %get3A_518 : vector<16xf32>
      %add3A_520 = arith.addf %add3A_514, %mul3A_519 : vector<16xf32>
      %swap3A_521 = arith.index_cast %scan3A_384 : i32 to index
      %swap3A_522 = arith.constant 32 : index
      %swap3A_523 = tpu.vector_load %arg25[%swap3A_521, %swap3A_522] {strides = array<i32>} : memref<64x128xf32, #tpu.memory_space<vmem>>, vector<1x16xf32>,
      %swap3A_524 = vector.shape_cast %swap3A_523 : vector<1x16xf32> to vector<16xf32>
      %swap3A_525 = vector.shape_cast %add3A_520 : vector<16xf32> to vector<1x16xf32>
      tpu.vector_store %arg25[%swap3A_521, %swap3A_522], %swap3A_525 {strides = array<i32>} : memref<64x128xf32, #tpu.memory_space<vmem>>, vector<1x16xf32>,
      %get3A_526 = arith.index_cast %scan3A_384 : i32 to index
      %get3A_527 = arith.constant 48 : index
      %get3A_528 = tpu.vector_load %arg24[%get3A_526, %get3A_527] {strides = array<i32>} : memref<64x128xf32, #tpu.memory_space<vmem>>, vector<1x16xf32>,
      %get3A_529 = vector.shape_cast %get3A_528 : vector<1x16xf32> to vector<16xf32>
      %get3A_530 = arith.index_cast %scan3A_384 : i32 to index
      %get3A_531 = arith.constant 48 : index
      %get3A_532 = tpu.vector_load %arg20[%get3A_530, %get3A_531] {strides = array<i32>} : memref<64x128xf32, #tpu.memory_space<vmem>>, vector<1x16xf32>,
      %get3A_533 = vector.shape_cast %get3A_532 : vector<1x16xf32> to vector<16xf32>
      %mul3A_534 = arith.mulf %gather3A_415, %get3A_533 : vector<16xf32>
      %add3A_535 = arith.addf %get3A_529, %mul3A_534 : vector<16xf32>
      %get3A_536 = arith.index_cast %scan3A_384 : i32 to index
      %get3A_537 = arith.constant 48 : index
      %get3A_538 = tpu.vector_load %arg21[%get3A_536, %get3A_537] {strides = array<i32>} : memref<64x128xf32, #tpu.memory_space<vmem>>, vector<1x16xf32>,
      %get3A_539 = vector.shape_cast %get3A_538 : vector<1x16xf32> to vector<16xf32>
      %mul3A_540 = arith.mulf %gather3A_430, %get3A_539 : vector<16xf32>
      %add3A_541 = arith.addf %add3A_535, %mul3A_540 : vector<16xf32>
      %get3A_542 = arith.index_cast %scan3A_384 : i32 to index
      %get3A_543 = arith.constant 48 : index
      %get3A_544 = tpu.vector_load %arg22[%get3A_542, %get3A_543] {strides = array<i32>} : memref<64x128xf32, #tpu.memory_space<vmem>>, vector<1x16xf32>,
      %get3A_545 = vector.shape_cast %get3A_544 : vector<1x16xf32> to vector<16xf32>
      %mul3A_546 = arith.mulf %gather3A_445, %get3A_545 : vector<16xf32>
      %add3A_547 = arith.addf %add3A_541, %mul3A_546 : vector<16xf32>
      %swap3A_548 = arith.index_cast %scan3A_384 : i32 to index
      %swap3A_549 = arith.constant 48 : index
      %swap3A_550 = tpu.vector_load %arg25[%swap3A_548, %swap3A_549] {strides = array<i32>} : memref<64x128xf32, #tpu.memory_space<vmem>>, vector<1x16xf32>,
      %swap3A_551 = vector.shape_cast %swap3A_550 : vector<1x16xf32> to vector<16xf32>
      %swap3A_552 = vector.shape_cast %add3A_547 : vector<16xf32> to vector<1x16xf32>
      tpu.vector_store %arg25[%swap3A_548, %swap3A_549], %swap3A_552 {strides = array<i32>} : memref<64x128xf32, #tpu.memory_space<vmem>>, vector<1x16xf32>,
      %get3A_553 = arith.index_cast %scan3A_384 : i32 to index
      %get3A_554 = arith.constant 64 : index
      %get3A_555 = tpu.vector_load %arg24[%get3A_553, %get3A_554] {strides = array<i32>} : memref<64x128xf32, #tpu.memory_space<vmem>>, vector<1x16xf32>,
      %get3A_556 = vector.shape_cast %get3A_555 : vector<1x16xf32> to vector<16xf32>
      %get3A_557 = arith.index_cast %scan3A_384 : i32 to index
      %get3A_558 = arith.constant 64 : index
      %get3A_559 = tpu.vector_load %arg20[%get3A_557, %get3A_558] {strides = array<i32>} : memref<64x128xf32, #tpu.memory_space<vmem>>, vector<1x16xf32>,
      %get3A_560 = vector.shape_cast %get3A_559 : vector<1x16xf32> to vector<16xf32>
      %mul3A_561 = arith.mulf %gather3A_415, %get3A_560 : vector<16xf32>
      %add3A_562 = arith.addf %get3A_556, %mul3A_561 : vector<16xf32>
      %get3A_563 = arith.index_cast %scan3A_384 : i32 to index
      %get3A_564 = arith.constant 64 : index
      %get3A_565 = tpu.vector_load %arg21[%get3A_563, %get3A_564] {strides = array<i32>} : memref<64x128xf32, #tpu.memory_space<vmem>>, vector<1x16xf32>,
      %get3A_566 = vector.shape_cast %get3A_565 : vector<1x16xf32> to vector<16xf32>
      %mul3A_567 = arith.mulf %gather3A_430, %get3A_566 : vector<16xf32>
      %add3A_568 = arith.addf %add3A_562, %mul3A_567 : vector<16xf32>
      %get3A_569 = arith.index_cast %scan3A_384 : i32 to index
      %get3A_570 = arith.constant 64 : index
      %get3A_571 = tpu.vector_load %arg22[%get3A_569, %get3A_570] {strides = array<i32>} : memref<64x128xf32, #tpu.memory_space<vmem>>, vector<1x16xf32>,
      %get3A_572 = vector.shape_cast %get3A_571 : vector<1x16xf32> to vector<16xf32>
      %mul3A_573 = arith.mulf %gather3A_445, %get3A_572 : vector<16xf32>
      %add3A_574 = arith.addf %add3A_568, %mul3A_573 : vector<16xf32>
      %swap3A_575 = arith.index_cast %scan3A_384 : i32 to index
      %swap3A_576 = arith.constant 64 : index
      %swap3A_577 = tpu.vector_load %arg25[%swap3A_575, %swap3A_576] {strides = array<i32>} : memref<64x128xf32, #tpu.memory_space<vmem>>, vector<1x16xf32>,
      %swap3A_578 = vector.shape_cast %swap3A_577 : vector<1x16xf32> to vector<16xf32>
      %swap3A_579 = vector.shape_cast %add3A_574 : vector<16xf32> to vector<1x16xf32>
      tpu.vector_store %arg25[%swap3A_575, %swap3A_576], %swap3A_579 {strides = array<i32>} : memref<64x128xf32, #tpu.memory_space<vmem>>, vector<1x16xf32>,
      %get3A_580 = arith.index_cast %scan3A_384 : i32 to index
      %get3A_581 = arith.constant 80 : index
      %get3A_582 = tpu.vector_load %arg24[%get3A_580, %get3A_581] {strides = array<i32>} : memref<64x128xf32, #tpu.memory_space<vmem>>, vector<1x16xf32>,
      %get3A_583 = vector.shape_cast %get3A_582 : vector<1x16xf32> to vector<16xf32>
      %get3A_584 = arith.index_cast %scan3A_384 : i32 to index
      %get3A_585 = arith.constant 80 : index
      %get3A_586 = tpu.vector_load %arg20[%get3A_584, %get3A_585] {strides = array<i32>} : memref<64x128xf32, #tpu.memory_space<vmem>>, vector<1x16xf32>,
      %get3A_587 = vector.shape_cast %get3A_586 : vector<1x16xf32> to vector<16xf32>
      %mul3A_588 = arith.mulf %gather3A_415, %get3A_587 : vector<16xf32>
      %add3A_589 = arith.addf %get3A_583, %mul3A_588 : vector<16xf32>
      %get3A_590 = arith.index_cast %scan3A_384 : i32 to index
      %get3A_591 = arith.constant 80 : index
      %get3A_592 = tpu.vector_load %arg21[%get3A_590, %get3A_591] {strides = array<i32>} : memref<64x128xf32, #tpu.memory_space<vmem>>, vector<1x16xf32>,
      %get3A_593 = vector.shape_cast %get3A_592 : vector<1x16xf32> to vector<16xf32>
      %mul3A_594 = arith.mulf %gather3A_430, %get3A_593 : vector<16xf32>
      %add3A_595 = arith.addf %add3A_589, %mul3A_594 : vector<16xf32>
      %get3A_596 = arith.index_cast %scan3A_384 : i32 to index
      %get3A_597 = arith.constant 80 : index
      %get3A_598 = tpu.vector_load %arg22[%get3A_596, %get3A_597] {strides = array<i32>} : memref<64x128xf32, #tpu.memory_space<vmem>>, vector<1x16xf32>,
      %get3A_599 = vector.shape_cast %get3A_598 : vector<1x16xf32> to vector<16xf32>
      %mul3A_600 = arith.mulf %gather3A_445, %get3A_599 : vector<16xf32>
      %add3A_601 = arith.addf %add3A_595, %mul3A_600 : vector<16xf32>
      %swap3A_602 = arith.index_cast %scan3A_384 : i32 to index
      %swap3A_603 = arith.constant 80 : index
      %swap3A_604 = tpu.vector_load %arg25[%swap3A_602, %swap3A_603] {strides = array<i32>} : memref<64x128xf32, #tpu.memory_space<vmem>>, vector<1x16xf32>,
      %swap3A_605 = vector.shape_cast %swap3A_604 : vector<1x16xf32> to vector<16xf32>
      %swap3A_606 = vector.shape_cast %add3A_601 : vector<16xf32> to vector<1x16xf32>
      tpu.vector_store %arg25[%swap3A_602, %swap3A_603], %swap3A_606 {strides = array<i32>} : memref<64x128xf32, #tpu.memory_space<vmem>>, vector<1x16xf32>,
      %get3A_607 = arith.index_cast %scan3A_384 : i32 to index
      %get3A_608 = arith.constant 96 : index
      %get3A_609 = tpu.vector_load %arg24[%get3A_607, %get3A_608] {strides = array<i32>} : memref<64x128xf32, #tpu.memory_space<vmem>>, vector<1x16xf32>,
      %get3A_610 = vector.shape_cast %get3A_609 : vector<1x16xf32> to vector<16xf32>
      %get3A_611 = arith.index_cast %scan3A_384 : i32 to index
      %get3A_612 = arith.constant 96 : index
      %get3A_613 = tpu.vector_load %arg20[%get3A_611, %get3A_612] {strides = array<i32>} : memref<64x128xf32, #tpu.memory_space<vmem>>, vector<1x16xf32>,
      %get3A_614 = vector.shape_cast %get3A_613 : vector<1x16xf32> to vector<16xf32>
      %mul3A_615 = arith.mulf %gather3A_415, %get3A_614 : vector<16xf32>
      %add3A_616 = arith.addf %get3A_610, %mul3A_615 : vector<16xf32>
      %get3A_617 = arith.index_cast %scan3A_384 : i32 to index
      %get3A_618 = arith.constant 96 : index
      %get3A_619 = tpu.vector_load %arg21[%get3A_617, %get3A_618] {strides = array<i32>} : memref<64x128xf32, #tpu.memory_space<vmem>>, vector<1x16xf32>,
      %get3A_620 = vector.shape_cast %get3A_619 : vector<1x16xf32> to vector<16xf32>
      %mul3A_621 = arith.mulf %gather3A_430, %get3A_620 : vector<16xf32>
      %add3A_622 = arith.addf %add3A_616, %mul3A_621 : vector<16xf32>
      %get3A_623 = arith.index_cast %scan3A_384 : i32 to index
      %get3A_624 = arith.constant 96 : index
      %get3A_625 = tpu.vector_load %arg22[%get3A_623, %get3A_624] {strides = array<i32>} : memref<64x128xf32, #tpu.memory_space<vmem>>, vector<1x16xf32>,
      %get3A_626 = vector.shape_cast %get3A_625 : vector<1x16xf32> to vector<16xf32>
      %mul3A_627 = arith.mulf %gather3A_445, %get3A_626 : vector<16xf32>
      %add3A_628 = arith.addf %add3A_622, %mul3A_627 : vector<16xf32>
      %swap3A_629 = arith.index_cast %scan3A_384 : i32 to index
      %swap3A_630 = arith.constant 96 : index
      %swap3A_631 = tpu.vector_load %arg25[%swap3A_629, %swap3A_630] {strides = array<i32>} : memref<64x128xf32, #tpu.memory_space<vmem>>, vector<1x16xf32>,
      %swap3A_632 = vector.shape_cast %swap3A_631 : vector<1x16xf32> to vector<16xf32>
      %swap3A_633 = vector.shape_cast %add3A_628 : vector<16xf32> to vector<1x16xf32>
      tpu.vector_store %arg25[%swap3A_629, %swap3A_630], %swap3A_633 {strides = array<i32>} : memref<64x128xf32, #tpu.memory_space<vmem>>, vector<1x16xf32>,
      %get3A_634 = arith.index_cast %scan3A_384 : i32 to index
      %get3A_635 = arith.constant 112 : index
      %get3A_636 = tpu.vector_load %arg24[%get3A_634, %get3A_635] {strides = array<i32>} : memref<64x128xf32, #tpu.memory_space<vmem>>, vector<1x16xf32>,
      %get3A_637 = vector.shape_cast %get3A_636 : vector<1x16xf32> to vector<16xf32>
      %get3A_638 = arith.index_cast %scan3A_384 : i32 to index
      %get3A_639 = arith.constant 112 : index
      %get3A_640 = tpu.vector_load %arg20[%get3A_638, %get3A_639] {strides = array<i32>} : memref<64x128xf32, #tpu.memory_space<vmem>>, vector<1x16xf32>,
      %get3A_641 = vector.shape_cast %get3A_640 : vector<1x16xf32> to vector<16xf32>
      %mul3A_642 = arith.mulf %gather3A_415, %get3A_641 : vector<16xf32>
      %add3A_643 = arith.addf %get3A_637, %mul3A_642 : vector<16xf32>
      %get3A_644 = arith.index_cast %scan3A_384 : i32 to index
      %get3A_645 = arith.constant 112 : index
      %get3A_646 = tpu.vector_load %arg21[%get3A_644, %get3A_645] {strides = array<i32>} : memref<64x128xf32, #tpu.memory_space<vmem>>, vector<1x16xf32>,
      %get3A_647 = vector.shape_cast %get3A_646 : vector<1x16xf32> to vector<16xf32>
      %mul3A_648 = arith.mulf %gather3A_430, %get3A_647 : vector<16xf32>
      %add3A_649 = arith.addf %add3A_643, %mul3A_648 : vector<16xf32>
      %get3A_650 = arith.index_cast %scan3A_384 : i32 to index
      %get3A_651 = arith.constant 112 : index
      %get3A_652 = tpu.vector_load %arg22[%get3A_650, %get3A_651] {strides = array<i32>} : memref<64x128xf32, #tpu.memory_space<vmem>>, vector<1x16xf32>,
      %get3A_653 = vector.shape_cast %get3A_652 : vector<1x16xf32> to vector<16xf32>
      %mul3A_654 = arith.mulf %gather3A_445, %get3A_653 : vector<16xf32>
      %add3A_655 = arith.addf %add3A_649, %mul3A_654 : vector<16xf32>
      %swap3A_656 = arith.index_cast %scan3A_384 : i32 to index
      %swap3A_657 = arith.constant 112 : index
      %swap3A_658 = tpu.vector_load %arg25[%swap3A_656, %swap3A_657] {strides = array<i32>} : memref<64x128xf32, #tpu.memory_space<vmem>>, vector<1x16xf32>,
      %swap3A_659 = vector.shape_cast %swap3A_658 : vector<1x16xf32> to vector<16xf32>
      %swap3A_660 = vector.shape_cast %add3A_655 : vector<16xf32> to vector<1x16xf32>
      tpu.vector_store %arg25[%swap3A_656, %swap3A_657], %swap3A_660 {strides = array<i32>} : memref<64x128xf32, #tpu.memory_space<vmem>>, vector<1x16xf32>,
    }
    %scan3A_114 = arith.constant 64 : i32
    %add3A_115 = arith.constant 64 : i32
    %add3A_116 = arith.addi %mul3A_2, %add3A_115 : i32
    "tpu.region"() ({
      %run_scoped3A = tpu.sem_alloc : memref<!tpu.dma_semaphore, #tpu.memory_space<semaphore_mem>>
      %dma_start3A_384 = arith.constant 0 : i32
      %dma_start3A_385 = tpu.memref_slice %arg10[%add3A_116, %dma_start3A_384] : memref<16384x128xf32, #tpu.memory_space<hbm>> -> memref<64x128xf32, #tpu.memory_space<hbm>>
      %dma_start3A_386 = arith.constant 0 : i32
      %dma_start3A_387 = tpu.memref_slice %arg10[%add3A_116, %dma_start3A_386] : memref<16384x128xf32, #tpu.memory_space<hbm>> -> memref<64x128xf32, #tpu.memory_space<hbm>>
      tpu.enqueue_dma source(%arg25 : memref<64x128xf32, #tpu.memory_space<vmem>>) target(%dma_start3A_387 : memref<64x128xf32, #tpu.memory_space<hbm>>) target_semaphore(%run_scoped3A : memref<!tpu.dma_semaphore, #tpu.memory_space<semaphore_mem>>)
      %dma_wait3A_388 = arith.constant 0 : i32
      %dma_wait3A_389 = tpu.memref_slice %arg10[%add3A_116, %dma_wait3A_388] : memref<16384x128xf32, #tpu.memory_space<hbm>> -> memref<64x128xf32, #tpu.memory_space<hbm>>
      %dma_wait3A_390 = arith.constant 0 : i32
      %dma_wait3A_391 = tpu.memref_slice %arg10[%add3A_116, %dma_wait3A_390] : memref<16384x128xf32, #tpu.memory_space<hbm>> -> memref<64x128xf32, #tpu.memory_space<hbm>>
      tpu.wait_dma2 semaphore(%run_scoped3A : memref<!tpu.dma_semaphore, #tpu.memory_space<semaphore_mem>>) src(%arg25 : memref<64x128xf32, #tpu.memory_space<vmem>>) dst(%dma_wait3A_391 : memref<64x128xf32, #tpu.memory_space<hbm>>)
      tpu.yield
    }) : () -> ()
    %add3A_117 = arith.constant 192 : i32
    %add3A_118 = arith.addi %mul3A_2, %add3A_117 : i32
    %dma_start3A_119 = arith.constant 192 : i32
    %dma_start3A_120 = tpu.memref_slice %arg11[%dma_start3A_119] : memref<512xi32, #tpu.memory_space<vmem>> -> memref<64xi32, #tpu.memory_space<vmem>>
    %dma_start3A_121 = arith.constant 0 : i32
    %dma_start3A_122 = arith.constant 0 : i32
    %dma_start3A_123 = tpu.memref_slice %arg2[%dma_start3A_121, %dma_start3A_122] : memref<4096x128xf32, #tpu.memory_space<hbm>> -> memref<4096x128xf32, #tpu.memory_space<hbm>>
    tpu.enqueue_indirect_dma source(%dma_start3A_123 : memref<4096x128xf32, #tpu.memory_space<hbm>>) target(%arg20 : memref<64x128xf32, #tpu.memory_space<vmem>>) offsets(%dma_start3A_120 : memref<64xi32, #tpu.memory_space<vmem>>) semaphore(%arg27 : memref<!tpu.dma_semaphore, #tpu.memory_space<semaphore_mem>>)
    %dma_start3A_124 = arith.constant 192 : i32
    %dma_start3A_125 = tpu.memref_slice %arg12[%dma_start3A_124] : memref<512xi32, #tpu.memory_space<vmem>> -> memref<64xi32, #tpu.memory_space<vmem>>
    %dma_start3A_126 = arith.constant 0 : i32
    %dma_start3A_127 = arith.constant 0 : i32
    %dma_start3A_128 = tpu.memref_slice %arg2[%dma_start3A_126, %dma_start3A_127] : memref<4096x128xf32, #tpu.memory_space<hbm>> -> memref<4096x128xf32, #tpu.memory_space<hbm>>
    tpu.enqueue_indirect_dma source(%dma_start3A_128 : memref<4096x128xf32, #tpu.memory_space<hbm>>) target(%arg21 : memref<64x128xf32, #tpu.memory_space<vmem>>) offsets(%dma_start3A_125 : memref<64xi32, #tpu.memory_space<vmem>>) semaphore(%arg27 : memref<!tpu.dma_semaphore, #tpu.memory_space<semaphore_mem>>)
    %dma_start3A_129 = arith.constant 192 : i32
    %dma_start3A_130 = tpu.memref_slice %arg13[%dma_start3A_129] : memref<512xi32, #tpu.memory_space<vmem>> -> memref<64xi32, #tpu.memory_space<vmem>>
    %dma_start3A_131 = arith.constant 0 : i32
    %dma_start3A_132 = arith.constant 0 : i32
    %dma_start3A_133 = tpu.memref_slice %arg2[%dma_start3A_131, %dma_start3A_132] : memref<4096x128xf32, #tpu.memory_space<hbm>> -> memref<4096x128xf32, #tpu.memory_space<hbm>>
    tpu.enqueue_indirect_dma source(%dma_start3A_133 : memref<4096x128xf32, #tpu.memory_space<hbm>>) target(%arg22 : memref<64x128xf32, #tpu.memory_space<vmem>>) offsets(%dma_start3A_130 : memref<64xi32, #tpu.memory_space<vmem>>) semaphore(%arg27 : memref<!tpu.dma_semaphore, #tpu.memory_space<semaphore_mem>>)
    %dma_start3A_134 = arith.constant 0 : i32
    %dma_start3A_135 = tpu.memref_slice %arg3[%add3A_118, %dma_start3A_134] : memref<16384x128xf32, #tpu.memory_space<hbm>> -> memref<64x128xf32, #tpu.memory_space<hbm>>
    %dma_start3A_136 = arith.constant 0 : i32
    %dma_start3A_137 = tpu.memref_slice %arg3[%add3A_118, %dma_start3A_136] : memref<16384x128xf32, #tpu.memory_space<hbm>> -> memref<64x128xf32, #tpu.memory_space<hbm>>
    tpu.enqueue_dma source(%dma_start3A_137 : memref<64x128xf32, #tpu.memory_space<hbm>>) target(%arg24 : memref<64x128xf32, #tpu.memory_space<vmem>>) target_semaphore(%arg29 : memref<!tpu.dma_semaphore, #tpu.memory_space<semaphore_mem>>)
    %dma_wait3A_138 = arith.constant 128 : i32
    %dma_wait3A_139 = tpu.memref_slice %arg11[%dma_wait3A_138] : memref<512xi32, #tpu.memory_space<vmem>> -> memref<64xi32, #tpu.memory_space<vmem>>
    %dma_wait3A_140 = arith.constant 0 : i32
    %dma_wait3A_141 = arith.constant 0 : i32
    %dma_wait3A_142 = tpu.memref_slice %arg2[%dma_wait3A_140, %dma_wait3A_141] : memref<4096x128xf32, #tpu.memory_space<hbm>> -> memref<4096x128xf32, #tpu.memory_space<hbm>>
    tpu.wait_indirect_dma semaphore(%arg26 : memref<!tpu.dma_semaphore, #tpu.memory_space<semaphore_mem>>) src(%dma_wait3A_142 : memref<4096x128xf32, #tpu.memory_space<hbm>>) dst(%arg17 : memref<64x128xf32, #tpu.memory_space<vmem>>)
    %dma_wait3A_143 = arith.constant 128 : i32
    %dma_wait3A_144 = tpu.memref_slice %arg12[%dma_wait3A_143] : memref<512xi32, #tpu.memory_space<vmem>> -> memref<64xi32, #tpu.memory_space<vmem>>
    %dma_wait3A_145 = arith.constant 0 : i32
    %dma_wait3A_146 = arith.constant 0 : i32
    %dma_wait3A_147 = tpu.memref_slice %arg2[%dma_wait3A_145, %dma_wait3A_146] : memref<4096x128xf32, #tpu.memory_space<hbm>> -> memref<4096x128xf32, #tpu.memory_space<hbm>>
    tpu.wait_indirect_dma semaphore(%arg26 : memref<!tpu.dma_semaphore, #tpu.memory_space<semaphore_mem>>) src(%dma_wait3A_147 : memref<4096x128xf32, #tpu.memory_space<hbm>>) dst(%arg18 : memref<64x128xf32, #tpu.memory_space<vmem>>)
    %dma_wait3A_148 = arith.constant 128 : i32
    %dma_wait3A_149 = tpu.memref_slice %arg13[%dma_wait3A_148] : memref<512xi32, #tpu.memory_space<vmem>> -> memref<64xi32, #tpu.memory_space<vmem>>
    %dma_wait3A_150 = arith.constant 0 : i32
    %dma_wait3A_151 = arith.constant 0 : i32
    %dma_wait3A_152 = tpu.memref_slice %arg2[%dma_wait3A_150, %dma_wait3A_151] : memref<4096x128xf32, #tpu.memory_space<hbm>> -> memref<4096x128xf32, #tpu.memory_space<hbm>>
    tpu.wait_indirect_dma semaphore(%arg26 : memref<!tpu.dma_semaphore, #tpu.memory_space<semaphore_mem>>) src(%dma_wait3A_152 : memref<4096x128xf32, #tpu.memory_space<hbm>>) dst(%arg19 : memref<64x128xf32, #tpu.memory_space<vmem>>)
    %dma_wait3A_153 = arith.constant 0 : i32
    %dma_wait3A_154 = tpu.memref_slice %arg3[%add3A_70, %dma_wait3A_153] : memref<16384x128xf32, #tpu.memory_space<hbm>> -> memref<64x128xf32, #tpu.memory_space<hbm>>
    %dma_wait3A_155 = arith.constant 0 : i32
    %dma_wait3A_156 = tpu.memref_slice %arg3[%add3A_70, %dma_wait3A_155] : memref<16384x128xf32, #tpu.memory_space<hbm>> -> memref<64x128xf32, #tpu.memory_space<hbm>>
    tpu.wait_dma2 semaphore(%arg28 : memref<!tpu.dma_semaphore, #tpu.memory_space<semaphore_mem>>) src(%dma_wait3A_156 : memref<64x128xf32, #tpu.memory_space<hbm>>) dst(%arg23 : memref<64x128xf32, #tpu.memory_space<vmem>>)
    %scan3A_157 = arith.constant 0 : i32
    %scan3A_158 = arith.constant 0 : i32
    %scan3A_159 = arith.constant 64 : i32
    %scan3A_160 = arith.addi %scan3A_158, %scan3A_159 : i32
    %scan3A_161 = arith.constant 1 : i32
    scf.for %scan3A_384 = %scan3A_158 to %scan3A_160 step %scan3A_161  : i32 {
      %jit3A = arith.constant 16 : i32
      %div3A = arith.divsi %scan3A_384, %jit3A : i32
      %sign3A = arith.constant 0 : i32
      %sign3A_385 = arith.cmpi sgt, %scan3A_384, %sign3A : i32
      %sign3A_386 = arith.extui %sign3A_385 : i1 to i32
      %sign3A_387 = arith.constant 0 : i32
      %sign3A_388 = arith.cmpi slt, %scan3A_384, %sign3A_387 : i32
      %sign3A_389 = arith.extui %sign3A_388 : i1 to i32
      %sign3A_390 = arith.subi %sign3A_386, %sign3A_389 : i32
      %sign3A_391 = arith.constant 0 : i32
      %sign3A_392 = arith.cmpi sgt, %jit3A, %sign3A_391 : i32
      %sign3A_393 = arith.extui %sign3A_392 : i1 to i32
      %sign3A_394 = arith.constant 0 : i32
      %sign3A_395 = arith.cmpi slt, %jit3A, %sign3A_394 : i32
      %sign3A_396 = arith.extui %sign3A_395 : i1 to i32
      %sign3A_397 = arith.subi %sign3A_393, %sign3A_396 : i32
      %ne3A = arith.cmpi ne, %sign3A_390, %sign3A_397 : i32
      %rem3A = arith.remsi %scan3A_384, %jit3A : i32
      %ne3A_398 = arith.constant 0 : i32
      %ne3A_399 = arith.cmpi ne, %rem3A, %ne3A_398 : i32
      %and3A = arith.andi %ne3A, %ne3A_399 : i1
      %sub3A = arith.constant 1 : i32
      %sub3A_400 = arith.subi %div3A, %sub3A : i32
      %select_n3A = arith.select %and3A, %sub3A_400, %div3A : i32
      %mul3A_401 = arith.constant 16 : i32
      %mul3A_402 = arith.muli %select_n3A, %mul3A_401 : i32
      %sub3A_403 = arith.subi %scan3A_384, %mul3A_402 : i32
      %broadcast_in_dim3A = vector.broadcast %sub3A_403 : i32 to vector<16xi32>
      %add3A_404 = arith.constant 128 : i32
      %add3A_405 = arith.addi %add3A_404, %mul3A_402 : i32
      %get3A = arith.index_cast %add3A_405 : i32 to index
      %get3A_406 = tpu.vector_load %arg14[%get3A] {strides = array<i32>} : memref<512xf32, #tpu.memory_space<vmem>>, vector<16xf32>,
      %get3A_407 = vector.shape_cast %get3A_406 : vector<16xf32> to vector<16xf32>
      %lt3A = arith.constant 0 : i32
      %lt3A_408 = vector.broadcast %lt3A : i32 to vector<16xi32>
      %lt3A_409 = arith.cmpi slt, %broadcast_in_dim3A, %lt3A_408 : vector<16xi32>
      %add3A_410 = arith.constant 16 : i32
      %add3A_411 = vector.broadcast %add3A_410 : i32 to vector<16xi32>
      %add3A_412 = arith.addi %broadcast_in_dim3A, %add3A_411 : vector<16xi32>
      %select_n3A_413 = arith.select %lt3A_409, %add3A_412, %broadcast_in_dim3A : vector<16xi1>, vector<16xi32>
      %broadcast_in_dim3A_414 = vector.shape_cast %select_n3A_413 : vector<16xi32> to vector<16x1xi32>
      %gather3A = vector.shape_cast %broadcast_in_dim3A_414 : vector<16x1xi32> to vector<16xi32>
      %gather3A_415 = tpu.dynamic_gather %get3A_407[%gather3A] in [0] : vector<16xf32>, vector<16xi32> -> vector<16xf32>
      %add3A_416 = arith.constant 128 : i32
      %add3A_417 = arith.addi %add3A_416, %mul3A_402 : i32
      %get3A_418 = arith.index_cast %add3A_417 : i32 to index
      %get3A_419 = tpu.vector_load %arg15[%get3A_418] {strides = array<i32>} : memref<512xf32, #tpu.memory_space<vmem>>, vector<16xf32>,
      %get3A_420 = vector.shape_cast %get3A_419 : vector<16xf32> to vector<16xf32>
      %lt3A_421 = arith.constant 0 : i32
      %lt3A_422 = vector.broadcast %lt3A_421 : i32 to vector<16xi32>
      %lt3A_423 = arith.cmpi slt, %broadcast_in_dim3A, %lt3A_422 : vector<16xi32>
      %add3A_424 = arith.constant 16 : i32
      %add3A_425 = vector.broadcast %add3A_424 : i32 to vector<16xi32>
      %add3A_426 = arith.addi %broadcast_in_dim3A, %add3A_425 : vector<16xi32>
      %select_n3A_427 = arith.select %lt3A_423, %add3A_426, %broadcast_in_dim3A : vector<16xi1>, vector<16xi32>
      %broadcast_in_dim3A_428 = vector.shape_cast %select_n3A_427 : vector<16xi32> to vector<16x1xi32>
      %gather3A_429 = vector.shape_cast %broadcast_in_dim3A_428 : vector<16x1xi32> to vector<16xi32>
      %gather3A_430 = tpu.dynamic_gather %get3A_420[%gather3A_429] in [0] : vector<16xf32>, vector<16xi32> -> vector<16xf32>
      %add3A_431 = arith.constant 128 : i32
      %add3A_432 = arith.addi %add3A_431, %mul3A_402 : i32
      %get3A_433 = arith.index_cast %add3A_432 : i32 to index
      %get3A_434 = tpu.vector_load %arg16[%get3A_433] {strides = array<i32>} : memref<512xf32, #tpu.memory_space<vmem>>, vector<16xf32>,
      %get3A_435 = vector.shape_cast %get3A_434 : vector<16xf32> to vector<16xf32>
      %lt3A_436 = arith.constant 0 : i32
      %lt3A_437 = vector.broadcast %lt3A_436 : i32 to vector<16xi32>
      %lt3A_438 = arith.cmpi slt, %broadcast_in_dim3A, %lt3A_437 : vector<16xi32>
      %add3A_439 = arith.constant 16 : i32
      %add3A_440 = vector.broadcast %add3A_439 : i32 to vector<16xi32>
      %add3A_441 = arith.addi %broadcast_in_dim3A, %add3A_440 : vector<16xi32>
      %select_n3A_442 = arith.select %lt3A_438, %add3A_441, %broadcast_in_dim3A : vector<16xi1>, vector<16xi32>
      %broadcast_in_dim3A_443 = vector.shape_cast %select_n3A_442 : vector<16xi32> to vector<16x1xi32>
      %gather3A_444 = vector.shape_cast %broadcast_in_dim3A_443 : vector<16x1xi32> to vector<16xi32>
      %gather3A_445 = tpu.dynamic_gather %get3A_435[%gather3A_444] in [0] : vector<16xf32>, vector<16xi32> -> vector<16xf32>
      %get3A_446 = arith.index_cast %scan3A_384 : i32 to index
      %get3A_447 = arith.constant 0 : index
      %get3A_448 = tpu.vector_load %arg23[%get3A_446, %get3A_447] {strides = array<i32>} : memref<64x128xf32, #tpu.memory_space<vmem>>, vector<1x16xf32>,
      %get3A_449 = vector.shape_cast %get3A_448 : vector<1x16xf32> to vector<16xf32>
      %get3A_450 = arith.index_cast %scan3A_384 : i32 to index
      %get3A_451 = arith.constant 0 : index
      %get3A_452 = tpu.vector_load %arg17[%get3A_450, %get3A_451] {strides = array<i32>} : memref<64x128xf32, #tpu.memory_space<vmem>>, vector<1x16xf32>,
      %get3A_453 = vector.shape_cast %get3A_452 : vector<1x16xf32> to vector<16xf32>
      %mul3A_454 = arith.mulf %gather3A_415, %get3A_453 : vector<16xf32>
      %add3A_455 = arith.addf %get3A_449, %mul3A_454 : vector<16xf32>
      %get3A_456 = arith.index_cast %scan3A_384 : i32 to index
      %get3A_457 = arith.constant 0 : index
      %get3A_458 = tpu.vector_load %arg18[%get3A_456, %get3A_457] {strides = array<i32>} : memref<64x128xf32, #tpu.memory_space<vmem>>, vector<1x16xf32>,
      %get3A_459 = vector.shape_cast %get3A_458 : vector<1x16xf32> to vector<16xf32>
      %mul3A_460 = arith.mulf %gather3A_430, %get3A_459 : vector<16xf32>
      %add3A_461 = arith.addf %add3A_455, %mul3A_460 : vector<16xf32>
      %get3A_462 = arith.index_cast %scan3A_384 : i32 to index
      %get3A_463 = arith.constant 0 : index
      %get3A_464 = tpu.vector_load %arg19[%get3A_462, %get3A_463] {strides = array<i32>} : memref<64x128xf32, #tpu.memory_space<vmem>>, vector<1x16xf32>,
      %get3A_465 = vector.shape_cast %get3A_464 : vector<1x16xf32> to vector<16xf32>
      %mul3A_466 = arith.mulf %gather3A_445, %get3A_465 : vector<16xf32>
      %add3A_467 = arith.addf %add3A_461, %mul3A_466 : vector<16xf32>
      %swap3A = arith.index_cast %scan3A_384 : i32 to index
      %swap3A_468 = arith.constant 0 : index
      %swap3A_469 = tpu.vector_load %arg25[%swap3A, %swap3A_468] {strides = array<i32>} : memref<64x128xf32, #tpu.memory_space<vmem>>, vector<1x16xf32>,
      %swap3A_470 = vector.shape_cast %swap3A_469 : vector<1x16xf32> to vector<16xf32>
      %swap3A_471 = vector.shape_cast %add3A_467 : vector<16xf32> to vector<1x16xf32>
      tpu.vector_store %arg25[%swap3A, %swap3A_468], %swap3A_471 {strides = array<i32>} : memref<64x128xf32, #tpu.memory_space<vmem>>, vector<1x16xf32>,
      %get3A_472 = arith.index_cast %scan3A_384 : i32 to index
      %get3A_473 = arith.constant 16 : index
      %get3A_474 = tpu.vector_load %arg23[%get3A_472, %get3A_473] {strides = array<i32>} : memref<64x128xf32, #tpu.memory_space<vmem>>, vector<1x16xf32>,
      %get3A_475 = vector.shape_cast %get3A_474 : vector<1x16xf32> to vector<16xf32>
      %get3A_476 = arith.index_cast %scan3A_384 : i32 to index
      %get3A_477 = arith.constant 16 : index
      %get3A_478 = tpu.vector_load %arg17[%get3A_476, %get3A_477] {strides = array<i32>} : memref<64x128xf32, #tpu.memory_space<vmem>>, vector<1x16xf32>,
      %get3A_479 = vector.shape_cast %get3A_478 : vector<1x16xf32> to vector<16xf32>
      %mul3A_480 = arith.mulf %gather3A_415, %get3A_479 : vector<16xf32>
      %add3A_481 = arith.addf %get3A_475, %mul3A_480 : vector<16xf32>
      %get3A_482 = arith.index_cast %scan3A_384 : i32 to index
      %get3A_483 = arith.constant 16 : index
      %get3A_484 = tpu.vector_load %arg18[%get3A_482, %get3A_483] {strides = array<i32>} : memref<64x128xf32, #tpu.memory_space<vmem>>, vector<1x16xf32>,
      %get3A_485 = vector.shape_cast %get3A_484 : vector<1x16xf32> to vector<16xf32>
      %mul3A_486 = arith.mulf %gather3A_430, %get3A_485 : vector<16xf32>
      %add3A_487 = arith.addf %add3A_481, %mul3A_486 : vector<16xf32>
      %get3A_488 = arith.index_cast %scan3A_384 : i32 to index
      %get3A_489 = arith.constant 16 : index
      %get3A_490 = tpu.vector_load %arg19[%get3A_488, %get3A_489] {strides = array<i32>} : memref<64x128xf32, #tpu.memory_space<vmem>>, vector<1x16xf32>,
      %get3A_491 = vector.shape_cast %get3A_490 : vector<1x16xf32> to vector<16xf32>
      %mul3A_492 = arith.mulf %gather3A_445, %get3A_491 : vector<16xf32>
      %add3A_493 = arith.addf %add3A_487, %mul3A_492 : vector<16xf32>
      %swap3A_494 = arith.index_cast %scan3A_384 : i32 to index
      %swap3A_495 = arith.constant 16 : index
      %swap3A_496 = tpu.vector_load %arg25[%swap3A_494, %swap3A_495] {strides = array<i32>} : memref<64x128xf32, #tpu.memory_space<vmem>>, vector<1x16xf32>,
      %swap3A_497 = vector.shape_cast %swap3A_496 : vector<1x16xf32> to vector<16xf32>
      %swap3A_498 = vector.shape_cast %add3A_493 : vector<16xf32> to vector<1x16xf32>
      tpu.vector_store %arg25[%swap3A_494, %swap3A_495], %swap3A_498 {strides = array<i32>} : memref<64x128xf32, #tpu.memory_space<vmem>>, vector<1x16xf32>,
      %get3A_499 = arith.index_cast %scan3A_384 : i32 to index
      %get3A_500 = arith.constant 32 : index
      %get3A_501 = tpu.vector_load %arg23[%get3A_499, %get3A_500] {strides = array<i32>} : memref<64x128xf32, #tpu.memory_space<vmem>>, vector<1x16xf32>,
      %get3A_502 = vector.shape_cast %get3A_501 : vector<1x16xf32> to vector<16xf32>
      %get3A_503 = arith.index_cast %scan3A_384 : i32 to index
      %get3A_504 = arith.constant 32 : index
      %get3A_505 = tpu.vector_load %arg17[%get3A_503, %get3A_504] {strides = array<i32>} : memref<64x128xf32, #tpu.memory_space<vmem>>, vector<1x16xf32>,
      %get3A_506 = vector.shape_cast %get3A_505 : vector<1x16xf32> to vector<16xf32>
      %mul3A_507 = arith.mulf %gather3A_415, %get3A_506 : vector<16xf32>
      %add3A_508 = arith.addf %get3A_502, %mul3A_507 : vector<16xf32>
      %get3A_509 = arith.index_cast %scan3A_384 : i32 to index
      %get3A_510 = arith.constant 32 : index
      %get3A_511 = tpu.vector_load %arg18[%get3A_509, %get3A_510] {strides = array<i32>} : memref<64x128xf32, #tpu.memory_space<vmem>>, vector<1x16xf32>,
      %get3A_512 = vector.shape_cast %get3A_511 : vector<1x16xf32> to vector<16xf32>
      %mul3A_513 = arith.mulf %gather3A_430, %get3A_512 : vector<16xf32>
      %add3A_514 = arith.addf %add3A_508, %mul3A_513 : vector<16xf32>
      %get3A_515 = arith.index_cast %scan3A_384 : i32 to index
      %get3A_516 = arith.constant 32 : index
      %get3A_517 = tpu.vector_load %arg19[%get3A_515, %get3A_516] {strides = array<i32>} : memref<64x128xf32, #tpu.memory_space<vmem>>, vector<1x16xf32>,
      %get3A_518 = vector.shape_cast %get3A_517 : vector<1x16xf32> to vector<16xf32>
      %mul3A_519 = arith.mulf %gather3A_445, %get3A_518 : vector<16xf32>
      %add3A_520 = arith.addf %add3A_514, %mul3A_519 : vector<16xf32>
      %swap3A_521 = arith.index_cast %scan3A_384 : i32 to index
      %swap3A_522 = arith.constant 32 : index
      %swap3A_523 = tpu.vector_load %arg25[%swap3A_521, %swap3A_522] {strides = array<i32>} : memref<64x128xf32, #tpu.memory_space<vmem>>, vector<1x16xf32>,
      %swap3A_524 = vector.shape_cast %swap3A_523 : vector<1x16xf32> to vector<16xf32>
      %swap3A_525 = vector.shape_cast %add3A_520 : vector<16xf32> to vector<1x16xf32>
      tpu.vector_store %arg25[%swap3A_521, %swap3A_522], %swap3A_525 {strides = array<i32>} : memref<64x128xf32, #tpu.memory_space<vmem>>, vector<1x16xf32>,
      %get3A_526 = arith.index_cast %scan3A_384 : i32 to index
      %get3A_527 = arith.constant 48 : index
      %get3A_528 = tpu.vector_load %arg23[%get3A_526, %get3A_527] {strides = array<i32>} : memref<64x128xf32, #tpu.memory_space<vmem>>, vector<1x16xf32>,
      %get3A_529 = vector.shape_cast %get3A_528 : vector<1x16xf32> to vector<16xf32>
      %get3A_530 = arith.index_cast %scan3A_384 : i32 to index
      %get3A_531 = arith.constant 48 : index
      %get3A_532 = tpu.vector_load %arg17[%get3A_530, %get3A_531] {strides = array<i32>} : memref<64x128xf32, #tpu.memory_space<vmem>>, vector<1x16xf32>,
      %get3A_533 = vector.shape_cast %get3A_532 : vector<1x16xf32> to vector<16xf32>
      %mul3A_534 = arith.mulf %gather3A_415, %get3A_533 : vector<16xf32>
      %add3A_535 = arith.addf %get3A_529, %mul3A_534 : vector<16xf32>
      %get3A_536 = arith.index_cast %scan3A_384 : i32 to index
      %get3A_537 = arith.constant 48 : index
      %get3A_538 = tpu.vector_load %arg18[%get3A_536, %get3A_537] {strides = array<i32>} : memref<64x128xf32, #tpu.memory_space<vmem>>, vector<1x16xf32>,
      %get3A_539 = vector.shape_cast %get3A_538 : vector<1x16xf32> to vector<16xf32>
      %mul3A_540 = arith.mulf %gather3A_430, %get3A_539 : vector<16xf32>
      %add3A_541 = arith.addf %add3A_535, %mul3A_540 : vector<16xf32>
      %get3A_542 = arith.index_cast %scan3A_384 : i32 to index
      %get3A_543 = arith.constant 48 : index
      %get3A_544 = tpu.vector_load %arg19[%get3A_542, %get3A_543] {strides = array<i32>} : memref<64x128xf32, #tpu.memory_space<vmem>>, vector<1x16xf32>,
      %get3A_545 = vector.shape_cast %get3A_544 : vector<1x16xf32> to vector<16xf32>
      %mul3A_546 = arith.mulf %gather3A_445, %get3A_545 : vector<16xf32>
      %add3A_547 = arith.addf %add3A_541, %mul3A_546 : vector<16xf32>
      %swap3A_548 = arith.index_cast %scan3A_384 : i32 to index
      %swap3A_549 = arith.constant 48 : index
      %swap3A_550 = tpu.vector_load %arg25[%swap3A_548, %swap3A_549] {strides = array<i32>} : memref<64x128xf32, #tpu.memory_space<vmem>>, vector<1x16xf32>,
      %swap3A_551 = vector.shape_cast %swap3A_550 : vector<1x16xf32> to vector<16xf32>
      %swap3A_552 = vector.shape_cast %add3A_547 : vector<16xf32> to vector<1x16xf32>
      tpu.vector_store %arg25[%swap3A_548, %swap3A_549], %swap3A_552 {strides = array<i32>} : memref<64x128xf32, #tpu.memory_space<vmem>>, vector<1x16xf32>,
      %get3A_553 = arith.index_cast %scan3A_384 : i32 to index
      %get3A_554 = arith.constant 64 : index
      %get3A_555 = tpu.vector_load %arg23[%get3A_553, %get3A_554] {strides = array<i32>} : memref<64x128xf32, #tpu.memory_space<vmem>>, vector<1x16xf32>,
      %get3A_556 = vector.shape_cast %get3A_555 : vector<1x16xf32> to vector<16xf32>
      %get3A_557 = arith.index_cast %scan3A_384 : i32 to index
      %get3A_558 = arith.constant 64 : index
      %get3A_559 = tpu.vector_load %arg17[%get3A_557, %get3A_558] {strides = array<i32>} : memref<64x128xf32, #tpu.memory_space<vmem>>, vector<1x16xf32>,
      %get3A_560 = vector.shape_cast %get3A_559 : vector<1x16xf32> to vector<16xf32>
      %mul3A_561 = arith.mulf %gather3A_415, %get3A_560 : vector<16xf32>
      %add3A_562 = arith.addf %get3A_556, %mul3A_561 : vector<16xf32>
      %get3A_563 = arith.index_cast %scan3A_384 : i32 to index
      %get3A_564 = arith.constant 64 : index
      %get3A_565 = tpu.vector_load %arg18[%get3A_563, %get3A_564] {strides = array<i32>} : memref<64x128xf32, #tpu.memory_space<vmem>>, vector<1x16xf32>,
      %get3A_566 = vector.shape_cast %get3A_565 : vector<1x16xf32> to vector<16xf32>
      %mul3A_567 = arith.mulf %gather3A_430, %get3A_566 : vector<16xf32>
      %add3A_568 = arith.addf %add3A_562, %mul3A_567 : vector<16xf32>
      %get3A_569 = arith.index_cast %scan3A_384 : i32 to index
      %get3A_570 = arith.constant 64 : index
      %get3A_571 = tpu.vector_load %arg19[%get3A_569, %get3A_570] {strides = array<i32>} : memref<64x128xf32, #tpu.memory_space<vmem>>, vector<1x16xf32>,
      %get3A_572 = vector.shape_cast %get3A_571 : vector<1x16xf32> to vector<16xf32>
      %mul3A_573 = arith.mulf %gather3A_445, %get3A_572 : vector<16xf32>
      %add3A_574 = arith.addf %add3A_568, %mul3A_573 : vector<16xf32>
      %swap3A_575 = arith.index_cast %scan3A_384 : i32 to index
      %swap3A_576 = arith.constant 64 : index
      %swap3A_577 = tpu.vector_load %arg25[%swap3A_575, %swap3A_576] {strides = array<i32>} : memref<64x128xf32, #tpu.memory_space<vmem>>, vector<1x16xf32>,
      %swap3A_578 = vector.shape_cast %swap3A_577 : vector<1x16xf32> to vector<16xf32>
      %swap3A_579 = vector.shape_cast %add3A_574 : vector<16xf32> to vector<1x16xf32>
      tpu.vector_store %arg25[%swap3A_575, %swap3A_576], %swap3A_579 {strides = array<i32>} : memref<64x128xf32, #tpu.memory_space<vmem>>, vector<1x16xf32>,
      %get3A_580 = arith.index_cast %scan3A_384 : i32 to index
      %get3A_581 = arith.constant 80 : index
      %get3A_582 = tpu.vector_load %arg23[%get3A_580, %get3A_581] {strides = array<i32>} : memref<64x128xf32, #tpu.memory_space<vmem>>, vector<1x16xf32>,
      %get3A_583 = vector.shape_cast %get3A_582 : vector<1x16xf32> to vector<16xf32>
      %get3A_584 = arith.index_cast %scan3A_384 : i32 to index
      %get3A_585 = arith.constant 80 : index
      %get3A_586 = tpu.vector_load %arg17[%get3A_584, %get3A_585] {strides = array<i32>} : memref<64x128xf32, #tpu.memory_space<vmem>>, vector<1x16xf32>,
      %get3A_587 = vector.shape_cast %get3A_586 : vector<1x16xf32> to vector<16xf32>
      %mul3A_588 = arith.mulf %gather3A_415, %get3A_587 : vector<16xf32>
      %add3A_589 = arith.addf %get3A_583, %mul3A_588 : vector<16xf32>
      %get3A_590 = arith.index_cast %scan3A_384 : i32 to index
      %get3A_591 = arith.constant 80 : index
      %get3A_592 = tpu.vector_load %arg18[%get3A_590, %get3A_591] {strides = array<i32>} : memref<64x128xf32, #tpu.memory_space<vmem>>, vector<1x16xf32>,
      %get3A_593 = vector.shape_cast %get3A_592 : vector<1x16xf32> to vector<16xf32>
      %mul3A_594 = arith.mulf %gather3A_430, %get3A_593 : vector<16xf32>
      %add3A_595 = arith.addf %add3A_589, %mul3A_594 : vector<16xf32>
      %get3A_596 = arith.index_cast %scan3A_384 : i32 to index
      %get3A_597 = arith.constant 80 : index
      %get3A_598 = tpu.vector_load %arg19[%get3A_596, %get3A_597] {strides = array<i32>} : memref<64x128xf32, #tpu.memory_space<vmem>>, vector<1x16xf32>,
      %get3A_599 = vector.shape_cast %get3A_598 : vector<1x16xf32> to vector<16xf32>
      %mul3A_600 = arith.mulf %gather3A_445, %get3A_599 : vector<16xf32>
      %add3A_601 = arith.addf %add3A_595, %mul3A_600 : vector<16xf32>
      %swap3A_602 = arith.index_cast %scan3A_384 : i32 to index
      %swap3A_603 = arith.constant 80 : index
      %swap3A_604 = tpu.vector_load %arg25[%swap3A_602, %swap3A_603] {strides = array<i32>} : memref<64x128xf32, #tpu.memory_space<vmem>>, vector<1x16xf32>,
      %swap3A_605 = vector.shape_cast %swap3A_604 : vector<1x16xf32> to vector<16xf32>
      %swap3A_606 = vector.shape_cast %add3A_601 : vector<16xf32> to vector<1x16xf32>
      tpu.vector_store %arg25[%swap3A_602, %swap3A_603], %swap3A_606 {strides = array<i32>} : memref<64x128xf32, #tpu.memory_space<vmem>>, vector<1x16xf32>,
      %get3A_607 = arith.index_cast %scan3A_384 : i32 to index
      %get3A_608 = arith.constant 96 : index
      %get3A_609 = tpu.vector_load %arg23[%get3A_607, %get3A_608] {strides = array<i32>} : memref<64x128xf32, #tpu.memory_space<vmem>>, vector<1x16xf32>,
      %get3A_610 = vector.shape_cast %get3A_609 : vector<1x16xf32> to vector<16xf32>
      %get3A_611 = arith.index_cast %scan3A_384 : i32 to index
      %get3A_612 = arith.constant 96 : index
      %get3A_613 = tpu.vector_load %arg17[%get3A_611, %get3A_612] {strides = array<i32>} : memref<64x128xf32, #tpu.memory_space<vmem>>, vector<1x16xf32>,
      %get3A_614 = vector.shape_cast %get3A_613 : vector<1x16xf32> to vector<16xf32>
      %mul3A_615 = arith.mulf %gather3A_415, %get3A_614 : vector<16xf32>
      %add3A_616 = arith.addf %get3A_610, %mul3A_615 : vector<16xf32>
      %get3A_617 = arith.index_cast %scan3A_384 : i32 to index
      %get3A_618 = arith.constant 96 : index
      %get3A_619 = tpu.vector_load %arg18[%get3A_617, %get3A_618] {strides = array<i32>} : memref<64x128xf32, #tpu.memory_space<vmem>>, vector<1x16xf32>,
      %get3A_620 = vector.shape_cast %get3A_619 : vector<1x16xf32> to vector<16xf32>
      %mul3A_621 = arith.mulf %gather3A_430, %get3A_620 : vector<16xf32>
      %add3A_622 = arith.addf %add3A_616, %mul3A_621 : vector<16xf32>
      %get3A_623 = arith.index_cast %scan3A_384 : i32 to index
      %get3A_624 = arith.constant 96 : index
      %get3A_625 = tpu.vector_load %arg19[%get3A_623, %get3A_624] {strides = array<i32>} : memref<64x128xf32, #tpu.memory_space<vmem>>, vector<1x16xf32>,
      %get3A_626 = vector.shape_cast %get3A_625 : vector<1x16xf32> to vector<16xf32>
      %mul3A_627 = arith.mulf %gather3A_445, %get3A_626 : vector<16xf32>
      %add3A_628 = arith.addf %add3A_622, %mul3A_627 : vector<16xf32>
      %swap3A_629 = arith.index_cast %scan3A_384 : i32 to index
      %swap3A_630 = arith.constant 96 : index
      %swap3A_631 = tpu.vector_load %arg25[%swap3A_629, %swap3A_630] {strides = array<i32>} : memref<64x128xf32, #tpu.memory_space<vmem>>, vector<1x16xf32>,
      %swap3A_632 = vector.shape_cast %swap3A_631 : vector<1x16xf32> to vector<16xf32>
      %swap3A_633 = vector.shape_cast %add3A_628 : vector<16xf32> to vector<1x16xf32>
      tpu.vector_store %arg25[%swap3A_629, %swap3A_630], %swap3A_633 {strides = array<i32>} : memref<64x128xf32, #tpu.memory_space<vmem>>, vector<1x16xf32>,
      %get3A_634 = arith.index_cast %scan3A_384 : i32 to index
      %get3A_635 = arith.constant 112 : index
      %get3A_636 = tpu.vector_load %arg23[%get3A_634, %get3A_635] {strides = array<i32>} : memref<64x128xf32, #tpu.memory_space<vmem>>, vector<1x16xf32>,
      %get3A_637 = vector.shape_cast %get3A_636 : vector<1x16xf32> to vector<16xf32>
      %get3A_638 = arith.index_cast %scan3A_384 : i32 to index
      %get3A_639 = arith.constant 112 : index
      %get3A_640 = tpu.vector_load %arg17[%get3A_638, %get3A_639] {strides = array<i32>} : memref<64x128xf32, #tpu.memory_space<vmem>>, vector<1x16xf32>,
      %get3A_641 = vector.shape_cast %get3A_640 : vector<1x16xf32> to vector<16xf32>
      %mul3A_642 = arith.mulf %gather3A_415, %get3A_641 : vector<16xf32>
      %add3A_643 = arith.addf %get3A_637, %mul3A_642 : vector<16xf32>
      %get3A_644 = arith.index_cast %scan3A_384 : i32 to index
      %get3A_645 = arith.constant 112 : index
      %get3A_646 = tpu.vector_load %arg18[%get3A_644, %get3A_645] {strides = array<i32>} : memref<64x128xf32, #tpu.memory_space<vmem>>, vector<1x16xf32>,
      %get3A_647 = vector.shape_cast %get3A_646 : vector<1x16xf32> to vector<16xf32>
      %mul3A_648 = arith.mulf %gather3A_430, %get3A_647 : vector<16xf32>
      %add3A_649 = arith.addf %add3A_643, %mul3A_648 : vector<16xf32>
      %get3A_650 = arith.index_cast %scan3A_384 : i32 to index
      %get3A_651 = arith.constant 112 : index
      %get3A_652 = tpu.vector_load %arg19[%get3A_650, %get3A_651] {strides = array<i32>} : memref<64x128xf32, #tpu.memory_space<vmem>>, vector<1x16xf32>,
      %get3A_653 = vector.shape_cast %get3A_652 : vector<1x16xf32> to vector<16xf32>
      %mul3A_654 = arith.mulf %gather3A_445, %get3A_653 : vector<16xf32>
      %add3A_655 = arith.addf %add3A_649, %mul3A_654 : vector<16xf32>
      %swap3A_656 = arith.index_cast %scan3A_384 : i32 to index
      %swap3A_657 = arith.constant 112 : index
      %swap3A_658 = tpu.vector_load %arg25[%swap3A_656, %swap3A_657] {strides = array<i32>} : memref<64x128xf32, #tpu.memory_space<vmem>>, vector<1x16xf32>,
      %swap3A_659 = vector.shape_cast %swap3A_658 : vector<1x16xf32> to vector<16xf32>
      %swap3A_660 = vector.shape_cast %add3A_655 : vector<16xf32> to vector<1x16xf32>
      tpu.vector_store %arg25[%swap3A_656, %swap3A_657], %swap3A_660 {strides = array<i32>} : memref<64x128xf32, #tpu.memory_space<vmem>>, vector<1x16xf32>,
    }
    %scan3A_162 = arith.constant 64 : i32
    %add3A_163 = arith.constant 128 : i32
    %add3A_164 = arith.addi %mul3A_2, %add3A_163 : i32
    "tpu.region"() ({
      %run_scoped3A = tpu.sem_alloc : memref<!tpu.dma_semaphore, #tpu.memory_space<semaphore_mem>>
      %dma_start3A_384 = arith.constant 0 : i32
      %dma_start3A_385 = tpu.memref_slice %arg10[%add3A_164, %dma_start3A_384] : memref<16384x128xf32, #tpu.memory_space<hbm>> -> memref<64x128xf32, #tpu.memory_space<hbm>>
      %dma_start3A_386 = arith.constant 0 : i32
      %dma_start3A_387 = tpu.memref_slice %arg10[%add3A_164, %dma_start3A_386] : memref<16384x128xf32, #tpu.memory_space<hbm>> -> memref<64x128xf32, #tpu.memory_space<hbm>>
      tpu.enqueue_dma source(%arg25 : memref<64x128xf32, #tpu.memory_space<vmem>>) target(%dma_start3A_387 : memref<64x128xf32, #tpu.memory_space<hbm>>) target_semaphore(%run_scoped3A : memref<!tpu.dma_semaphore, #tpu.memory_space<semaphore_mem>>)
      %dma_wait3A_388 = arith.constant 0 : i32
      %dma_wait3A_389 = tpu.memref_slice %arg10[%add3A_164, %dma_wait3A_388] : memref<16384x128xf32, #tpu.memory_space<hbm>> -> memref<64x128xf32, #tpu.memory_space<hbm>>
      %dma_wait3A_390 = arith.constant 0 : i32
      %dma_wait3A_391 = tpu.memref_slice %arg10[%add3A_164, %dma_wait3A_390] : memref<16384x128xf32, #tpu.memory_space<hbm>> -> memref<64x128xf32, #tpu.memory_space<hbm>>
      tpu.wait_dma2 semaphore(%run_scoped3A : memref<!tpu.dma_semaphore, #tpu.memory_space<semaphore_mem>>) src(%arg25 : memref<64x128xf32, #tpu.memory_space<vmem>>) dst(%dma_wait3A_391 : memref<64x128xf32, #tpu.memory_space<hbm>>)
      tpu.yield
    }) : () -> ()
    %add3A_165 = arith.constant 256 : i32
    %add3A_166 = arith.addi %mul3A_2, %add3A_165 : i32
    %dma_start3A_167 = arith.constant 256 : i32
    %dma_start3A_168 = tpu.memref_slice %arg11[%dma_start3A_167] : memref<512xi32, #tpu.memory_space<vmem>> -> memref<64xi32, #tpu.memory_space<vmem>>
    %dma_start3A_169 = arith.constant 0 : i32
    %dma_start3A_170 = arith.constant 0 : i32
    %dma_start3A_171 = tpu.memref_slice %arg2[%dma_start3A_169, %dma_start3A_170] : memref<4096x128xf32, #tpu.memory_space<hbm>> -> memref<4096x128xf32, #tpu.memory_space<hbm>>
    tpu.enqueue_indirect_dma source(%dma_start3A_171 : memref<4096x128xf32, #tpu.memory_space<hbm>>) target(%arg17 : memref<64x128xf32, #tpu.memory_space<vmem>>) offsets(%dma_start3A_168 : memref<64xi32, #tpu.memory_space<vmem>>) semaphore(%arg26 : memref<!tpu.dma_semaphore, #tpu.memory_space<semaphore_mem>>)
    %dma_start3A_172 = arith.constant 256 : i32
    %dma_start3A_173 = tpu.memref_slice %arg12[%dma_start3A_172] : memref<512xi32, #tpu.memory_space<vmem>> -> memref<64xi32, #tpu.memory_space<vmem>>
    %dma_start3A_174 = arith.constant 0 : i32
    %dma_start3A_175 = arith.constant 0 : i32
    %dma_start3A_176 = tpu.memref_slice %arg2[%dma_start3A_174, %dma_start3A_175] : memref<4096x128xf32, #tpu.memory_space<hbm>> -> memref<4096x128xf32, #tpu.memory_space<hbm>>
    tpu.enqueue_indirect_dma source(%dma_start3A_176 : memref<4096x128xf32, #tpu.memory_space<hbm>>) target(%arg18 : memref<64x128xf32, #tpu.memory_space<vmem>>) offsets(%dma_start3A_173 : memref<64xi32, #tpu.memory_space<vmem>>) semaphore(%arg26 : memref<!tpu.dma_semaphore, #tpu.memory_space<semaphore_mem>>)
    %dma_start3A_177 = arith.constant 256 : i32
    %dma_start3A_178 = tpu.memref_slice %arg13[%dma_start3A_177] : memref<512xi32, #tpu.memory_space<vmem>> -> memref<64xi32, #tpu.memory_space<vmem>>
    %dma_start3A_179 = arith.constant 0 : i32
    %dma_start3A_180 = arith.constant 0 : i32
    %dma_start3A_181 = tpu.memref_slice %arg2[%dma_start3A_179, %dma_start3A_180] : memref<4096x128xf32, #tpu.memory_space<hbm>> -> memref<4096x128xf32, #tpu.memory_space<hbm>>
    tpu.enqueue_indirect_dma source(%dma_start3A_181 : memref<4096x128xf32, #tpu.memory_space<hbm>>) target(%arg19 : memref<64x128xf32, #tpu.memory_space<vmem>>) offsets(%dma_start3A_178 : memref<64xi32, #tpu.memory_space<vmem>>) semaphore(%arg26 : memref<!tpu.dma_semaphore, #tpu.memory_space<semaphore_mem>>)
    %dma_start3A_182 = arith.constant 0 : i32
    %dma_start3A_183 = tpu.memref_slice %arg3[%add3A_166, %dma_start3A_182] : memref<16384x128xf32, #tpu.memory_space<hbm>> -> memref<64x128xf32, #tpu.memory_space<hbm>>
    %dma_start3A_184 = arith.constant 0 : i32
    %dma_start3A_185 = tpu.memref_slice %arg3[%add3A_166, %dma_start3A_184] : memref<16384x128xf32, #tpu.memory_space<hbm>> -> memref<64x128xf32, #tpu.memory_space<hbm>>
    tpu.enqueue_dma source(%dma_start3A_185 : memref<64x128xf32, #tpu.memory_space<hbm>>) target(%arg23 : memref<64x128xf32, #tpu.memory_space<vmem>>) target_semaphore(%arg28 : memref<!tpu.dma_semaphore, #tpu.memory_space<semaphore_mem>>)
    %dma_wait3A_186 = arith.constant 192 : i32
    %dma_wait3A_187 = tpu.memref_slice %arg11[%dma_wait3A_186] : memref<512xi32, #tpu.memory_space<vmem>> -> memref<64xi32, #tpu.memory_space<vmem>>
    %dma_wait3A_188 = arith.constant 0 : i32
    %dma_wait3A_189 = arith.constant 0 : i32
    %dma_wait3A_190 = tpu.memref_slice %arg2[%dma_wait3A_188, %dma_wait3A_189] : memref<4096x128xf32, #tpu.memory_space<hbm>> -> memref<4096x128xf32, #tpu.memory_space<hbm>>
    tpu.wait_indirect_dma semaphore(%arg27 : memref<!tpu.dma_semaphore, #tpu.memory_space<semaphore_mem>>) src(%dma_wait3A_190 : memref<4096x128xf32, #tpu.memory_space<hbm>>) dst(%arg20 : memref<64x128xf32, #tpu.memory_space<vmem>>)
    %dma_wait3A_191 = arith.constant 192 : i32
    %dma_wait3A_192 = tpu.memref_slice %arg12[%dma_wait3A_191] : memref<512xi32, #tpu.memory_space<vmem>> -> memref<64xi32, #tpu.memory_space<vmem>>
    %dma_wait3A_193 = arith.constant 0 : i32
    %dma_wait3A_194 = arith.constant 0 : i32
    %dma_wait3A_195 = tpu.memref_slice %arg2[%dma_wait3A_193, %dma_wait3A_194] : memref<4096x128xf32, #tpu.memory_space<hbm>> -> memref<4096x128xf32, #tpu.memory_space<hbm>>
    tpu.wait_indirect_dma semaphore(%arg27 : memref<!tpu.dma_semaphore, #tpu.memory_space<semaphore_mem>>) src(%dma_wait3A_195 : memref<4096x128xf32, #tpu.memory_space<hbm>>) dst(%arg21 : memref<64x128xf32, #tpu.memory_space<vmem>>)
    %dma_wait3A_196 = arith.constant 192 : i32
    %dma_wait3A_197 = tpu.memref_slice %arg13[%dma_wait3A_196] : memref<512xi32, #tpu.memory_space<vmem>> -> memref<64xi32, #tpu.memory_space<vmem>>
    %dma_wait3A_198 = arith.constant 0 : i32
    %dma_wait3A_199 = arith.constant 0 : i32
    %dma_wait3A_200 = tpu.memref_slice %arg2[%dma_wait3A_198, %dma_wait3A_199] : memref<4096x128xf32, #tpu.memory_space<hbm>> -> memref<4096x128xf32, #tpu.memory_space<hbm>>
    tpu.wait_indirect_dma semaphore(%arg27 : memref<!tpu.dma_semaphore, #tpu.memory_space<semaphore_mem>>) src(%dma_wait3A_200 : memref<4096x128xf32, #tpu.memory_space<hbm>>) dst(%arg22 : memref<64x128xf32, #tpu.memory_space<vmem>>)
    %dma_wait3A_201 = arith.constant 0 : i32
    %dma_wait3A_202 = tpu.memref_slice %arg3[%add3A_118, %dma_wait3A_201] : memref<16384x128xf32, #tpu.memory_space<hbm>> -> memref<64x128xf32, #tpu.memory_space<hbm>>
    %dma_wait3A_203 = arith.constant 0 : i32
    %dma_wait3A_204 = tpu.memref_slice %arg3[%add3A_118, %dma_wait3A_203] : memref<16384x128xf32, #tpu.memory_space<hbm>> -> memref<64x128xf32, #tpu.memory_space<hbm>>
    tpu.wait_dma2 semaphore(%arg29 : memref<!tpu.dma_semaphore, #tpu.memory_space<semaphore_mem>>) src(%dma_wait3A_204 : memref<64x128xf32, #tpu.memory_space<hbm>>) dst(%arg24 : memref<64x128xf32, #tpu.memory_space<vmem>>)
    %scan3A_205 = arith.constant 0 : i32
    %scan3A_206 = arith.constant 0 : i32
    %scan3A_207 = arith.constant 64 : i32
    %scan3A_208 = arith.addi %scan3A_206, %scan3A_207 : i32
    %scan3A_209 = arith.constant 1 : i32
    scf.for %scan3A_384 = %scan3A_206 to %scan3A_208 step %scan3A_209  : i32 {
      %jit3A = arith.constant 16 : i32
      %div3A = arith.divsi %scan3A_384, %jit3A : i32
      %sign3A = arith.constant 0 : i32
      %sign3A_385 = arith.cmpi sgt, %scan3A_384, %sign3A : i32
      %sign3A_386 = arith.extui %sign3A_385 : i1 to i32
      %sign3A_387 = arith.constant 0 : i32
      %sign3A_388 = arith.cmpi slt, %scan3A_384, %sign3A_387 : i32
      %sign3A_389 = arith.extui %sign3A_388 : i1 to i32
      %sign3A_390 = arith.subi %sign3A_386, %sign3A_389 : i32
      %sign3A_391 = arith.constant 0 : i32
      %sign3A_392 = arith.cmpi sgt, %jit3A, %sign3A_391 : i32
      %sign3A_393 = arith.extui %sign3A_392 : i1 to i32
      %sign3A_394 = arith.constant 0 : i32
      %sign3A_395 = arith.cmpi slt, %jit3A, %sign3A_394 : i32
      %sign3A_396 = arith.extui %sign3A_395 : i1 to i32
      %sign3A_397 = arith.subi %sign3A_393, %sign3A_396 : i32
      %ne3A = arith.cmpi ne, %sign3A_390, %sign3A_397 : i32
      %rem3A = arith.remsi %scan3A_384, %jit3A : i32
      %ne3A_398 = arith.constant 0 : i32
      %ne3A_399 = arith.cmpi ne, %rem3A, %ne3A_398 : i32
      %and3A = arith.andi %ne3A, %ne3A_399 : i1
      %sub3A = arith.constant 1 : i32
      %sub3A_400 = arith.subi %div3A, %sub3A : i32
      %select_n3A = arith.select %and3A, %sub3A_400, %div3A : i32
      %mul3A_401 = arith.constant 16 : i32
      %mul3A_402 = arith.muli %select_n3A, %mul3A_401 : i32
      %sub3A_403 = arith.subi %scan3A_384, %mul3A_402 : i32
      %broadcast_in_dim3A = vector.broadcast %sub3A_403 : i32 to vector<16xi32>
      %add3A_404 = arith.constant 192 : i32
      %add3A_405 = arith.addi %add3A_404, %mul3A_402 : i32
      %get3A = arith.index_cast %add3A_405 : i32 to index
      %get3A_406 = tpu.vector_load %arg14[%get3A] {strides = array<i32>} : memref<512xf32, #tpu.memory_space<vmem>>, vector<16xf32>,
      %get3A_407 = vector.shape_cast %get3A_406 : vector<16xf32> to vector<16xf32>
      %lt3A = arith.constant 0 : i32
      %lt3A_408 = vector.broadcast %lt3A : i32 to vector<16xi32>
      %lt3A_409 = arith.cmpi slt, %broadcast_in_dim3A, %lt3A_408 : vector<16xi32>
      %add3A_410 = arith.constant 16 : i32
      %add3A_411 = vector.broadcast %add3A_410 : i32 to vector<16xi32>
      %add3A_412 = arith.addi %broadcast_in_dim3A, %add3A_411 : vector<16xi32>
      %select_n3A_413 = arith.select %lt3A_409, %add3A_412, %broadcast_in_dim3A : vector<16xi1>, vector<16xi32>
      %broadcast_in_dim3A_414 = vector.shape_cast %select_n3A_413 : vector<16xi32> to vector<16x1xi32>
      %gather3A = vector.shape_cast %broadcast_in_dim3A_414 : vector<16x1xi32> to vector<16xi32>
      %gather3A_415 = tpu.dynamic_gather %get3A_407[%gather3A] in [0] : vector<16xf32>, vector<16xi32> -> vector<16xf32>
      %add3A_416 = arith.constant 192 : i32
      %add3A_417 = arith.addi %add3A_416, %mul3A_402 : i32
      %get3A_418 = arith.index_cast %add3A_417 : i32 to index
      %get3A_419 = tpu.vector_load %arg15[%get3A_418] {strides = array<i32>} : memref<512xf32, #tpu.memory_space<vmem>>, vector<16xf32>,
      %get3A_420 = vector.shape_cast %get3A_419 : vector<16xf32> to vector<16xf32>
      %lt3A_421 = arith.constant 0 : i32
      %lt3A_422 = vector.broadcast %lt3A_421 : i32 to vector<16xi32>
      %lt3A_423 = arith.cmpi slt, %broadcast_in_dim3A, %lt3A_422 : vector<16xi32>
      %add3A_424 = arith.constant 16 : i32
      %add3A_425 = vector.broadcast %add3A_424 : i32 to vector<16xi32>
      %add3A_426 = arith.addi %broadcast_in_dim3A, %add3A_425 : vector<16xi32>
      %select_n3A_427 = arith.select %lt3A_423, %add3A_426, %broadcast_in_dim3A : vector<16xi1>, vector<16xi32>
      %broadcast_in_dim3A_428 = vector.shape_cast %select_n3A_427 : vector<16xi32> to vector<16x1xi32>
      %gather3A_429 = vector.shape_cast %broadcast_in_dim3A_428 : vector<16x1xi32> to vector<16xi32>
      %gather3A_430 = tpu.dynamic_gather %get3A_420[%gather3A_429] in [0] : vector<16xf32>, vector<16xi32> -> vector<16xf32>
      %add3A_431 = arith.constant 192 : i32
      %add3A_432 = arith.addi %add3A_431, %mul3A_402 : i32
      %get3A_433 = arith.index_cast %add3A_432 : i32 to index
      %get3A_434 = tpu.vector_load %arg16[%get3A_433] {strides = array<i32>} : memref<512xf32, #tpu.memory_space<vmem>>, vector<16xf32>,
      %get3A_435 = vector.shape_cast %get3A_434 : vector<16xf32> to vector<16xf32>
      %lt3A_436 = arith.constant 0 : i32
      %lt3A_437 = vector.broadcast %lt3A_436 : i32 to vector<16xi32>
      %lt3A_438 = arith.cmpi slt, %broadcast_in_dim3A, %lt3A_437 : vector<16xi32>
      %add3A_439 = arith.constant 16 : i32
      %add3A_440 = vector.broadcast %add3A_439 : i32 to vector<16xi32>
      %add3A_441 = arith.addi %broadcast_in_dim3A, %add3A_440 : vector<16xi32>
      %select_n3A_442 = arith.select %lt3A_438, %add3A_441, %broadcast_in_dim3A : vector<16xi1>, vector<16xi32>
      %broadcast_in_dim3A_443 = vector.shape_cast %select_n3A_442 : vector<16xi32> to vector<16x1xi32>
      %gather3A_444 = vector.shape_cast %broadcast_in_dim3A_443 : vector<16x1xi32> to vector<16xi32>
      %gather3A_445 = tpu.dynamic_gather %get3A_435[%gather3A_444] in [0] : vector<16xf32>, vector<16xi32> -> vector<16xf32>
      %get3A_446 = arith.index_cast %scan3A_384 : i32 to index
      %get3A_447 = arith.constant 0 : index
      %get3A_448 = tpu.vector_load %arg24[%get3A_446, %get3A_447] {strides = array<i32>} : memref<64x128xf32, #tpu.memory_space<vmem>>, vector<1x16xf32>,
      %get3A_449 = vector.shape_cast %get3A_448 : vector<1x16xf32> to vector<16xf32>
      %get3A_450 = arith.index_cast %scan3A_384 : i32 to index
      %get3A_451 = arith.constant 0 : index
      %get3A_452 = tpu.vector_load %arg20[%get3A_450, %get3A_451] {strides = array<i32>} : memref<64x128xf32, #tpu.memory_space<vmem>>, vector<1x16xf32>,
      %get3A_453 = vector.shape_cast %get3A_452 : vector<1x16xf32> to vector<16xf32>
      %mul3A_454 = arith.mulf %gather3A_415, %get3A_453 : vector<16xf32>
      %add3A_455 = arith.addf %get3A_449, %mul3A_454 : vector<16xf32>
      %get3A_456 = arith.index_cast %scan3A_384 : i32 to index
      %get3A_457 = arith.constant 0 : index
      %get3A_458 = tpu.vector_load %arg21[%get3A_456, %get3A_457] {strides = array<i32>} : memref<64x128xf32, #tpu.memory_space<vmem>>, vector<1x16xf32>,
      %get3A_459 = vector.shape_cast %get3A_458 : vector<1x16xf32> to vector<16xf32>
      %mul3A_460 = arith.mulf %gather3A_430, %get3A_459 : vector<16xf32>
      %add3A_461 = arith.addf %add3A_455, %mul3A_460 : vector<16xf32>
      %get3A_462 = arith.index_cast %scan3A_384 : i32 to index
      %get3A_463 = arith.constant 0 : index
      %get3A_464 = tpu.vector_load %arg22[%get3A_462, %get3A_463] {strides = array<i32>} : memref<64x128xf32, #tpu.memory_space<vmem>>, vector<1x16xf32>,
      %get3A_465 = vector.shape_cast %get3A_464 : vector<1x16xf32> to vector<16xf32>
      %mul3A_466 = arith.mulf %gather3A_445, %get3A_465 : vector<16xf32>
      %add3A_467 = arith.addf %add3A_461, %mul3A_466 : vector<16xf32>
      %swap3A = arith.index_cast %scan3A_384 : i32 to index
      %swap3A_468 = arith.constant 0 : index
      %swap3A_469 = tpu.vector_load %arg25[%swap3A, %swap3A_468] {strides = array<i32>} : memref<64x128xf32, #tpu.memory_space<vmem>>, vector<1x16xf32>,
      %swap3A_470 = vector.shape_cast %swap3A_469 : vector<1x16xf32> to vector<16xf32>
      %swap3A_471 = vector.shape_cast %add3A_467 : vector<16xf32> to vector<1x16xf32>
      tpu.vector_store %arg25[%swap3A, %swap3A_468], %swap3A_471 {strides = array<i32>} : memref<64x128xf32, #tpu.memory_space<vmem>>, vector<1x16xf32>,
      %get3A_472 = arith.index_cast %scan3A_384 : i32 to index
      %get3A_473 = arith.constant 16 : index
      %get3A_474 = tpu.vector_load %arg24[%get3A_472, %get3A_473] {strides = array<i32>} : memref<64x128xf32, #tpu.memory_space<vmem>>, vector<1x16xf32>,
      %get3A_475 = vector.shape_cast %get3A_474 : vector<1x16xf32> to vector<16xf32>
      %get3A_476 = arith.index_cast %scan3A_384 : i32 to index
      %get3A_477 = arith.constant 16 : index
      %get3A_478 = tpu.vector_load %arg20[%get3A_476, %get3A_477] {strides = array<i32>} : memref<64x128xf32, #tpu.memory_space<vmem>>, vector<1x16xf32>,
      %get3A_479 = vector.shape_cast %get3A_478 : vector<1x16xf32> to vector<16xf32>
      %mul3A_480 = arith.mulf %gather3A_415, %get3A_479 : vector<16xf32>
      %add3A_481 = arith.addf %get3A_475, %mul3A_480 : vector<16xf32>
      %get3A_482 = arith.index_cast %scan3A_384 : i32 to index
      %get3A_483 = arith.constant 16 : index
      %get3A_484 = tpu.vector_load %arg21[%get3A_482, %get3A_483] {strides = array<i32>} : memref<64x128xf32, #tpu.memory_space<vmem>>, vector<1x16xf32>,
      %get3A_485 = vector.shape_cast %get3A_484 : vector<1x16xf32> to vector<16xf32>
      %mul3A_486 = arith.mulf %gather3A_430, %get3A_485 : vector<16xf32>
      %add3A_487 = arith.addf %add3A_481, %mul3A_486 : vector<16xf32>
      %get3A_488 = arith.index_cast %scan3A_384 : i32 to index
      %get3A_489 = arith.constant 16 : index
      %get3A_490 = tpu.vector_load %arg22[%get3A_488, %get3A_489] {strides = array<i32>} : memref<64x128xf32, #tpu.memory_space<vmem>>, vector<1x16xf32>,
      %get3A_491 = vector.shape_cast %get3A_490 : vector<1x16xf32> to vector<16xf32>
      %mul3A_492 = arith.mulf %gather3A_445, %get3A_491 : vector<16xf32>
      %add3A_493 = arith.addf %add3A_487, %mul3A_492 : vector<16xf32>
      %swap3A_494 = arith.index_cast %scan3A_384 : i32 to index
      %swap3A_495 = arith.constant 16 : index
      %swap3A_496 = tpu.vector_load %arg25[%swap3A_494, %swap3A_495] {strides = array<i32>} : memref<64x128xf32, #tpu.memory_space<vmem>>, vector<1x16xf32>,
      %swap3A_497 = vector.shape_cast %swap3A_496 : vector<1x16xf32> to vector<16xf32>
      %swap3A_498 = vector.shape_cast %add3A_493 : vector<16xf32> to vector<1x16xf32>
      tpu.vector_store %arg25[%swap3A_494, %swap3A_495], %swap3A_498 {strides = array<i32>} : memref<64x128xf32, #tpu.memory_space<vmem>>, vector<1x16xf32>,
      %get3A_499 = arith.index_cast %scan3A_384 : i32 to index
      %get3A_500 = arith.constant 32 : index
      %get3A_501 = tpu.vector_load %arg24[%get3A_499, %get3A_500] {strides = array<i32>} : memref<64x128xf32, #tpu.memory_space<vmem>>, vector<1x16xf32>,
      %get3A_502 = vector.shape_cast %get3A_501 : vector<1x16xf32> to vector<16xf32>
      %get3A_503 = arith.index_cast %scan3A_384 : i32 to index
      %get3A_504 = arith.constant 32 : index
      %get3A_505 = tpu.vector_load %arg20[%get3A_503, %get3A_504] {strides = array<i32>} : memref<64x128xf32, #tpu.memory_space<vmem>>, vector<1x16xf32>,
      %get3A_506 = vector.shape_cast %get3A_505 : vector<1x16xf32> to vector<16xf32>
      %mul3A_507 = arith.mulf %gather3A_415, %get3A_506 : vector<16xf32>
      %add3A_508 = arith.addf %get3A_502, %mul3A_507 : vector<16xf32>
      %get3A_509 = arith.index_cast %scan3A_384 : i32 to index
      %get3A_510 = arith.constant 32 : index
      %get3A_511 = tpu.vector_load %arg21[%get3A_509, %get3A_510] {strides = array<i32>} : memref<64x128xf32, #tpu.memory_space<vmem>>, vector<1x16xf32>,
      %get3A_512 = vector.shape_cast %get3A_511 : vector<1x16xf32> to vector<16xf32>
      %mul3A_513 = arith.mulf %gather3A_430, %get3A_512 : vector<16xf32>
      %add3A_514 = arith.addf %add3A_508, %mul3A_513 : vector<16xf32>
      %get3A_515 = arith.index_cast %scan3A_384 : i32 to index
      %get3A_516 = arith.constant 32 : index
      %get3A_517 = tpu.vector_load %arg22[%get3A_515, %get3A_516] {strides = array<i32>} : memref<64x128xf32, #tpu.memory_space<vmem>>, vector<1x16xf32>,
      %get3A_518 = vector.shape_cast %get3A_517 : vector<1x16xf32> to vector<16xf32>
      %mul3A_519 = arith.mulf %gather3A_445, %get3A_518 : vector<16xf32>
      %add3A_520 = arith.addf %add3A_514, %mul3A_519 : vector<16xf32>
      %swap3A_521 = arith.index_cast %scan3A_384 : i32 to index
      %swap3A_522 = arith.constant 32 : index
      %swap3A_523 = tpu.vector_load %arg25[%swap3A_521, %swap3A_522] {strides = array<i32>} : memref<64x128xf32, #tpu.memory_space<vmem>>, vector<1x16xf32>,
      %swap3A_524 = vector.shape_cast %swap3A_523 : vector<1x16xf32> to vector<16xf32>
      %swap3A_525 = vector.shape_cast %add3A_520 : vector<16xf32> to vector<1x16xf32>
      tpu.vector_store %arg25[%swap3A_521, %swap3A_522], %swap3A_525 {strides = array<i32>} : memref<64x128xf32, #tpu.memory_space<vmem>>, vector<1x16xf32>,
      %get3A_526 = arith.index_cast %scan3A_384 : i32 to index
      %get3A_527 = arith.constant 48 : index
      %get3A_528 = tpu.vector_load %arg24[%get3A_526, %get3A_527] {strides = array<i32>} : memref<64x128xf32, #tpu.memory_space<vmem>>, vector<1x16xf32>,
      %get3A_529 = vector.shape_cast %get3A_528 : vector<1x16xf32> to vector<16xf32>
      %get3A_530 = arith.index_cast %scan3A_384 : i32 to index
      %get3A_531 = arith.constant 48 : index
      %get3A_532 = tpu.vector_load %arg20[%get3A_530, %get3A_531] {strides = array<i32>} : memref<64x128xf32, #tpu.memory_space<vmem>>, vector<1x16xf32>,
      %get3A_533 = vector.shape_cast %get3A_532 : vector<1x16xf32> to vector<16xf32>
      %mul3A_534 = arith.mulf %gather3A_415, %get3A_533 : vector<16xf32>
      %add3A_535 = arith.addf %get3A_529, %mul3A_534 : vector<16xf32>
      %get3A_536 = arith.index_cast %scan3A_384 : i32 to index
      %get3A_537 = arith.constant 48 : index
      %get3A_538 = tpu.vector_load %arg21[%get3A_536, %get3A_537] {strides = array<i32>} : memref<64x128xf32, #tpu.memory_space<vmem>>, vector<1x16xf32>,
      %get3A_539 = vector.shape_cast %get3A_538 : vector<1x16xf32> to vector<16xf32>
      %mul3A_540 = arith.mulf %gather3A_430, %get3A_539 : vector<16xf32>
      %add3A_541 = arith.addf %add3A_535, %mul3A_540 : vector<16xf32>
      %get3A_542 = arith.index_cast %scan3A_384 : i32 to index
      %get3A_543 = arith.constant 48 : index
      %get3A_544 = tpu.vector_load %arg22[%get3A_542, %get3A_543] {strides = array<i32>} : memref<64x128xf32, #tpu.memory_space<vmem>>, vector<1x16xf32>,
      %get3A_545 = vector.shape_cast %get3A_544 : vector<1x16xf32> to vector<16xf32>
      %mul3A_546 = arith.mulf %gather3A_445, %get3A_545 : vector<16xf32>
      %add3A_547 = arith.addf %add3A_541, %mul3A_546 : vector<16xf32>
      %swap3A_548 = arith.index_cast %scan3A_384 : i32 to index
      %swap3A_549 = arith.constant 48 : index
      %swap3A_550 = tpu.vector_load %arg25[%swap3A_548, %swap3A_549] {strides = array<i32>} : memref<64x128xf32, #tpu.memory_space<vmem>>, vector<1x16xf32>,
      %swap3A_551 = vector.shape_cast %swap3A_550 : vector<1x16xf32> to vector<16xf32>
      %swap3A_552 = vector.shape_cast %add3A_547 : vector<16xf32> to vector<1x16xf32>
      tpu.vector_store %arg25[%swap3A_548, %swap3A_549], %swap3A_552 {strides = array<i32>} : memref<64x128xf32, #tpu.memory_space<vmem>>, vector<1x16xf32>,
      %get3A_553 = arith.index_cast %scan3A_384 : i32 to index
      %get3A_554 = arith.constant 64 : index
      %get3A_555 = tpu.vector_load %arg24[%get3A_553, %get3A_554] {strides = array<i32>} : memref<64x128xf32, #tpu.memory_space<vmem>>, vector<1x16xf32>,
      %get3A_556 = vector.shape_cast %get3A_555 : vector<1x16xf32> to vector<16xf32>
      %get3A_557 = arith.index_cast %scan3A_384 : i32 to index
      %get3A_558 = arith.constant 64 : index
      %get3A_559 = tpu.vector_load %arg20[%get3A_557, %get3A_558] {strides = array<i32>} : memref<64x128xf32, #tpu.memory_space<vmem>>, vector<1x16xf32>,
      %get3A_560 = vector.shape_cast %get3A_559 : vector<1x16xf32> to vector<16xf32>
      %mul3A_561 = arith.mulf %gather3A_415, %get3A_560 : vector<16xf32>
      %add3A_562 = arith.addf %get3A_556, %mul3A_561 : vector<16xf32>
      %get3A_563 = arith.index_cast %scan3A_384 : i32 to index
      %get3A_564 = arith.constant 64 : index
      %get3A_565 = tpu.vector_load %arg21[%get3A_563, %get3A_564] {strides = array<i32>} : memref<64x128xf32, #tpu.memory_space<vmem>>, vector<1x16xf32>,
      %get3A_566 = vector.shape_cast %get3A_565 : vector<1x16xf32> to vector<16xf32>
      %mul3A_567 = arith.mulf %gather3A_430, %get3A_566 : vector<16xf32>
      %add3A_568 = arith.addf %add3A_562, %mul3A_567 : vector<16xf32>
      %get3A_569 = arith.index_cast %scan3A_384 : i32 to index
      %get3A_570 = arith.constant 64 : index
      %get3A_571 = tpu.vector_load %arg22[%get3A_569, %get3A_570] {strides = array<i32>} : memref<64x128xf32, #tpu.memory_space<vmem>>, vector<1x16xf32>,
      %get3A_572 = vector.shape_cast %get3A_571 : vector<1x16xf32> to vector<16xf32>
      %mul3A_573 = arith.mulf %gather3A_445, %get3A_572 : vector<16xf32>
      %add3A_574 = arith.addf %add3A_568, %mul3A_573 : vector<16xf32>
      %swap3A_575 = arith.index_cast %scan3A_384 : i32 to index
      %swap3A_576 = arith.constant 64 : index
      %swap3A_577 = tpu.vector_load %arg25[%swap3A_575, %swap3A_576] {strides = array<i32>} : memref<64x128xf32, #tpu.memory_space<vmem>>, vector<1x16xf32>,
      %swap3A_578 = vector.shape_cast %swap3A_577 : vector<1x16xf32> to vector<16xf32>
      %swap3A_579 = vector.shape_cast %add3A_574 : vector<16xf32> to vector<1x16xf32>
      tpu.vector_store %arg25[%swap3A_575, %swap3A_576], %swap3A_579 {strides = array<i32>} : memref<64x128xf32, #tpu.memory_space<vmem>>, vector<1x16xf32>,
      %get3A_580 = arith.index_cast %scan3A_384 : i32 to index
      %get3A_581 = arith.constant 80 : index
      %get3A_582 = tpu.vector_load %arg24[%get3A_580, %get3A_581] {strides = array<i32>} : memref<64x128xf32, #tpu.memory_space<vmem>>, vector<1x16xf32>,
      %get3A_583 = vector.shape_cast %get3A_582 : vector<1x16xf32> to vector<16xf32>
      %get3A_584 = arith.index_cast %scan3A_384 : i32 to index
      %get3A_585 = arith.constant 80 : index
      %get3A_586 = tpu.vector_load %arg20[%get3A_584, %get3A_585] {strides = array<i32>} : memref<64x128xf32, #tpu.memory_space<vmem>>, vector<1x16xf32>,
      %get3A_587 = vector.shape_cast %get3A_586 : vector<1x16xf32> to vector<16xf32>
      %mul3A_588 = arith.mulf %gather3A_415, %get3A_587 : vector<16xf32>
      %add3A_589 = arith.addf %get3A_583, %mul3A_588 : vector<16xf32>
      %get3A_590 = arith.index_cast %scan3A_384 : i32 to index
      %get3A_591 = arith.constant 80 : index
      %get3A_592 = tpu.vector_load %arg21[%get3A_590, %get3A_591] {strides = array<i32>} : memref<64x128xf32, #tpu.memory_space<vmem>>, vector<1x16xf32>,
      %get3A_593 = vector.shape_cast %get3A_592 : vector<1x16xf32> to vector<16xf32>
      %mul3A_594 = arith.mulf %gather3A_430, %get3A_593 : vector<16xf32>
      %add3A_595 = arith.addf %add3A_589, %mul3A_594 : vector<16xf32>
      %get3A_596 = arith.index_cast %scan3A_384 : i32 to index
      %get3A_597 = arith.constant 80 : index
      %get3A_598 = tpu.vector_load %arg22[%get3A_596, %get3A_597] {strides = array<i32>} : memref<64x128xf32, #tpu.memory_space<vmem>>, vector<1x16xf32>,
      %get3A_599 = vector.shape_cast %get3A_598 : vector<1x16xf32> to vector<16xf32>
      %mul3A_600 = arith.mulf %gather3A_445, %get3A_599 : vector<16xf32>
      %add3A_601 = arith.addf %add3A_595, %mul3A_600 : vector<16xf32>
      %swap3A_602 = arith.index_cast %scan3A_384 : i32 to index
      %swap3A_603 = arith.constant 80 : index
      %swap3A_604 = tpu.vector_load %arg25[%swap3A_602, %swap3A_603] {strides = array<i32>} : memref<64x128xf32, #tpu.memory_space<vmem>>, vector<1x16xf32>,
      %swap3A_605 = vector.shape_cast %swap3A_604 : vector<1x16xf32> to vector<16xf32>
      %swap3A_606 = vector.shape_cast %add3A_601 : vector<16xf32> to vector<1x16xf32>
      tpu.vector_store %arg25[%swap3A_602, %swap3A_603], %swap3A_606 {strides = array<i32>} : memref<64x128xf32, #tpu.memory_space<vmem>>, vector<1x16xf32>,
      %get3A_607 = arith.index_cast %scan3A_384 : i32 to index
      %get3A_608 = arith.constant 96 : index
      %get3A_609 = tpu.vector_load %arg24[%get3A_607, %get3A_608] {strides = array<i32>} : memref<64x128xf32, #tpu.memory_space<vmem>>, vector<1x16xf32>,
      %get3A_610 = vector.shape_cast %get3A_609 : vector<1x16xf32> to vector<16xf32>
      %get3A_611 = arith.index_cast %scan3A_384 : i32 to index
      %get3A_612 = arith.constant 96 : index
      %get3A_613 = tpu.vector_load %arg20[%get3A_611, %get3A_612] {strides = array<i32>} : memref<64x128xf32, #tpu.memory_space<vmem>>, vector<1x16xf32>,
      %get3A_614 = vector.shape_cast %get3A_613 : vector<1x16xf32> to vector<16xf32>
      %mul3A_615 = arith.mulf %gather3A_415, %get3A_614 : vector<16xf32>
      %add3A_616 = arith.addf %get3A_610, %mul3A_615 : vector<16xf32>
      %get3A_617 = arith.index_cast %scan3A_384 : i32 to index
      %get3A_618 = arith.constant 96 : index
      %get3A_619 = tpu.vector_load %arg21[%get3A_617, %get3A_618] {strides = array<i32>} : memref<64x128xf32, #tpu.memory_space<vmem>>, vector<1x16xf32>,
      %get3A_620 = vector.shape_cast %get3A_619 : vector<1x16xf32> to vector<16xf32>
      %mul3A_621 = arith.mulf %gather3A_430, %get3A_620 : vector<16xf32>
      %add3A_622 = arith.addf %add3A_616, %mul3A_621 : vector<16xf32>
      %get3A_623 = arith.index_cast %scan3A_384 : i32 to index
      %get3A_624 = arith.constant 96 : index
      %get3A_625 = tpu.vector_load %arg22[%get3A_623, %get3A_624] {strides = array<i32>} : memref<64x128xf32, #tpu.memory_space<vmem>>, vector<1x16xf32>,
      %get3A_626 = vector.shape_cast %get3A_625 : vector<1x16xf32> to vector<16xf32>
      %mul3A_627 = arith.mulf %gather3A_445, %get3A_626 : vector<16xf32>
      %add3A_628 = arith.addf %add3A_622, %mul3A_627 : vector<16xf32>
      %swap3A_629 = arith.index_cast %scan3A_384 : i32 to index
      %swap3A_630 = arith.constant 96 : index
      %swap3A_631 = tpu.vector_load %arg25[%swap3A_629, %swap3A_630] {strides = array<i32>} : memref<64x128xf32, #tpu.memory_space<vmem>>, vector<1x16xf32>,
      %swap3A_632 = vector.shape_cast %swap3A_631 : vector<1x16xf32> to vector<16xf32>
      %swap3A_633 = vector.shape_cast %add3A_628 : vector<16xf32> to vector<1x16xf32>
      tpu.vector_store %arg25[%swap3A_629, %swap3A_630], %swap3A_633 {strides = array<i32>} : memref<64x128xf32, #tpu.memory_space<vmem>>, vector<1x16xf32>,
      %get3A_634 = arith.index_cast %scan3A_384 : i32 to index
      %get3A_635 = arith.constant 112 : index
      %get3A_636 = tpu.vector_load %arg24[%get3A_634, %get3A_635] {strides = array<i32>} : memref<64x128xf32, #tpu.memory_space<vmem>>, vector<1x16xf32>,
      %get3A_637 = vector.shape_cast %get3A_636 : vector<1x16xf32> to vector<16xf32>
      %get3A_638 = arith.index_cast %scan3A_384 : i32 to index
      %get3A_639 = arith.constant 112 : index
      %get3A_640 = tpu.vector_load %arg20[%get3A_638, %get3A_639] {strides = array<i32>} : memref<64x128xf32, #tpu.memory_space<vmem>>, vector<1x16xf32>,
      %get3A_641 = vector.shape_cast %get3A_640 : vector<1x16xf32> to vector<16xf32>
      %mul3A_642 = arith.mulf %gather3A_415, %get3A_641 : vector<16xf32>
      %add3A_643 = arith.addf %get3A_637, %mul3A_642 : vector<16xf32>
      %get3A_644 = arith.index_cast %scan3A_384 : i32 to index
      %get3A_645 = arith.constant 112 : index
      %get3A_646 = tpu.vector_load %arg21[%get3A_644, %get3A_645] {strides = array<i32>} : memref<64x128xf32, #tpu.memory_space<vmem>>, vector<1x16xf32>,
      %get3A_647 = vector.shape_cast %get3A_646 : vector<1x16xf32> to vector<16xf32>
      %mul3A_648 = arith.mulf %gather3A_430, %get3A_647 : vector<16xf32>
      %add3A_649 = arith.addf %add3A_643, %mul3A_648 : vector<16xf32>
      %get3A_650 = arith.index_cast %scan3A_384 : i32 to index
      %get3A_651 = arith.constant 112 : index
      %get3A_652 = tpu.vector_load %arg22[%get3A_650, %get3A_651] {strides = array<i32>} : memref<64x128xf32, #tpu.memory_space<vmem>>, vector<1x16xf32>,
      %get3A_653 = vector.shape_cast %get3A_652 : vector<1x16xf32> to vector<16xf32>
      %mul3A_654 = arith.mulf %gather3A_445, %get3A_653 : vector<16xf32>
      %add3A_655 = arith.addf %add3A_649, %mul3A_654 : vector<16xf32>
      %swap3A_656 = arith.index_cast %scan3A_384 : i32 to index
      %swap3A_657 = arith.constant 112 : index
      %swap3A_658 = tpu.vector_load %arg25[%swap3A_656, %swap3A_657] {strides = array<i32>} : memref<64x128xf32, #tpu.memory_space<vmem>>, vector<1x16xf32>,
      %swap3A_659 = vector.shape_cast %swap3A_658 : vector<1x16xf32> to vector<16xf32>
      %swap3A_660 = vector.shape_cast %add3A_655 : vector<16xf32> to vector<1x16xf32>
      tpu.vector_store %arg25[%swap3A_656, %swap3A_657], %swap3A_660 {strides = array<i32>} : memref<64x128xf32, #tpu.memory_space<vmem>>, vector<1x16xf32>,
    }
    %scan3A_210 = arith.constant 64 : i32
    %add3A_211 = arith.constant 192 : i32
    %add3A_212 = arith.addi %mul3A_2, %add3A_211 : i32
    "tpu.region"() ({
      %run_scoped3A = tpu.sem_alloc : memref<!tpu.dma_semaphore, #tpu.memory_space<semaphore_mem>>
      %dma_start3A_384 = arith.constant 0 : i32
      %dma_start3A_385 = tpu.memref_slice %arg10[%add3A_212, %dma_start3A_384] : memref<16384x128xf32, #tpu.memory_space<hbm>> -> memref<64x128xf32, #tpu.memory_space<hbm>>
      %dma_start3A_386 = arith.constant 0 : i32
      %dma_start3A_387 = tpu.memref_slice %arg10[%add3A_212, %dma_start3A_386] : memref<16384x128xf32, #tpu.memory_space<hbm>> -> memref<64x128xf32, #tpu.memory_space<hbm>>
      tpu.enqueue_dma source(%arg25 : memref<64x128xf32, #tpu.memory_space<vmem>>) target(%dma_start3A_387 : memref<64x128xf32, #tpu.memory_space<hbm>>) target_semaphore(%run_scoped3A : memref<!tpu.dma_semaphore, #tpu.memory_space<semaphore_mem>>)
      %dma_wait3A_388 = arith.constant 0 : i32
      %dma_wait3A_389 = tpu.memref_slice %arg10[%add3A_212, %dma_wait3A_388] : memref<16384x128xf32, #tpu.memory_space<hbm>> -> memref<64x128xf32, #tpu.memory_space<hbm>>
      %dma_wait3A_390 = arith.constant 0 : i32
      %dma_wait3A_391 = tpu.memref_slice %arg10[%add3A_212, %dma_wait3A_390] : memref<16384x128xf32, #tpu.memory_space<hbm>> -> memref<64x128xf32, #tpu.memory_space<hbm>>
      tpu.wait_dma2 semaphore(%run_scoped3A : memref<!tpu.dma_semaphore, #tpu.memory_space<semaphore_mem>>) src(%arg25 : memref<64x128xf32, #tpu.memory_space<vmem>>) dst(%dma_wait3A_391 : memref<64x128xf32, #tpu.memory_space<hbm>>)
      tpu.yield
    }) : () -> ()
    %add3A_213 = arith.constant 320 : i32
    %add3A_214 = arith.addi %mul3A_2, %add3A_213 : i32
    %dma_start3A_215 = arith.constant 320 : i32
    %dma_start3A_216 = tpu.memref_slice %arg11[%dma_start3A_215] : memref<512xi32, #tpu.memory_space<vmem>> -> memref<64xi32, #tpu.memory_space<vmem>>
    %dma_start3A_217 = arith.constant 0 : i32
    %dma_start3A_218 = arith.constant 0 : i32
    %dma_start3A_219 = tpu.memref_slice %arg2[%dma_start3A_217, %dma_start3A_218] : memref<4096x128xf32, #tpu.memory_space<hbm>> -> memref<4096x128xf32, #tpu.memory_space<hbm>>
    tpu.enqueue_indirect_dma source(%dma_start3A_219 : memref<4096x128xf32, #tpu.memory_space<hbm>>) target(%arg20 : memref<64x128xf32, #tpu.memory_space<vmem>>) offsets(%dma_start3A_216 : memref<64xi32, #tpu.memory_space<vmem>>) semaphore(%arg27 : memref<!tpu.dma_semaphore, #tpu.memory_space<semaphore_mem>>)
    %dma_start3A_220 = arith.constant 320 : i32
    %dma_start3A_221 = tpu.memref_slice %arg12[%dma_start3A_220] : memref<512xi32, #tpu.memory_space<vmem>> -> memref<64xi32, #tpu.memory_space<vmem>>
    %dma_start3A_222 = arith.constant 0 : i32
    %dma_start3A_223 = arith.constant 0 : i32
    %dma_start3A_224 = tpu.memref_slice %arg2[%dma_start3A_222, %dma_start3A_223] : memref<4096x128xf32, #tpu.memory_space<hbm>> -> memref<4096x128xf32, #tpu.memory_space<hbm>>
    tpu.enqueue_indirect_dma source(%dma_start3A_224 : memref<4096x128xf32, #tpu.memory_space<hbm>>) target(%arg21 : memref<64x128xf32, #tpu.memory_space<vmem>>) offsets(%dma_start3A_221 : memref<64xi32, #tpu.memory_space<vmem>>) semaphore(%arg27 : memref<!tpu.dma_semaphore, #tpu.memory_space<semaphore_mem>>)
    %dma_start3A_225 = arith.constant 320 : i32
    %dma_start3A_226 = tpu.memref_slice %arg13[%dma_start3A_225] : memref<512xi32, #tpu.memory_space<vmem>> -> memref<64xi32, #tpu.memory_space<vmem>>
    %dma_start3A_227 = arith.constant 0 : i32
    %dma_start3A_228 = arith.constant 0 : i32
    %dma_start3A_229 = tpu.memref_slice %arg2[%dma_start3A_227, %dma_start3A_228] : memref<4096x128xf32, #tpu.memory_space<hbm>> -> memref<4096x128xf32, #tpu.memory_space<hbm>>
    tpu.enqueue_indirect_dma source(%dma_start3A_229 : memref<4096x128xf32, #tpu.memory_space<hbm>>) target(%arg22 : memref<64x128xf32, #tpu.memory_space<vmem>>) offsets(%dma_start3A_226 : memref<64xi32, #tpu.memory_space<vmem>>) semaphore(%arg27 : memref<!tpu.dma_semaphore, #tpu.memory_space<semaphore_mem>>)
    %dma_start3A_230 = arith.constant 0 : i32
    %dma_start3A_231 = tpu.memref_slice %arg3[%add3A_214, %dma_start3A_230] : memref<16384x128xf32, #tpu.memory_space<hbm>> -> memref<64x128xf32, #tpu.memory_space<hbm>>
    %dma_start3A_232 = arith.constant 0 : i32
    %dma_start3A_233 = tpu.memref_slice %arg3[%add3A_214, %dma_start3A_232] : memref<16384x128xf32, #tpu.memory_space<hbm>> -> memref<64x128xf32, #tpu.memory_space<hbm>>
    tpu.enqueue_dma source(%dma_start3A_233 : memref<64x128xf32, #tpu.memory_space<hbm>>) target(%arg24 : memref<64x128xf32, #tpu.memory_space<vmem>>) target_semaphore(%arg29 : memref<!tpu.dma_semaphore, #tpu.memory_space<semaphore_mem>>)
    %dma_wait3A_234 = arith.constant 256 : i32
    %dma_wait3A_235 = tpu.memref_slice %arg11[%dma_wait3A_234] : memref<512xi32, #tpu.memory_space<vmem>> -> memref<64xi32, #tpu.memory_space<vmem>>
    %dma_wait3A_236 = arith.constant 0 : i32
    %dma_wait3A_237 = arith.constant 0 : i32
    %dma_wait3A_238 = tpu.memref_slice %arg2[%dma_wait3A_236, %dma_wait3A_237] : memref<4096x128xf32, #tpu.memory_space<hbm>> -> memref<4096x128xf32, #tpu.memory_space<hbm>>
    tpu.wait_indirect_dma semaphore(%arg26 : memref<!tpu.dma_semaphore, #tpu.memory_space<semaphore_mem>>) src(%dma_wait3A_238 : memref<4096x128xf32, #tpu.memory_space<hbm>>) dst(%arg17 : memref<64x128xf32, #tpu.memory_space<vmem>>)
    %dma_wait3A_239 = arith.constant 256 : i32
    %dma_wait3A_240 = tpu.memref_slice %arg12[%dma_wait3A_239] : memref<512xi32, #tpu.memory_space<vmem>> -> memref<64xi32, #tpu.memory_space<vmem>>
    %dma_wait3A_241 = arith.constant 0 : i32
    %dma_wait3A_242 = arith.constant 0 : i32
    %dma_wait3A_243 = tpu.memref_slice %arg2[%dma_wait3A_241, %dma_wait3A_242] : memref<4096x128xf32, #tpu.memory_space<hbm>> -> memref<4096x128xf32, #tpu.memory_space<hbm>>
    tpu.wait_indirect_dma semaphore(%arg26 : memref<!tpu.dma_semaphore, #tpu.memory_space<semaphore_mem>>) src(%dma_wait3A_243 : memref<4096x128xf32, #tpu.memory_space<hbm>>) dst(%arg18 : memref<64x128xf32, #tpu.memory_space<vmem>>)
    %dma_wait3A_244 = arith.constant 256 : i32
    %dma_wait3A_245 = tpu.memref_slice %arg13[%dma_wait3A_244] : memref<512xi32, #tpu.memory_space<vmem>> -> memref<64xi32, #tpu.memory_space<vmem>>
    %dma_wait3A_246 = arith.constant 0 : i32
    %dma_wait3A_247 = arith.constant 0 : i32
    %dma_wait3A_248 = tpu.memref_slice %arg2[%dma_wait3A_246, %dma_wait3A_247] : memref<4096x128xf32, #tpu.memory_space<hbm>> -> memref<4096x128xf32, #tpu.memory_space<hbm>>
    tpu.wait_indirect_dma semaphore(%arg26 : memref<!tpu.dma_semaphore, #tpu.memory_space<semaphore_mem>>) src(%dma_wait3A_248 : memref<4096x128xf32, #tpu.memory_space<hbm>>) dst(%arg19 : memref<64x128xf32, #tpu.memory_space<vmem>>)
    %dma_wait3A_249 = arith.constant 0 : i32
    %dma_wait3A_250 = tpu.memref_slice %arg3[%add3A_166, %dma_wait3A_249] : memref<16384x128xf32, #tpu.memory_space<hbm>> -> memref<64x128xf32, #tpu.memory_space<hbm>>
    %dma_wait3A_251 = arith.constant 0 : i32
    %dma_wait3A_252 = tpu.memref_slice %arg3[%add3A_166, %dma_wait3A_251] : memref<16384x128xf32, #tpu.memory_space<hbm>> -> memref<64x128xf32, #tpu.memory_space<hbm>>
    tpu.wait_dma2 semaphore(%arg28 : memref<!tpu.dma_semaphore, #tpu.memory_space<semaphore_mem>>) src(%dma_wait3A_252 : memref<64x128xf32, #tpu.memory_space<hbm>>) dst(%arg23 : memref<64x128xf32, #tpu.memory_space<vmem>>)
    %scan3A_253 = arith.constant 0 : i32
    %scan3A_254 = arith.constant 0 : i32
    %scan3A_255 = arith.constant 64 : i32
    %scan3A_256 = arith.addi %scan3A_254, %scan3A_255 : i32
    %scan3A_257 = arith.constant 1 : i32
    scf.for %scan3A_384 = %scan3A_254 to %scan3A_256 step %scan3A_257  : i32 {
      %jit3A = arith.constant 16 : i32
      %div3A = arith.divsi %scan3A_384, %jit3A : i32
      %sign3A = arith.constant 0 : i32
      %sign3A_385 = arith.cmpi sgt, %scan3A_384, %sign3A : i32
      %sign3A_386 = arith.extui %sign3A_385 : i1 to i32
      %sign3A_387 = arith.constant 0 : i32
      %sign3A_388 = arith.cmpi slt, %scan3A_384, %sign3A_387 : i32
      %sign3A_389 = arith.extui %sign3A_388 : i1 to i32
      %sign3A_390 = arith.subi %sign3A_386, %sign3A_389 : i32
      %sign3A_391 = arith.constant 0 : i32
      %sign3A_392 = arith.cmpi sgt, %jit3A, %sign3A_391 : i32
      %sign3A_393 = arith.extui %sign3A_392 : i1 to i32
      %sign3A_394 = arith.constant 0 : i32
      %sign3A_395 = arith.cmpi slt, %jit3A, %sign3A_394 : i32
      %sign3A_396 = arith.extui %sign3A_395 : i1 to i32
      %sign3A_397 = arith.subi %sign3A_393, %sign3A_396 : i32
      %ne3A = arith.cmpi ne, %sign3A_390, %sign3A_397 : i32
      %rem3A = arith.remsi %scan3A_384, %jit3A : i32
      %ne3A_398 = arith.constant 0 : i32
      %ne3A_399 = arith.cmpi ne, %rem3A, %ne3A_398 : i32
      %and3A = arith.andi %ne3A, %ne3A_399 : i1
      %sub3A = arith.constant 1 : i32
      %sub3A_400 = arith.subi %div3A, %sub3A : i32
      %select_n3A = arith.select %and3A, %sub3A_400, %div3A : i32
      %mul3A_401 = arith.constant 16 : i32
      %mul3A_402 = arith.muli %select_n3A, %mul3A_401 : i32
      %sub3A_403 = arith.subi %scan3A_384, %mul3A_402 : i32
      %broadcast_in_dim3A = vector.broadcast %sub3A_403 : i32 to vector<16xi32>
      %add3A_404 = arith.constant 256 : i32
      %add3A_405 = arith.addi %add3A_404, %mul3A_402 : i32
      %get3A = arith.index_cast %add3A_405 : i32 to index
      %get3A_406 = tpu.vector_load %arg14[%get3A] {strides = array<i32>} : memref<512xf32, #tpu.memory_space<vmem>>, vector<16xf32>,
      %get3A_407 = vector.shape_cast %get3A_406 : vector<16xf32> to vector<16xf32>
      %lt3A = arith.constant 0 : i32
      %lt3A_408 = vector.broadcast %lt3A : i32 to vector<16xi32>
      %lt3A_409 = arith.cmpi slt, %broadcast_in_dim3A, %lt3A_408 : vector<16xi32>
      %add3A_410 = arith.constant 16 : i32
      %add3A_411 = vector.broadcast %add3A_410 : i32 to vector<16xi32>
      %add3A_412 = arith.addi %broadcast_in_dim3A, %add3A_411 : vector<16xi32>
      %select_n3A_413 = arith.select %lt3A_409, %add3A_412, %broadcast_in_dim3A : vector<16xi1>, vector<16xi32>
      %broadcast_in_dim3A_414 = vector.shape_cast %select_n3A_413 : vector<16xi32> to vector<16x1xi32>
      %gather3A = vector.shape_cast %broadcast_in_dim3A_414 : vector<16x1xi32> to vector<16xi32>
      %gather3A_415 = tpu.dynamic_gather %get3A_407[%gather3A] in [0] : vector<16xf32>, vector<16xi32> -> vector<16xf32>
      %add3A_416 = arith.constant 256 : i32
      %add3A_417 = arith.addi %add3A_416, %mul3A_402 : i32
      %get3A_418 = arith.index_cast %add3A_417 : i32 to index
      %get3A_419 = tpu.vector_load %arg15[%get3A_418] {strides = array<i32>} : memref<512xf32, #tpu.memory_space<vmem>>, vector<16xf32>,
      %get3A_420 = vector.shape_cast %get3A_419 : vector<16xf32> to vector<16xf32>
      %lt3A_421 = arith.constant 0 : i32
      %lt3A_422 = vector.broadcast %lt3A_421 : i32 to vector<16xi32>
      %lt3A_423 = arith.cmpi slt, %broadcast_in_dim3A, %lt3A_422 : vector<16xi32>
      %add3A_424 = arith.constant 16 : i32
      %add3A_425 = vector.broadcast %add3A_424 : i32 to vector<16xi32>
      %add3A_426 = arith.addi %broadcast_in_dim3A, %add3A_425 : vector<16xi32>
      %select_n3A_427 = arith.select %lt3A_423, %add3A_426, %broadcast_in_dim3A : vector<16xi1>, vector<16xi32>
      %broadcast_in_dim3A_428 = vector.shape_cast %select_n3A_427 : vector<16xi32> to vector<16x1xi32>
      %gather3A_429 = vector.shape_cast %broadcast_in_dim3A_428 : vector<16x1xi32> to vector<16xi32>
      %gather3A_430 = tpu.dynamic_gather %get3A_420[%gather3A_429] in [0] : vector<16xf32>, vector<16xi32> -> vector<16xf32>
      %add3A_431 = arith.constant 256 : i32
      %add3A_432 = arith.addi %add3A_431, %mul3A_402 : i32
      %get3A_433 = arith.index_cast %add3A_432 : i32 to index
      %get3A_434 = tpu.vector_load %arg16[%get3A_433] {strides = array<i32>} : memref<512xf32, #tpu.memory_space<vmem>>, vector<16xf32>,
      %get3A_435 = vector.shape_cast %get3A_434 : vector<16xf32> to vector<16xf32>
      %lt3A_436 = arith.constant 0 : i32
      %lt3A_437 = vector.broadcast %lt3A_436 : i32 to vector<16xi32>
      %lt3A_438 = arith.cmpi slt, %broadcast_in_dim3A, %lt3A_437 : vector<16xi32>
      %add3A_439 = arith.constant 16 : i32
      %add3A_440 = vector.broadcast %add3A_439 : i32 to vector<16xi32>
      %add3A_441 = arith.addi %broadcast_in_dim3A, %add3A_440 : vector<16xi32>
      %select_n3A_442 = arith.select %lt3A_438, %add3A_441, %broadcast_in_dim3A : vector<16xi1>, vector<16xi32>
      %broadcast_in_dim3A_443 = vector.shape_cast %select_n3A_442 : vector<16xi32> to vector<16x1xi32>
      %gather3A_444 = vector.shape_cast %broadcast_in_dim3A_443 : vector<16x1xi32> to vector<16xi32>
      %gather3A_445 = tpu.dynamic_gather %get3A_435[%gather3A_444] in [0] : vector<16xf32>, vector<16xi32> -> vector<16xf32>
      %get3A_446 = arith.index_cast %scan3A_384 : i32 to index
      %get3A_447 = arith.constant 0 : index
      %get3A_448 = tpu.vector_load %arg23[%get3A_446, %get3A_447] {strides = array<i32>} : memref<64x128xf32, #tpu.memory_space<vmem>>, vector<1x16xf32>,
      %get3A_449 = vector.shape_cast %get3A_448 : vector<1x16xf32> to vector<16xf32>
      %get3A_450 = arith.index_cast %scan3A_384 : i32 to index
      %get3A_451 = arith.constant 0 : index
      %get3A_452 = tpu.vector_load %arg17[%get3A_450, %get3A_451] {strides = array<i32>} : memref<64x128xf32, #tpu.memory_space<vmem>>, vector<1x16xf32>,
      %get3A_453 = vector.shape_cast %get3A_452 : vector<1x16xf32> to vector<16xf32>
      %mul3A_454 = arith.mulf %gather3A_415, %get3A_453 : vector<16xf32>
      %add3A_455 = arith.addf %get3A_449, %mul3A_454 : vector<16xf32>
      %get3A_456 = arith.index_cast %scan3A_384 : i32 to index
      %get3A_457 = arith.constant 0 : index
      %get3A_458 = tpu.vector_load %arg18[%get3A_456, %get3A_457] {strides = array<i32>} : memref<64x128xf32, #tpu.memory_space<vmem>>, vector<1x16xf32>,
      %get3A_459 = vector.shape_cast %get3A_458 : vector<1x16xf32> to vector<16xf32>
      %mul3A_460 = arith.mulf %gather3A_430, %get3A_459 : vector<16xf32>
      %add3A_461 = arith.addf %add3A_455, %mul3A_460 : vector<16xf32>
      %get3A_462 = arith.index_cast %scan3A_384 : i32 to index
      %get3A_463 = arith.constant 0 : index
      %get3A_464 = tpu.vector_load %arg19[%get3A_462, %get3A_463] {strides = array<i32>} : memref<64x128xf32, #tpu.memory_space<vmem>>, vector<1x16xf32>,
      %get3A_465 = vector.shape_cast %get3A_464 : vector<1x16xf32> to vector<16xf32>
      %mul3A_466 = arith.mulf %gather3A_445, %get3A_465 : vector<16xf32>
      %add3A_467 = arith.addf %add3A_461, %mul3A_466 : vector<16xf32>
      %swap3A = arith.index_cast %scan3A_384 : i32 to index
      %swap3A_468 = arith.constant 0 : index
      %swap3A_469 = tpu.vector_load %arg25[%swap3A, %swap3A_468] {strides = array<i32>} : memref<64x128xf32, #tpu.memory_space<vmem>>, vector<1x16xf32>,
      %swap3A_470 = vector.shape_cast %swap3A_469 : vector<1x16xf32> to vector<16xf32>
      %swap3A_471 = vector.shape_cast %add3A_467 : vector<16xf32> to vector<1x16xf32>
      tpu.vector_store %arg25[%swap3A, %swap3A_468], %swap3A_471 {strides = array<i32>} : memref<64x128xf32, #tpu.memory_space<vmem>>, vector<1x16xf32>,
      %get3A_472 = arith.index_cast %scan3A_384 : i32 to index
      %get3A_473 = arith.constant 16 : index
      %get3A_474 = tpu.vector_load %arg23[%get3A_472, %get3A_473] {strides = array<i32>} : memref<64x128xf32, #tpu.memory_space<vmem>>, vector<1x16xf32>,
      %get3A_475 = vector.shape_cast %get3A_474 : vector<1x16xf32> to vector<16xf32>
      %get3A_476 = arith.index_cast %scan3A_384 : i32 to index
      %get3A_477 = arith.constant 16 : index
      %get3A_478 = tpu.vector_load %arg17[%get3A_476, %get3A_477] {strides = array<i32>} : memref<64x128xf32, #tpu.memory_space<vmem>>, vector<1x16xf32>,
      %get3A_479 = vector.shape_cast %get3A_478 : vector<1x16xf32> to vector<16xf32>
      %mul3A_480 = arith.mulf %gather3A_415, %get3A_479 : vector<16xf32>
      %add3A_481 = arith.addf %get3A_475, %mul3A_480 : vector<16xf32>
      %get3A_482 = arith.index_cast %scan3A_384 : i32 to index
      %get3A_483 = arith.constant 16 : index
      %get3A_484 = tpu.vector_load %arg18[%get3A_482, %get3A_483] {strides = array<i32>} : memref<64x128xf32, #tpu.memory_space<vmem>>, vector<1x16xf32>,
      %get3A_485 = vector.shape_cast %get3A_484 : vector<1x16xf32> to vector<16xf32>
      %mul3A_486 = arith.mulf %gather3A_430, %get3A_485 : vector<16xf32>
      %add3A_487 = arith.addf %add3A_481, %mul3A_486 : vector<16xf32>
      %get3A_488 = arith.index_cast %scan3A_384 : i32 to index
      %get3A_489 = arith.constant 16 : index
      %get3A_490 = tpu.vector_load %arg19[%get3A_488, %get3A_489] {strides = array<i32>} : memref<64x128xf32, #tpu.memory_space<vmem>>, vector<1x16xf32>,
      %get3A_491 = vector.shape_cast %get3A_490 : vector<1x16xf32> to vector<16xf32>
      %mul3A_492 = arith.mulf %gather3A_445, %get3A_491 : vector<16xf32>
      %add3A_493 = arith.addf %add3A_487, %mul3A_492 : vector<16xf32>
      %swap3A_494 = arith.index_cast %scan3A_384 : i32 to index
      %swap3A_495 = arith.constant 16 : index
      %swap3A_496 = tpu.vector_load %arg25[%swap3A_494, %swap3A_495] {strides = array<i32>} : memref<64x128xf32, #tpu.memory_space<vmem>>, vector<1x16xf32>,
      %swap3A_497 = vector.shape_cast %swap3A_496 : vector<1x16xf32> to vector<16xf32>
      %swap3A_498 = vector.shape_cast %add3A_493 : vector<16xf32> to vector<1x16xf32>
      tpu.vector_store %arg25[%swap3A_494, %swap3A_495], %swap3A_498 {strides = array<i32>} : memref<64x128xf32, #tpu.memory_space<vmem>>, vector<1x16xf32>,
      %get3A_499 = arith.index_cast %scan3A_384 : i32 to index
      %get3A_500 = arith.constant 32 : index
      %get3A_501 = tpu.vector_load %arg23[%get3A_499, %get3A_500] {strides = array<i32>} : memref<64x128xf32, #tpu.memory_space<vmem>>, vector<1x16xf32>,
      %get3A_502 = vector.shape_cast %get3A_501 : vector<1x16xf32> to vector<16xf32>
      %get3A_503 = arith.index_cast %scan3A_384 : i32 to index
      %get3A_504 = arith.constant 32 : index
      %get3A_505 = tpu.vector_load %arg17[%get3A_503, %get3A_504] {strides = array<i32>} : memref<64x128xf32, #tpu.memory_space<vmem>>, vector<1x16xf32>,
      %get3A_506 = vector.shape_cast %get3A_505 : vector<1x16xf32> to vector<16xf32>
      %mul3A_507 = arith.mulf %gather3A_415, %get3A_506 : vector<16xf32>
      %add3A_508 = arith.addf %get3A_502, %mul3A_507 : vector<16xf32>
      %get3A_509 = arith.index_cast %scan3A_384 : i32 to index
      %get3A_510 = arith.constant 32 : index
      %get3A_511 = tpu.vector_load %arg18[%get3A_509, %get3A_510] {strides = array<i32>} : memref<64x128xf32, #tpu.memory_space<vmem>>, vector<1x16xf32>,
      %get3A_512 = vector.shape_cast %get3A_511 : vector<1x16xf32> to vector<16xf32>
      %mul3A_513 = arith.mulf %gather3A_430, %get3A_512 : vector<16xf32>
      %add3A_514 = arith.addf %add3A_508, %mul3A_513 : vector<16xf32>
      %get3A_515 = arith.index_cast %scan3A_384 : i32 to index
      %get3A_516 = arith.constant 32 : index
      %get3A_517 = tpu.vector_load %arg19[%get3A_515, %get3A_516] {strides = array<i32>} : memref<64x128xf32, #tpu.memory_space<vmem>>, vector<1x16xf32>,
      %get3A_518 = vector.shape_cast %get3A_517 : vector<1x16xf32> to vector<16xf32>
      %mul3A_519 = arith.mulf %gather3A_445, %get3A_518 : vector<16xf32>
      %add3A_520 = arith.addf %add3A_514, %mul3A_519 : vector<16xf32>
      %swap3A_521 = arith.index_cast %scan3A_384 : i32 to index
      %swap3A_522 = arith.constant 32 : index
      %swap3A_523 = tpu.vector_load %arg25[%swap3A_521, %swap3A_522] {strides = array<i32>} : memref<64x128xf32, #tpu.memory_space<vmem>>, vector<1x16xf32>,
      %swap3A_524 = vector.shape_cast %swap3A_523 : vector<1x16xf32> to vector<16xf32>
      %swap3A_525 = vector.shape_cast %add3A_520 : vector<16xf32> to vector<1x16xf32>
      tpu.vector_store %arg25[%swap3A_521, %swap3A_522], %swap3A_525 {strides = array<i32>} : memref<64x128xf32, #tpu.memory_space<vmem>>, vector<1x16xf32>,
      %get3A_526 = arith.index_cast %scan3A_384 : i32 to index
      %get3A_527 = arith.constant 48 : index
      %get3A_528 = tpu.vector_load %arg23[%get3A_526, %get3A_527] {strides = array<i32>} : memref<64x128xf32, #tpu.memory_space<vmem>>, vector<1x16xf32>,
      %get3A_529 = vector.shape_cast %get3A_528 : vector<1x16xf32> to vector<16xf32>
      %get3A_530 = arith.index_cast %scan3A_384 : i32 to index
      %get3A_531 = arith.constant 48 : index
      %get3A_532 = tpu.vector_load %arg17[%get3A_530, %get3A_531] {strides = array<i32>} : memref<64x128xf32, #tpu.memory_space<vmem>>, vector<1x16xf32>,
      %get3A_533 = vector.shape_cast %get3A_532 : vector<1x16xf32> to vector<16xf32>
      %mul3A_534 = arith.mulf %gather3A_415, %get3A_533 : vector<16xf32>
      %add3A_535 = arith.addf %get3A_529, %mul3A_534 : vector<16xf32>
      %get3A_536 = arith.index_cast %scan3A_384 : i32 to index
      %get3A_537 = arith.constant 48 : index
      %get3A_538 = tpu.vector_load %arg18[%get3A_536, %get3A_537] {strides = array<i32>} : memref<64x128xf32, #tpu.memory_space<vmem>>, vector<1x16xf32>,
      %get3A_539 = vector.shape_cast %get3A_538 : vector<1x16xf32> to vector<16xf32>
      %mul3A_540 = arith.mulf %gather3A_430, %get3A_539 : vector<16xf32>
      %add3A_541 = arith.addf %add3A_535, %mul3A_540 : vector<16xf32>
      %get3A_542 = arith.index_cast %scan3A_384 : i32 to index
      %get3A_543 = arith.constant 48 : index
      %get3A_544 = tpu.vector_load %arg19[%get3A_542, %get3A_543] {strides = array<i32>} : memref<64x128xf32, #tpu.memory_space<vmem>>, vector<1x16xf32>,
      %get3A_545 = vector.shape_cast %get3A_544 : vector<1x16xf32> to vector<16xf32>
      %mul3A_546 = arith.mulf %gather3A_445, %get3A_545 : vector<16xf32>
      %add3A_547 = arith.addf %add3A_541, %mul3A_546 : vector<16xf32>
      %swap3A_548 = arith.index_cast %scan3A_384 : i32 to index
      %swap3A_549 = arith.constant 48 : index
      %swap3A_550 = tpu.vector_load %arg25[%swap3A_548, %swap3A_549] {strides = array<i32>} : memref<64x128xf32, #tpu.memory_space<vmem>>, vector<1x16xf32>,
      %swap3A_551 = vector.shape_cast %swap3A_550 : vector<1x16xf32> to vector<16xf32>
      %swap3A_552 = vector.shape_cast %add3A_547 : vector<16xf32> to vector<1x16xf32>
      tpu.vector_store %arg25[%swap3A_548, %swap3A_549], %swap3A_552 {strides = array<i32>} : memref<64x128xf32, #tpu.memory_space<vmem>>, vector<1x16xf32>,
      %get3A_553 = arith.index_cast %scan3A_384 : i32 to index
      %get3A_554 = arith.constant 64 : index
      %get3A_555 = tpu.vector_load %arg23[%get3A_553, %get3A_554] {strides = array<i32>} : memref<64x128xf32, #tpu.memory_space<vmem>>, vector<1x16xf32>,
      %get3A_556 = vector.shape_cast %get3A_555 : vector<1x16xf32> to vector<16xf32>
      %get3A_557 = arith.index_cast %scan3A_384 : i32 to index
      %get3A_558 = arith.constant 64 : index
      %get3A_559 = tpu.vector_load %arg17[%get3A_557, %get3A_558] {strides = array<i32>} : memref<64x128xf32, #tpu.memory_space<vmem>>, vector<1x16xf32>,
      %get3A_560 = vector.shape_cast %get3A_559 : vector<1x16xf32> to vector<16xf32>
      %mul3A_561 = arith.mulf %gather3A_415, %get3A_560 : vector<16xf32>
      %add3A_562 = arith.addf %get3A_556, %mul3A_561 : vector<16xf32>
      %get3A_563 = arith.index_cast %scan3A_384 : i32 to index
      %get3A_564 = arith.constant 64 : index
      %get3A_565 = tpu.vector_load %arg18[%get3A_563, %get3A_564] {strides = array<i32>} : memref<64x128xf32, #tpu.memory_space<vmem>>, vector<1x16xf32>,
      %get3A_566 = vector.shape_cast %get3A_565 : vector<1x16xf32> to vector<16xf32>
      %mul3A_567 = arith.mulf %gather3A_430, %get3A_566 : vector<16xf32>
      %add3A_568 = arith.addf %add3A_562, %mul3A_567 : vector<16xf32>
      %get3A_569 = arith.index_cast %scan3A_384 : i32 to index
      %get3A_570 = arith.constant 64 : index
      %get3A_571 = tpu.vector_load %arg19[%get3A_569, %get3A_570] {strides = array<i32>} : memref<64x128xf32, #tpu.memory_space<vmem>>, vector<1x16xf32>,
      %get3A_572 = vector.shape_cast %get3A_571 : vector<1x16xf32> to vector<16xf32>
      %mul3A_573 = arith.mulf %gather3A_445, %get3A_572 : vector<16xf32>
      %add3A_574 = arith.addf %add3A_568, %mul3A_573 : vector<16xf32>
      %swap3A_575 = arith.index_cast %scan3A_384 : i32 to index
      %swap3A_576 = arith.constant 64 : index
      %swap3A_577 = tpu.vector_load %arg25[%swap3A_575, %swap3A_576] {strides = array<i32>} : memref<64x128xf32, #tpu.memory_space<vmem>>, vector<1x16xf32>,
      %swap3A_578 = vector.shape_cast %swap3A_577 : vector<1x16xf32> to vector<16xf32>
      %swap3A_579 = vector.shape_cast %add3A_574 : vector<16xf32> to vector<1x16xf32>
      tpu.vector_store %arg25[%swap3A_575, %swap3A_576], %swap3A_579 {strides = array<i32>} : memref<64x128xf32, #tpu.memory_space<vmem>>, vector<1x16xf32>,
      %get3A_580 = arith.index_cast %scan3A_384 : i32 to index
      %get3A_581 = arith.constant 80 : index
      %get3A_582 = tpu.vector_load %arg23[%get3A_580, %get3A_581] {strides = array<i32>} : memref<64x128xf32, #tpu.memory_space<vmem>>, vector<1x16xf32>,
      %get3A_583 = vector.shape_cast %get3A_582 : vector<1x16xf32> to vector<16xf32>
      %get3A_584 = arith.index_cast %scan3A_384 : i32 to index
      %get3A_585 = arith.constant 80 : index
      %get3A_586 = tpu.vector_load %arg17[%get3A_584, %get3A_585] {strides = array<i32>} : memref<64x128xf32, #tpu.memory_space<vmem>>, vector<1x16xf32>,
      %get3A_587 = vector.shape_cast %get3A_586 : vector<1x16xf32> to vector<16xf32>
      %mul3A_588 = arith.mulf %gather3A_415, %get3A_587 : vector<16xf32>
      %add3A_589 = arith.addf %get3A_583, %mul3A_588 : vector<16xf32>
      %get3A_590 = arith.index_cast %scan3A_384 : i32 to index
      %get3A_591 = arith.constant 80 : index
      %get3A_592 = tpu.vector_load %arg18[%get3A_590, %get3A_591] {strides = array<i32>} : memref<64x128xf32, #tpu.memory_space<vmem>>, vector<1x16xf32>,
      %get3A_593 = vector.shape_cast %get3A_592 : vector<1x16xf32> to vector<16xf32>
      %mul3A_594 = arith.mulf %gather3A_430, %get3A_593 : vector<16xf32>
      %add3A_595 = arith.addf %add3A_589, %mul3A_594 : vector<16xf32>
      %get3A_596 = arith.index_cast %scan3A_384 : i32 to index
      %get3A_597 = arith.constant 80 : index
      %get3A_598 = tpu.vector_load %arg19[%get3A_596, %get3A_597] {strides = array<i32>} : memref<64x128xf32, #tpu.memory_space<vmem>>, vector<1x16xf32>,
      %get3A_599 = vector.shape_cast %get3A_598 : vector<1x16xf32> to vector<16xf32>
      %mul3A_600 = arith.mulf %gather3A_445, %get3A_599 : vector<16xf32>
      %add3A_601 = arith.addf %add3A_595, %mul3A_600 : vector<16xf32>
      %swap3A_602 = arith.index_cast %scan3A_384 : i32 to index
      %swap3A_603 = arith.constant 80 : index
      %swap3A_604 = tpu.vector_load %arg25[%swap3A_602, %swap3A_603] {strides = array<i32>} : memref<64x128xf32, #tpu.memory_space<vmem>>, vector<1x16xf32>,
      %swap3A_605 = vector.shape_cast %swap3A_604 : vector<1x16xf32> to vector<16xf32>
      %swap3A_606 = vector.shape_cast %add3A_601 : vector<16xf32> to vector<1x16xf32>
      tpu.vector_store %arg25[%swap3A_602, %swap3A_603], %swap3A_606 {strides = array<i32>} : memref<64x128xf32, #tpu.memory_space<vmem>>, vector<1x16xf32>,
      %get3A_607 = arith.index_cast %scan3A_384 : i32 to index
      %get3A_608 = arith.constant 96 : index
      %get3A_609 = tpu.vector_load %arg23[%get3A_607, %get3A_608] {strides = array<i32>} : memref<64x128xf32, #tpu.memory_space<vmem>>, vector<1x16xf32>,
      %get3A_610 = vector.shape_cast %get3A_609 : vector<1x16xf32> to vector<16xf32>
      %get3A_611 = arith.index_cast %scan3A_384 : i32 to index
      %get3A_612 = arith.constant 96 : index
      %get3A_613 = tpu.vector_load %arg17[%get3A_611, %get3A_612] {strides = array<i32>} : memref<64x128xf32, #tpu.memory_space<vmem>>, vector<1x16xf32>,
      %get3A_614 = vector.shape_cast %get3A_613 : vector<1x16xf32> to vector<16xf32>
      %mul3A_615 = arith.mulf %gather3A_415, %get3A_614 : vector<16xf32>
      %add3A_616 = arith.addf %get3A_610, %mul3A_615 : vector<16xf32>
      %get3A_617 = arith.index_cast %scan3A_384 : i32 to index
      %get3A_618 = arith.constant 96 : index
      %get3A_619 = tpu.vector_load %arg18[%get3A_617, %get3A_618] {strides = array<i32>} : memref<64x128xf32, #tpu.memory_space<vmem>>, vector<1x16xf32>,
      %get3A_620 = vector.shape_cast %get3A_619 : vector<1x16xf32> to vector<16xf32>
      %mul3A_621 = arith.mulf %gather3A_430, %get3A_620 : vector<16xf32>
      %add3A_622 = arith.addf %add3A_616, %mul3A_621 : vector<16xf32>
      %get3A_623 = arith.index_cast %scan3A_384 : i32 to index
      %get3A_624 = arith.constant 96 : index
      %get3A_625 = tpu.vector_load %arg19[%get3A_623, %get3A_624] {strides = array<i32>} : memref<64x128xf32, #tpu.memory_space<vmem>>, vector<1x16xf32>,
      %get3A_626 = vector.shape_cast %get3A_625 : vector<1x16xf32> to vector<16xf32>
      %mul3A_627 = arith.mulf %gather3A_445, %get3A_626 : vector<16xf32>
      %add3A_628 = arith.addf %add3A_622, %mul3A_627 : vector<16xf32>
      %swap3A_629 = arith.index_cast %scan3A_384 : i32 to index
      %swap3A_630 = arith.constant 96 : index
      %swap3A_631 = tpu.vector_load %arg25[%swap3A_629, %swap3A_630] {strides = array<i32>} : memref<64x128xf32, #tpu.memory_space<vmem>>, vector<1x16xf32>,
      %swap3A_632 = vector.shape_cast %swap3A_631 : vector<1x16xf32> to vector<16xf32>
      %swap3A_633 = vector.shape_cast %add3A_628 : vector<16xf32> to vector<1x16xf32>
      tpu.vector_store %arg25[%swap3A_629, %swap3A_630], %swap3A_633 {strides = array<i32>} : memref<64x128xf32, #tpu.memory_space<vmem>>, vector<1x16xf32>,
      %get3A_634 = arith.index_cast %scan3A_384 : i32 to index
      %get3A_635 = arith.constant 112 : index
      %get3A_636 = tpu.vector_load %arg23[%get3A_634, %get3A_635] {strides = array<i32>} : memref<64x128xf32, #tpu.memory_space<vmem>>, vector<1x16xf32>,
      %get3A_637 = vector.shape_cast %get3A_636 : vector<1x16xf32> to vector<16xf32>
      %get3A_638 = arith.index_cast %scan3A_384 : i32 to index
      %get3A_639 = arith.constant 112 : index
      %get3A_640 = tpu.vector_load %arg17[%get3A_638, %get3A_639] {strides = array<i32>} : memref<64x128xf32, #tpu.memory_space<vmem>>, vector<1x16xf32>,
      %get3A_641 = vector.shape_cast %get3A_640 : vector<1x16xf32> to vector<16xf32>
      %mul3A_642 = arith.mulf %gather3A_415, %get3A_641 : vector<16xf32>
      %add3A_643 = arith.addf %get3A_637, %mul3A_642 : vector<16xf32>
      %get3A_644 = arith.index_cast %scan3A_384 : i32 to index
      %get3A_645 = arith.constant 112 : index
      %get3A_646 = tpu.vector_load %arg18[%get3A_644, %get3A_645] {strides = array<i32>} : memref<64x128xf32, #tpu.memory_space<vmem>>, vector<1x16xf32>,
      %get3A_647 = vector.shape_cast %get3A_646 : vector<1x16xf32> to vector<16xf32>
      %mul3A_648 = arith.mulf %gather3A_430, %get3A_647 : vector<16xf32>
      %add3A_649 = arith.addf %add3A_643, %mul3A_648 : vector<16xf32>
      %get3A_650 = arith.index_cast %scan3A_384 : i32 to index
      %get3A_651 = arith.constant 112 : index
      %get3A_652 = tpu.vector_load %arg19[%get3A_650, %get3A_651] {strides = array<i32>} : memref<64x128xf32, #tpu.memory_space<vmem>>, vector<1x16xf32>,
      %get3A_653 = vector.shape_cast %get3A_652 : vector<1x16xf32> to vector<16xf32>
      %mul3A_654 = arith.mulf %gather3A_445, %get3A_653 : vector<16xf32>
      %add3A_655 = arith.addf %add3A_649, %mul3A_654 : vector<16xf32>
      %swap3A_656 = arith.index_cast %scan3A_384 : i32 to index
      %swap3A_657 = arith.constant 112 : index
      %swap3A_658 = tpu.vector_load %arg25[%swap3A_656, %swap3A_657] {strides = array<i32>} : memref<64x128xf32, #tpu.memory_space<vmem>>, vector<1x16xf32>,
      %swap3A_659 = vector.shape_cast %swap3A_658 : vector<1x16xf32> to vector<16xf32>
      %swap3A_660 = vector.shape_cast %add3A_655 : vector<16xf32> to vector<1x16xf32>
      tpu.vector_store %arg25[%swap3A_656, %swap3A_657], %swap3A_660 {strides = array<i32>} : memref<64x128xf32, #tpu.memory_space<vmem>>, vector<1x16xf32>,
    }
    %scan3A_258 = arith.constant 64 : i32
    %add3A_259 = arith.constant 256 : i32
    %add3A_260 = arith.addi %mul3A_2, %add3A_259 : i32
    "tpu.region"() ({
      %run_scoped3A = tpu.sem_alloc : memref<!tpu.dma_semaphore, #tpu.memory_space<semaphore_mem>>
      %dma_start3A_384 = arith.constant 0 : i32
      %dma_start3A_385 = tpu.memref_slice %arg10[%add3A_260, %dma_start3A_384] : memref<16384x128xf32, #tpu.memory_space<hbm>> -> memref<64x128xf32, #tpu.memory_space<hbm>>
      %dma_start3A_386 = arith.constant 0 : i32
      %dma_start3A_387 = tpu.memref_slice %arg10[%add3A_260, %dma_start3A_386] : memref<16384x128xf32, #tpu.memory_space<hbm>> -> memref<64x128xf32, #tpu.memory_space<hbm>>
      tpu.enqueue_dma source(%arg25 : memref<64x128xf32, #tpu.memory_space<vmem>>) target(%dma_start3A_387 : memref<64x128xf32, #tpu.memory_space<hbm>>) target_semaphore(%run_scoped3A : memref<!tpu.dma_semaphore, #tpu.memory_space<semaphore_mem>>)
      %dma_wait3A_388 = arith.constant 0 : i32
      %dma_wait3A_389 = tpu.memref_slice %arg10[%add3A_260, %dma_wait3A_388] : memref<16384x128xf32, #tpu.memory_space<hbm>> -> memref<64x128xf32, #tpu.memory_space<hbm>>
      %dma_wait3A_390 = arith.constant 0 : i32
      %dma_wait3A_391 = tpu.memref_slice %arg10[%add3A_260, %dma_wait3A_390] : memref<16384x128xf32, #tpu.memory_space<hbm>> -> memref<64x128xf32, #tpu.memory_space<hbm>>
      tpu.wait_dma2 semaphore(%run_scoped3A : memref<!tpu.dma_semaphore, #tpu.memory_space<semaphore_mem>>) src(%arg25 : memref<64x128xf32, #tpu.memory_space<vmem>>) dst(%dma_wait3A_391 : memref<64x128xf32, #tpu.memory_space<hbm>>)
      tpu.yield
    }) : () -> ()
    %add3A_261 = arith.constant 384 : i32
    %add3A_262 = arith.addi %mul3A_2, %add3A_261 : i32
    %dma_start3A_263 = arith.constant 384 : i32
    %dma_start3A_264 = tpu.memref_slice %arg11[%dma_start3A_263] : memref<512xi32, #tpu.memory_space<vmem>> -> memref<64xi32, #tpu.memory_space<vmem>>
    %dma_start3A_265 = arith.constant 0 : i32
    %dma_start3A_266 = arith.constant 0 : i32
    %dma_start3A_267 = tpu.memref_slice %arg2[%dma_start3A_265, %dma_start3A_266] : memref<4096x128xf32, #tpu.memory_space<hbm>> -> memref<4096x128xf32, #tpu.memory_space<hbm>>
    tpu.enqueue_indirect_dma source(%dma_start3A_267 : memref<4096x128xf32, #tpu.memory_space<hbm>>) target(%arg17 : memref<64x128xf32, #tpu.memory_space<vmem>>) offsets(%dma_start3A_264 : memref<64xi32, #tpu.memory_space<vmem>>) semaphore(%arg26 : memref<!tpu.dma_semaphore, #tpu.memory_space<semaphore_mem>>)
    %dma_start3A_268 = arith.constant 384 : i32
    %dma_start3A_269 = tpu.memref_slice %arg12[%dma_start3A_268] : memref<512xi32, #tpu.memory_space<vmem>> -> memref<64xi32, #tpu.memory_space<vmem>>
    %dma_start3A_270 = arith.constant 0 : i32
    %dma_start3A_271 = arith.constant 0 : i32
    %dma_start3A_272 = tpu.memref_slice %arg2[%dma_start3A_270, %dma_start3A_271] : memref<4096x128xf32, #tpu.memory_space<hbm>> -> memref<4096x128xf32, #tpu.memory_space<hbm>>
    tpu.enqueue_indirect_dma source(%dma_start3A_272 : memref<4096x128xf32, #tpu.memory_space<hbm>>) target(%arg18 : memref<64x128xf32, #tpu.memory_space<vmem>>) offsets(%dma_start3A_269 : memref<64xi32, #tpu.memory_space<vmem>>) semaphore(%arg26 : memref<!tpu.dma_semaphore, #tpu.memory_space<semaphore_mem>>)
    %dma_start3A_273 = arith.constant 384 : i32
    %dma_start3A_274 = tpu.memref_slice %arg13[%dma_start3A_273] : memref<512xi32, #tpu.memory_space<vmem>> -> memref<64xi32, #tpu.memory_space<vmem>>
    %dma_start3A_275 = arith.constant 0 : i32
    %dma_start3A_276 = arith.constant 0 : i32
    %dma_start3A_277 = tpu.memref_slice %arg2[%dma_start3A_275, %dma_start3A_276] : memref<4096x128xf32, #tpu.memory_space<hbm>> -> memref<4096x128xf32, #tpu.memory_space<hbm>>
    tpu.enqueue_indirect_dma source(%dma_start3A_277 : memref<4096x128xf32, #tpu.memory_space<hbm>>) target(%arg19 : memref<64x128xf32, #tpu.memory_space<vmem>>) offsets(%dma_start3A_274 : memref<64xi32, #tpu.memory_space<vmem>>) semaphore(%arg26 : memref<!tpu.dma_semaphore, #tpu.memory_space<semaphore_mem>>)
    %dma_start3A_278 = arith.constant 0 : i32
    %dma_start3A_279 = tpu.memref_slice %arg3[%add3A_262, %dma_start3A_278] : memref<16384x128xf32, #tpu.memory_space<hbm>> -> memref<64x128xf32, #tpu.memory_space<hbm>>
    %dma_start3A_280 = arith.constant 0 : i32
    %dma_start3A_281 = tpu.memref_slice %arg3[%add3A_262, %dma_start3A_280] : memref<16384x128xf32, #tpu.memory_space<hbm>> -> memref<64x128xf32, #tpu.memory_space<hbm>>
    tpu.enqueue_dma source(%dma_start3A_281 : memref<64x128xf32, #tpu.memory_space<hbm>>) target(%arg23 : memref<64x128xf32, #tpu.memory_space<vmem>>) target_semaphore(%arg28 : memref<!tpu.dma_semaphore, #tpu.memory_space<semaphore_mem>>)
    %dma_wait3A_282 = arith.constant 320 : i32
    %dma_wait3A_283 = tpu.memref_slice %arg11[%dma_wait3A_282] : memref<512xi32, #tpu.memory_space<vmem>> -> memref<64xi32, #tpu.memory_space<vmem>>
    %dma_wait3A_284 = arith.constant 0 : i32
    %dma_wait3A_285 = arith.constant 0 : i32
    %dma_wait3A_286 = tpu.memref_slice %arg2[%dma_wait3A_284, %dma_wait3A_285] : memref<4096x128xf32, #tpu.memory_space<hbm>> -> memref<4096x128xf32, #tpu.memory_space<hbm>>
    tpu.wait_indirect_dma semaphore(%arg27 : memref<!tpu.dma_semaphore, #tpu.memory_space<semaphore_mem>>) src(%dma_wait3A_286 : memref<4096x128xf32, #tpu.memory_space<hbm>>) dst(%arg20 : memref<64x128xf32, #tpu.memory_space<vmem>>)
    %dma_wait3A_287 = arith.constant 320 : i32
    %dma_wait3A_288 = tpu.memref_slice %arg12[%dma_wait3A_287] : memref<512xi32, #tpu.memory_space<vmem>> -> memref<64xi32, #tpu.memory_space<vmem>>
    %dma_wait3A_289 = arith.constant 0 : i32
    %dma_wait3A_290 = arith.constant 0 : i32
    %dma_wait3A_291 = tpu.memref_slice %arg2[%dma_wait3A_289, %dma_wait3A_290] : memref<4096x128xf32, #tpu.memory_space<hbm>> -> memref<4096x128xf32, #tpu.memory_space<hbm>>
    tpu.wait_indirect_dma semaphore(%arg27 : memref<!tpu.dma_semaphore, #tpu.memory_space<semaphore_mem>>) src(%dma_wait3A_291 : memref<4096x128xf32, #tpu.memory_space<hbm>>) dst(%arg21 : memref<64x128xf32, #tpu.memory_space<vmem>>)
    %dma_wait3A_292 = arith.constant 320 : i32
    %dma_wait3A_293 = tpu.memref_slice %arg13[%dma_wait3A_292] : memref<512xi32, #tpu.memory_space<vmem>> -> memref<64xi32, #tpu.memory_space<vmem>>
    %dma_wait3A_294 = arith.constant 0 : i32
    %dma_wait3A_295 = arith.constant 0 : i32
    %dma_wait3A_296 = tpu.memref_slice %arg2[%dma_wait3A_294, %dma_wait3A_295] : memref<4096x128xf32, #tpu.memory_space<hbm>> -> memref<4096x128xf32, #tpu.memory_space<hbm>>
    tpu.wait_indirect_dma semaphore(%arg27 : memref<!tpu.dma_semaphore, #tpu.memory_space<semaphore_mem>>) src(%dma_wait3A_296 : memref<4096x128xf32, #tpu.memory_space<hbm>>) dst(%arg22 : memref<64x128xf32, #tpu.memory_space<vmem>>)
    %dma_wait3A_297 = arith.constant 0 : i32
    %dma_wait3A_298 = tpu.memref_slice %arg3[%add3A_214, %dma_wait3A_297] : memref<16384x128xf32, #tpu.memory_space<hbm>> -> memref<64x128xf32, #tpu.memory_space<hbm>>
    %dma_wait3A_299 = arith.constant 0 : i32
    %dma_wait3A_300 = tpu.memref_slice %arg3[%add3A_214, %dma_wait3A_299] : memref<16384x128xf32, #tpu.memory_space<hbm>> -> memref<64x128xf32, #tpu.memory_space<hbm>>
    tpu.wait_dma2 semaphore(%arg29 : memref<!tpu.dma_semaphore, #tpu.memory_space<semaphore_mem>>) src(%dma_wait3A_300 : memref<64x128xf32, #tpu.memory_space<hbm>>) dst(%arg24 : memref<64x128xf32, #tpu.memory_space<vmem>>)
    %scan3A_301 = arith.constant 0 : i32
    %scan3A_302 = arith.constant 0 : i32
    %scan3A_303 = arith.constant 64 : i32
    %scan3A_304 = arith.addi %scan3A_302, %scan3A_303 : i32
    %scan3A_305 = arith.constant 1 : i32
    scf.for %scan3A_384 = %scan3A_302 to %scan3A_304 step %scan3A_305  : i32 {
      %jit3A = arith.constant 16 : i32
      %div3A = arith.divsi %scan3A_384, %jit3A : i32
      %sign3A = arith.constant 0 : i32
      %sign3A_385 = arith.cmpi sgt, %scan3A_384, %sign3A : i32
      %sign3A_386 = arith.extui %sign3A_385 : i1 to i32
      %sign3A_387 = arith.constant 0 : i32
      %sign3A_388 = arith.cmpi slt, %scan3A_384, %sign3A_387 : i32
      %sign3A_389 = arith.extui %sign3A_388 : i1 to i32
      %sign3A_390 = arith.subi %sign3A_386, %sign3A_389 : i32
      %sign3A_391 = arith.constant 0 : i32
      %sign3A_392 = arith.cmpi sgt, %jit3A, %sign3A_391 : i32
      %sign3A_393 = arith.extui %sign3A_392 : i1 to i32
      %sign3A_394 = arith.constant 0 : i32
      %sign3A_395 = arith.cmpi slt, %jit3A, %sign3A_394 : i32
      %sign3A_396 = arith.extui %sign3A_395 : i1 to i32
      %sign3A_397 = arith.subi %sign3A_393, %sign3A_396 : i32
      %ne3A = arith.cmpi ne, %sign3A_390, %sign3A_397 : i32
      %rem3A = arith.remsi %scan3A_384, %jit3A : i32
      %ne3A_398 = arith.constant 0 : i32
      %ne3A_399 = arith.cmpi ne, %rem3A, %ne3A_398 : i32
      %and3A = arith.andi %ne3A, %ne3A_399 : i1
      %sub3A = arith.constant 1 : i32
      %sub3A_400 = arith.subi %div3A, %sub3A : i32
      %select_n3A = arith.select %and3A, %sub3A_400, %div3A : i32
      %mul3A_401 = arith.constant 16 : i32
      %mul3A_402 = arith.muli %select_n3A, %mul3A_401 : i32
      %sub3A_403 = arith.subi %scan3A_384, %mul3A_402 : i32
      %broadcast_in_dim3A = vector.broadcast %sub3A_403 : i32 to vector<16xi32>
      %add3A_404 = arith.constant 320 : i32
      %add3A_405 = arith.addi %add3A_404, %mul3A_402 : i32
      %get3A = arith.index_cast %add3A_405 : i32 to index
      %get3A_406 = tpu.vector_load %arg14[%get3A] {strides = array<i32>} : memref<512xf32, #tpu.memory_space<vmem>>, vector<16xf32>,
      %get3A_407 = vector.shape_cast %get3A_406 : vector<16xf32> to vector<16xf32>
      %lt3A = arith.constant 0 : i32
      %lt3A_408 = vector.broadcast %lt3A : i32 to vector<16xi32>
      %lt3A_409 = arith.cmpi slt, %broadcast_in_dim3A, %lt3A_408 : vector<16xi32>
      %add3A_410 = arith.constant 16 : i32
      %add3A_411 = vector.broadcast %add3A_410 : i32 to vector<16xi32>
      %add3A_412 = arith.addi %broadcast_in_dim3A, %add3A_411 : vector<16xi32>
      %select_n3A_413 = arith.select %lt3A_409, %add3A_412, %broadcast_in_dim3A : vector<16xi1>, vector<16xi32>
      %broadcast_in_dim3A_414 = vector.shape_cast %select_n3A_413 : vector<16xi32> to vector<16x1xi32>
      %gather3A = vector.shape_cast %broadcast_in_dim3A_414 : vector<16x1xi32> to vector<16xi32>
      %gather3A_415 = tpu.dynamic_gather %get3A_407[%gather3A] in [0] : vector<16xf32>, vector<16xi32> -> vector<16xf32>
      %add3A_416 = arith.constant 320 : i32
      %add3A_417 = arith.addi %add3A_416, %mul3A_402 : i32
      %get3A_418 = arith.index_cast %add3A_417 : i32 to index
      %get3A_419 = tpu.vector_load %arg15[%get3A_418] {strides = array<i32>} : memref<512xf32, #tpu.memory_space<vmem>>, vector<16xf32>,
      %get3A_420 = vector.shape_cast %get3A_419 : vector<16xf32> to vector<16xf32>
      %lt3A_421 = arith.constant 0 : i32
      %lt3A_422 = vector.broadcast %lt3A_421 : i32 to vector<16xi32>
      %lt3A_423 = arith.cmpi slt, %broadcast_in_dim3A, %lt3A_422 : vector<16xi32>
      %add3A_424 = arith.constant 16 : i32
      %add3A_425 = vector.broadcast %add3A_424 : i32 to vector<16xi32>
      %add3A_426 = arith.addi %broadcast_in_dim3A, %add3A_425 : vector<16xi32>
      %select_n3A_427 = arith.select %lt3A_423, %add3A_426, %broadcast_in_dim3A : vector<16xi1>, vector<16xi32>
      %broadcast_in_dim3A_428 = vector.shape_cast %select_n3A_427 : vector<16xi32> to vector<16x1xi32>
      %gather3A_429 = vector.shape_cast %broadcast_in_dim3A_428 : vector<16x1xi32> to vector<16xi32>
      %gather3A_430 = tpu.dynamic_gather %get3A_420[%gather3A_429] in [0] : vector<16xf32>, vector<16xi32> -> vector<16xf32>
      %add3A_431 = arith.constant 320 : i32
      %add3A_432 = arith.addi %add3A_431, %mul3A_402 : i32
      %get3A_433 = arith.index_cast %add3A_432 : i32 to index
      %get3A_434 = tpu.vector_load %arg16[%get3A_433] {strides = array<i32>} : memref<512xf32, #tpu.memory_space<vmem>>, vector<16xf32>,
      %get3A_435 = vector.shape_cast %get3A_434 : vector<16xf32> to vector<16xf32>
      %lt3A_436 = arith.constant 0 : i32
      %lt3A_437 = vector.broadcast %lt3A_436 : i32 to vector<16xi32>
      %lt3A_438 = arith.cmpi slt, %broadcast_in_dim3A, %lt3A_437 : vector<16xi32>
      %add3A_439 = arith.constant 16 : i32
      %add3A_440 = vector.broadcast %add3A_439 : i32 to vector<16xi32>
      %add3A_441 = arith.addi %broadcast_in_dim3A, %add3A_440 : vector<16xi32>
      %select_n3A_442 = arith.select %lt3A_438, %add3A_441, %broadcast_in_dim3A : vector<16xi1>, vector<16xi32>
      %broadcast_in_dim3A_443 = vector.shape_cast %select_n3A_442 : vector<16xi32> to vector<16x1xi32>
      %gather3A_444 = vector.shape_cast %broadcast_in_dim3A_443 : vector<16x1xi32> to vector<16xi32>
      %gather3A_445 = tpu.dynamic_gather %get3A_435[%gather3A_444] in [0] : vector<16xf32>, vector<16xi32> -> vector<16xf32>
      %get3A_446 = arith.index_cast %scan3A_384 : i32 to index
      %get3A_447 = arith.constant 0 : index
      %get3A_448 = tpu.vector_load %arg24[%get3A_446, %get3A_447] {strides = array<i32>} : memref<64x128xf32, #tpu.memory_space<vmem>>, vector<1x16xf32>,
      %get3A_449 = vector.shape_cast %get3A_448 : vector<1x16xf32> to vector<16xf32>
      %get3A_450 = arith.index_cast %scan3A_384 : i32 to index
      %get3A_451 = arith.constant 0 : index
      %get3A_452 = tpu.vector_load %arg20[%get3A_450, %get3A_451] {strides = array<i32>} : memref<64x128xf32, #tpu.memory_space<vmem>>, vector<1x16xf32>,
      %get3A_453 = vector.shape_cast %get3A_452 : vector<1x16xf32> to vector<16xf32>
      %mul3A_454 = arith.mulf %gather3A_415, %get3A_453 : vector<16xf32>
      %add3A_455 = arith.addf %get3A_449, %mul3A_454 : vector<16xf32>
      %get3A_456 = arith.index_cast %scan3A_384 : i32 to index
      %get3A_457 = arith.constant 0 : index
      %get3A_458 = tpu.vector_load %arg21[%get3A_456, %get3A_457] {strides = array<i32>} : memref<64x128xf32, #tpu.memory_space<vmem>>, vector<1x16xf32>,
      %get3A_459 = vector.shape_cast %get3A_458 : vector<1x16xf32> to vector<16xf32>
      %mul3A_460 = arith.mulf %gather3A_430, %get3A_459 : vector<16xf32>
      %add3A_461 = arith.addf %add3A_455, %mul3A_460 : vector<16xf32>
      %get3A_462 = arith.index_cast %scan3A_384 : i32 to index
      %get3A_463 = arith.constant 0 : index
      %get3A_464 = tpu.vector_load %arg22[%get3A_462, %get3A_463] {strides = array<i32>} : memref<64x128xf32, #tpu.memory_space<vmem>>, vector<1x16xf32>,
      %get3A_465 = vector.shape_cast %get3A_464 : vector<1x16xf32> to vector<16xf32>
      %mul3A_466 = arith.mulf %gather3A_445, %get3A_465 : vector<16xf32>
      %add3A_467 = arith.addf %add3A_461, %mul3A_466 : vector<16xf32>
      %swap3A = arith.index_cast %scan3A_384 : i32 to index
      %swap3A_468 = arith.constant 0 : index
      %swap3A_469 = tpu.vector_load %arg25[%swap3A, %swap3A_468] {strides = array<i32>} : memref<64x128xf32, #tpu.memory_space<vmem>>, vector<1x16xf32>,
      %swap3A_470 = vector.shape_cast %swap3A_469 : vector<1x16xf32> to vector<16xf32>
      %swap3A_471 = vector.shape_cast %add3A_467 : vector<16xf32> to vector<1x16xf32>
      tpu.vector_store %arg25[%swap3A, %swap3A_468], %swap3A_471 {strides = array<i32>} : memref<64x128xf32, #tpu.memory_space<vmem>>, vector<1x16xf32>,
      %get3A_472 = arith.index_cast %scan3A_384 : i32 to index
      %get3A_473 = arith.constant 16 : index
      %get3A_474 = tpu.vector_load %arg24[%get3A_472, %get3A_473] {strides = array<i32>} : memref<64x128xf32, #tpu.memory_space<vmem>>, vector<1x16xf32>,
      %get3A_475 = vector.shape_cast %get3A_474 : vector<1x16xf32> to vector<16xf32>
      %get3A_476 = arith.index_cast %scan3A_384 : i32 to index
      %get3A_477 = arith.constant 16 : index
      %get3A_478 = tpu.vector_load %arg20[%get3A_476, %get3A_477] {strides = array<i32>} : memref<64x128xf32, #tpu.memory_space<vmem>>, vector<1x16xf32>,
      %get3A_479 = vector.shape_cast %get3A_478 : vector<1x16xf32> to vector<16xf32>
      %mul3A_480 = arith.mulf %gather3A_415, %get3A_479 : vector<16xf32>
      %add3A_481 = arith.addf %get3A_475, %mul3A_480 : vector<16xf32>
      %get3A_482 = arith.index_cast %scan3A_384 : i32 to index
      %get3A_483 = arith.constant 16 : index
      %get3A_484 = tpu.vector_load %arg21[%get3A_482, %get3A_483] {strides = array<i32>} : memref<64x128xf32, #tpu.memory_space<vmem>>, vector<1x16xf32>,
      %get3A_485 = vector.shape_cast %get3A_484 : vector<1x16xf32> to vector<16xf32>
      %mul3A_486 = arith.mulf %gather3A_430, %get3A_485 : vector<16xf32>
      %add3A_487 = arith.addf %add3A_481, %mul3A_486 : vector<16xf32>
      %get3A_488 = arith.index_cast %scan3A_384 : i32 to index
      %get3A_489 = arith.constant 16 : index
      %get3A_490 = tpu.vector_load %arg22[%get3A_488, %get3A_489] {strides = array<i32>} : memref<64x128xf32, #tpu.memory_space<vmem>>, vector<1x16xf32>,
      %get3A_491 = vector.shape_cast %get3A_490 : vector<1x16xf32> to vector<16xf32>
      %mul3A_492 = arith.mulf %gather3A_445, %get3A_491 : vector<16xf32>
      %add3A_493 = arith.addf %add3A_487, %mul3A_492 : vector<16xf32>
      %swap3A_494 = arith.index_cast %scan3A_384 : i32 to index
      %swap3A_495 = arith.constant 16 : index
      %swap3A_496 = tpu.vector_load %arg25[%swap3A_494, %swap3A_495] {strides = array<i32>} : memref<64x128xf32, #tpu.memory_space<vmem>>, vector<1x16xf32>,
      %swap3A_497 = vector.shape_cast %swap3A_496 : vector<1x16xf32> to vector<16xf32>
      %swap3A_498 = vector.shape_cast %add3A_493 : vector<16xf32> to vector<1x16xf32>
      tpu.vector_store %arg25[%swap3A_494, %swap3A_495], %swap3A_498 {strides = array<i32>} : memref<64x128xf32, #tpu.memory_space<vmem>>, vector<1x16xf32>,
      %get3A_499 = arith.index_cast %scan3A_384 : i32 to index
      %get3A_500 = arith.constant 32 : index
      %get3A_501 = tpu.vector_load %arg24[%get3A_499, %get3A_500] {strides = array<i32>} : memref<64x128xf32, #tpu.memory_space<vmem>>, vector<1x16xf32>,
      %get3A_502 = vector.shape_cast %get3A_501 : vector<1x16xf32> to vector<16xf32>
      %get3A_503 = arith.index_cast %scan3A_384 : i32 to index
      %get3A_504 = arith.constant 32 : index
      %get3A_505 = tpu.vector_load %arg20[%get3A_503, %get3A_504] {strides = array<i32>} : memref<64x128xf32, #tpu.memory_space<vmem>>, vector<1x16xf32>,
      %get3A_506 = vector.shape_cast %get3A_505 : vector<1x16xf32> to vector<16xf32>
      %mul3A_507 = arith.mulf %gather3A_415, %get3A_506 : vector<16xf32>
      %add3A_508 = arith.addf %get3A_502, %mul3A_507 : vector<16xf32>
      %get3A_509 = arith.index_cast %scan3A_384 : i32 to index
      %get3A_510 = arith.constant 32 : index
      %get3A_511 = tpu.vector_load %arg21[%get3A_509, %get3A_510] {strides = array<i32>} : memref<64x128xf32, #tpu.memory_space<vmem>>, vector<1x16xf32>,
      %get3A_512 = vector.shape_cast %get3A_511 : vector<1x16xf32> to vector<16xf32>
      %mul3A_513 = arith.mulf %gather3A_430, %get3A_512 : vector<16xf32>
      %add3A_514 = arith.addf %add3A_508, %mul3A_513 : vector<16xf32>
      %get3A_515 = arith.index_cast %scan3A_384 : i32 to index
      %get3A_516 = arith.constant 32 : index
      %get3A_517 = tpu.vector_load %arg22[%get3A_515, %get3A_516] {strides = array<i32>} : memref<64x128xf32, #tpu.memory_space<vmem>>, vector<1x16xf32>,
      %get3A_518 = vector.shape_cast %get3A_517 : vector<1x16xf32> to vector<16xf32>
      %mul3A_519 = arith.mulf %gather3A_445, %get3A_518 : vector<16xf32>
      %add3A_520 = arith.addf %add3A_514, %mul3A_519 : vector<16xf32>
      %swap3A_521 = arith.index_cast %scan3A_384 : i32 to index
      %swap3A_522 = arith.constant 32 : index
      %swap3A_523 = tpu.vector_load %arg25[%swap3A_521, %swap3A_522] {strides = array<i32>} : memref<64x128xf32, #tpu.memory_space<vmem>>, vector<1x16xf32>,
      %swap3A_524 = vector.shape_cast %swap3A_523 : vector<1x16xf32> to vector<16xf32>
      %swap3A_525 = vector.shape_cast %add3A_520 : vector<16xf32> to vector<1x16xf32>
      tpu.vector_store %arg25[%swap3A_521, %swap3A_522], %swap3A_525 {strides = array<i32>} : memref<64x128xf32, #tpu.memory_space<vmem>>, vector<1x16xf32>,
      %get3A_526 = arith.index_cast %scan3A_384 : i32 to index
      %get3A_527 = arith.constant 48 : index
      %get3A_528 = tpu.vector_load %arg24[%get3A_526, %get3A_527] {strides = array<i32>} : memref<64x128xf32, #tpu.memory_space<vmem>>, vector<1x16xf32>,
      %get3A_529 = vector.shape_cast %get3A_528 : vector<1x16xf32> to vector<16xf32>
      %get3A_530 = arith.index_cast %scan3A_384 : i32 to index
      %get3A_531 = arith.constant 48 : index
      %get3A_532 = tpu.vector_load %arg20[%get3A_530, %get3A_531] {strides = array<i32>} : memref<64x128xf32, #tpu.memory_space<vmem>>, vector<1x16xf32>,
      %get3A_533 = vector.shape_cast %get3A_532 : vector<1x16xf32> to vector<16xf32>
      %mul3A_534 = arith.mulf %gather3A_415, %get3A_533 : vector<16xf32>
      %add3A_535 = arith.addf %get3A_529, %mul3A_534 : vector<16xf32>
      %get3A_536 = arith.index_cast %scan3A_384 : i32 to index
      %get3A_537 = arith.constant 48 : index
      %get3A_538 = tpu.vector_load %arg21[%get3A_536, %get3A_537] {strides = array<i32>} : memref<64x128xf32, #tpu.memory_space<vmem>>, vector<1x16xf32>,
      %get3A_539 = vector.shape_cast %get3A_538 : vector<1x16xf32> to vector<16xf32>
      %mul3A_540 = arith.mulf %gather3A_430, %get3A_539 : vector<16xf32>
      %add3A_541 = arith.addf %add3A_535, %mul3A_540 : vector<16xf32>
      %get3A_542 = arith.index_cast %scan3A_384 : i32 to index
      %get3A_543 = arith.constant 48 : index
      %get3A_544 = tpu.vector_load %arg22[%get3A_542, %get3A_543] {strides = array<i32>} : memref<64x128xf32, #tpu.memory_space<vmem>>, vector<1x16xf32>,
      %get3A_545 = vector.shape_cast %get3A_544 : vector<1x16xf32> to vector<16xf32>
      %mul3A_546 = arith.mulf %gather3A_445, %get3A_545 : vector<16xf32>
      %add3A_547 = arith.addf %add3A_541, %mul3A_546 : vector<16xf32>
      %swap3A_548 = arith.index_cast %scan3A_384 : i32 to index
      %swap3A_549 = arith.constant 48 : index
      %swap3A_550 = tpu.vector_load %arg25[%swap3A_548, %swap3A_549] {strides = array<i32>} : memref<64x128xf32, #tpu.memory_space<vmem>>, vector<1x16xf32>,
      %swap3A_551 = vector.shape_cast %swap3A_550 : vector<1x16xf32> to vector<16xf32>
      %swap3A_552 = vector.shape_cast %add3A_547 : vector<16xf32> to vector<1x16xf32>
      tpu.vector_store %arg25[%swap3A_548, %swap3A_549], %swap3A_552 {strides = array<i32>} : memref<64x128xf32, #tpu.memory_space<vmem>>, vector<1x16xf32>,
      %get3A_553 = arith.index_cast %scan3A_384 : i32 to index
      %get3A_554 = arith.constant 64 : index
      %get3A_555 = tpu.vector_load %arg24[%get3A_553, %get3A_554] {strides = array<i32>} : memref<64x128xf32, #tpu.memory_space<vmem>>, vector<1x16xf32>,
      %get3A_556 = vector.shape_cast %get3A_555 : vector<1x16xf32> to vector<16xf32>
      %get3A_557 = arith.index_cast %scan3A_384 : i32 to index
      %get3A_558 = arith.constant 64 : index
      %get3A_559 = tpu.vector_load %arg20[%get3A_557, %get3A_558] {strides = array<i32>} : memref<64x128xf32, #tpu.memory_space<vmem>>, vector<1x16xf32>,
      %get3A_560 = vector.shape_cast %get3A_559 : vector<1x16xf32> to vector<16xf32>
      %mul3A_561 = arith.mulf %gather3A_415, %get3A_560 : vector<16xf32>
      %add3A_562 = arith.addf %get3A_556, %mul3A_561 : vector<16xf32>
      %get3A_563 = arith.index_cast %scan3A_384 : i32 to index
      %get3A_564 = arith.constant 64 : index
      %get3A_565 = tpu.vector_load %arg21[%get3A_563, %get3A_564] {strides = array<i32>} : memref<64x128xf32, #tpu.memory_space<vmem>>, vector<1x16xf32>,
      %get3A_566 = vector.shape_cast %get3A_565 : vector<1x16xf32> to vector<16xf32>
      %mul3A_567 = arith.mulf %gather3A_430, %get3A_566 : vector<16xf32>
      %add3A_568 = arith.addf %add3A_562, %mul3A_567 : vector<16xf32>
      %get3A_569 = arith.index_cast %scan3A_384 : i32 to index
      %get3A_570 = arith.constant 64 : index
      %get3A_571 = tpu.vector_load %arg22[%get3A_569, %get3A_570] {strides = array<i32>} : memref<64x128xf32, #tpu.memory_space<vmem>>, vector<1x16xf32>,
      %get3A_572 = vector.shape_cast %get3A_571 : vector<1x16xf32> to vector<16xf32>
      %mul3A_573 = arith.mulf %gather3A_445, %get3A_572 : vector<16xf32>
      %add3A_574 = arith.addf %add3A_568, %mul3A_573 : vector<16xf32>
      %swap3A_575 = arith.index_cast %scan3A_384 : i32 to index
      %swap3A_576 = arith.constant 64 : index
      %swap3A_577 = tpu.vector_load %arg25[%swap3A_575, %swap3A_576] {strides = array<i32>} : memref<64x128xf32, #tpu.memory_space<vmem>>, vector<1x16xf32>,
      %swap3A_578 = vector.shape_cast %swap3A_577 : vector<1x16xf32> to vector<16xf32>
      %swap3A_579 = vector.shape_cast %add3A_574 : vector<16xf32> to vector<1x16xf32>
      tpu.vector_store %arg25[%swap3A_575, %swap3A_576], %swap3A_579 {strides = array<i32>} : memref<64x128xf32, #tpu.memory_space<vmem>>, vector<1x16xf32>,
      %get3A_580 = arith.index_cast %scan3A_384 : i32 to index
      %get3A_581 = arith.constant 80 : index
      %get3A_582 = tpu.vector_load %arg24[%get3A_580, %get3A_581] {strides = array<i32>} : memref<64x128xf32, #tpu.memory_space<vmem>>, vector<1x16xf32>,
      %get3A_583 = vector.shape_cast %get3A_582 : vector<1x16xf32> to vector<16xf32>
      %get3A_584 = arith.index_cast %scan3A_384 : i32 to index
      %get3A_585 = arith.constant 80 : index
      %get3A_586 = tpu.vector_load %arg20[%get3A_584, %get3A_585] {strides = array<i32>} : memref<64x128xf32, #tpu.memory_space<vmem>>, vector<1x16xf32>,
      %get3A_587 = vector.shape_cast %get3A_586 : vector<1x16xf32> to vector<16xf32>
      %mul3A_588 = arith.mulf %gather3A_415, %get3A_587 : vector<16xf32>
      %add3A_589 = arith.addf %get3A_583, %mul3A_588 : vector<16xf32>
      %get3A_590 = arith.index_cast %scan3A_384 : i32 to index
      %get3A_591 = arith.constant 80 : index
      %get3A_592 = tpu.vector_load %arg21[%get3A_590, %get3A_591] {strides = array<i32>} : memref<64x128xf32, #tpu.memory_space<vmem>>, vector<1x16xf32>,
      %get3A_593 = vector.shape_cast %get3A_592 : vector<1x16xf32> to vector<16xf32>
      %mul3A_594 = arith.mulf %gather3A_430, %get3A_593 : vector<16xf32>
      %add3A_595 = arith.addf %add3A_589, %mul3A_594 : vector<16xf32>
      %get3A_596 = arith.index_cast %scan3A_384 : i32 to index
      %get3A_597 = arith.constant 80 : index
      %get3A_598 = tpu.vector_load %arg22[%get3A_596, %get3A_597] {strides = array<i32>} : memref<64x128xf32, #tpu.memory_space<vmem>>, vector<1x16xf32>,
      %get3A_599 = vector.shape_cast %get3A_598 : vector<1x16xf32> to vector<16xf32>
      %mul3A_600 = arith.mulf %gather3A_445, %get3A_599 : vector<16xf32>
      %add3A_601 = arith.addf %add3A_595, %mul3A_600 : vector<16xf32>
      %swap3A_602 = arith.index_cast %scan3A_384 : i32 to index
      %swap3A_603 = arith.constant 80 : index
      %swap3A_604 = tpu.vector_load %arg25[%swap3A_602, %swap3A_603] {strides = array<i32>} : memref<64x128xf32, #tpu.memory_space<vmem>>, vector<1x16xf32>,
      %swap3A_605 = vector.shape_cast %swap3A_604 : vector<1x16xf32> to vector<16xf32>
      %swap3A_606 = vector.shape_cast %add3A_601 : vector<16xf32> to vector<1x16xf32>
      tpu.vector_store %arg25[%swap3A_602, %swap3A_603], %swap3A_606 {strides = array<i32>} : memref<64x128xf32, #tpu.memory_space<vmem>>, vector<1x16xf32>,
      %get3A_607 = arith.index_cast %scan3A_384 : i32 to index
      %get3A_608 = arith.constant 96 : index
      %get3A_609 = tpu.vector_load %arg24[%get3A_607, %get3A_608] {strides = array<i32>} : memref<64x128xf32, #tpu.memory_space<vmem>>, vector<1x16xf32>,
      %get3A_610 = vector.shape_cast %get3A_609 : vector<1x16xf32> to vector<16xf32>
      %get3A_611 = arith.index_cast %scan3A_384 : i32 to index
      %get3A_612 = arith.constant 96 : index
      %get3A_613 = tpu.vector_load %arg20[%get3A_611, %get3A_612] {strides = array<i32>} : memref<64x128xf32, #tpu.memory_space<vmem>>, vector<1x16xf32>,
      %get3A_614 = vector.shape_cast %get3A_613 : vector<1x16xf32> to vector<16xf32>
      %mul3A_615 = arith.mulf %gather3A_415, %get3A_614 : vector<16xf32>
      %add3A_616 = arith.addf %get3A_610, %mul3A_615 : vector<16xf32>
      %get3A_617 = arith.index_cast %scan3A_384 : i32 to index
      %get3A_618 = arith.constant 96 : index
      %get3A_619 = tpu.vector_load %arg21[%get3A_617, %get3A_618] {strides = array<i32>} : memref<64x128xf32, #tpu.memory_space<vmem>>, vector<1x16xf32>,
      %get3A_620 = vector.shape_cast %get3A_619 : vector<1x16xf32> to vector<16xf32>
      %mul3A_621 = arith.mulf %gather3A_430, %get3A_620 : vector<16xf32>
      %add3A_622 = arith.addf %add3A_616, %mul3A_621 : vector<16xf32>
      %get3A_623 = arith.index_cast %scan3A_384 : i32 to index
      %get3A_624 = arith.constant 96 : index
      %get3A_625 = tpu.vector_load %arg22[%get3A_623, %get3A_624] {strides = array<i32>} : memref<64x128xf32, #tpu.memory_space<vmem>>, vector<1x16xf32>,
      %get3A_626 = vector.shape_cast %get3A_625 : vector<1x16xf32> to vector<16xf32>
      %mul3A_627 = arith.mulf %gather3A_445, %get3A_626 : vector<16xf32>
      %add3A_628 = arith.addf %add3A_622, %mul3A_627 : vector<16xf32>
      %swap3A_629 = arith.index_cast %scan3A_384 : i32 to index
      %swap3A_630 = arith.constant 96 : index
      %swap3A_631 = tpu.vector_load %arg25[%swap3A_629, %swap3A_630] {strides = array<i32>} : memref<64x128xf32, #tpu.memory_space<vmem>>, vector<1x16xf32>,
      %swap3A_632 = vector.shape_cast %swap3A_631 : vector<1x16xf32> to vector<16xf32>
      %swap3A_633 = vector.shape_cast %add3A_628 : vector<16xf32> to vector<1x16xf32>
      tpu.vector_store %arg25[%swap3A_629, %swap3A_630], %swap3A_633 {strides = array<i32>} : memref<64x128xf32, #tpu.memory_space<vmem>>, vector<1x16xf32>,
      %get3A_634 = arith.index_cast %scan3A_384 : i32 to index
      %get3A_635 = arith.constant 112 : index
      %get3A_636 = tpu.vector_load %arg24[%get3A_634, %get3A_635] {strides = array<i32>} : memref<64x128xf32, #tpu.memory_space<vmem>>, vector<1x16xf32>,
      %get3A_637 = vector.shape_cast %get3A_636 : vector<1x16xf32> to vector<16xf32>
      %get3A_638 = arith.index_cast %scan3A_384 : i32 to index
      %get3A_639 = arith.constant 112 : index
      %get3A_640 = tpu.vector_load %arg20[%get3A_638, %get3A_639] {strides = array<i32>} : memref<64x128xf32, #tpu.memory_space<vmem>>, vector<1x16xf32>,
      %get3A_641 = vector.shape_cast %get3A_640 : vector<1x16xf32> to vector<16xf32>
      %mul3A_642 = arith.mulf %gather3A_415, %get3A_641 : vector<16xf32>
      %add3A_643 = arith.addf %get3A_637, %mul3A_642 : vector<16xf32>
      %get3A_644 = arith.index_cast %scan3A_384 : i32 to index
      %get3A_645 = arith.constant 112 : index
      %get3A_646 = tpu.vector_load %arg21[%get3A_644, %get3A_645] {strides = array<i32>} : memref<64x128xf32, #tpu.memory_space<vmem>>, vector<1x16xf32>,
      %get3A_647 = vector.shape_cast %get3A_646 : vector<1x16xf32> to vector<16xf32>
      %mul3A_648 = arith.mulf %gather3A_430, %get3A_647 : vector<16xf32>
      %add3A_649 = arith.addf %add3A_643, %mul3A_648 : vector<16xf32>
      %get3A_650 = arith.index_cast %scan3A_384 : i32 to index
      %get3A_651 = arith.constant 112 : index
      %get3A_652 = tpu.vector_load %arg22[%get3A_650, %get3A_651] {strides = array<i32>} : memref<64x128xf32, #tpu.memory_space<vmem>>, vector<1x16xf32>,
      %get3A_653 = vector.shape_cast %get3A_652 : vector<1x16xf32> to vector<16xf32>
      %mul3A_654 = arith.mulf %gather3A_445, %get3A_653 : vector<16xf32>
      %add3A_655 = arith.addf %add3A_649, %mul3A_654 : vector<16xf32>
      %swap3A_656 = arith.index_cast %scan3A_384 : i32 to index
      %swap3A_657 = arith.constant 112 : index
      %swap3A_658 = tpu.vector_load %arg25[%swap3A_656, %swap3A_657] {strides = array<i32>} : memref<64x128xf32, #tpu.memory_space<vmem>>, vector<1x16xf32>,
      %swap3A_659 = vector.shape_cast %swap3A_658 : vector<1x16xf32> to vector<16xf32>
      %swap3A_660 = vector.shape_cast %add3A_655 : vector<16xf32> to vector<1x16xf32>
      tpu.vector_store %arg25[%swap3A_656, %swap3A_657], %swap3A_660 {strides = array<i32>} : memref<64x128xf32, #tpu.memory_space<vmem>>, vector<1x16xf32>,
    }
    %scan3A_306 = arith.constant 64 : i32
    %add3A_307 = arith.constant 320 : i32
    %add3A_308 = arith.addi %mul3A_2, %add3A_307 : i32
    "tpu.region"() ({
      %run_scoped3A = tpu.sem_alloc : memref<!tpu.dma_semaphore, #tpu.memory_space<semaphore_mem>>
      %dma_start3A_384 = arith.constant 0 : i32
      %dma_start3A_385 = tpu.memref_slice %arg10[%add3A_308, %dma_start3A_384] : memref<16384x128xf32, #tpu.memory_space<hbm>> -> memref<64x128xf32, #tpu.memory_space<hbm>>
      %dma_start3A_386 = arith.constant 0 : i32
      %dma_start3A_387 = tpu.memref_slice %arg10[%add3A_308, %dma_start3A_386] : memref<16384x128xf32, #tpu.memory_space<hbm>> -> memref<64x128xf32, #tpu.memory_space<hbm>>
      tpu.enqueue_dma source(%arg25 : memref<64x128xf32, #tpu.memory_space<vmem>>) target(%dma_start3A_387 : memref<64x128xf32, #tpu.memory_space<hbm>>) target_semaphore(%run_scoped3A : memref<!tpu.dma_semaphore, #tpu.memory_space<semaphore_mem>>)
      %dma_wait3A_388 = arith.constant 0 : i32
      %dma_wait3A_389 = tpu.memref_slice %arg10[%add3A_308, %dma_wait3A_388] : memref<16384x128xf32, #tpu.memory_space<hbm>> -> memref<64x128xf32, #tpu.memory_space<hbm>>
      %dma_wait3A_390 = arith.constant 0 : i32
      %dma_wait3A_391 = tpu.memref_slice %arg10[%add3A_308, %dma_wait3A_390] : memref<16384x128xf32, #tpu.memory_space<hbm>> -> memref<64x128xf32, #tpu.memory_space<hbm>>
      tpu.wait_dma2 semaphore(%run_scoped3A : memref<!tpu.dma_semaphore, #tpu.memory_space<semaphore_mem>>) src(%arg25 : memref<64x128xf32, #tpu.memory_space<vmem>>) dst(%dma_wait3A_391 : memref<64x128xf32, #tpu.memory_space<hbm>>)
      tpu.yield
    }) : () -> ()
    %add3A_309 = arith.constant 448 : i32
    %add3A_310 = arith.addi %mul3A_2, %add3A_309 : i32
    %dma_start3A_311 = arith.constant 448 : i32
    %dma_start3A_312 = tpu.memref_slice %arg11[%dma_start3A_311] : memref<512xi32, #tpu.memory_space<vmem>> -> memref<64xi32, #tpu.memory_space<vmem>>
    %dma_start3A_313 = arith.constant 0 : i32
    %dma_start3A_314 = arith.constant 0 : i32
    %dma_start3A_315 = tpu.memref_slice %arg2[%dma_start3A_313, %dma_start3A_314] : memref<4096x128xf32, #tpu.memory_space<hbm>> -> memref<4096x128xf32, #tpu.memory_space<hbm>>
    tpu.enqueue_indirect_dma source(%dma_start3A_315 : memref<4096x128xf32, #tpu.memory_space<hbm>>) target(%arg20 : memref<64x128xf32, #tpu.memory_space<vmem>>) offsets(%dma_start3A_312 : memref<64xi32, #tpu.memory_space<vmem>>) semaphore(%arg27 : memref<!tpu.dma_semaphore, #tpu.memory_space<semaphore_mem>>)
    %dma_start3A_316 = arith.constant 448 : i32
    %dma_start3A_317 = tpu.memref_slice %arg12[%dma_start3A_316] : memref<512xi32, #tpu.memory_space<vmem>> -> memref<64xi32, #tpu.memory_space<vmem>>
    %dma_start3A_318 = arith.constant 0 : i32
    %dma_start3A_319 = arith.constant 0 : i32
    %dma_start3A_320 = tpu.memref_slice %arg2[%dma_start3A_318, %dma_start3A_319] : memref<4096x128xf32, #tpu.memory_space<hbm>> -> memref<4096x128xf32, #tpu.memory_space<hbm>>
    tpu.enqueue_indirect_dma source(%dma_start3A_320 : memref<4096x128xf32, #tpu.memory_space<hbm>>) target(%arg21 : memref<64x128xf32, #tpu.memory_space<vmem>>) offsets(%dma_start3A_317 : memref<64xi32, #tpu.memory_space<vmem>>) semaphore(%arg27 : memref<!tpu.dma_semaphore, #tpu.memory_space<semaphore_mem>>)
    %dma_start3A_321 = arith.constant 448 : i32
    %dma_start3A_322 = tpu.memref_slice %arg13[%dma_start3A_321] : memref<512xi32, #tpu.memory_space<vmem>> -> memref<64xi32, #tpu.memory_space<vmem>>
    %dma_start3A_323 = arith.constant 0 : i32
    %dma_start3A_324 = arith.constant 0 : i32
    %dma_start3A_325 = tpu.memref_slice %arg2[%dma_start3A_323, %dma_start3A_324] : memref<4096x128xf32, #tpu.memory_space<hbm>> -> memref<4096x128xf32, #tpu.memory_space<hbm>>
    tpu.enqueue_indirect_dma source(%dma_start3A_325 : memref<4096x128xf32, #tpu.memory_space<hbm>>) target(%arg22 : memref<64x128xf32, #tpu.memory_space<vmem>>) offsets(%dma_start3A_322 : memref<64xi32, #tpu.memory_space<vmem>>) semaphore(%arg27 : memref<!tpu.dma_semaphore, #tpu.memory_space<semaphore_mem>>)
    %dma_start3A_326 = arith.constant 0 : i32
    %dma_start3A_327 = tpu.memref_slice %arg3[%add3A_310, %dma_start3A_326] : memref<16384x128xf32, #tpu.memory_space<hbm>> -> memref<64x128xf32, #tpu.memory_space<hbm>>
    %dma_start3A_328 = arith.constant 0 : i32
    %dma_start3A_329 = tpu.memref_slice %arg3[%add3A_310, %dma_start3A_328] : memref<16384x128xf32, #tpu.memory_space<hbm>> -> memref<64x128xf32, #tpu.memory_space<hbm>>
    tpu.enqueue_dma source(%dma_start3A_329 : memref<64x128xf32, #tpu.memory_space<hbm>>) target(%arg24 : memref<64x128xf32, #tpu.memory_space<vmem>>) target_semaphore(%arg29 : memref<!tpu.dma_semaphore, #tpu.memory_space<semaphore_mem>>)
    %dma_wait3A_330 = arith.constant 384 : i32
    %dma_wait3A_331 = tpu.memref_slice %arg11[%dma_wait3A_330] : memref<512xi32, #tpu.memory_space<vmem>> -> memref<64xi32, #tpu.memory_space<vmem>>
    %dma_wait3A_332 = arith.constant 0 : i32
    %dma_wait3A_333 = arith.constant 0 : i32
    %dma_wait3A_334 = tpu.memref_slice %arg2[%dma_wait3A_332, %dma_wait3A_333] : memref<4096x128xf32, #tpu.memory_space<hbm>> -> memref<4096x128xf32, #tpu.memory_space<hbm>>
    tpu.wait_indirect_dma semaphore(%arg26 : memref<!tpu.dma_semaphore, #tpu.memory_space<semaphore_mem>>) src(%dma_wait3A_334 : memref<4096x128xf32, #tpu.memory_space<hbm>>) dst(%arg17 : memref<64x128xf32, #tpu.memory_space<vmem>>)
    %dma_wait3A_335 = arith.constant 384 : i32
    %dma_wait3A_336 = tpu.memref_slice %arg12[%dma_wait3A_335] : memref<512xi32, #tpu.memory_space<vmem>> -> memref<64xi32, #tpu.memory_space<vmem>>
    %dma_wait3A_337 = arith.constant 0 : i32
    %dma_wait3A_338 = arith.constant 0 : i32
    %dma_wait3A_339 = tpu.memref_slice %arg2[%dma_wait3A_337, %dma_wait3A_338] : memref<4096x128xf32, #tpu.memory_space<hbm>> -> memref<4096x128xf32, #tpu.memory_space<hbm>>
    tpu.wait_indirect_dma semaphore(%arg26 : memref<!tpu.dma_semaphore, #tpu.memory_space<semaphore_mem>>) src(%dma_wait3A_339 : memref<4096x128xf32, #tpu.memory_space<hbm>>) dst(%arg18 : memref<64x128xf32, #tpu.memory_space<vmem>>)
    %dma_wait3A_340 = arith.constant 384 : i32
    %dma_wait3A_341 = tpu.memref_slice %arg13[%dma_wait3A_340] : memref<512xi32, #tpu.memory_space<vmem>> -> memref<64xi32, #tpu.memory_space<vmem>>
    %dma_wait3A_342 = arith.constant 0 : i32
    %dma_wait3A_343 = arith.constant 0 : i32
    %dma_wait3A_344 = tpu.memref_slice %arg2[%dma_wait3A_342, %dma_wait3A_343] : memref<4096x128xf32, #tpu.memory_space<hbm>> -> memref<4096x128xf32, #tpu.memory_space<hbm>>
    tpu.wait_indirect_dma semaphore(%arg26 : memref<!tpu.dma_semaphore, #tpu.memory_space<semaphore_mem>>) src(%dma_wait3A_344 : memref<4096x128xf32, #tpu.memory_space<hbm>>) dst(%arg19 : memref<64x128xf32, #tpu.memory_space<vmem>>)
    %dma_wait3A_345 = arith.constant 0 : i32
    %dma_wait3A_346 = tpu.memref_slice %arg3[%add3A_262, %dma_wait3A_345] : memref<16384x128xf32, #tpu.memory_space<hbm>> -> memref<64x128xf32, #tpu.memory_space<hbm>>
    %dma_wait3A_347 = arith.constant 0 : i32
    %dma_wait3A_348 = tpu.memref_slice %arg3[%add3A_262, %dma_wait3A_347] : memref<16384x128xf32, #tpu.memory_space<hbm>> -> memref<64x128xf32, #tpu.memory_space<hbm>>
    tpu.wait_dma2 semaphore(%arg28 : memref<!tpu.dma_semaphore, #tpu.memory_space<semaphore_mem>>) src(%dma_wait3A_348 : memref<64x128xf32, #tpu.memory_space<hbm>>) dst(%arg23 : memref<64x128xf32, #tpu.memory_space<vmem>>)
    %scan3A_349 = arith.constant 0 : i32
    %scan3A_350 = arith.constant 0 : i32
    %scan3A_351 = arith.constant 64 : i32
    %scan3A_352 = arith.addi %scan3A_350, %scan3A_351 : i32
    %scan3A_353 = arith.constant 1 : i32
    scf.for %scan3A_384 = %scan3A_350 to %scan3A_352 step %scan3A_353  : i32 {
      %jit3A = arith.constant 16 : i32
      %div3A = arith.divsi %scan3A_384, %jit3A : i32
      %sign3A = arith.constant 0 : i32
      %sign3A_385 = arith.cmpi sgt, %scan3A_384, %sign3A : i32
      %sign3A_386 = arith.extui %sign3A_385 : i1 to i32
      %sign3A_387 = arith.constant 0 : i32
      %sign3A_388 = arith.cmpi slt, %scan3A_384, %sign3A_387 : i32
      %sign3A_389 = arith.extui %sign3A_388 : i1 to i32
      %sign3A_390 = arith.subi %sign3A_386, %sign3A_389 : i32
      %sign3A_391 = arith.constant 0 : i32
      %sign3A_392 = arith.cmpi sgt, %jit3A, %sign3A_391 : i32
      %sign3A_393 = arith.extui %sign3A_392 : i1 to i32
      %sign3A_394 = arith.constant 0 : i32
      %sign3A_395 = arith.cmpi slt, %jit3A, %sign3A_394 : i32
      %sign3A_396 = arith.extui %sign3A_395 : i1 to i32
      %sign3A_397 = arith.subi %sign3A_393, %sign3A_396 : i32
      %ne3A = arith.cmpi ne, %sign3A_390, %sign3A_397 : i32
      %rem3A = arith.remsi %scan3A_384, %jit3A : i32
      %ne3A_398 = arith.constant 0 : i32
      %ne3A_399 = arith.cmpi ne, %rem3A, %ne3A_398 : i32
      %and3A = arith.andi %ne3A, %ne3A_399 : i1
      %sub3A = arith.constant 1 : i32
      %sub3A_400 = arith.subi %div3A, %sub3A : i32
      %select_n3A = arith.select %and3A, %sub3A_400, %div3A : i32
      %mul3A_401 = arith.constant 16 : i32
      %mul3A_402 = arith.muli %select_n3A, %mul3A_401 : i32
      %sub3A_403 = arith.subi %scan3A_384, %mul3A_402 : i32
      %broadcast_in_dim3A = vector.broadcast %sub3A_403 : i32 to vector<16xi32>
      %add3A_404 = arith.constant 384 : i32
      %add3A_405 = arith.addi %add3A_404, %mul3A_402 : i32
      %get3A = arith.index_cast %add3A_405 : i32 to index
      %get3A_406 = tpu.vector_load %arg14[%get3A] {strides = array<i32>} : memref<512xf32, #tpu.memory_space<vmem>>, vector<16xf32>,
      %get3A_407 = vector.shape_cast %get3A_406 : vector<16xf32> to vector<16xf32>
      %lt3A = arith.constant 0 : i32
      %lt3A_408 = vector.broadcast %lt3A : i32 to vector<16xi32>
      %lt3A_409 = arith.cmpi slt, %broadcast_in_dim3A, %lt3A_408 : vector<16xi32>
      %add3A_410 = arith.constant 16 : i32
      %add3A_411 = vector.broadcast %add3A_410 : i32 to vector<16xi32>
      %add3A_412 = arith.addi %broadcast_in_dim3A, %add3A_411 : vector<16xi32>
      %select_n3A_413 = arith.select %lt3A_409, %add3A_412, %broadcast_in_dim3A : vector<16xi1>, vector<16xi32>
      %broadcast_in_dim3A_414 = vector.shape_cast %select_n3A_413 : vector<16xi32> to vector<16x1xi32>
      %gather3A = vector.shape_cast %broadcast_in_dim3A_414 : vector<16x1xi32> to vector<16xi32>
      %gather3A_415 = tpu.dynamic_gather %get3A_407[%gather3A] in [0] : vector<16xf32>, vector<16xi32> -> vector<16xf32>
      %add3A_416 = arith.constant 384 : i32
      %add3A_417 = arith.addi %add3A_416, %mul3A_402 : i32
      %get3A_418 = arith.index_cast %add3A_417 : i32 to index
      %get3A_419 = tpu.vector_load %arg15[%get3A_418] {strides = array<i32>} : memref<512xf32, #tpu.memory_space<vmem>>, vector<16xf32>,
      %get3A_420 = vector.shape_cast %get3A_419 : vector<16xf32> to vector<16xf32>
      %lt3A_421 = arith.constant 0 : i32
      %lt3A_422 = vector.broadcast %lt3A_421 : i32 to vector<16xi32>
      %lt3A_423 = arith.cmpi slt, %broadcast_in_dim3A, %lt3A_422 : vector<16xi32>
      %add3A_424 = arith.constant 16 : i32
      %add3A_425 = vector.broadcast %add3A_424 : i32 to vector<16xi32>
      %add3A_426 = arith.addi %broadcast_in_dim3A, %add3A_425 : vector<16xi32>
      %select_n3A_427 = arith.select %lt3A_423, %add3A_426, %broadcast_in_dim3A : vector<16xi1>, vector<16xi32>
      %broadcast_in_dim3A_428 = vector.shape_cast %select_n3A_427 : vector<16xi32> to vector<16x1xi32>
      %gather3A_429 = vector.shape_cast %broadcast_in_dim3A_428 : vector<16x1xi32> to vector<16xi32>
      %gather3A_430 = tpu.dynamic_gather %get3A_420[%gather3A_429] in [0] : vector<16xf32>, vector<16xi32> -> vector<16xf32>
      %add3A_431 = arith.constant 384 : i32
      %add3A_432 = arith.addi %add3A_431, %mul3A_402 : i32
      %get3A_433 = arith.index_cast %add3A_432 : i32 to index
      %get3A_434 = tpu.vector_load %arg16[%get3A_433] {strides = array<i32>} : memref<512xf32, #tpu.memory_space<vmem>>, vector<16xf32>,
      %get3A_435 = vector.shape_cast %get3A_434 : vector<16xf32> to vector<16xf32>
      %lt3A_436 = arith.constant 0 : i32
      %lt3A_437 = vector.broadcast %lt3A_436 : i32 to vector<16xi32>
      %lt3A_438 = arith.cmpi slt, %broadcast_in_dim3A, %lt3A_437 : vector<16xi32>
      %add3A_439 = arith.constant 16 : i32
      %add3A_440 = vector.broadcast %add3A_439 : i32 to vector<16xi32>
      %add3A_441 = arith.addi %broadcast_in_dim3A, %add3A_440 : vector<16xi32>
      %select_n3A_442 = arith.select %lt3A_438, %add3A_441, %broadcast_in_dim3A : vector<16xi1>, vector<16xi32>
      %broadcast_in_dim3A_443 = vector.shape_cast %select_n3A_442 : vector<16xi32> to vector<16x1xi32>
      %gather3A_444 = vector.shape_cast %broadcast_in_dim3A_443 : vector<16x1xi32> to vector<16xi32>
      %gather3A_445 = tpu.dynamic_gather %get3A_435[%gather3A_444] in [0] : vector<16xf32>, vector<16xi32> -> vector<16xf32>
      %get3A_446 = arith.index_cast %scan3A_384 : i32 to index
      %get3A_447 = arith.constant 0 : index
      %get3A_448 = tpu.vector_load %arg23[%get3A_446, %get3A_447] {strides = array<i32>} : memref<64x128xf32, #tpu.memory_space<vmem>>, vector<1x16xf32>,
      %get3A_449 = vector.shape_cast %get3A_448 : vector<1x16xf32> to vector<16xf32>
      %get3A_450 = arith.index_cast %scan3A_384 : i32 to index
      %get3A_451 = arith.constant 0 : index
      %get3A_452 = tpu.vector_load %arg17[%get3A_450, %get3A_451] {strides = array<i32>} : memref<64x128xf32, #tpu.memory_space<vmem>>, vector<1x16xf32>,
      %get3A_453 = vector.shape_cast %get3A_452 : vector<1x16xf32> to vector<16xf32>
      %mul3A_454 = arith.mulf %gather3A_415, %get3A_453 : vector<16xf32>
      %add3A_455 = arith.addf %get3A_449, %mul3A_454 : vector<16xf32>
      %get3A_456 = arith.index_cast %scan3A_384 : i32 to index
      %get3A_457 = arith.constant 0 : index
      %get3A_458 = tpu.vector_load %arg18[%get3A_456, %get3A_457] {strides = array<i32>} : memref<64x128xf32, #tpu.memory_space<vmem>>, vector<1x16xf32>,
      %get3A_459 = vector.shape_cast %get3A_458 : vector<1x16xf32> to vector<16xf32>
      %mul3A_460 = arith.mulf %gather3A_430, %get3A_459 : vector<16xf32>
      %add3A_461 = arith.addf %add3A_455, %mul3A_460 : vector<16xf32>
      %get3A_462 = arith.index_cast %scan3A_384 : i32 to index
      %get3A_463 = arith.constant 0 : index
      %get3A_464 = tpu.vector_load %arg19[%get3A_462, %get3A_463] {strides = array<i32>} : memref<64x128xf32, #tpu.memory_space<vmem>>, vector<1x16xf32>,
      %get3A_465 = vector.shape_cast %get3A_464 : vector<1x16xf32> to vector<16xf32>
      %mul3A_466 = arith.mulf %gather3A_445, %get3A_465 : vector<16xf32>
      %add3A_467 = arith.addf %add3A_461, %mul3A_466 : vector<16xf32>
      %swap3A = arith.index_cast %scan3A_384 : i32 to index
      %swap3A_468 = arith.constant 0 : index
      %swap3A_469 = tpu.vector_load %arg25[%swap3A, %swap3A_468] {strides = array<i32>} : memref<64x128xf32, #tpu.memory_space<vmem>>, vector<1x16xf32>,
      %swap3A_470 = vector.shape_cast %swap3A_469 : vector<1x16xf32> to vector<16xf32>
      %swap3A_471 = vector.shape_cast %add3A_467 : vector<16xf32> to vector<1x16xf32>
      tpu.vector_store %arg25[%swap3A, %swap3A_468], %swap3A_471 {strides = array<i32>} : memref<64x128xf32, #tpu.memory_space<vmem>>, vector<1x16xf32>,
      %get3A_472 = arith.index_cast %scan3A_384 : i32 to index
      %get3A_473 = arith.constant 16 : index
      %get3A_474 = tpu.vector_load %arg23[%get3A_472, %get3A_473] {strides = array<i32>} : memref<64x128xf32, #tpu.memory_space<vmem>>, vector<1x16xf32>,
      %get3A_475 = vector.shape_cast %get3A_474 : vector<1x16xf32> to vector<16xf32>
      %get3A_476 = arith.index_cast %scan3A_384 : i32 to index
      %get3A_477 = arith.constant 16 : index
      %get3A_478 = tpu.vector_load %arg17[%get3A_476, %get3A_477] {strides = array<i32>} : memref<64x128xf32, #tpu.memory_space<vmem>>, vector<1x16xf32>,
      %get3A_479 = vector.shape_cast %get3A_478 : vector<1x16xf32> to vector<16xf32>
      %mul3A_480 = arith.mulf %gather3A_415, %get3A_479 : vector<16xf32>
      %add3A_481 = arith.addf %get3A_475, %mul3A_480 : vector<16xf32>
      %get3A_482 = arith.index_cast %scan3A_384 : i32 to index
      %get3A_483 = arith.constant 16 : index
      %get3A_484 = tpu.vector_load %arg18[%get3A_482, %get3A_483] {strides = array<i32>} : memref<64x128xf32, #tpu.memory_space<vmem>>, vector<1x16xf32>,
      %get3A_485 = vector.shape_cast %get3A_484 : vector<1x16xf32> to vector<16xf32>
      %mul3A_486 = arith.mulf %gather3A_430, %get3A_485 : vector<16xf32>
      %add3A_487 = arith.addf %add3A_481, %mul3A_486 : vector<16xf32>
      %get3A_488 = arith.index_cast %scan3A_384 : i32 to index
      %get3A_489 = arith.constant 16 : index
      %get3A_490 = tpu.vector_load %arg19[%get3A_488, %get3A_489] {strides = array<i32>} : memref<64x128xf32, #tpu.memory_space<vmem>>, vector<1x16xf32>,
      %get3A_491 = vector.shape_cast %get3A_490 : vector<1x16xf32> to vector<16xf32>
      %mul3A_492 = arith.mulf %gather3A_445, %get3A_491 : vector<16xf32>
      %add3A_493 = arith.addf %add3A_487, %mul3A_492 : vector<16xf32>
      %swap3A_494 = arith.index_cast %scan3A_384 : i32 to index
      %swap3A_495 = arith.constant 16 : index
      %swap3A_496 = tpu.vector_load %arg25[%swap3A_494, %swap3A_495] {strides = array<i32>} : memref<64x128xf32, #tpu.memory_space<vmem>>, vector<1x16xf32>,
      %swap3A_497 = vector.shape_cast %swap3A_496 : vector<1x16xf32> to vector<16xf32>
      %swap3A_498 = vector.shape_cast %add3A_493 : vector<16xf32> to vector<1x16xf32>
      tpu.vector_store %arg25[%swap3A_494, %swap3A_495], %swap3A_498 {strides = array<i32>} : memref<64x128xf32, #tpu.memory_space<vmem>>, vector<1x16xf32>,
      %get3A_499 = arith.index_cast %scan3A_384 : i32 to index
      %get3A_500 = arith.constant 32 : index
      %get3A_501 = tpu.vector_load %arg23[%get3A_499, %get3A_500] {strides = array<i32>} : memref<64x128xf32, #tpu.memory_space<vmem>>, vector<1x16xf32>,
      %get3A_502 = vector.shape_cast %get3A_501 : vector<1x16xf32> to vector<16xf32>
      %get3A_503 = arith.index_cast %scan3A_384 : i32 to index
      %get3A_504 = arith.constant 32 : index
      %get3A_505 = tpu.vector_load %arg17[%get3A_503, %get3A_504] {strides = array<i32>} : memref<64x128xf32, #tpu.memory_space<vmem>>, vector<1x16xf32>,
      %get3A_506 = vector.shape_cast %get3A_505 : vector<1x16xf32> to vector<16xf32>
      %mul3A_507 = arith.mulf %gather3A_415, %get3A_506 : vector<16xf32>
      %add3A_508 = arith.addf %get3A_502, %mul3A_507 : vector<16xf32>
      %get3A_509 = arith.index_cast %scan3A_384 : i32 to index
      %get3A_510 = arith.constant 32 : index
      %get3A_511 = tpu.vector_load %arg18[%get3A_509, %get3A_510] {strides = array<i32>} : memref<64x128xf32, #tpu.memory_space<vmem>>, vector<1x16xf32>,
      %get3A_512 = vector.shape_cast %get3A_511 : vector<1x16xf32> to vector<16xf32>
      %mul3A_513 = arith.mulf %gather3A_430, %get3A_512 : vector<16xf32>
      %add3A_514 = arith.addf %add3A_508, %mul3A_513 : vector<16xf32>
      %get3A_515 = arith.index_cast %scan3A_384 : i32 to index
      %get3A_516 = arith.constant 32 : index
      %get3A_517 = tpu.vector_load %arg19[%get3A_515, %get3A_516] {strides = array<i32>} : memref<64x128xf32, #tpu.memory_space<vmem>>, vector<1x16xf32>,
      %get3A_518 = vector.shape_cast %get3A_517 : vector<1x16xf32> to vector<16xf32>
      %mul3A_519 = arith.mulf %gather3A_445, %get3A_518 : vector<16xf32>
      %add3A_520 = arith.addf %add3A_514, %mul3A_519 : vector<16xf32>
      %swap3A_521 = arith.index_cast %scan3A_384 : i32 to index
      %swap3A_522 = arith.constant 32 : index
      %swap3A_523 = tpu.vector_load %arg25[%swap3A_521, %swap3A_522] {strides = array<i32>} : memref<64x128xf32, #tpu.memory_space<vmem>>, vector<1x16xf32>,
      %swap3A_524 = vector.shape_cast %swap3A_523 : vector<1x16xf32> to vector<16xf32>
      %swap3A_525 = vector.shape_cast %add3A_520 : vector<16xf32> to vector<1x16xf32>
      tpu.vector_store %arg25[%swap3A_521, %swap3A_522], %swap3A_525 {strides = array<i32>} : memref<64x128xf32, #tpu.memory_space<vmem>>, vector<1x16xf32>,
      %get3A_526 = arith.index_cast %scan3A_384 : i32 to index
      %get3A_527 = arith.constant 48 : index
      %get3A_528 = tpu.vector_load %arg23[%get3A_526, %get3A_527] {strides = array<i32>} : memref<64x128xf32, #tpu.memory_space<vmem>>, vector<1x16xf32>,
      %get3A_529 = vector.shape_cast %get3A_528 : vector<1x16xf32> to vector<16xf32>
      %get3A_530 = arith.index_cast %scan3A_384 : i32 to index
      %get3A_531 = arith.constant 48 : index
      %get3A_532 = tpu.vector_load %arg17[%get3A_530, %get3A_531] {strides = array<i32>} : memref<64x128xf32, #tpu.memory_space<vmem>>, vector<1x16xf32>,
      %get3A_533 = vector.shape_cast %get3A_532 : vector<1x16xf32> to vector<16xf32>
      %mul3A_534 = arith.mulf %gather3A_415, %get3A_533 : vector<16xf32>
      %add3A_535 = arith.addf %get3A_529, %mul3A_534 : vector<16xf32>
      %get3A_536 = arith.index_cast %scan3A_384 : i32 to index
      %get3A_537 = arith.constant 48 : index
      %get3A_538 = tpu.vector_load %arg18[%get3A_536, %get3A_537] {strides = array<i32>} : memref<64x128xf32, #tpu.memory_space<vmem>>, vector<1x16xf32>,
      %get3A_539 = vector.shape_cast %get3A_538 : vector<1x16xf32> to vector<16xf32>
      %mul3A_540 = arith.mulf %gather3A_430, %get3A_539 : vector<16xf32>
      %add3A_541 = arith.addf %add3A_535, %mul3A_540 : vector<16xf32>
      %get3A_542 = arith.index_cast %scan3A_384 : i32 to index
      %get3A_543 = arith.constant 48 : index
      %get3A_544 = tpu.vector_load %arg19[%get3A_542, %get3A_543] {strides = array<i32>} : memref<64x128xf32, #tpu.memory_space<vmem>>, vector<1x16xf32>,
      %get3A_545 = vector.shape_cast %get3A_544 : vector<1x16xf32> to vector<16xf32>
      %mul3A_546 = arith.mulf %gather3A_445, %get3A_545 : vector<16xf32>
      %add3A_547 = arith.addf %add3A_541, %mul3A_546 : vector<16xf32>
      %swap3A_548 = arith.index_cast %scan3A_384 : i32 to index
      %swap3A_549 = arith.constant 48 : index
      %swap3A_550 = tpu.vector_load %arg25[%swap3A_548, %swap3A_549] {strides = array<i32>} : memref<64x128xf32, #tpu.memory_space<vmem>>, vector<1x16xf32>,
      %swap3A_551 = vector.shape_cast %swap3A_550 : vector<1x16xf32> to vector<16xf32>
      %swap3A_552 = vector.shape_cast %add3A_547 : vector<16xf32> to vector<1x16xf32>
      tpu.vector_store %arg25[%swap3A_548, %swap3A_549], %swap3A_552 {strides = array<i32>} : memref<64x128xf32, #tpu.memory_space<vmem>>, vector<1x16xf32>,
      %get3A_553 = arith.index_cast %scan3A_384 : i32 to index
      %get3A_554 = arith.constant 64 : index
      %get3A_555 = tpu.vector_load %arg23[%get3A_553, %get3A_554] {strides = array<i32>} : memref<64x128xf32, #tpu.memory_space<vmem>>, vector<1x16xf32>,
      %get3A_556 = vector.shape_cast %get3A_555 : vector<1x16xf32> to vector<16xf32>
      %get3A_557 = arith.index_cast %scan3A_384 : i32 to index
      %get3A_558 = arith.constant 64 : index
      %get3A_559 = tpu.vector_load %arg17[%get3A_557, %get3A_558] {strides = array<i32>} : memref<64x128xf32, #tpu.memory_space<vmem>>, vector<1x16xf32>,
      %get3A_560 = vector.shape_cast %get3A_559 : vector<1x16xf32> to vector<16xf32>
      %mul3A_561 = arith.mulf %gather3A_415, %get3A_560 : vector<16xf32>
      %add3A_562 = arith.addf %get3A_556, %mul3A_561 : vector<16xf32>
      %get3A_563 = arith.index_cast %scan3A_384 : i32 to index
      %get3A_564 = arith.constant 64 : index
      %get3A_565 = tpu.vector_load %arg18[%get3A_563, %get3A_564] {strides = array<i32>} : memref<64x128xf32, #tpu.memory_space<vmem>>, vector<1x16xf32>,
      %get3A_566 = vector.shape_cast %get3A_565 : vector<1x16xf32> to vector<16xf32>
      %mul3A_567 = arith.mulf %gather3A_430, %get3A_566 : vector<16xf32>
      %add3A_568 = arith.addf %add3A_562, %mul3A_567 : vector<16xf32>
      %get3A_569 = arith.index_cast %scan3A_384 : i32 to index
      %get3A_570 = arith.constant 64 : index
      %get3A_571 = tpu.vector_load %arg19[%get3A_569, %get3A_570] {strides = array<i32>} : memref<64x128xf32, #tpu.memory_space<vmem>>, vector<1x16xf32>,
      %get3A_572 = vector.shape_cast %get3A_571 : vector<1x16xf32> to vector<16xf32>
      %mul3A_573 = arith.mulf %gather3A_445, %get3A_572 : vector<16xf32>
      %add3A_574 = arith.addf %add3A_568, %mul3A_573 : vector<16xf32>
      %swap3A_575 = arith.index_cast %scan3A_384 : i32 to index
      %swap3A_576 = arith.constant 64 : index
      %swap3A_577 = tpu.vector_load %arg25[%swap3A_575, %swap3A_576] {strides = array<i32>} : memref<64x128xf32, #tpu.memory_space<vmem>>, vector<1x16xf32>,
      %swap3A_578 = vector.shape_cast %swap3A_577 : vector<1x16xf32> to vector<16xf32>
      %swap3A_579 = vector.shape_cast %add3A_574 : vector<16xf32> to vector<1x16xf32>
      tpu.vector_store %arg25[%swap3A_575, %swap3A_576], %swap3A_579 {strides = array<i32>} : memref<64x128xf32, #tpu.memory_space<vmem>>, vector<1x16xf32>,
      %get3A_580 = arith.index_cast %scan3A_384 : i32 to index
      %get3A_581 = arith.constant 80 : index
      %get3A_582 = tpu.vector_load %arg23[%get3A_580, %get3A_581] {strides = array<i32>} : memref<64x128xf32, #tpu.memory_space<vmem>>, vector<1x16xf32>,
      %get3A_583 = vector.shape_cast %get3A_582 : vector<1x16xf32> to vector<16xf32>
      %get3A_584 = arith.index_cast %scan3A_384 : i32 to index
      %get3A_585 = arith.constant 80 : index
      %get3A_586 = tpu.vector_load %arg17[%get3A_584, %get3A_585] {strides = array<i32>} : memref<64x128xf32, #tpu.memory_space<vmem>>, vector<1x16xf32>,
      %get3A_587 = vector.shape_cast %get3A_586 : vector<1x16xf32> to vector<16xf32>
      %mul3A_588 = arith.mulf %gather3A_415, %get3A_587 : vector<16xf32>
      %add3A_589 = arith.addf %get3A_583, %mul3A_588 : vector<16xf32>
      %get3A_590 = arith.index_cast %scan3A_384 : i32 to index
      %get3A_591 = arith.constant 80 : index
      %get3A_592 = tpu.vector_load %arg18[%get3A_590, %get3A_591] {strides = array<i32>} : memref<64x128xf32, #tpu.memory_space<vmem>>, vector<1x16xf32>,
      %get3A_593 = vector.shape_cast %get3A_592 : vector<1x16xf32> to vector<16xf32>
      %mul3A_594 = arith.mulf %gather3A_430, %get3A_593 : vector<16xf32>
      %add3A_595 = arith.addf %add3A_589, %mul3A_594 : vector<16xf32>
      %get3A_596 = arith.index_cast %scan3A_384 : i32 to index
      %get3A_597 = arith.constant 80 : index
      %get3A_598 = tpu.vector_load %arg19[%get3A_596, %get3A_597] {strides = array<i32>} : memref<64x128xf32, #tpu.memory_space<vmem>>, vector<1x16xf32>,
      %get3A_599 = vector.shape_cast %get3A_598 : vector<1x16xf32> to vector<16xf32>
      %mul3A_600 = arith.mulf %gather3A_445, %get3A_599 : vector<16xf32>
      %add3A_601 = arith.addf %add3A_595, %mul3A_600 : vector<16xf32>
      %swap3A_602 = arith.index_cast %scan3A_384 : i32 to index
      %swap3A_603 = arith.constant 80 : index
      %swap3A_604 = tpu.vector_load %arg25[%swap3A_602, %swap3A_603] {strides = array<i32>} : memref<64x128xf32, #tpu.memory_space<vmem>>, vector<1x16xf32>,
      %swap3A_605 = vector.shape_cast %swap3A_604 : vector<1x16xf32> to vector<16xf32>
      %swap3A_606 = vector.shape_cast %add3A_601 : vector<16xf32> to vector<1x16xf32>
      tpu.vector_store %arg25[%swap3A_602, %swap3A_603], %swap3A_606 {strides = array<i32>} : memref<64x128xf32, #tpu.memory_space<vmem>>, vector<1x16xf32>,
      %get3A_607 = arith.index_cast %scan3A_384 : i32 to index
      %get3A_608 = arith.constant 96 : index
      %get3A_609 = tpu.vector_load %arg23[%get3A_607, %get3A_608] {strides = array<i32>} : memref<64x128xf32, #tpu.memory_space<vmem>>, vector<1x16xf32>,
      %get3A_610 = vector.shape_cast %get3A_609 : vector<1x16xf32> to vector<16xf32>
      %get3A_611 = arith.index_cast %scan3A_384 : i32 to index
      %get3A_612 = arith.constant 96 : index
      %get3A_613 = tpu.vector_load %arg17[%get3A_611, %get3A_612] {strides = array<i32>} : memref<64x128xf32, #tpu.memory_space<vmem>>, vector<1x16xf32>,
      %get3A_614 = vector.shape_cast %get3A_613 : vector<1x16xf32> to vector<16xf32>
      %mul3A_615 = arith.mulf %gather3A_415, %get3A_614 : vector<16xf32>
      %add3A_616 = arith.addf %get3A_610, %mul3A_615 : vector<16xf32>
      %get3A_617 = arith.index_cast %scan3A_384 : i32 to index
      %get3A_618 = arith.constant 96 : index
      %get3A_619 = tpu.vector_load %arg18[%get3A_617, %get3A_618] {strides = array<i32>} : memref<64x128xf32, #tpu.memory_space<vmem>>, vector<1x16xf32>,
      %get3A_620 = vector.shape_cast %get3A_619 : vector<1x16xf32> to vector<16xf32>
      %mul3A_621 = arith.mulf %gather3A_430, %get3A_620 : vector<16xf32>
      %add3A_622 = arith.addf %add3A_616, %mul3A_621 : vector<16xf32>
      %get3A_623 = arith.index_cast %scan3A_384 : i32 to index
      %get3A_624 = arith.constant 96 : index
      %get3A_625 = tpu.vector_load %arg19[%get3A_623, %get3A_624] {strides = array<i32>} : memref<64x128xf32, #tpu.memory_space<vmem>>, vector<1x16xf32>,
      %get3A_626 = vector.shape_cast %get3A_625 : vector<1x16xf32> to vector<16xf32>
      %mul3A_627 = arith.mulf %gather3A_445, %get3A_626 : vector<16xf32>
      %add3A_628 = arith.addf %add3A_622, %mul3A_627 : vector<16xf32>
      %swap3A_629 = arith.index_cast %scan3A_384 : i32 to index
      %swap3A_630 = arith.constant 96 : index
      %swap3A_631 = tpu.vector_load %arg25[%swap3A_629, %swap3A_630] {strides = array<i32>} : memref<64x128xf32, #tpu.memory_space<vmem>>, vector<1x16xf32>,
      %swap3A_632 = vector.shape_cast %swap3A_631 : vector<1x16xf32> to vector<16xf32>
      %swap3A_633 = vector.shape_cast %add3A_628 : vector<16xf32> to vector<1x16xf32>
      tpu.vector_store %arg25[%swap3A_629, %swap3A_630], %swap3A_633 {strides = array<i32>} : memref<64x128xf32, #tpu.memory_space<vmem>>, vector<1x16xf32>,
      %get3A_634 = arith.index_cast %scan3A_384 : i32 to index
      %get3A_635 = arith.constant 112 : index
      %get3A_636 = tpu.vector_load %arg23[%get3A_634, %get3A_635] {strides = array<i32>} : memref<64x128xf32, #tpu.memory_space<vmem>>, vector<1x16xf32>,
      %get3A_637 = vector.shape_cast %get3A_636 : vector<1x16xf32> to vector<16xf32>
      %get3A_638 = arith.index_cast %scan3A_384 : i32 to index
      %get3A_639 = arith.constant 112 : index
      %get3A_640 = tpu.vector_load %arg17[%get3A_638, %get3A_639] {strides = array<i32>} : memref<64x128xf32, #tpu.memory_space<vmem>>, vector<1x16xf32>,
      %get3A_641 = vector.shape_cast %get3A_640 : vector<1x16xf32> to vector<16xf32>
      %mul3A_642 = arith.mulf %gather3A_415, %get3A_641 : vector<16xf32>
      %add3A_643 = arith.addf %get3A_637, %mul3A_642 : vector<16xf32>
      %get3A_644 = arith.index_cast %scan3A_384 : i32 to index
      %get3A_645 = arith.constant 112 : index
      %get3A_646 = tpu.vector_load %arg18[%get3A_644, %get3A_645] {strides = array<i32>} : memref<64x128xf32, #tpu.memory_space<vmem>>, vector<1x16xf32>,
      %get3A_647 = vector.shape_cast %get3A_646 : vector<1x16xf32> to vector<16xf32>
      %mul3A_648 = arith.mulf %gather3A_430, %get3A_647 : vector<16xf32>
      %add3A_649 = arith.addf %add3A_643, %mul3A_648 : vector<16xf32>
      %get3A_650 = arith.index_cast %scan3A_384 : i32 to index
      %get3A_651 = arith.constant 112 : index
      %get3A_652 = tpu.vector_load %arg19[%get3A_650, %get3A_651] {strides = array<i32>} : memref<64x128xf32, #tpu.memory_space<vmem>>, vector<1x16xf32>,
      %get3A_653 = vector.shape_cast %get3A_652 : vector<1x16xf32> to vector<16xf32>
      %mul3A_654 = arith.mulf %gather3A_445, %get3A_653 : vector<16xf32>
      %add3A_655 = arith.addf %add3A_649, %mul3A_654 : vector<16xf32>
      %swap3A_656 = arith.index_cast %scan3A_384 : i32 to index
      %swap3A_657 = arith.constant 112 : index
      %swap3A_658 = tpu.vector_load %arg25[%swap3A_656, %swap3A_657] {strides = array<i32>} : memref<64x128xf32, #tpu.memory_space<vmem>>, vector<1x16xf32>,
      %swap3A_659 = vector.shape_cast %swap3A_658 : vector<1x16xf32> to vector<16xf32>
      %swap3A_660 = vector.shape_cast %add3A_655 : vector<16xf32> to vector<1x16xf32>
      tpu.vector_store %arg25[%swap3A_656, %swap3A_657], %swap3A_660 {strides = array<i32>} : memref<64x128xf32, #tpu.memory_space<vmem>>, vector<1x16xf32>,
    }
    %scan3A_354 = arith.constant 64 : i32
    %add3A_355 = arith.constant 384 : i32
    %add3A_356 = arith.addi %mul3A_2, %add3A_355 : i32
    "tpu.region"() ({
      %run_scoped3A = tpu.sem_alloc : memref<!tpu.dma_semaphore, #tpu.memory_space<semaphore_mem>>
      %dma_start3A_384 = arith.constant 0 : i32
      %dma_start3A_385 = tpu.memref_slice %arg10[%add3A_356, %dma_start3A_384] : memref<16384x128xf32, #tpu.memory_space<hbm>> -> memref<64x128xf32, #tpu.memory_space<hbm>>
      %dma_start3A_386 = arith.constant 0 : i32
      %dma_start3A_387 = tpu.memref_slice %arg10[%add3A_356, %dma_start3A_386] : memref<16384x128xf32, #tpu.memory_space<hbm>> -> memref<64x128xf32, #tpu.memory_space<hbm>>
      tpu.enqueue_dma source(%arg25 : memref<64x128xf32, #tpu.memory_space<vmem>>) target(%dma_start3A_387 : memref<64x128xf32, #tpu.memory_space<hbm>>) target_semaphore(%run_scoped3A : memref<!tpu.dma_semaphore, #tpu.memory_space<semaphore_mem>>)
      %dma_wait3A_388 = arith.constant 0 : i32
      %dma_wait3A_389 = tpu.memref_slice %arg10[%add3A_356, %dma_wait3A_388] : memref<16384x128xf32, #tpu.memory_space<hbm>> -> memref<64x128xf32, #tpu.memory_space<hbm>>
      %dma_wait3A_390 = arith.constant 0 : i32
      %dma_wait3A_391 = tpu.memref_slice %arg10[%add3A_356, %dma_wait3A_390] : memref<16384x128xf32, #tpu.memory_space<hbm>> -> memref<64x128xf32, #tpu.memory_space<hbm>>
      tpu.wait_dma2 semaphore(%run_scoped3A : memref<!tpu.dma_semaphore, #tpu.memory_space<semaphore_mem>>) src(%arg25 : memref<64x128xf32, #tpu.memory_space<vmem>>) dst(%dma_wait3A_391 : memref<64x128xf32, #tpu.memory_space<hbm>>)
      tpu.yield
    }) : () -> ()
    %dma_wait3A_357 = arith.constant 448 : i32
    %dma_wait3A_358 = tpu.memref_slice %arg11[%dma_wait3A_357] : memref<512xi32, #tpu.memory_space<vmem>> -> memref<64xi32, #tpu.memory_space<vmem>>
    %dma_wait3A_359 = arith.constant 0 : i32
    %dma_wait3A_360 = arith.constant 0 : i32
    %dma_wait3A_361 = tpu.memref_slice %arg2[%dma_wait3A_359, %dma_wait3A_360] : memref<4096x128xf32, #tpu.memory_space<hbm>> -> memref<4096x128xf32, #tpu.memory_space<hbm>>
    tpu.wait_indirect_dma semaphore(%arg27 : memref<!tpu.dma_semaphore, #tpu.memory_space<semaphore_mem>>) src(%dma_wait3A_361 : memref<4096x128xf32, #tpu.memory_space<hbm>>) dst(%arg20 : memref<64x128xf32, #tpu.memory_space<vmem>>)
    %dma_wait3A_362 = arith.constant 448 : i32
    %dma_wait3A_363 = tpu.memref_slice %arg12[%dma_wait3A_362] : memref<512xi32, #tpu.memory_space<vmem>> -> memref<64xi32, #tpu.memory_space<vmem>>
    %dma_wait3A_364 = arith.constant 0 : i32
    %dma_wait3A_365 = arith.constant 0 : i32
    %dma_wait3A_366 = tpu.memref_slice %arg2[%dma_wait3A_364, %dma_wait3A_365] : memref<4096x128xf32, #tpu.memory_space<hbm>> -> memref<4096x128xf32, #tpu.memory_space<hbm>>
    tpu.wait_indirect_dma semaphore(%arg27 : memref<!tpu.dma_semaphore, #tpu.memory_space<semaphore_mem>>) src(%dma_wait3A_366 : memref<4096x128xf32, #tpu.memory_space<hbm>>) dst(%arg21 : memref<64x128xf32, #tpu.memory_space<vmem>>)
    %dma_wait3A_367 = arith.constant 448 : i32
    %dma_wait3A_368 = tpu.memref_slice %arg13[%dma_wait3A_367] : memref<512xi32, #tpu.memory_space<vmem>> -> memref<64xi32, #tpu.memory_space<vmem>>
    %dma_wait3A_369 = arith.constant 0 : i32
    %dma_wait3A_370 = arith.constant 0 : i32
    %dma_wait3A_371 = tpu.memref_slice %arg2[%dma_wait3A_369, %dma_wait3A_370] : memref<4096x128xf32, #tpu.memory_space<hbm>> -> memref<4096x128xf32, #tpu.memory_space<hbm>>
    tpu.wait_indirect_dma semaphore(%arg27 : memref<!tpu.dma_semaphore, #tpu.memory_space<semaphore_mem>>) src(%dma_wait3A_371 : memref<4096x128xf32, #tpu.memory_space<hbm>>) dst(%arg22 : memref<64x128xf32, #tpu.memory_space<vmem>>)
    %dma_wait3A_372 = arith.constant 0 : i32
    %dma_wait3A_373 = tpu.memref_slice %arg3[%add3A_310, %dma_wait3A_372] : memref<16384x128xf32, #tpu.memory_space<hbm>> -> memref<64x128xf32, #tpu.memory_space<hbm>>
    %dma_wait3A_374 = arith.constant 0 : i32
    %dma_wait3A_375 = tpu.memref_slice %arg3[%add3A_310, %dma_wait3A_374] : memref<16384x128xf32, #tpu.memory_space<hbm>> -> memref<64x128xf32, #tpu.memory_space<hbm>>
    tpu.wait_dma2 semaphore(%arg29 : memref<!tpu.dma_semaphore, #tpu.memory_space<semaphore_mem>>) src(%dma_wait3A_375 : memref<64x128xf32, #tpu.memory_space<hbm>>) dst(%arg24 : memref<64x128xf32, #tpu.memory_space<vmem>>)
    %scan3A_376 = arith.constant 0 : i32
    %scan3A_377 = arith.constant 0 : i32
    %scan3A_378 = arith.constant 64 : i32
    %scan3A_379 = arith.addi %scan3A_377, %scan3A_378 : i32
    %scan3A_380 = arith.constant 1 : i32
    scf.for %scan3A_384 = %scan3A_377 to %scan3A_379 step %scan3A_380  : i32 {
      %jit3A = arith.constant 16 : i32
      %div3A = arith.divsi %scan3A_384, %jit3A : i32
      %sign3A = arith.constant 0 : i32
      %sign3A_385 = arith.cmpi sgt, %scan3A_384, %sign3A : i32
      %sign3A_386 = arith.extui %sign3A_385 : i1 to i32
      %sign3A_387 = arith.constant 0 : i32
      %sign3A_388 = arith.cmpi slt, %scan3A_384, %sign3A_387 : i32
      %sign3A_389 = arith.extui %sign3A_388 : i1 to i32
      %sign3A_390 = arith.subi %sign3A_386, %sign3A_389 : i32
      %sign3A_391 = arith.constant 0 : i32
      %sign3A_392 = arith.cmpi sgt, %jit3A, %sign3A_391 : i32
      %sign3A_393 = arith.extui %sign3A_392 : i1 to i32
      %sign3A_394 = arith.constant 0 : i32
      %sign3A_395 = arith.cmpi slt, %jit3A, %sign3A_394 : i32
      %sign3A_396 = arith.extui %sign3A_395 : i1 to i32
      %sign3A_397 = arith.subi %sign3A_393, %sign3A_396 : i32
      %ne3A = arith.cmpi ne, %sign3A_390, %sign3A_397 : i32
      %rem3A = arith.remsi %scan3A_384, %jit3A : i32
      %ne3A_398 = arith.constant 0 : i32
      %ne3A_399 = arith.cmpi ne, %rem3A, %ne3A_398 : i32
      %and3A = arith.andi %ne3A, %ne3A_399 : i1
      %sub3A = arith.constant 1 : i32
      %sub3A_400 = arith.subi %div3A, %sub3A : i32
      %select_n3A = arith.select %and3A, %sub3A_400, %div3A : i32
      %mul3A_401 = arith.constant 16 : i32
      %mul3A_402 = arith.muli %select_n3A, %mul3A_401 : i32
      %sub3A_403 = arith.subi %scan3A_384, %mul3A_402 : i32
      %broadcast_in_dim3A = vector.broadcast %sub3A_403 : i32 to vector<16xi32>
      %add3A_404 = arith.constant 448 : i32
      %add3A_405 = arith.addi %add3A_404, %mul3A_402 : i32
      %get3A = arith.index_cast %add3A_405 : i32 to index
      %get3A_406 = tpu.vector_load %arg14[%get3A] {strides = array<i32>} : memref<512xf32, #tpu.memory_space<vmem>>, vector<16xf32>,
      %get3A_407 = vector.shape_cast %get3A_406 : vector<16xf32> to vector<16xf32>
      %lt3A = arith.constant 0 : i32
      %lt3A_408 = vector.broadcast %lt3A : i32 to vector<16xi32>
      %lt3A_409 = arith.cmpi slt, %broadcast_in_dim3A, %lt3A_408 : vector<16xi32>
      %add3A_410 = arith.constant 16 : i32
      %add3A_411 = vector.broadcast %add3A_410 : i32 to vector<16xi32>
      %add3A_412 = arith.addi %broadcast_in_dim3A, %add3A_411 : vector<16xi32>
      %select_n3A_413 = arith.select %lt3A_409, %add3A_412, %broadcast_in_dim3A : vector<16xi1>, vector<16xi32>
      %broadcast_in_dim3A_414 = vector.shape_cast %select_n3A_413 : vector<16xi32> to vector<16x1xi32>
      %gather3A = vector.shape_cast %broadcast_in_dim3A_414 : vector<16x1xi32> to vector<16xi32>
      %gather3A_415 = tpu.dynamic_gather %get3A_407[%gather3A] in [0] : vector<16xf32>, vector<16xi32> -> vector<16xf32>
      %add3A_416 = arith.constant 448 : i32
      %add3A_417 = arith.addi %add3A_416, %mul3A_402 : i32
      %get3A_418 = arith.index_cast %add3A_417 : i32 to index
      %get3A_419 = tpu.vector_load %arg15[%get3A_418] {strides = array<i32>} : memref<512xf32, #tpu.memory_space<vmem>>, vector<16xf32>,
      %get3A_420 = vector.shape_cast %get3A_419 : vector<16xf32> to vector<16xf32>
      %lt3A_421 = arith.constant 0 : i32
      %lt3A_422 = vector.broadcast %lt3A_421 : i32 to vector<16xi32>
      %lt3A_423 = arith.cmpi slt, %broadcast_in_dim3A, %lt3A_422 : vector<16xi32>
      %add3A_424 = arith.constant 16 : i32
      %add3A_425 = vector.broadcast %add3A_424 : i32 to vector<16xi32>
      %add3A_426 = arith.addi %broadcast_in_dim3A, %add3A_425 : vector<16xi32>
      %select_n3A_427 = arith.select %lt3A_423, %add3A_426, %broadcast_in_dim3A : vector<16xi1>, vector<16xi32>
      %broadcast_in_dim3A_428 = vector.shape_cast %select_n3A_427 : vector<16xi32> to vector<16x1xi32>
      %gather3A_429 = vector.shape_cast %broadcast_in_dim3A_428 : vector<16x1xi32> to vector<16xi32>
      %gather3A_430 = tpu.dynamic_gather %get3A_420[%gather3A_429] in [0] : vector<16xf32>, vector<16xi32> -> vector<16xf32>
      %add3A_431 = arith.constant 448 : i32
      %add3A_432 = arith.addi %add3A_431, %mul3A_402 : i32
      %get3A_433 = arith.index_cast %add3A_432 : i32 to index
      %get3A_434 = tpu.vector_load %arg16[%get3A_433] {strides = array<i32>} : memref<512xf32, #tpu.memory_space<vmem>>, vector<16xf32>,
      %get3A_435 = vector.shape_cast %get3A_434 : vector<16xf32> to vector<16xf32>
      %lt3A_436 = arith.constant 0 : i32
      %lt3A_437 = vector.broadcast %lt3A_436 : i32 to vector<16xi32>
      %lt3A_438 = arith.cmpi slt, %broadcast_in_dim3A, %lt3A_437 : vector<16xi32>
      %add3A_439 = arith.constant 16 : i32
      %add3A_440 = vector.broadcast %add3A_439 : i32 to vector<16xi32>
      %add3A_441 = arith.addi %broadcast_in_dim3A, %add3A_440 : vector<16xi32>
      %select_n3A_442 = arith.select %lt3A_438, %add3A_441, %broadcast_in_dim3A : vector<16xi1>, vector<16xi32>
      %broadcast_in_dim3A_443 = vector.shape_cast %select_n3A_442 : vector<16xi32> to vector<16x1xi32>
      %gather3A_444 = vector.shape_cast %broadcast_in_dim3A_443 : vector<16x1xi32> to vector<16xi32>
      %gather3A_445 = tpu.dynamic_gather %get3A_435[%gather3A_444] in [0] : vector<16xf32>, vector<16xi32> -> vector<16xf32>
      %get3A_446 = arith.index_cast %scan3A_384 : i32 to index
      %get3A_447 = arith.constant 0 : index
      %get3A_448 = tpu.vector_load %arg24[%get3A_446, %get3A_447] {strides = array<i32>} : memref<64x128xf32, #tpu.memory_space<vmem>>, vector<1x16xf32>,
      %get3A_449 = vector.shape_cast %get3A_448 : vector<1x16xf32> to vector<16xf32>
      %get3A_450 = arith.index_cast %scan3A_384 : i32 to index
      %get3A_451 = arith.constant 0 : index
      %get3A_452 = tpu.vector_load %arg20[%get3A_450, %get3A_451] {strides = array<i32>} : memref<64x128xf32, #tpu.memory_space<vmem>>, vector<1x16xf32>,
      %get3A_453 = vector.shape_cast %get3A_452 : vector<1x16xf32> to vector<16xf32>
      %mul3A_454 = arith.mulf %gather3A_415, %get3A_453 : vector<16xf32>
      %add3A_455 = arith.addf %get3A_449, %mul3A_454 : vector<16xf32>
      %get3A_456 = arith.index_cast %scan3A_384 : i32 to index
      %get3A_457 = arith.constant 0 : index
      %get3A_458 = tpu.vector_load %arg21[%get3A_456, %get3A_457] {strides = array<i32>} : memref<64x128xf32, #tpu.memory_space<vmem>>, vector<1x16xf32>,
      %get3A_459 = vector.shape_cast %get3A_458 : vector<1x16xf32> to vector<16xf32>
      %mul3A_460 = arith.mulf %gather3A_430, %get3A_459 : vector<16xf32>
      %add3A_461 = arith.addf %add3A_455, %mul3A_460 : vector<16xf32>
      %get3A_462 = arith.index_cast %scan3A_384 : i32 to index
      %get3A_463 = arith.constant 0 : index
      %get3A_464 = tpu.vector_load %arg22[%get3A_462, %get3A_463] {strides = array<i32>} : memref<64x128xf32, #tpu.memory_space<vmem>>, vector<1x16xf32>,
      %get3A_465 = vector.shape_cast %get3A_464 : vector<1x16xf32> to vector<16xf32>
      %mul3A_466 = arith.mulf %gather3A_445, %get3A_465 : vector<16xf32>
      %add3A_467 = arith.addf %add3A_461, %mul3A_466 : vector<16xf32>
      %swap3A = arith.index_cast %scan3A_384 : i32 to index
      %swap3A_468 = arith.constant 0 : index
      %swap3A_469 = tpu.vector_load %arg25[%swap3A, %swap3A_468] {strides = array<i32>} : memref<64x128xf32, #tpu.memory_space<vmem>>, vector<1x16xf32>,
      %swap3A_470 = vector.shape_cast %swap3A_469 : vector<1x16xf32> to vector<16xf32>
      %swap3A_471 = vector.shape_cast %add3A_467 : vector<16xf32> to vector<1x16xf32>
      tpu.vector_store %arg25[%swap3A, %swap3A_468], %swap3A_471 {strides = array<i32>} : memref<64x128xf32, #tpu.memory_space<vmem>>, vector<1x16xf32>,
      %get3A_472 = arith.index_cast %scan3A_384 : i32 to index
      %get3A_473 = arith.constant 16 : index
      %get3A_474 = tpu.vector_load %arg24[%get3A_472, %get3A_473] {strides = array<i32>} : memref<64x128xf32, #tpu.memory_space<vmem>>, vector<1x16xf32>,
      %get3A_475 = vector.shape_cast %get3A_474 : vector<1x16xf32> to vector<16xf32>
      %get3A_476 = arith.index_cast %scan3A_384 : i32 to index
      %get3A_477 = arith.constant 16 : index
      %get3A_478 = tpu.vector_load %arg20[%get3A_476, %get3A_477] {strides = array<i32>} : memref<64x128xf32, #tpu.memory_space<vmem>>, vector<1x16xf32>,
      %get3A_479 = vector.shape_cast %get3A_478 : vector<1x16xf32> to vector<16xf32>
      %mul3A_480 = arith.mulf %gather3A_415, %get3A_479 : vector<16xf32>
      %add3A_481 = arith.addf %get3A_475, %mul3A_480 : vector<16xf32>
      %get3A_482 = arith.index_cast %scan3A_384 : i32 to index
      %get3A_483 = arith.constant 16 : index
      %get3A_484 = tpu.vector_load %arg21[%get3A_482, %get3A_483] {strides = array<i32>} : memref<64x128xf32, #tpu.memory_space<vmem>>, vector<1x16xf32>,
      %get3A_485 = vector.shape_cast %get3A_484 : vector<1x16xf32> to vector<16xf32>
      %mul3A_486 = arith.mulf %gather3A_430, %get3A_485 : vector<16xf32>
      %add3A_487 = arith.addf %add3A_481, %mul3A_486 : vector<16xf32>
      %get3A_488 = arith.index_cast %scan3A_384 : i32 to index
      %get3A_489 = arith.constant 16 : index
      %get3A_490 = tpu.vector_load %arg22[%get3A_488, %get3A_489] {strides = array<i32>} : memref<64x128xf32, #tpu.memory_space<vmem>>, vector<1x16xf32>,
      %get3A_491 = vector.shape_cast %get3A_490 : vector<1x16xf32> to vector<16xf32>
      %mul3A_492 = arith.mulf %gather3A_445, %get3A_491 : vector<16xf32>
      %add3A_493 = arith.addf %add3A_487, %mul3A_492 : vector<16xf32>
      %swap3A_494 = arith.index_cast %scan3A_384 : i32 to index
      %swap3A_495 = arith.constant 16 : index
      %swap3A_496 = tpu.vector_load %arg25[%swap3A_494, %swap3A_495] {strides = array<i32>} : memref<64x128xf32, #tpu.memory_space<vmem>>, vector<1x16xf32>,
      %swap3A_497 = vector.shape_cast %swap3A_496 : vector<1x16xf32> to vector<16xf32>
      %swap3A_498 = vector.shape_cast %add3A_493 : vector<16xf32> to vector<1x16xf32>
      tpu.vector_store %arg25[%swap3A_494, %swap3A_495], %swap3A_498 {strides = array<i32>} : memref<64x128xf32, #tpu.memory_space<vmem>>, vector<1x16xf32>,
      %get3A_499 = arith.index_cast %scan3A_384 : i32 to index
      %get3A_500 = arith.constant 32 : index
      %get3A_501 = tpu.vector_load %arg24[%get3A_499, %get3A_500] {strides = array<i32>} : memref<64x128xf32, #tpu.memory_space<vmem>>, vector<1x16xf32>,
      %get3A_502 = vector.shape_cast %get3A_501 : vector<1x16xf32> to vector<16xf32>
      %get3A_503 = arith.index_cast %scan3A_384 : i32 to index
      %get3A_504 = arith.constant 32 : index
      %get3A_505 = tpu.vector_load %arg20[%get3A_503, %get3A_504] {strides = array<i32>} : memref<64x128xf32, #tpu.memory_space<vmem>>, vector<1x16xf32>,
      %get3A_506 = vector.shape_cast %get3A_505 : vector<1x16xf32> to vector<16xf32>
      %mul3A_507 = arith.mulf %gather3A_415, %get3A_506 : vector<16xf32>
      %add3A_508 = arith.addf %get3A_502, %mul3A_507 : vector<16xf32>
      %get3A_509 = arith.index_cast %scan3A_384 : i32 to index
      %get3A_510 = arith.constant 32 : index
      %get3A_511 = tpu.vector_load %arg21[%get3A_509, %get3A_510] {strides = array<i32>} : memref<64x128xf32, #tpu.memory_space<vmem>>, vector<1x16xf32>,
      %get3A_512 = vector.shape_cast %get3A_511 : vector<1x16xf32> to vector<16xf32>
      %mul3A_513 = arith.mulf %gather3A_430, %get3A_512 : vector<16xf32>
      %add3A_514 = arith.addf %add3A_508, %mul3A_513 : vector<16xf32>
      %get3A_515 = arith.index_cast %scan3A_384 : i32 to index
      %get3A_516 = arith.constant 32 : index
      %get3A_517 = tpu.vector_load %arg22[%get3A_515, %get3A_516] {strides = array<i32>} : memref<64x128xf32, #tpu.memory_space<vmem>>, vector<1x16xf32>,
      %get3A_518 = vector.shape_cast %get3A_517 : vector<1x16xf32> to vector<16xf32>
      %mul3A_519 = arith.mulf %gather3A_445, %get3A_518 : vector<16xf32>
      %add3A_520 = arith.addf %add3A_514, %mul3A_519 : vector<16xf32>
      %swap3A_521 = arith.index_cast %scan3A_384 : i32 to index
      %swap3A_522 = arith.constant 32 : index
      %swap3A_523 = tpu.vector_load %arg25[%swap3A_521, %swap3A_522] {strides = array<i32>} : memref<64x128xf32, #tpu.memory_space<vmem>>, vector<1x16xf32>,
      %swap3A_524 = vector.shape_cast %swap3A_523 : vector<1x16xf32> to vector<16xf32>
      %swap3A_525 = vector.shape_cast %add3A_520 : vector<16xf32> to vector<1x16xf32>
      tpu.vector_store %arg25[%swap3A_521, %swap3A_522], %swap3A_525 {strides = array<i32>} : memref<64x128xf32, #tpu.memory_space<vmem>>, vector<1x16xf32>,
      %get3A_526 = arith.index_cast %scan3A_384 : i32 to index
      %get3A_527 = arith.constant 48 : index
      %get3A_528 = tpu.vector_load %arg24[%get3A_526, %get3A_527] {strides = array<i32>} : memref<64x128xf32, #tpu.memory_space<vmem>>, vector<1x16xf32>,
      %get3A_529 = vector.shape_cast %get3A_528 : vector<1x16xf32> to vector<16xf32>
      %get3A_530 = arith.index_cast %scan3A_384 : i32 to index
      %get3A_531 = arith.constant 48 : index
      %get3A_532 = tpu.vector_load %arg20[%get3A_530, %get3A_531] {strides = array<i32>} : memref<64x128xf32, #tpu.memory_space<vmem>>, vector<1x16xf32>,
      %get3A_533 = vector.shape_cast %get3A_532 : vector<1x16xf32> to vector<16xf32>
      %mul3A_534 = arith.mulf %gather3A_415, %get3A_533 : vector<16xf32>
      %add3A_535 = arith.addf %get3A_529, %mul3A_534 : vector<16xf32>
      %get3A_536 = arith.index_cast %scan3A_384 : i32 to index
      %get3A_537 = arith.constant 48 : index
      %get3A_538 = tpu.vector_load %arg21[%get3A_536, %get3A_537] {strides = array<i32>} : memref<64x128xf32, #tpu.memory_space<vmem>>, vector<1x16xf32>,
      %get3A_539 = vector.shape_cast %get3A_538 : vector<1x16xf32> to vector<16xf32>
      %mul3A_540 = arith.mulf %gather3A_430, %get3A_539 : vector<16xf32>
      %add3A_541 = arith.addf %add3A_535, %mul3A_540 : vector<16xf32>
      %get3A_542 = arith.index_cast %scan3A_384 : i32 to index
      %get3A_543 = arith.constant 48 : index
      %get3A_544 = tpu.vector_load %arg22[%get3A_542, %get3A_543] {strides = array<i32>} : memref<64x128xf32, #tpu.memory_space<vmem>>, vector<1x16xf32>,
      %get3A_545 = vector.shape_cast %get3A_544 : vector<1x16xf32> to vector<16xf32>
      %mul3A_546 = arith.mulf %gather3A_445, %get3A_545 : vector<16xf32>
      %add3A_547 = arith.addf %add3A_541, %mul3A_546 : vector<16xf32>
      %swap3A_548 = arith.index_cast %scan3A_384 : i32 to index
      %swap3A_549 = arith.constant 48 : index
      %swap3A_550 = tpu.vector_load %arg25[%swap3A_548, %swap3A_549] {strides = array<i32>} : memref<64x128xf32, #tpu.memory_space<vmem>>, vector<1x16xf32>,
      %swap3A_551 = vector.shape_cast %swap3A_550 : vector<1x16xf32> to vector<16xf32>
      %swap3A_552 = vector.shape_cast %add3A_547 : vector<16xf32> to vector<1x16xf32>
      tpu.vector_store %arg25[%swap3A_548, %swap3A_549], %swap3A_552 {strides = array<i32>} : memref<64x128xf32, #tpu.memory_space<vmem>>, vector<1x16xf32>,
      %get3A_553 = arith.index_cast %scan3A_384 : i32 to index
      %get3A_554 = arith.constant 64 : index
      %get3A_555 = tpu.vector_load %arg24[%get3A_553, %get3A_554] {strides = array<i32>} : memref<64x128xf32, #tpu.memory_space<vmem>>, vector<1x16xf32>,
      %get3A_556 = vector.shape_cast %get3A_555 : vector<1x16xf32> to vector<16xf32>
      %get3A_557 = arith.index_cast %scan3A_384 : i32 to index
      %get3A_558 = arith.constant 64 : index
      %get3A_559 = tpu.vector_load %arg20[%get3A_557, %get3A_558] {strides = array<i32>} : memref<64x128xf32, #tpu.memory_space<vmem>>, vector<1x16xf32>,
      %get3A_560 = vector.shape_cast %get3A_559 : vector<1x16xf32> to vector<16xf32>
      %mul3A_561 = arith.mulf %gather3A_415, %get3A_560 : vector<16xf32>
      %add3A_562 = arith.addf %get3A_556, %mul3A_561 : vector<16xf32>
      %get3A_563 = arith.index_cast %scan3A_384 : i32 to index
      %get3A_564 = arith.constant 64 : index
      %get3A_565 = tpu.vector_load %arg21[%get3A_563, %get3A_564] {strides = array<i32>} : memref<64x128xf32, #tpu.memory_space<vmem>>, vector<1x16xf32>,
      %get3A_566 = vector.shape_cast %get3A_565 : vector<1x16xf32> to vector<16xf32>
      %mul3A_567 = arith.mulf %gather3A_430, %get3A_566 : vector<16xf32>
      %add3A_568 = arith.addf %add3A_562, %mul3A_567 : vector<16xf32>
      %get3A_569 = arith.index_cast %scan3A_384 : i32 to index
      %get3A_570 = arith.constant 64 : index
      %get3A_571 = tpu.vector_load %arg22[%get3A_569, %get3A_570] {strides = array<i32>} : memref<64x128xf32, #tpu.memory_space<vmem>>, vector<1x16xf32>,
      %get3A_572 = vector.shape_cast %get3A_571 : vector<1x16xf32> to vector<16xf32>
      %mul3A_573 = arith.mulf %gather3A_445, %get3A_572 : vector<16xf32>
      %add3A_574 = arith.addf %add3A_568, %mul3A_573 : vector<16xf32>
      %swap3A_575 = arith.index_cast %scan3A_384 : i32 to index
      %swap3A_576 = arith.constant 64 : index
      %swap3A_577 = tpu.vector_load %arg25[%swap3A_575, %swap3A_576] {strides = array<i32>} : memref<64x128xf32, #tpu.memory_space<vmem>>, vector<1x16xf32>,
      %swap3A_578 = vector.shape_cast %swap3A_577 : vector<1x16xf32> to vector<16xf32>
      %swap3A_579 = vector.shape_cast %add3A_574 : vector<16xf32> to vector<1x16xf32>
      tpu.vector_store %arg25[%swap3A_575, %swap3A_576], %swap3A_579 {strides = array<i32>} : memref<64x128xf32, #tpu.memory_space<vmem>>, vector<1x16xf32>,
      %get3A_580 = arith.index_cast %scan3A_384 : i32 to index
      %get3A_581 = arith.constant 80 : index
      %get3A_582 = tpu.vector_load %arg24[%get3A_580, %get3A_581] {strides = array<i32>} : memref<64x128xf32, #tpu.memory_space<vmem>>, vector<1x16xf32>,
      %get3A_583 = vector.shape_cast %get3A_582 : vector<1x16xf32> to vector<16xf32>
      %get3A_584 = arith.index_cast %scan3A_384 : i32 to index
      %get3A_585 = arith.constant 80 : index
      %get3A_586 = tpu.vector_load %arg20[%get3A_584, %get3A_585] {strides = array<i32>} : memref<64x128xf32, #tpu.memory_space<vmem>>, vector<1x16xf32>,
      %get3A_587 = vector.shape_cast %get3A_586 : vector<1x16xf32> to vector<16xf32>
      %mul3A_588 = arith.mulf %gather3A_415, %get3A_587 : vector<16xf32>
      %add3A_589 = arith.addf %get3A_583, %mul3A_588 : vector<16xf32>
      %get3A_590 = arith.index_cast %scan3A_384 : i32 to index
      %get3A_591 = arith.constant 80 : index
      %get3A_592 = tpu.vector_load %arg21[%get3A_590, %get3A_591] {strides = array<i32>} : memref<64x128xf32, #tpu.memory_space<vmem>>, vector<1x16xf32>,
      %get3A_593 = vector.shape_cast %get3A_592 : vector<1x16xf32> to vector<16xf32>
      %mul3A_594 = arith.mulf %gather3A_430, %get3A_593 : vector<16xf32>
      %add3A_595 = arith.addf %add3A_589, %mul3A_594 : vector<16xf32>
      %get3A_596 = arith.index_cast %scan3A_384 : i32 to index
      %get3A_597 = arith.constant 80 : index
      %get3A_598 = tpu.vector_load %arg22[%get3A_596, %get3A_597] {strides = array<i32>} : memref<64x128xf32, #tpu.memory_space<vmem>>, vector<1x16xf32>,
      %get3A_599 = vector.shape_cast %get3A_598 : vector<1x16xf32> to vector<16xf32>
      %mul3A_600 = arith.mulf %gather3A_445, %get3A_599 : vector<16xf32>
      %add3A_601 = arith.addf %add3A_595, %mul3A_600 : vector<16xf32>
      %swap3A_602 = arith.index_cast %scan3A_384 : i32 to index
      %swap3A_603 = arith.constant 80 : index
      %swap3A_604 = tpu.vector_load %arg25[%swap3A_602, %swap3A_603] {strides = array<i32>} : memref<64x128xf32, #tpu.memory_space<vmem>>, vector<1x16xf32>,
      %swap3A_605 = vector.shape_cast %swap3A_604 : vector<1x16xf32> to vector<16xf32>
      %swap3A_606 = vector.shape_cast %add3A_601 : vector<16xf32> to vector<1x16xf32>
      tpu.vector_store %arg25[%swap3A_602, %swap3A_603], %swap3A_606 {strides = array<i32>} : memref<64x128xf32, #tpu.memory_space<vmem>>, vector<1x16xf32>,
      %get3A_607 = arith.index_cast %scan3A_384 : i32 to index
      %get3A_608 = arith.constant 96 : index
      %get3A_609 = tpu.vector_load %arg24[%get3A_607, %get3A_608] {strides = array<i32>} : memref<64x128xf32, #tpu.memory_space<vmem>>, vector<1x16xf32>,
      %get3A_610 = vector.shape_cast %get3A_609 : vector<1x16xf32> to vector<16xf32>
      %get3A_611 = arith.index_cast %scan3A_384 : i32 to index
      %get3A_612 = arith.constant 96 : index
      %get3A_613 = tpu.vector_load %arg20[%get3A_611, %get3A_612] {strides = array<i32>} : memref<64x128xf32, #tpu.memory_space<vmem>>, vector<1x16xf32>,
      %get3A_614 = vector.shape_cast %get3A_613 : vector<1x16xf32> to vector<16xf32>
      %mul3A_615 = arith.mulf %gather3A_415, %get3A_614 : vector<16xf32>
      %add3A_616 = arith.addf %get3A_610, %mul3A_615 : vector<16xf32>
      %get3A_617 = arith.index_cast %scan3A_384 : i32 to index
      %get3A_618 = arith.constant 96 : index
      %get3A_619 = tpu.vector_load %arg21[%get3A_617, %get3A_618] {strides = array<i32>} : memref<64x128xf32, #tpu.memory_space<vmem>>, vector<1x16xf32>,
      %get3A_620 = vector.shape_cast %get3A_619 : vector<1x16xf32> to vector<16xf32>
      %mul3A_621 = arith.mulf %gather3A_430, %get3A_620 : vector<16xf32>
      %add3A_622 = arith.addf %add3A_616, %mul3A_621 : vector<16xf32>
      %get3A_623 = arith.index_cast %scan3A_384 : i32 to index
      %get3A_624 = arith.constant 96 : index
      %get3A_625 = tpu.vector_load %arg22[%get3A_623, %get3A_624] {strides = array<i32>} : memref<64x128xf32, #tpu.memory_space<vmem>>, vector<1x16xf32>,
      %get3A_626 = vector.shape_cast %get3A_625 : vector<1x16xf32> to vector<16xf32>
      %mul3A_627 = arith.mulf %gather3A_445, %get3A_626 : vector<16xf32>
      %add3A_628 = arith.addf %add3A_622, %mul3A_627 : vector<16xf32>
      %swap3A_629 = arith.index_cast %scan3A_384 : i32 to index
      %swap3A_630 = arith.constant 96 : index
      %swap3A_631 = tpu.vector_load %arg25[%swap3A_629, %swap3A_630] {strides = array<i32>} : memref<64x128xf32, #tpu.memory_space<vmem>>, vector<1x16xf32>,
      %swap3A_632 = vector.shape_cast %swap3A_631 : vector<1x16xf32> to vector<16xf32>
      %swap3A_633 = vector.shape_cast %add3A_628 : vector<16xf32> to vector<1x16xf32>
      tpu.vector_store %arg25[%swap3A_629, %swap3A_630], %swap3A_633 {strides = array<i32>} : memref<64x128xf32, #tpu.memory_space<vmem>>, vector<1x16xf32>,
      %get3A_634 = arith.index_cast %scan3A_384 : i32 to index
      %get3A_635 = arith.constant 112 : index
      %get3A_636 = tpu.vector_load %arg24[%get3A_634, %get3A_635] {strides = array<i32>} : memref<64x128xf32, #tpu.memory_space<vmem>>, vector<1x16xf32>,
      %get3A_637 = vector.shape_cast %get3A_636 : vector<1x16xf32> to vector<16xf32>
      %get3A_638 = arith.index_cast %scan3A_384 : i32 to index
      %get3A_639 = arith.constant 112 : index
      %get3A_640 = tpu.vector_load %arg20[%get3A_638, %get3A_639] {strides = array<i32>} : memref<64x128xf32, #tpu.memory_space<vmem>>, vector<1x16xf32>,
      %get3A_641 = vector.shape_cast %get3A_640 : vector<1x16xf32> to vector<16xf32>
      %mul3A_642 = arith.mulf %gather3A_415, %get3A_641 : vector<16xf32>
      %add3A_643 = arith.addf %get3A_637, %mul3A_642 : vector<16xf32>
      %get3A_644 = arith.index_cast %scan3A_384 : i32 to index
      %get3A_645 = arith.constant 112 : index
      %get3A_646 = tpu.vector_load %arg21[%get3A_644, %get3A_645] {strides = array<i32>} : memref<64x128xf32, #tpu.memory_space<vmem>>, vector<1x16xf32>,
      %get3A_647 = vector.shape_cast %get3A_646 : vector<1x16xf32> to vector<16xf32>
      %mul3A_648 = arith.mulf %gather3A_430, %get3A_647 : vector<16xf32>
      %add3A_649 = arith.addf %add3A_643, %mul3A_648 : vector<16xf32>
      %get3A_650 = arith.index_cast %scan3A_384 : i32 to index
      %get3A_651 = arith.constant 112 : index
      %get3A_652 = tpu.vector_load %arg22[%get3A_650, %get3A_651] {strides = array<i32>} : memref<64x128xf32, #tpu.memory_space<vmem>>, vector<1x16xf32>,
      %get3A_653 = vector.shape_cast %get3A_652 : vector<1x16xf32> to vector<16xf32>
      %mul3A_654 = arith.mulf %gather3A_445, %get3A_653 : vector<16xf32>
      %add3A_655 = arith.addf %add3A_649, %mul3A_654 : vector<16xf32>
      %swap3A_656 = arith.index_cast %scan3A_384 : i32 to index
      %swap3A_657 = arith.constant 112 : index
      %swap3A_658 = tpu.vector_load %arg25[%swap3A_656, %swap3A_657] {strides = array<i32>} : memref<64x128xf32, #tpu.memory_space<vmem>>, vector<1x16xf32>,
      %swap3A_659 = vector.shape_cast %swap3A_658 : vector<1x16xf32> to vector<16xf32>
      %swap3A_660 = vector.shape_cast %add3A_655 : vector<16xf32> to vector<1x16xf32>
      tpu.vector_store %arg25[%swap3A_656, %swap3A_657], %swap3A_660 {strides = array<i32>} : memref<64x128xf32, #tpu.memory_space<vmem>>, vector<1x16xf32>,
    }
    %scan3A_381 = arith.constant 64 : i32
    %add3A_382 = arith.constant 448 : i32
    %add3A_383 = arith.addi %mul3A_2, %add3A_382 : i32
    "tpu.region"() ({
      %run_scoped3A = tpu.sem_alloc : memref<!tpu.dma_semaphore, #tpu.memory_space<semaphore_mem>>
      %dma_start3A_384 = arith.constant 0 : i32
      %dma_start3A_385 = tpu.memref_slice %arg10[%add3A_383, %dma_start3A_384] : memref<16384x128xf32, #tpu.memory_space<hbm>> -> memref<64x128xf32, #tpu.memory_space<hbm>>
      %dma_start3A_386 = arith.constant 0 : i32
      %dma_start3A_387 = tpu.memref_slice %arg10[%add3A_383, %dma_start3A_386] : memref<16384x128xf32, #tpu.memory_space<hbm>> -> memref<64x128xf32, #tpu.memory_space<hbm>>
      tpu.enqueue_dma source(%arg25 : memref<64x128xf32, #tpu.memory_space<vmem>>) target(%dma_start3A_387 : memref<64x128xf32, #tpu.memory_space<hbm>>) target_semaphore(%run_scoped3A : memref<!tpu.dma_semaphore, #tpu.memory_space<semaphore_mem>>)
      %dma_wait3A_388 = arith.constant 0 : i32
      %dma_wait3A_389 = tpu.memref_slice %arg10[%add3A_383, %dma_wait3A_388] : memref<16384x128xf32, #tpu.memory_space<hbm>> -> memref<64x128xf32, #tpu.memory_space<hbm>>
      %dma_wait3A_390 = arith.constant 0 : i32
      %dma_wait3A_391 = tpu.memref_slice %arg10[%add3A_383, %dma_wait3A_390] : memref<16384x128xf32, #tpu.memory_space<hbm>> -> memref<64x128xf32, #tpu.memory_space<hbm>>
      tpu.wait_dma2 semaphore(%run_scoped3A : memref<!tpu.dma_semaphore, #tpu.memory_space<semaphore_mem>>) src(%arg25 : memref<64x128xf32, #tpu.memory_space<vmem>>) dst(%dma_wait3A_391 : memref<64x128xf32, #tpu.memory_space<hbm>>)
      tpu.yield
    }) : () -> ()
    return
  }
}

module attributes {stable_mosaic.version = 14 : i64} {
  func.func @_knn_block(%arg0: i32, %arg1: memref<256x3xf32, #tpu.memory_space<vmem>>, %arg2: memref<256x64xf32, #tpu.memory_space<vmem>>, %arg3: memref<3x4096xf32, #tpu.memory_space<vmem>>, %arg4: memref<4096x128xf32, #tpu.memory_space<vmem>>, %arg5: memref<128x128xf32, #tpu.memory_space<vmem>>, %arg6: memref<128x64xf32, #tpu.memory_space<vmem>>, %arg7: memref<1x128xf32, #tpu.memory_space<vmem>>, %arg8: memref<256x1xi32, #tpu.memory_space<vmem>>, %arg9: memref<256x1xi32, #tpu.memory_space<vmem>>, %arg10: memref<256x1xi32, #tpu.memory_space<vmem>>, %arg11: memref<256x1xf32, #tpu.memory_space<vmem>>, %arg12: memref<256x1xf32, #tpu.memory_space<vmem>>, %arg13: memref<256x1xf32, #tpu.memory_space<vmem>>, %arg14: memref<256x128xf32, #tpu.memory_space<vmem>>, %arg15: memref<4096x128xf32, #tpu.memory_space<vmem>>) attributes {dimension_semantics = [#tpu.dimension_semantics<arbitrary>], iteration_bounds = array<i64: 64>, scalar_prefetch = 0 : i64, scratch_operands = 0 : i64, tpu.core_type = #tpu.core_type<tc>, window_params = [{transform_indices = @transform_0, window_bounds = array<i64: 256, 3>}, {transform_indices = @transform_1, window_bounds = array<i64: 256, 64>}, {pipeline_mode = #tpu.pipeline_mode<synchronous>, transform_indices = @transform_2, window_bounds = array<i64: 3, 4096>}, {pipeline_mode = #tpu.pipeline_mode<synchronous>, transform_indices = @transform_3, window_bounds = array<i64: 4096, 128>}, {pipeline_mode = #tpu.pipeline_mode<synchronous>, transform_indices = @transform_4, window_bounds = array<i64: 128, 128>}, {pipeline_mode = #tpu.pipeline_mode<synchronous>, transform_indices = @transform_5, window_bounds = array<i64: 128, 64>}, {pipeline_mode = #tpu.pipeline_mode<synchronous>, transform_indices = @transform_6, window_bounds = array<i64: 1, 128>}, {transform_indices = @transform_7, window_bounds = array<i64: 256, 1>}, {transform_indices = @transform_8, window_bounds = array<i64: 256, 1>}, {transform_indices = @transform_9, window_bounds = array<i64: 256, 1>}, {transform_indices = @transform_10, window_bounds = array<i64: 256, 1>}, {transform_indices = @transform_11, window_bounds = array<i64: 256, 1>}, {transform_indices = @transform_12, window_bounds = array<i64: 256, 1>}, {transform_indices = @transform_13, window_bounds = array<i64: 256, 128>}, {pipeline_mode = #tpu.pipeline_mode<synchronous>, transform_indices = @transform_14, window_bounds = array<i64: 4096, 128>}]} {
    %eq3A = arith.constant 0 : i32
    %eq3A_0 = arith.cmpi eq, %arg0, %eq3A : i32
    %convert_element_type3A = arith.extui %eq3A_0 : i1 to i32
    %cond3A = arith.constant 0 : i32
    %cond3A_1 = arith.cmpi ne, %convert_element_type3A, %cond3A : i32
    scf.if %cond3A_1 {
      %get3A_106 = arith.constant 0 : index
      %get3A_107 = arith.constant 0 : index
      %get3A_108 = vector.load %arg4[%get3A_106, %get3A_107] : memref<4096x128xf32, #tpu.memory_space<vmem>>, vector<4096x128xf32>
      %get3A_109 = arith.constant 0 : index
      %get3A_110 = arith.constant 0 : index
      %get3A_111 = vector.load %arg5[%get3A_109, %get3A_110] : memref<128x128xf32, #tpu.memory_space<vmem>>, vector<128x128xf32>
      %dot_general3A_112 = arith.constant dense<0.000000e+00> : vector<4096x128xf32>
      %dot_general3A_113 = tpu.matmul %get3A_108, %get3A_111, %dot_general3A_112 {dimension_numbers = #tpu.dot_dimension_numbers<[1], [1], [0], [0], [0, 0, 1, 0], [], []>, precision = #tpu.contract_precision<fp32>, transpose_lhs_hint = false} : vector<4096x128xf32>, vector<128x128xf32>, vector<4096x128xf32> -> vector<4096x128xf32>
      %swap3A_114 = arith.constant 0 : index
      %swap3A_115 = arith.constant 0 : index
      %swap3A_116 = vector.load %arg15[%swap3A_114, %swap3A_115] : memref<4096x128xf32, #tpu.memory_space<vmem>>, vector<4096x128xf32>
      tpu.vector_store %arg15[%swap3A_114, %swap3A_115], %dot_general3A_113 {strides = array<i32>} : memref<4096x128xf32, #tpu.memory_space<vmem>>, vector<4096x128xf32>,
    } else {
    }
    %get3A = arith.constant 0 : index
    %get3A_2 = arith.constant 0 : index
    %get3A_3 = vector.load %arg1[%get3A, %get3A_2] : memref<256x3xf32, #tpu.memory_space<vmem>>, vector<256x3xf32>
    %get3A_4 = arith.constant 0 : index
    %get3A_5 = arith.constant 0 : index
    %get3A_6 = vector.load %arg3[%get3A_4, %get3A_5] : memref<3x4096xf32, #tpu.memory_space<vmem>>, vector<3x4096xf32>
    %mul3A = arith.mulf %get3A_3, %get3A_3 : vector<256x3xf32>
    %reduce_sum3A = arith.constant dense<0.000000e+00> : vector<256xf32>
    %reduce_sum3A_7 = vector.multi_reduction <add>, %mul3A, %reduce_sum3A [1] : vector<256x3xf32> to vector<256xf32>
    %broadcast_in_dim3A = vector.shape_cast %reduce_sum3A_7 : vector<256xf32> to vector<256x1xf32>
    %mul3A_8 = arith.mulf %get3A_6, %get3A_6 : vector<3x4096xf32>
    %reduce_sum3A_9 = arith.constant dense<0.000000e+00> : vector<4096xf32>
    %reduce_sum3A_10 = vector.multi_reduction <add>, %mul3A_8, %reduce_sum3A_9 [0] : vector<3x4096xf32> to vector<4096xf32>
    %broadcast_in_dim3A_11 = vector.shape_cast %reduce_sum3A_10 : vector<4096xf32> to vector<1x4096xf32>
    %dot_general3A = arith.constant dense<0.000000e+00> : vector<256x4096xf32>
    %dot_general3A_12 = tpu.matmul %get3A_3, %get3A_6, %dot_general3A {dimension_numbers = #tpu.dot_dimension_numbers<[1], [0], [0], [1], [0, 0, 1, 1], [], []>, transpose_lhs_hint = false} : vector<256x3xf32>, vector<3x4096xf32>, vector<256x4096xf32> -> vector<256x4096xf32>
    %add3A = vector.broadcast %broadcast_in_dim3A : vector<256x1xf32> to vector<256x4096xf32>
    %add3A_13 = vector.broadcast %broadcast_in_dim3A_11 : vector<1x4096xf32> to vector<256x4096xf32>
    %add3A_14 = arith.addf %add3A, %add3A_13 : vector<256x4096xf32>
    %add3A_15 = arith.addf %dot_general3A_12, %dot_general3A_12 : vector<256x4096xf32>
    %sub3A = arith.subf %add3A_14, %add3A_15 : vector<256x4096xf32>
    %iota3A = tpu.iota {dimensions = array<i32: 1>} : vector<256x4096xi32>
    %reduce_min3A = arith.constant dense<0x7F800000> : vector<256xf32>
    %reduce_min3A_16 = vector.multi_reduction <minimumf>, %sub3A, %reduce_min3A [1] : vector<256x4096xf32> to vector<256xf32>
    %broadcast_in_dim3A_17 = vector.shape_cast %reduce_min3A_16 : vector<256xf32> to vector<256x1xf32>
    %eq3A_18 = vector.broadcast %broadcast_in_dim3A_17 : vector<256x1xf32> to vector<256x4096xf32>
    %eq3A_19 = arith.cmpf oeq, %sub3A, %eq3A_18 : vector<256x4096xf32>
    %jit3A = arith.constant 4096 : i32
    %broadcast_in_dim3A_20 = vector.broadcast %jit3A : i32 to vector<256x4096xi32>
    %select_n3A = arith.select %eq3A_19, %iota3A, %broadcast_in_dim3A_20 : vector<256x4096xi1>, vector<256x4096xi32>
    %reduce_min3A_21 = arith.constant dense<2147483647> : vector<256xi32>
    %reduce_min3A_22 = vector.multi_reduction <minsi>, %select_n3A, %reduce_min3A_21 [1] : vector<256x4096xi32> to vector<256xi32>
    %broadcast_in_dim3A_23 = vector.shape_cast %reduce_min3A_22 : vector<256xi32> to vector<256x1xi32>
    %swap3A = arith.constant 0 : index
    %swap3A_24 = arith.constant 0 : index
    %swap3A_25 = vector.load %arg8[%swap3A, %swap3A_24] : memref<256x1xi32, #tpu.memory_space<vmem>>, vector<256x1xi32>
    tpu.vector_store %arg8[%swap3A, %swap3A_24], %broadcast_in_dim3A_23 {strides = array<i32>} : memref<256x1xi32, #tpu.memory_space<vmem>>, vector<256x1xi32>,
    %max3A = arith.constant 1.000000e-16 : f32
    %max3A_26 = vector.broadcast %max3A : f32 to vector<256x1xf32>
    %max3A_27 = arith.maximumf %broadcast_in_dim3A_17, %max3A_26 : vector<256x1xf32>
    %div3A = arith.constant 1.000000e+00 : f32
    %div3A_28 = vector.broadcast %div3A : f32 to vector<256x1xf32>
    %div3A_29 = arith.divf %div3A_28, %max3A_27 : vector<256x1xf32>
    %jit3A_30 = arith.constant 0x7F800000 : f32
    %broadcast_in_dim3A_31 = vector.broadcast %jit3A_30 : f32 to vector<256x4096xf32>
    %select_n3A_32 = arith.select %eq3A_19, %broadcast_in_dim3A_31, %sub3A : vector<256x4096xi1>, vector<256x4096xf32>
    %reduce_min3A_33 = arith.constant dense<0x7F800000> : vector<256xf32>
    %reduce_min3A_34 = vector.multi_reduction <minimumf>, %select_n3A_32, %reduce_min3A_33 [1] : vector<256x4096xf32> to vector<256xf32>
    %broadcast_in_dim3A_35 = vector.shape_cast %reduce_min3A_34 : vector<256xf32> to vector<256x1xf32>
    %eq3A_36 = vector.broadcast %broadcast_in_dim3A_35 : vector<256x1xf32> to vector<256x4096xf32>
    %eq3A_37 = arith.cmpf oeq, %select_n3A_32, %eq3A_36 : vector<256x4096xf32>
    %jit3A_38 = arith.constant 4096 : i32
    %broadcast_in_dim3A_39 = vector.broadcast %jit3A_38 : i32 to vector<256x4096xi32>
    %select_n3A_40 = arith.select %eq3A_37, %iota3A, %broadcast_in_dim3A_39 : vector<256x4096xi1>, vector<256x4096xi32>
    %reduce_min3A_41 = arith.constant dense<2147483647> : vector<256xi32>
    %reduce_min3A_42 = vector.multi_reduction <minsi>, %select_n3A_40, %reduce_min3A_41 [1] : vector<256x4096xi32> to vector<256xi32>
    %broadcast_in_dim3A_43 = vector.shape_cast %reduce_min3A_42 : vector<256xi32> to vector<256x1xi32>
    %swap3A_44 = arith.constant 0 : index
    %swap3A_45 = arith.constant 0 : index
    %swap3A_46 = vector.load %arg9[%swap3A_44, %swap3A_45] : memref<256x1xi32, #tpu.memory_space<vmem>>, vector<256x1xi32>
    tpu.vector_store %arg9[%swap3A_44, %swap3A_45], %broadcast_in_dim3A_43 {strides = array<i32>} : memref<256x1xi32, #tpu.memory_space<vmem>>, vector<256x1xi32>,
    %max3A_47 = arith.constant 1.000000e-16 : f32
    %max3A_48 = vector.broadcast %max3A_47 : f32 to vector<256x1xf32>
    %max3A_49 = arith.maximumf %broadcast_in_dim3A_35, %max3A_48 : vector<256x1xf32>
    %div3A_50 = arith.constant 1.000000e+00 : f32
    %div3A_51 = vector.broadcast %div3A_50 : f32 to vector<256x1xf32>
    %div3A_52 = arith.divf %div3A_51, %max3A_49 : vector<256x1xf32>
    %jit3A_53 = arith.constant 0x7F800000 : f32
    %broadcast_in_dim3A_54 = vector.broadcast %jit3A_53 : f32 to vector<256x4096xf32>
    %select_n3A_55 = arith.select %eq3A_37, %broadcast_in_dim3A_54, %select_n3A_32 : vector<256x4096xi1>, vector<256x4096xf32>
    %reduce_min3A_56 = arith.constant dense<0x7F800000> : vector<256xf32>
    %reduce_min3A_57 = vector.multi_reduction <minimumf>, %select_n3A_55, %reduce_min3A_56 [1] : vector<256x4096xf32> to vector<256xf32>
    %broadcast_in_dim3A_58 = vector.shape_cast %reduce_min3A_57 : vector<256xf32> to vector<256x1xf32>
    %eq3A_59 = vector.broadcast %broadcast_in_dim3A_58 : vector<256x1xf32> to vector<256x4096xf32>
    %eq3A_60 = arith.cmpf oeq, %select_n3A_55, %eq3A_59 : vector<256x4096xf32>
    %jit3A_61 = arith.constant 4096 : i32
    %broadcast_in_dim3A_62 = vector.broadcast %jit3A_61 : i32 to vector<256x4096xi32>
    %select_n3A_63 = arith.select %eq3A_60, %iota3A, %broadcast_in_dim3A_62 : vector<256x4096xi1>, vector<256x4096xi32>
    %reduce_min3A_64 = arith.constant dense<2147483647> : vector<256xi32>
    %reduce_min3A_65 = vector.multi_reduction <minsi>, %select_n3A_63, %reduce_min3A_64 [1] : vector<256x4096xi32> to vector<256xi32>
    %broadcast_in_dim3A_66 = vector.shape_cast %reduce_min3A_65 : vector<256xi32> to vector<256x1xi32>
    %swap3A_67 = arith.constant 0 : index
    %swap3A_68 = arith.constant 0 : index
    %swap3A_69 = vector.load %arg10[%swap3A_67, %swap3A_68] : memref<256x1xi32, #tpu.memory_space<vmem>>, vector<256x1xi32>
    tpu.vector_store %arg10[%swap3A_67, %swap3A_68], %broadcast_in_dim3A_66 {strides = array<i32>} : memref<256x1xi32, #tpu.memory_space<vmem>>, vector<256x1xi32>,
    %max3A_70 = arith.constant 1.000000e-16 : f32
    %max3A_71 = vector.broadcast %max3A_70 : f32 to vector<256x1xf32>
    %max3A_72 = arith.maximumf %broadcast_in_dim3A_58, %max3A_71 : vector<256x1xf32>
    %div3A_73 = arith.constant 1.000000e+00 : f32
    %div3A_74 = vector.broadcast %div3A_73 : f32 to vector<256x1xf32>
    %div3A_75 = arith.divf %div3A_74, %max3A_72 : vector<256x1xf32>
    %add3A_76 = arith.addf %div3A_29, %div3A_52 : vector<256x1xf32>
    %add3A_77 = arith.addf %add3A_76, %div3A_75 : vector<256x1xf32>
    %div3A_78 = arith.divf %div3A_29, %add3A_77 : vector<256x1xf32>
    %swap3A_79 = arith.constant 0 : index
    %swap3A_80 = arith.constant 0 : index
    %swap3A_81 = vector.load %arg11[%swap3A_79, %swap3A_80] : memref<256x1xf32, #tpu.memory_space<vmem>>, vector<256x1xf32>
    tpu.vector_store %arg11[%swap3A_79, %swap3A_80], %div3A_78 {strides = array<i32>} : memref<256x1xf32, #tpu.memory_space<vmem>>, vector<256x1xf32>,
    %div3A_82 = arith.divf %div3A_52, %add3A_77 : vector<256x1xf32>
    %swap3A_83 = arith.constant 0 : index
    %swap3A_84 = arith.constant 0 : index
    %swap3A_85 = vector.load %arg12[%swap3A_83, %swap3A_84] : memref<256x1xf32, #tpu.memory_space<vmem>>, vector<256x1xf32>
    tpu.vector_store %arg12[%swap3A_83, %swap3A_84], %div3A_82 {strides = array<i32>} : memref<256x1xf32, #tpu.memory_space<vmem>>, vector<256x1xf32>,
    %div3A_86 = arith.divf %div3A_75, %add3A_77 : vector<256x1xf32>
    %swap3A_87 = arith.constant 0 : index
    %swap3A_88 = arith.constant 0 : index
    %swap3A_89 = vector.load %arg13[%swap3A_87, %swap3A_88] : memref<256x1xf32, #tpu.memory_space<vmem>>, vector<256x1xf32>
    tpu.vector_store %arg13[%swap3A_87, %swap3A_88], %div3A_86 {strides = array<i32>} : memref<256x1xf32, #tpu.memory_space<vmem>>, vector<256x1xf32>,
    %get3A_90 = arith.constant 0 : index
    %get3A_91 = arith.constant 0 : index
    %get3A_92 = vector.load %arg2[%get3A_90, %get3A_91] : memref<256x64xf32, #tpu.memory_space<vmem>>, vector<256x64xf32>
    %get3A_93 = arith.constant 0 : index
    %get3A_94 = arith.constant 0 : index
    %get3A_95 = vector.load %arg6[%get3A_93, %get3A_94] : memref<128x64xf32, #tpu.memory_space<vmem>>, vector<128x64xf32>
    %dot_general3A_96 = arith.constant dense<0.000000e+00> : vector<256x128xf32>
    %dot_general3A_97 = tpu.matmul %get3A_92, %get3A_95, %dot_general3A_96 {dimension_numbers = #tpu.dot_dimension_numbers<[1], [1], [0], [0], [0, 0, 1, 0], [], []>, precision = #tpu.contract_precision<fp32>, transpose_lhs_hint = false} : vector<256x64xf32>, vector<128x64xf32>, vector<256x128xf32> -> vector<256x128xf32>
    %get3A_98 = arith.constant 0 : index
    %get3A_99 = arith.constant 0 : index
    %get3A_100 = vector.load %arg7[%get3A_98, %get3A_99] : memref<1x128xf32, #tpu.memory_space<vmem>>, vector<1x128xf32>
    %add3A_101 = vector.broadcast %get3A_100 : vector<1x128xf32> to vector<256x128xf32>
    %add3A_102 = arith.addf %dot_general3A_97, %add3A_101 : vector<256x128xf32>
    %swap3A_103 = arith.constant 0 : index
    %swap3A_104 = arith.constant 0 : index
    %swap3A_105 = vector.load %arg14[%swap3A_103, %swap3A_104] : memref<256x128xf32, #tpu.memory_space<vmem>>, vector<256x128xf32>
    tpu.vector_store %arg14[%swap3A_103, %swap3A_104], %add3A_102 {strides = array<i32>} : memref<256x128xf32, #tpu.memory_space<vmem>>, vector<256x128xf32>,
    return
  }
  func.func @transform_0(%arg0: i32) -> (i32, i32) {
    %c0_i32 = arith.constant 0 : i32
    %c0_i32_0 = arith.constant 0 : i32
    return %arg0, %c0_i32 : i32, i32
  }
  func.func @transform_1(%arg0: i32) -> (i32, i32) {
    %c0_i32 = arith.constant 0 : i32
    %c0_i32_0 = arith.constant 0 : i32
    return %arg0, %c0_i32 : i32, i32
  }
  func.func @transform_2(%arg0: i32) -> (i32, i32) {
    %c0_i32 = arith.constant 0 : i32
    %c0_i32_0 = arith.constant 0 : i32
    %c0_i32_1 = arith.constant 0 : i32
    return %c0_i32, %c0_i32_0 : i32, i32
  }
  func.func @transform_3(%arg0: i32) -> (i32, i32) {
    %c0_i32 = arith.constant 0 : i32
    %c0_i32_0 = arith.constant 0 : i32
    %c0_i32_1 = arith.constant 0 : i32
    return %c0_i32, %c0_i32_0 : i32, i32
  }
  func.func @transform_4(%arg0: i32) -> (i32, i32) {
    %c0_i32 = arith.constant 0 : i32
    %c0_i32_0 = arith.constant 0 : i32
    %c0_i32_1 = arith.constant 0 : i32
    return %c0_i32, %c0_i32_0 : i32, i32
  }
  func.func @transform_5(%arg0: i32) -> (i32, i32) {
    %c0_i32 = arith.constant 0 : i32
    %c0_i32_0 = arith.constant 0 : i32
    %c0_i32_1 = arith.constant 0 : i32
    return %c0_i32, %c0_i32_0 : i32, i32
  }
  func.func @transform_6(%arg0: i32) -> (i32, i32) {
    %c0_i32 = arith.constant 0 : i32
    %c0_i32_0 = arith.constant 0 : i32
    %c0_i32_1 = arith.constant 0 : i32
    return %c0_i32, %c0_i32_0 : i32, i32
  }
  func.func @transform_7(%arg0: i32) -> (i32, i32) {
    %c0_i32 = arith.constant 0 : i32
    %c0_i32_0 = arith.constant 0 : i32
    return %arg0, %c0_i32 : i32, i32
  }
  func.func @transform_8(%arg0: i32) -> (i32, i32) {
    %c0_i32 = arith.constant 0 : i32
    %c0_i32_0 = arith.constant 0 : i32
    return %arg0, %c0_i32 : i32, i32
  }
  func.func @transform_9(%arg0: i32) -> (i32, i32) {
    %c0_i32 = arith.constant 0 : i32
    %c0_i32_0 = arith.constant 0 : i32
    return %arg0, %c0_i32 : i32, i32
  }
  func.func @transform_10(%arg0: i32) -> (i32, i32) {
    %c0_i32 = arith.constant 0 : i32
    %c0_i32_0 = arith.constant 0 : i32
    return %arg0, %c0_i32 : i32, i32
  }
  func.func @transform_11(%arg0: i32) -> (i32, i32) {
    %c0_i32 = arith.constant 0 : i32
    %c0_i32_0 = arith.constant 0 : i32
    return %arg0, %c0_i32 : i32, i32
  }
  func.func @transform_12(%arg0: i32) -> (i32, i32) {
    %c0_i32 = arith.constant 0 : i32
    %c0_i32_0 = arith.constant 0 : i32
    return %arg0, %c0_i32 : i32, i32
  }
  func.func @transform_13(%arg0: i32) -> (i32, i32) {
    %c0_i32 = arith.constant 0 : i32
    %c0_i32_0 = arith.constant 0 : i32
    return %arg0, %c0_i32 : i32, i32
  }
  func.func @transform_14(%arg0: i32) -> (i32, i32) {
    %c0_i32 = arith.constant 0 : i32
    %c0_i32_0 = arith.constant 0 : i32
    %c0_i32_1 = arith.constant 0 : i32
    return %c0_i32, %c0_i32_0 : i32, i32
  }
}

</mosaic_0001>

<sc_bundles>
// kernel: kernel.4.cloned.1.call-start
scs
__scs_entry_jumppad:
0x0: {  	(pc) =	sbr.rel $0x88, $3  }
0x1: {  	(tag) =	ssettag $0x0;
	lr =	simm.s32 $0x1  }
0x2: {  	[smem:$0x3F9A] =	sst lr;
	_ =	strace $0xD0000000  }
0x3: {  	_ = 	snop  }
0x4: {  	_ = 	snop  }
0x5: {  	_ = 	snop  }
0x6: {  	_ = 	snop  }
0x7: {  	_ = 	snop  }
__scs_overlays_trampoline_lowered:
0x8: {  	[smem:$0x3FA9] =	sst s0  }
0x9: {  	[smem:$0x3FAA] =	sst s1  }
0xa: {  	[smem:$0x3FAB] =	sst s2  }
0xb: {  	[smem:$0x3FAC] =	sst s3  }
0xc: {  	[smem:$0x3FAD] =	sst s4  }
0xd: {  	[smem:$0x3FAE] =	sst s5  }
0xe: {  	[smem:$0x3FAF] =	sst s6  }
0xf: {  	[smem:$0x3FB0] =	sst s7  }
0x10: {  	[smem:$0x3FB1] =	sst s8  }
0x11: {  	[smem:$0x3FB2] =	sst s9;
	s0 =	simm.s32 @!p0 $0x0  }
0x12: {  	s1 =	sld [smem:$0x3F98];
	s0 =	simm.s32 @p0 $0x1  }
0x13: {  	[smem:$0x3FB3] =	sst s0;
	s0 =	simm.s32 @!p1 $0x0  }
0x14: {  	s2 =	sld [smem:$0x3F97];
	s0 =	simm.s32 @p1 $0x1  }
0x15: {  	[smem:$0x3FB4] =	sst s0;
	s0 =	simm.s32 @!p2 $0x0  }
0x16: {  	s3 =	sld [smem:$0x3FDB];
	s0 =	simm.s32 @p2 $0x1  }
0x17: {  	s4 =	simm.s32 $0x1BF5;
	[smem:$0x3FB6] =	sst s0  }
0x18: {  	s0 =	sld [smem:$0x3F99];
	_ =	swait.ge [sflag:s4], $0x0  }
0x19: {  	s7 =	sld [smem:$0x3F9A]  }
0x1a: {  	s8 =	sadd.s32 $0xFFFFE003, lr  }
0x1b: {  	s9 =	sadd.s32 $0xFFFFFEF7, lr;
	s5 =	simm.s32 $0xFFFFFFFF;
	p2 =	slt.u32 s8, $0xFFFFF086  }
0x1c: {  	p1 =	slt.u32 s9, $0xF7A;
	s5 =	simm.s32 @!p2 $0x0  }
0x1d: {  	s5 =	simm.s32 @p1 $0x1;
	p0 =	seq.s32 s7, s2  }
0x1e: {  	s7 =	smul.u32 @!p0 $0xF7A, s2;
	p2 =	seq.s32 @!p0 s5, $0x0  }
0x1f: {  	s9 =	smul.u32 $0xF7A, s1;
	s8 =	simm.s32 @!p0 $0x1BF5;
	p2 =	por !p2, p0  }
0x20: {  	[sflag:s8] =	ssyncset.s32 @!p0 $0xFFFFF086;
	s6 =	sadd.s32 @!p0 s3, s7;
	s7 =	simm.s32 @!p0 $0x108  }
0x21: {  	s3 =	sadd.s32 s3, s9;
	s6 =	sadd.s32 @!p0 $0x88, s6;
	s7 =	simm.s32 @p2 $0x1082  }
0x22: {  	[simem:s7], [sflag:s8] =	dma.local @!p0 [hbm:s6], $0xF7A  }
0x23: {  	s9 =	sor.u32 $0xD0000000, s2;
	s6 =	simm.s32 $0x108;
	_ =	swait.ge @!p0 [sflag:s8], $0x0  }
0x24: {  	s3 =	sadd.s32 $0x88, s3;
	s6 =	simm.s32 @!p1 $0x1082;
	[sflag:s4] =	ssyncset.s32 $0xFFFFF086  }
0x25: {  	[simem:s6], [sflag:s4] =	dma.local [hbm:s3], $0xF7A  }
0x26: {  	[smem:$0x3F9A] =	sst s1;
	(tag) =	ssettag s2;
	_ =	strace s9  }
0x27: {  	s1 =	sld [smem:$0x3FAA]  }
0x28: {  	s2 =	sld [smem:$0x3FAB]  }
0x29: {  	s4 =	sld [smem:$0x3FAD]  }
0x2a: {  	p0 =	seq.s32 s5, $0x0;
	s5 =	sld [smem:$0x3FAE]  }
0x2b: {  	s6 =	sld [smem:$0x3FAF]  }
0x2c: {  	s7 =	sld [smem:$0x3FB0]  }
0x2d: {  	s3 =	simm.s32 $0x108;
	s8 =	sld [smem:$0x3FB1]  }
0x2e: {  	s3 =	simm.s32 @!p0 $0x1082;
	s9 =	sld [smem:$0x3FB2]  }
0x2f: {  	lr =	sadd.s32 s0, s3;
	s0 =	sld [smem:$0x3FA9]  }
0x30: {  	s3 =	sld [smem:$0x3FAC]  }
0x31: {  	[smem:$0x3FB5] =	sst s10  }
0x32: {  	s10 =	sld [smem:$0x3FB3];
	_ =	sdelay $0x3  }
0x33: {  	p0 =	seq.s32 s10, $0x1;
	s10 =	sld [smem:$0x3FB5];
	_ =	sdelay $0x3  }
0x34: {  	[smem:$0x3FB5] =	sst s10  }
0x35: {  	s10 =	sld [smem:$0x3FB4];
	_ =	sdelay $0x3  }
0x36: {  	p1 =	seq.s32 s10, $0x1;
	s10 =	sld [smem:$0x3FB5];
	_ =	sdelay $0x3  }
0x37: {  	[smem:$0x3FB5] =	sst s10  }
0x38: {  	s10 =	sld [smem:$0x3FB6]  }
0x39: {  	_ = 	snop;
	(pc) =	sbr.ind lr, $3  }
0x3a: {  	_ = 	snop  }
0x3b: {  	_ = 	snop  }
0x3c: {  	p2 =	seq.s32 s10, $0x1;
	s10 =	sld [smem:$0x3FB5]  }
0x3d: {  	_ =	shalt  }
0x3e: {  	_ =	shalt  }
0x3f: {  	_ =	shalt  }
0x40: {  	_ =	shalt  }
0x41: {  	_ =	shalt  }
0x42: {  	_ =	shalt  }
0x43: {  	_ =	shalt  }
0x44: {  	_ =	shalt  }
0x45: {  	_ =	shalt  }
0x46: {  	_ =	shalt  }
0x47: {  	_ =	shalt  }
0x48: {  	_ =	shalt  }
0x49: {  	_ =	shalt  }
0x4a: {  	_ =	shalt  }
0x4b: {  	_ =	shalt  }
0x4c: {  	_ =	shalt  }
0x4d: {  	_ =	shalt  }
0x4e: {  	_ =	shalt  }
0x4f: {  	_ =	shalt  }
0x50: {  	_ =	shalt  }
0x51: {  	_ =	shalt  }
0x52: {  	_ =	shalt  }
0x53: {  	_ =	shalt  }
0x54: {  	_ =	shalt  }
0x55: {  	_ =	shalt  }
0x56: {  	_ =	shalt  }
0x57: {  	_ =	shalt  }
0x58: {  	_ =	shalt  }
0x59: {  	_ =	shalt  }
0x5a: {  	_ =	shalt  }
0x5b: {  	_ =	shalt  }
0x5c: {  	_ =	shalt  }
0x5d: {  	_ =	shalt  }
0x5e: {  	_ =	shalt  }
0x5f: {  	_ =	shalt  }
0x60: {  	_ =	shalt  }
0x61: {  	_ =	shalt  }
0x62: {  	_ =	shalt  }
0x63: {  	_ =	shalt  }
0x64: {  	_ =	shalt  }
0x65: {  	_ =	shalt  }
0x66: {  	_ =	shalt  }
0x67: {  	_ =	shalt  }
0x68: {  	_ =	shalt  }
0x69: {  	_ =	shalt  }
0x6a: {  	_ =	shalt  }
0x6b: {  	_ =	shalt  }
0x6c: {  	_ =	shalt  }
0x6d: {  	_ =	shalt  }
0x6e: {  	_ =	shalt  }
0x6f: {  	_ =	shalt  }
0x70: {  	_ =	shalt  }
0x71: {  	_ =	shalt  }
0x72: {  	_ =	shalt  }
0x73: {  	_ =	shalt  }
0x74: {  	_ =	shalt  }
0x75: {  	_ =	shalt  }
0x76: {  	_ =	shalt  }
0x77: {  	_ =	shalt  }
0x78: {  	_ =	shalt  }
0x79: {  	_ =	shalt  }
0x7a: {  	_ =	shalt  }
0x7b: {  	_ =	shalt  }
0x7c: {  	_ =	shalt  }
0x7d: {  	_ =	shalt  }
0x7e: {  	_ =	shalt  }
0x7f: {  	_ =	shalt  }
0x80: {  	_ =	shalt  }
0x81: {  	_ =	shalt  }
0x82: {  	_ =	shalt  }
0x83: {  	_ =	shalt  }
0x84: {  	_ =	shalt  }
0x85: {  	_ =	shalt  }
0x86: {  	_ =	shalt  }
0x87: {  	_ =	shalt  }
.Lfunc_end0:
.L_simem_size_0:
called_computation_lowered:
.L_overlay_start_0:
0x88: {  	s2 =	sld [smem:$0x3FD9]  }
0x89: {  	s3 =	sld [smem:$0x3FFE];
	_ =	sdelay $0x1  }
0x8a: {  	s1 =	srdreg.scid  }
0x8b: {  	s0 =	sand.u32 $0x1, s1  }
0x8c: {  	s14 =	sshll.u32 s0, $0xA;
	s2 =	sadd.s32 s3, s2  }
0x8d: {  	s2 =	sadd.s32 s2, s14  }
0x8e: {  	[smem:$0x3FC1] =	sst s2  }
0x8f: {  	_ = 	snop  }
0x90: {  	s2 =	sld [smem:$0x3FD0];
	_ =	sdelay $0x2  }
0x91: {  	s15 =	simm.s32 $0xA;
	s4 =	simm.s32 $0x10  }
0x92: {  	[smem:s4], [sflag:s15] =	dma.local [hbm:s2], $0x1  }
0x93: {  	_ =	swait.eq [sflag:s15], $0x1  }
0x94: {  	s16 =	sld [smem:$0x10];
	[sflag:s15] =	ssyncset.done $0x0  }
0x95: {  	s17 =	sld [smem:$0x11];
	[sflag:s15] =	ssyncadd.s32 $0xFFFFFFFF  }
0x96: {  	s18 =	sld [smem:$0x12];
	(tm) =	ssettm $0x1  }
0x97: {  	s5 =	sld [smem:$0x3FFB];
	_ =	sdelay $0x3  }
0x98: {  	_ =	strace s5  }
0x99: {  	s5 =	sld [smem:$0x3FFC];
	_ =	sdelay $0x3  }
0x9a: {  	_ =	strace s5  }
0x9b: {  	s5 =	sld [smem:$0x3FFD];
	_ =	sdelay $0x3  }
0x9c: {  	_ =	strace s5  }
0x9d: {  	_ =	strace $0x8FFFFFFF  }
0x9e: {  	s19 =	sld [smem:$0x3FDB];
	_ =	sdelay $0x1  }
0x9f: {  	s6 =	simm.s32 $_scs_section_size  }
0xa0: {  	s7 =	simm.s32 $_size__tile_overlayer_lowered;
	s8 =	simm.s32 $_tile_overlayer_lowered  }
0xa1: {  	s22 =	simm.s32 $0x1BFF;
	s21 =	sshll.u32 s8, $0x1;
	s5 =	sadd.s32 s6, s19  }
0xa2: {  	s9 =	simm.s32 $0x0;
	s20 =	sshll.u32 s7, $0x1;
	s7 =	sadd.s32 s21, s5  }
0xa3: {  	[timem:s9], [sflag:s22] =	dma.local [hbm:s7], s20  }
0xa4: {  	_ =	swait.ge [sflag:s22], s20  }
0xa5: {  	s6 =	ssub.s32 $0x0, s20;
	[sflag:s22] =	ssyncset.done $0x0  }
0xa6: {  	[sflag:s22] =	ssyncadd.s32 s6;
	_ =	sdelay $0x1  }
0xa7: {  	s23 =	simm.s32 $0x1B8B  }
0xa8: {  	_ =	swait.ge [sflag:s23], $0x1  }
0xa9: {  	[sflag:s23] =	ssyncset.done $0x0  }
0xaa: {  	s25 =	simm.s32 $0x1B8E;
	s24 =	sld [smem:$0x3FFE];
	[sflag:s23] =	ssyncadd.s32 $0xFFFFFFFF  }
0xab: {  	s26 =	simm.s32 $execute0_lowered;
	[smem:$0x3FD2] =	sst s25  }
0xac: {  	s7 =	sshll.u32 s26, $0x1;
	_ =	strace $0x80000046;
	[dreg:$0x1] =	wrdreg $0xFFFFFFFF  }
0xad: {  	s28 =	simm.s32 $_size_execute0_lowered;
	s5 =	sadd.s32 s5, s7;
	[dreg:$0x0] =	wrdreg $0x0  }
0xae: {  	s7 =	sshll.u32 s28, $0x1;
	[dreg:$0x2] =	wrdreg s5  }
0xaf: {  	[dreg:$0x3] =	wrdreg s7  }
0xb0: {  	[dreg:$0x4] =	wrdreg $0xC0  }
0xb1: {  	_ =	task [dreg:s9], $0x5FFFF  }
0xb2: {  	[dreg:$0x1] =	wrdreg $0xFFFFFFFF  }
0xb3: {  	[dreg:$0x0] =	wrdreg $0x60  }
0xb4: {  	[dreg:$0x2] =	wrdreg s24  }
0xb5: {  	[dreg:$0x3] =	wrdreg s18  }
0xb6: {  	[dreg:$0x4] =	wrdreg s17  }
0xb7: {  	[dreg:$0x5] =	wrdreg s16  }
0xb8: {  	[dreg:$0x6] =	wrdreg $0x9  }
0xb9: {  	_ =	task.clear_ibuf [dreg:s9], $0x7FFFF;
	_ =	strace $0x90000046  }
0xba: {  	s29 =	simm.s32 $0x9;
	_ =	strace $0x80000048  }
0xbb: {  	_ =	swait.ge [sflag:s29], $0x1  }
0xbc: {  	[sflag:s29] =	ssyncadd.s32 $0xFFFFFFFF  }
0xbd: {  	_ =	strace $0x90000048  }
0xbe: {  	_ =	sfence  }
0xbf: {  	s30 =	sld [smem:$0x0];
	_ =	sdelay $0x2  }
0xc0: {  	s31 =	sshll.u32 s1, $0xD;
	s1 =	sshrl.u32 s1, $0x2  }
0xc1: {  	s3 =	sand.u32 $0x4000, s31;
	s1 =	sadd.s32 s1, s30  }
0xc2: {  	s0 =	sor.u32 s3, s0;
	s1 =	sshll.u32 s1, $0x11  }
0xc3: {  	s0 =	sor.u32 s1, s0  }
0xc4: {  	s0 =	sadd.s32 $0x8F2B, s0  }
0xc5: {  	[sflag:s0] =	ssyncadd.remote.s32 $0x1  }
0xc6: {  	_ =	sfence.sel $0xFFFF  }
0xc7: {  	[dreg:$0x0] =	wrdreg $0xFFFFFFFF;
	(pc) =	sbr.abs _section_cstart, $3  }
0xc8: {  	[dreg:$0x1] =	wrdreg $0xFFFFFFFF  }
0xc9: {  	_ =	task.clear_ibuf [dreg:s9], $0x2FFFF;
	_ =	strace $0x9FFFFFFF  }
0xca: {  	(tm) =	ssettm $0x7FFFFFFF  }
0xcb: {  	_ =	shalt  }
tec
execute0_lowered:
.L_overlay_start_1:
0x0: {  	(tag) =	ssettag $0x1  }
0x1: {  	s0 =	rddreg [dreg:$0x0]  }
0x2: {  	s1 =	rddreg [dreg:$0x1]  }
0x3: {  	s4 =	rddreg [dreg:$0x2]  }
0x4: {  	s5 =	rddreg [dreg:$0x3];
	s3 =	srdreg.scid  }
0x5: {  	s2 =	simm.s32 $0x0;
	s6 =	stileid.u32;
	s28 =	simm.s32 $0x5  }
0x6: {  	s31 =	simm.s32 $0x40;
	s29 =	simm.s32 $0x4C00;
	s30 =	simm.s32 $0xCC00  }
0x7: {  	s3 =	sand.u32 $0x1, s3;
	[smem:$0x7FF] =	sst s2;
	s6 =	sshll.u32 s6, $0xA  }
0x8: {  	s10 =	sadd.s32 $0x141400, s0;
	s7 =	sshll.u32 s3, $0x9;
	s24 =	ssub.s32 $0x2, s3  }
0x9: {  	_ =	strace $0x80000047;
	s6 =	sor.u32 s7, s6;
	s9 =	sshrl.u32 s24, $0x1  }
0xa: {  	s3 =	sadd.s32 $0x1400, s0;
	s8 =	sshrl.u32 s6, $0x3;
	s7 =	ssub.s32 s24, s9  }
0xb: {  	s26 =	sshll.u32 s6, $0x4;
	s0 =	sadd.s32 s8, s0;
	s1 =	sadd.s32 s1, s8  }
0xc: {  	s25 =	sadd.s32 s4, s8;
	s11 =	sadd.s32 s10, s26;
	[dreg:$0x5] =	wrdreg s1  }
0xd: {  	s12 =	sor.u32 $0x400, s26;
	s14 =	sadd.s32 s5, s26;
	[dreg:$0x6] =	wrdreg s25  }
0xe: {  	s15 =	sor.u32 $0x800, s26;
	s17 =	sor.u32 $0xC00, s26;
	[dreg:$0x8] =	wrdreg s11  }
0xf: {  	s19 =	sor.u32 $0x1000, s26;
	s9 =	sadd.s32 $0x11400, s0;
	[dreg:$0xa] =	wrdreg s14  }
0x10: {  	s21 =	sor.u32 $0x1400, s26;
	s13 =	sadd.s32 s10, s12;
	[dreg:$0x7] =	wrdreg s9  }
0x11: {  	s23 =	sor.u32 $0x1800, s26;
	s16 =	sadd.s32 s10, s15;
	[dreg:$0x9] =	wrdreg s13  }
0x12: {  	s8 =	simm.s32 $0x1;
	s4 =	sadd.s32 s5, s12;
	[dreg:$0xb] =	wrdreg s16  }
0x13: {  	s18 =	sadd.s32 s10, s17;
	s6 =	sadd.s32 s5, s15;
	[dreg:$0xc] =	wrdreg s4  }
0x14: {  	s20 =	sadd.s32 s10, s19;
	s22 =	sadd.s32 s10, s21;
	[dreg:$0xd] =	wrdreg s18  }
0x15: {  	s24 =	sadd.s32 s10, s23;
	s1 =	sor.u32 $0x1C00, s26;
	[dreg:$0xe] =	wrdreg s6  }
0x16: {  	s26 =	sadd.s32 s5, s23;
	s23 =	sadd.s32 $0x11C00, s0;
	[dreg:$0xf] =	wrdreg s20  }
0x17: {  	s11 =	simm.s32 $0x2;
	s12 =	simm.s32 $0x4;
	[dreg:$0x11] =	wrdreg s22  }
0x18: {  	s4 =	sadd.s32 s5, s17;
	s6 =	sadd.s32 s5, s19;
	[dreg:$0x13] =	wrdreg s24  }
0x19: {  	s25 =	sadd.s32 s10, s1;
	[dreg:$0x16] =	wrdreg s26;
	s1 =	sadd.s32 s5, s1  }
0x1a: {  	s24 =	sadd.s32 $0x12400, s0;
	s26 =	smax.u32 s7, $0x1;
	[dreg:$0x10] =	wrdreg s4  }
0x1b: {  	s7 =	simm.s32 $0xEC00;
	s9 =	simm.s32 $0x3;
	[dreg:$0x12] =	wrdreg s6  }
0x1c: {  	s10 =	simm.s32 $0x10C00;
	s13 =	simm.s32 $0x0;
	[dreg:$0x15] =	wrdreg s25  }
0x1d: {  	s4 =	sadd.s32 s5, s21;
	[dreg:$0x17] =	wrdreg s1;
	s25 =	sadd.s32 $0x12C00, s0  }
0x1e: {  	s0 =	simm.s32 $0xC00;
	s1 =	simm.s32 $0x2C00;
	s5 =	simm.s32 $0x8C00  }
0x1f: {  	s6 =	simm.s32 $0xAC00;
	[dreg:$0x14] =	wrdreg s4;
	s4 =	simm.s32 $0x6C00  }
.LBB2_1:
0x20: {  	s14 =	rddreg [dreg:$0x5]  }
0x21: {  	[tilespmem:s2], [sflag:$0x5] =	stream.linear.gather [hbm4b:s14+s2], $0x200, $0x38;
	[tilespmem:$0x12C00] =	vst v63  }
0x22: {  	_ =	swait.ge [sflag:s28], $0x200  }
0x23: {  	[sflag:s28] =	ssyncset.done $0x0  }
0x24: {  	s15 =	simm.s32 $0x200;
	s20 =	rddreg [dreg:$0x6];
	[sflag:s28] =	ssyncadd.s32 $0xFFFFFE00  }
0x25: {  	[tilespmem:s15], [sflag:$0x5] =	stream.linear.gather [hbm4b:s20+s2], $0x200, $0x38;
	[tilespmem:$0x12C00] =	vst v63  }
0x26: {  	_ =	swait.ge [sflag:s28], $0x200  }
0x27: {  	[sflag:s28] =	ssyncset.done $0x0  }
0x28: {  	s16 =	simm.s32 $0x400;
	s21 =	rddreg [dreg:$0x7];
	[sflag:s28] =	ssyncadd.s32 $0xFFFFFE00  }
0x29: {  	[tilespmem:s16], [sflag:$0x5] =	stream.linear.gather [hbm4b:s21+s2], $0x200, $0x38;
	[tilespmem:$0x12C00] =	vst v63  }
0x2a: {  	_ =	swait.ge [sflag:s28], $0x200  }
0x2b: {  	[sflag:s28] =	ssyncset.done $0x0  }
0x2c: {  	s22 =	simm.s32 $0x600;
	[sflag:s28] =	ssyncadd.s32 $0xFFFFFE00  }
0x2d: {  	[tilespmem:s22], [sflag:$0x5] =	stream.linear.gather [hbm4b:s23+s2], $0x200, $0x38;
	[tilespmem:$0x12C00] =	vst v63  }
0x2e: {  	_ =	swait.ge [sflag:s28], $0x200  }
0x2f: {  	[sflag:s28] =	ssyncset.done $0x0  }
0x30: {  	s17 =	simm.s32 $0x800;
	[sflag:s28] =	ssyncadd.s32 $0xFFFFFE00  }
0x31: {  	[tilespmem:s17], [sflag:$0x5] =	stream.linear.gather [hbm4b:s24+s2], $0x200, $0x38;
	[tilespmem:$0x12C00] =	vst v63  }
0x32: {  	_ =	swait.ge [sflag:s28], $0x200  }
0x33: {  	[sflag:s28] =	ssyncset.done $0x0  }
0x34: {  	s18 =	simm.s32 $0xA00;
	[sflag:s28] =	ssyncadd.s32 $0xFFFFFE00  }
0x35: {  	[tilespmem:s18], [sflag:$0x5] =	stream.linear.gather [hbm4b:s25+s2], $0x200, $0x38;
	[tilespmem:$0x12C00] =	vst v63  }
0x36: {  	_ =	swait.ge [sflag:s28], $0x200  }
0x37: {  	[sflag:s28] =	ssyncset.done $0x0  }
0x38: {  	[sflag:s28] =	ssyncadd.s32 $0xFFFFFE00  }
0x39: {  	[tilespmem:s0], [sflag:$0x1] =	stream.indirect.gather [hbm4b:s3+s31], $0x80, s2, s31, $0xb8;
	[tilespmem:$0x12C00] =	vst v63  }
0x3a: {  	_ = 	snop  }
0x3b: {  	[tilespmem:s1], [sflag:$0x1] =	stream.indirect.gather [hbm4b:s3+s31], $0x80, s15, s31, $0xb8;
	[tilespmem:$0x12C00] =	vst v63  }
0x3c: {  	_ = 	snop  }
0x3d: {  	[tilespmem:s29], [sflag:$0x1] =	stream.indirect.gather [hbm4b:s3+s31], $0x80, s16, s31, $0xb8;
	[tilespmem:$0x12C00] =	vst v63  }
0x3e: {  	s19 =	rddreg [dreg:$0x8]  }
0x3f: {  	[tilespmem:s30], [sflag:$0x3] =	stream.linear.gather [hbm4b:s19+s2], $0x2000, $0x38;
	[tilespmem:$0x12C00] =	vst v63  }
0x40: {  	_ = 	snop  }
0x41: {  	[tilespmem:s4], [sflag:$0x2] =	stream.indirect.gather [hbm4b:s3+s31], $0x80, s31, s31, $0xb8;
	[tilespmem:$0x12C00] =	vst v63  }
0x42: {  	s20 =	simm.s32 $0x240  }
0x43: {  	[tilespmem:s5], [sflag:$0x2] =	stream.indirect.gather [hbm4b:s3+s31], $0x80, s20, s31, $0xb8;
	[tilespmem:$0x12C00] =	vst v63  }
0x44: {  	s21 =	simm.s32 $0x440  }
0x45: {  	[tilespmem:s6], [sflag:$0x2] =	stream.indirect.gather [hbm4b:s3+s31], $0x80, s21, s31, $0xb8;
	[tilespmem:$0x12C00] =	vst v63  }
0x46: {  	s22 =	rddreg [dreg:$0x9]  }
0x47: {  	[tilespmem:s7], [sflag:$0x4] =	stream.linear.gather [hbm4b:s22+s2], $0x2000, $0x38;
	[tilespmem:$0x12C00] =	vst v63  }
0x48: {  	_ =	swait.ge [sflag:s8], $0x2000  }
0x49: {  	[sflag:s8] =	ssyncset.done $0x0  }
0x4a: {  	[sflag:s8] =	ssyncadd.s32 $0xFFFFE000  }
0x4b: {  	_ =	swait.ge [sflag:s8], $0x2000  }
0x4c: {  	[sflag:s8] =	ssyncset.done $0x0  }
0x4d: {  	[sflag:s8] =	ssyncadd.s32 $0xFFFFE000  }
0x4e: {  	_ =	swait.ge [sflag:s8], $0x2000  }
0x4f: {  	[sflag:s8] =	ssyncset.done $0x0  }
0x50: {  	[sflag:s8] =	ssyncadd.s32 $0xFFFFE000  }
0x51: {  	_ =	swait.ge [sflag:s9], $0x2000  }
0x52: {  	[sflag:s9] =	ssyncset.done $0x0  }
0x53: {  	s14 =	simm.s32 $0x2C40;
	[sflag:s9] =	ssyncadd.s32 $0xFFFFE000  }
0x54: {  	s17 =	sand.u32 $0x30, s2;
	v0 =	vld [tilespmem:s14+$0xFFFFFFC0]  }
0x55: {  	s15 =	simm.s32 $0xC40;
	v1 =	vld [tilespmem:s17+$0x600]  }
0x56: {  	v2 =	vmov s2;
	v3 =	vld [tilespmem:s15+$0xFFFFFFC0]  }
0x57: {  	v2 =	vand.u32 $0xF, v2;
	s16 =	simm.s32 $0xCC40;
	v4 =	vld [tilespmem:s17+$0x800]  }
0x58: {  	v2 =	vbroadcast v2, $0x0;
	v5 =	vld [tilespmem:s16+$0xFFFFFFC0]  }
0x59: {  	v6 =	vld [tilespmem:s17+$0xA00]  }
0x5a: {  	s18 =	simm.s32 $0x4C40;
	v1 =	vperm.xlane v1, v2  }
0x5b: {  	v7 =	vld [tilespmem:s18+$0xFFFFFFC0]  }
0x5c: {  	v4 =	vperm.xlane v4, v2;
	v3 =	vmul.f32 v3, v1;
	_ =	sdelay $0x1  }
0x5d: {  	v2 =	vperm.xlane v6, v2;
	v0 =	vmul.f32 v0, v4;
	v3 =	vadd.f32 v3, v5;
	_ =	sdelay $0x1  }
0x5e: {  	v0 =	vadd.f32 v0, v3;
	v3 =	vmul.f32 v7, v2;
	_ =	sdelay $0x1  }
0x5f: {  	v0 =	vadd.f32 v3, v0  }
0x60: {  	s17 =	simm.s32 $0x10C40  }
0x61: {  	[tilespmem:s17+$0xFFFFFFC0] =	vst v0  }
0x62: {  	v0 =	vld [tilespmem:s15+$0xFFFFFFD0]  }
0x63: {  	v3 =	vld [tilespmem:s14+$0xFFFFFFD0]  }
0x64: {  	v48 =	vld [tilespmem:s16+$0xFFFFFFD0];
	_ =	sdelay $0x1  }
0x65: {  	v49 =	vld [tilespmem:s18+$0xFFFFFFD0]  }
0x66: {  	v0 =	vmul.f32 v0, v1;
	_ =	sdelay $0x1  }
0x67: {  	v3 =	vmul.f32 v3, v4;
	v0 =	vadd.f32 v0, v48;
	_ =	sdelay $0x1  }
0x68: {  	v0 =	vadd.f32 v3, v0;
	v3 =	vmul.f32 v49, v2;
	_ =	sdelay $0x1  }
0x69: {  	v0 =	vadd.f32 v3, v0;
	_ =	sdelay $0x1  }
0x6a: {  	[tilespmem:s17+$0xFFFFFFD0] =	vst v0  }
0x6b: {  	v0 =	vld [tilespmem:s15+$0xFFFFFFE0]  }
0x6c: {  	v3 =	vld [tilespmem:s14+$0xFFFFFFE0]  }
0x6d: {  	v50 =	vld [tilespmem:s16+$0xFFFFFFE0];
	_ =	sdelay $0x1  }
0x6e: {  	v51 =	vld [tilespmem:s18+$0xFFFFFFE0]  }
0x6f: {  	v0 =	vmul.f32 v0, v1;
	_ =	sdelay $0x1  }
0x70: {  	v3 =	vmul.f32 v3, v4;
	v0 =	vadd.f32 v0, v50;
	_ =	sdelay $0x1  }
0x71: {  	v0 =	vadd.f32 v3, v0;
	v3 =	vmul.f32 v51, v2;
	_ =	sdelay $0x1  }
0x72: {  	v0 =	vadd.f32 v3, v0;
	_ =	sdelay $0x1  }
0x73: {  	[tilespmem:s17+$0xFFFFFFE0] =	vst v0  }
0x74: {  	v0 =	vld [tilespmem:s15+$0xFFFFFFF0]  }
0x75: {  	v3 =	vld [tilespmem:s14+$0xFFFFFFF0]  }
0x76: {  	v52 =	vld [tilespmem:s16+$0xFFFFFFF0];
	_ =	sdelay $0x1  }
0x77: {  	v53 =	vld [tilespmem:s18+$0xFFFFFFF0]  }
0x78: {  	v0 =	vmul.f32 v0, v1;
	_ =	sdelay $0x1  }
0x79: {  	v3 =	vmul.f32 v3, v4;
	v0 =	vadd.f32 v0, v52;
	_ =	sdelay $0x1  }
0x7a: {  	v0 =	vadd.f32 v3, v0;
	v3 =	vmul.f32 v53, v2;
	_ =	sdelay $0x1  }
0x7b: {  	v0 =	vadd.f32 v3, v0;
	_ =	sdelay $0x1  }
0x7c: {  	[tilespmem:s17+$0xFFFFFFF0] =	vst v0  }
0x7d: {  	v0 =	vld [tilespmem:s15+$0x0]  }
0x7e: {  	v3 =	vld [tilespmem:s14+$0x0]  }
0x7f: {  	v54 =	vld [tilespmem:s16+$0x0];
	_ =	sdelay $0x1  }
0x80: {  	v55 =	vld [tilespmem:s18+$0x0]  }
0x81: {  	v0 =	vmul.f32 v0, v1;
	_ =	sdelay $0x1  }
0x82: {  	v3 =	vmul.f32 v3, v4;
	v0 =	vadd.f32 v0, v54;
	_ =	sdelay $0x1  }
0x83: {  	v0 =	vadd.f32 v3, v0;
	v3 =	vmul.f32 v55, v2;
	_ =	sdelay $0x1  }
0x84: {  	v0 =	vadd.f32 v3, v0;
	_ =	sdelay $0x1  }
0x85: {  	[tilespmem:s17+$0x0] =	vst v0  }
0x86: {  	v0 =	vld [tilespmem:s15+$0x10]  }
0x87: {  	v3 =	vld [tilespmem:s16+$0x10]  }
0x88: {  	v56 =	vld [tilespmem:s14+$0x10];
	_ =	sdelay $0x1  }
0x89: {  	v57 =	vld [tilespmem:s18+$0x10]  }
0x8a: {  	v0 =	vmul.f32 v0, v1;
	_ =	sdelay $0x1  }
0x8b: {  	v0 =	vadd.f32 v0, v3;
	v3 =	vmul.f32 v56, v4;
	_ =	sdelay $0x1  }
0x8c: {  	v58 =	vmul.f32 v57, v2;
	v0 =	vadd.f32 v3, v0;
	_ =	sdelay $0x1  }
0x8d: {  	v0 =	vadd.f32 v58, v0;
	_ =	sdelay $0x1  }
0x8e: {  	[tilespmem:s17+$0x10] =	vst v0  }
0x8f: {  	v0 =	vld [tilespmem:s15+$0x20]  }
0x90: {  	v3 =	vld [tilespmem:s16+$0x20]  }
0x91: {  	v59 =	vld [tilespmem:s14+$0x20];
	_ =	sdelay $0x1  }
0x92: {  	v60 =	vld [tilespmem:s18+$0x20]  }
0x93: {  	v0 =	vmul.f32 v0, v1;
	_ =	sdelay $0x1  }
0x94: {  	v0 =	vadd.f32 v0, v3;
	v3 =	vmul.f32 v59, v4;
	_ =	sdelay $0x1  }
0x95: {  	v61 =	vmul.f32 v60, v2;
	v0 =	vadd.f32 v3, v0;
	_ =	sdelay $0x1  }
0x96: {  	v0 =	vadd.f32 v61, v0;
	_ =	sdelay $0x1  }
0x97: {  	[tilespmem:s17+$0x20] =	vst v0  }
0x98: {  	v0 =	vld [tilespmem:s15+$0x30]  }
0x99: {  	v3 =	vld [tilespmem:s16+$0x30]  }
0x9a: {  	v62 =	vld [tilespmem:s14+$0x30];
	_ =	sdelay $0x1  }
0x9b: {  	v63 =	vld [tilespmem:s18+$0x30]  }
0x9c: {  	v0 =	vmul.f32 v0, v1;
	_ =	sdelay $0x1  }
0x9d: {  	v1 =	vmul.f32 v62, v4;
	v0 =	vadd.f32 v0, v3;
	_ =	sdelay $0x1  }
0x9e: {  	v2 =	vmul.f32 v63, v2;
	v0 =	vadd.f32 v1, v0;
	_ =	sdelay $0x1  }
0x9f: {  	s19 =	simm.s32 $0x4CC0;
	s20 =	simm.s32 $0x10CC0;
	s18 =	simm.s32 $0x1;
	v0 =	vadd.f32 v2, v0  }
.LBB2_2:
0xa0: {  	s16 =	sadd.s32 $0x80, s16;
	s15 =	sadd.s32 $0x80, s15  }
0xa1: {  	[tilespmem:s17+$0x30] =	vst v0;
	s14 =	sadd.s32 $0x80, s14;
	s21 =	smov.u32 s18;
	s17 =	smov.u32 s20  }
0xa2: {  	p0 =	sne.s32 s18, $0x3F;
	s18 =	sadd.s32 $0x1, s18;
	s22 =	sand.u32 $0x30, s21;
	v3 =	vld [tilespmem:s14+$0xFFFFFFC0]  }
0xa3: {  	v0 =	vld [tilespmem:s22+$0x600]  }
0xa4: {  	v1 =	vmov s21;
	v2 =	vld [tilespmem:s15+$0xFFFFFFC0]  }
0xa5: {  	v1 =	vand.u32 $0xF, v1;
	v4 =	vld [tilespmem:s22+$0x800]  }
0xa6: {  	v5 =	vbroadcast v1, $0x0;
	v6 =	vld [tilespmem:s16+$0xFFFFFFC0]  }
0xa7: {  	v7 =	vld [tilespmem:s22+$0xA00]  }
0xa8: {  	v0 =	vperm.xlane v0, v5  }
0xa9: {  	v8 =	vld [tilespmem:s19+$0xFFFFFFC0]  }
0xaa: {  	v1 =	vperm.xlane v4, v5;
	v4 =	vmul.f32 v2, v0;
	_ =	sdelay $0x1  }
0xab: {  	v2 =	vperm.xlane v7, v5;
	v4 =	vadd.f32 v4, v6;
	v3 =	vmul.f32 v3, v1;
	_ =	sdelay $0x1  }
0xac: {  	v3 =	vadd.f32 v3, v4;
	v4 =	vmul.f32 v8, v2;
	_ =	sdelay $0x1  }
0xad: {  	v3 =	vadd.f32 v4, v3;
	_ =	sdelay $0x1  }
0xae: {  	[tilespmem:s20+$0xFFFFFFC0] =	vst v3  }
0xaf: {  	v3 =	vld [tilespmem:s15+$0xFFFFFFD0]  }
0xb0: {  	v4 =	vld [tilespmem:s14+$0xFFFFFFD0]  }
0xb1: {  	v5 =	vld [tilespmem:s16+$0xFFFFFFD0];
	_ =	sdelay $0x1  }
0xb2: {  	v6 =	vld [tilespmem:s19+$0xFFFFFFD0]  }
0xb3: {  	v3 =	vmul.f32 v3, v0  }
0xb4: {  	v4 =	vmul.f32 v4, v1  }
0xb5: {  	v3 =	vadd.f32 v3, v5;
	_ =	sdelay $0x1  }
0xb6: {  	v3 =	vadd.f32 v4, v3;
	v4 =	vmul.f32 v6, v2;
	_ =	sdelay $0x1  }
0xb7: {  	v3 =	vadd.f32 v4, v3;
	_ =	sdelay $0x1  }
0xb8: {  	[tilespmem:s20+$0xFFFFFFD0] =	vst v3  }
0xb9: {  	v3 =	vld [tilespmem:s15+$0xFFFFFFE0]  }
0xba: {  	v4 =	vld [tilespmem:s14+$0xFFFFFFE0]  }
0xbb: {  	v5 =	vld [tilespmem:s16+$0xFFFFFFE0];
	_ =	sdelay $0x1  }
0xbc: {  	v6 =	vld [tilespmem:s19+$0xFFFFFFE0]  }
0xbd: {  	v3 =	vmul.f32 v3, v0  }
0xbe: {  	v4 =	vmul.f32 v4, v1  }
0xbf: {  	v3 =	vadd.f32 v3, v5;
	_ =	sdelay $0x1  }
0xc0: {  	v3 =	vadd.f32 v4, v3;
	v4 =	vmul.f32 v6, v2;
	_ =	sdelay $0x1  }
0xc1: {  	v3 =	vadd.f32 v4, v3;
	_ =	sdelay $0x1  }
0xc2: {  	[tilespmem:s20+$0xFFFFFFE0] =	vst v3  }
0xc3: {  	v3 =	vld [tilespmem:s15+$0xFFFFFFF0]  }
0xc4: {  	v4 =	vld [tilespmem:s14+$0xFFFFFFF0]  }
0xc5: {  	v5 =	vld [tilespmem:s16+$0xFFFFFFF0];
	_ =	sdelay $0x1  }
0xc6: {  	v6 =	vld [tilespmem:s19+$0xFFFFFFF0]  }
0xc7: {  	v3 =	vmul.f32 v3, v0  }
0xc8: {  	v4 =	vmul.f32 v4, v1  }
0xc9: {  	v3 =	vadd.f32 v3, v5;
	_ =	sdelay $0x1  }
0xca: {  	v3 =	vadd.f32 v4, v3;
	v4 =	vmul.f32 v6, v2;
	_ =	sdelay $0x1  }
0xcb: {  	v3 =	vadd.f32 v4, v3;
	_ =	sdelay $0x1  }
0xcc: {  	[tilespmem:s20+$0xFFFFFFF0] =	vst v3  }
0xcd: {  	v3 =	vld [tilespmem:s15+$0x0]  }
0xce: {  	v4 =	vld [tilespmem:s14+$0x0]  }
0xcf: {  	v5 =	vld [tilespmem:s16+$0x0];
	_ =	sdelay $0x1  }
0xd0: {  	v6 =	vld [tilespmem:s19+$0x0]  }
0xd1: {  	v3 =	vmul.f32 v3, v0  }
0xd2: {  	v4 =	vmul.f32 v4, v1  }
0xd3: {  	v3 =	vadd.f32 v3, v5;
	_ =	sdelay $0x1  }
0xd4: {  	v3 =	vadd.f32 v4, v3;
	v4 =	vmul.f32 v6, v2;
	_ =	sdelay $0x1  }
0xd5: {  	v3 =	vadd.f32 v4, v3;
	_ =	sdelay $0x1  }
0xd6: {  	[tilespmem:s20+$0x0] =	vst v3  }
0xd7: {  	v3 =	vld [tilespmem:s15+$0x10]  }
0xd8: {  	v4 =	vld [tilespmem:s16+$0x10]  }
0xd9: {  	v5 =	vld [tilespmem:s14+$0x10]  }
0xda: {  	v6 =	vld [tilespmem:s19+$0x10];
	_ =	sdelay $0x1  }
0xdb: {  	v3 =	vmul.f32 v3, v0;
	_ =	sdelay $0x1  }
0xdc: {  	v3 =	vadd.f32 v3, v4;
	v4 =	vmul.f32 v5, v1  }
0xdd: {  	v5 =	vmul.f32 v6, v2  }
0xde: {  	v3 =	vadd.f32 v4, v3;
	_ =	sdelay $0x1  }
0xdf: {  	v3 =	vadd.f32 v5, v3;
	_ =	sdelay $0x1  }
0xe0: {  	[tilespmem:s20+$0x10] =	vst v3  }
0xe1: {  	v3 =	vld [tilespmem:s15+$0x20]  }
0xe2: {  	v4 =	vld [tilespmem:s16+$0x20]  }
0xe3: {  	v5 =	vld [tilespmem:s14+$0x20]  }
0xe4: {  	v6 =	vld [tilespmem:s19+$0x20];
	_ =	sdelay $0x1  }
0xe5: {  	v3 =	vmul.f32 v3, v0;
	_ =	sdelay $0x1  }
0xe6: {  	v3 =	vadd.f32 v3, v4;
	v4 =	vmul.f32 v5, v1  }
0xe7: {  	v5 =	vmul.f32 v6, v2  }
0xe8: {  	v3 =	vadd.f32 v4, v3;
	_ =	sdelay $0x1  }
0xe9: {  	v3 =	vadd.f32 v5, v3;
	_ =	sdelay $0x1  }
0xea: {  	[tilespmem:s20+$0x20] =	vst v3  }
0xeb: {  	v3 =	vld [tilespmem:s15+$0x30]  }
0xec: {  	v4 =	vld [tilespmem:s16+$0x30]  }
0xed: {  	v5 =	vld [tilespmem:s14+$0x30]  }
0xee: {  	v6 =	vld [tilespmem:s19+$0x30];
	_ =	sdelay $0x1  }
0xef: {  	v0 =	vmul.f32 v3, v0;
	_ =	sdelay $0x1  }
0xf0: {  	v0 =	vadd.f32 v0, v4;
	v1 =	vmul.f32 v5, v1  }
.Ltmp0:
0xf1: {  	v2 =	vmul.f32 v6, v2;
	(pc) =	sbr.rel @p0 .LBB2_2-.Ltmp0, $3  }
0xf2: {  	v0 =	vadd.f32 v1, v0;
	_ =	sdelay $0x1  }
0xf3: {  	v0 =	vadd.f32 v2, v0  }
0xf4: {  	s20 =	sadd.s32 $0x80, s20;
	s19 =	sadd.s32 $0x80, s19  }
0xf5: {  	[tilespmem:s17+$0x30] =	vst v0;
	s16 =	simm.s32 $0x0;
	s14 =	rddreg [dreg:$0xa]  }
0xf6: {  	[hbm4b:s14+s16] =	stream.linear.scatter [tilespmem:s10], [sflag:$0x5], $0x2000, $0x38;
	[tilespmem:$0x12C00] =	vst v63  }
0xf7: {  	_ =	swait.ge [sflag:s28], $0x2000  }
0xf8: {  	[sflag:s28] =	ssyncset.done $0x0  }
0xf9: {  	s18 =	simm.s32 $0x80;
	[sflag:s28] =	ssyncadd.s32 $0xFFFFE000  }
0xfa: {  	[tilespmem:s0], [sflag:$0x1] =	stream.indirect.gather [hbm4b:s3+s31], $0x80, s18, s31, $0xb8;
	[tilespmem:$0x12C00] =	vst v63  }
0xfb: {  	s19 =	simm.s32 $0x280  }
0xfc: {  	[tilespmem:s1], [sflag:$0x1] =	stream.indirect.gather [hbm4b:s3+s31], $0x80, s19, s31, $0xb8;
	[tilespmem:$0x12C00] =	vst v63  }
0xfd: {  	s20 =	simm.s32 $0x480  }
0xfe: {  	[tilespmem:s29], [sflag:$0x1] =	stream.indirect.gather [hbm4b:s3+s31], $0x80, s20, s31, $0xb8;
	[tilespmem:$0x12C00] =	vst v63  }
0xff: {  	s21 =	rddreg [dreg:$0xb]  }
0x100: {  	[tilespmem:s30], [sflag:$0x3] =	stream.linear.gather [hbm4b:s21+s16], $0x2000, $0x38;
	[tilespmem:$0x12C00] =	vst v63  }
0x101: {  	_ =	swait.ge [sflag:s11], $0x2000  }
0x102: {  	[sflag:s11] =	ssyncset.done $0x0  }
0x103: {  	[sflag:s11] =	ssyncadd.s32 $0xFFFFE000  }
0x104: {  	_ =	swait.ge [sflag:s11], $0x2000  }
0x105: {  	[sflag:s11] =	ssyncset.done $0x0  }
0x106: {  	[sflag:s11] =	ssyncadd.s32 $0xFFFFE000  }
0x107: {  	_ =	swait.ge [sflag:s11], $0x2000  }
0x108: {  	[sflag:s11] =	ssyncset.done $0x0  }
0x109: {  	[sflag:s11] =	ssyncadd.s32 $0xFFFFE000  }
0x10a: {  	_ =	swait.ge [sflag:s12], $0x2000  }
0x10b: {  	[sflag:s12] =	ssyncset.done $0x0  }
0x10c: {  	s14 =	simm.s32 $0x8C40;
	[sflag:s12] =	ssyncadd.s32 $0xFFFFE000  }
0x10d: {  	s22 =	sand.u32 $0x30, s16;
	v0 =	vld [tilespmem:s14+$0xFFFFFFC0]  }
0x10e: {  	s15 =	simm.s32 $0x6C40;
	v1 =	vld [tilespmem:s22+$0x640]  }
0x10f: {  	v2 =	vmov s16;
	v3 =	vld [tilespmem:s15+$0xFFFFFFC0]  }
0x110: {  	v2 =	vand.u32 $0xF, v2;
	s16 =	simm.s32 $0xEC40;
	v4 =	vld [tilespmem:s22+$0x840]  }
0x111: {  	v2 =	vbroadcast v2, $0x0;
	v5 =	vld [tilespmem:s16+$0xFFFFFFC0]  }
0x112: {  	v6 =	vld [tilespmem:s22+$0xA40]  }
0x113: {  	s18 =	simm.s32 $0xAC40;
	v1 =	vperm.xlane v1, v2  }
0x114: {  	v7 =	vld [tilespmem:s18+$0xFFFFFFC0]  }
0x115: {  	v4 =	vperm.xlane v4, v2;
	v3 =	vmul.f32 v3, v1;
	_ =	sdelay $0x1  }
0x116: {  	v2 =	vperm.xlane v6, v2;
	v0 =	vmul.f32 v0, v4;
	v3 =	vadd.f32 v3, v5;
	_ =	sdelay $0x1  }
0x117: {  	v0 =	vadd.f32 v0, v3;
	v3 =	vmul.f32 v7, v2;
	_ =	sdelay $0x1  }
0x118: {  	v0 =	vadd.f32 v3, v0  }
0x119: {  	s17 =	simm.s32 $0x10C40  }
0x11a: {  	[tilespmem:s17+$0xFFFFFFC0] =	vst v0  }
0x11b: {  	v0 =	vld [tilespmem:s15+$0xFFFFFFD0]  }
0x11c: {  	v3 =	vld [tilespmem:s14+$0xFFFFFFD0]  }
0x11d: {  	v48 =	vld [tilespmem:s16+$0xFFFFFFD0];
	_ =	sdelay $0x1  }
0x11e: {  	v49 =	vld [tilespmem:s18+$0xFFFFFFD0]  }
0x11f: {  	v0 =	vmul.f32 v0, v1;
	_ =	sdelay $0x1  }
0x120: {  	v3 =	vmul.f32 v3, v4;
	v0 =	vadd.f32 v0, v48;
	_ =	sdelay $0x1  }
0x121: {  	v0 =	vadd.f32 v3, v0;
	v3 =	vmul.f32 v49, v2;
	_ =	sdelay $0x1  }
0x122: {  	v0 =	vadd.f32 v3, v0;
	_ =	sdelay $0x1  }
0x123: {  	[tilespmem:s17+$0xFFFFFFD0] =	vst v0  }
0x124: {  	v0 =	vld [tilespmem:s15+$0xFFFFFFE0]  }
0x125: {  	v3 =	vld [tilespmem:s14+$0xFFFFFFE0]  }
0x126: {  	v50 =	vld [tilespmem:s16+$0xFFFFFFE0];
	_ =	sdelay $0x1  }
0x127: {  	v51 =	vld [tilespmem:s18+$0xFFFFFFE0]  }
0x128: {  	v0 =	vmul.f32 v0, v1;
	_ =	sdelay $0x1  }
0x129: {  	v3 =	vmul.f32 v3, v4;
	v0 =	vadd.f32 v0, v50;
	_ =	sdelay $0x1  }
0x12a: {  	v0 =	vadd.f32 v3, v0;
	v3 =	vmul.f32 v51, v2;
	_ =	sdelay $0x1  }
0x12b: {  	v0 =	vadd.f32 v3, v0;
	_ =	sdelay $0x1  }
0x12c: {  	[tilespmem:s17+$0xFFFFFFE0] =	vst v0  }
0x12d: {  	v0 =	vld [tilespmem:s15+$0xFFFFFFF0]  }
0x12e: {  	v3 =	vld [tilespmem:s14+$0xFFFFFFF0]  }
0x12f: {  	v52 =	vld [tilespmem:s16+$0xFFFFFFF0];
	_ =	sdelay $0x1  }
0x130: {  	v53 =	vld [tilespmem:s18+$0xFFFFFFF0]  }
0x131: {  	v0 =	vmul.f32 v0, v1;
	_ =	sdelay $0x1  }
0x132: {  	v3 =	vmul.f32 v3, v4;
	v0 =	vadd.f32 v0, v52;
	_ =	sdelay $0x1  }
0x133: {  	v0 =	vadd.f32 v3, v0;
	v3 =	vmul.f32 v53, v2;
	_ =	sdelay $0x1  }
0x134: {  	v0 =	vadd.f32 v3, v0;
	_ =	sdelay $0x1  }
0x135: {  	[tilespmem:s17+$0xFFFFFFF0] =	vst v0  }
0x136: {  	v0 =	vld [tilespmem:s15+$0x0]  }
0x137: {  	v3 =	vld [tilespmem:s14+$0x0]  }
0x138: {  	v54 =	vld [tilespmem:s16+$0x0];
	_ =	sdelay $0x1  }
0x139: {  	v55 =	vld [tilespmem:s18+$0x0]  }
0x13a: {  	v0 =	vmul.f32 v0, v1;
	_ =	sdelay $0x1  }
0x13b: {  	v3 =	vmul.f32 v3, v4;
	v0 =	vadd.f32 v0, v54;
	_ =	sdelay $0x1  }
0x13c: {  	v0 =	vadd.f32 v3, v0;
	v3 =	vmul.f32 v55, v2;
	_ =	sdelay $0x1  }
0x13d: {  	v0 =	vadd.f32 v3, v0;
	_ =	sdelay $0x1  }
0x13e: {  	[tilespmem:s17+$0x0] =	vst v0  }
0x13f: {  	v0 =	vld [tilespmem:s15+$0x10]  }
0x140: {  	v3 =	vld [tilespmem:s16+$0x10]  }
0x141: {  	v56 =	vld [tilespmem:s14+$0x10];
	_ =	sdelay $0x1  }
0x142: {  	v57 =	vld [tilespmem:s18+$0x10]  }
0x143: {  	v0 =	vmul.f32 v0, v1;
	_ =	sdelay $0x1  }
0x144: {  	v0 =	vadd.f32 v0, v3;
	v3 =	vmul.f32 v56, v4;
	_ =	sdelay $0x1  }
0x145: {  	v58 =	vmul.f32 v57, v2;
	v0 =	vadd.f32 v3, v0;
	_ =	sdelay $0x1  }
0x146: {  	v0 =	vadd.f32 v58, v0;
	_ =	sdelay $0x1  }
0x147: {  	[tilespmem:s17+$0x10] =	vst v0  }
0x148: {  	v0 =	vld [tilespmem:s15+$0x20]  }
0x149: {  	v3 =	vld [tilespmem:s16+$0x20]  }
0x14a: {  	v59 =	vld [tilespmem:s14+$0x20];
	_ =	sdelay $0x1  }
0x14b: {  	v60 =	vld [tilespmem:s18+$0x20]  }
0x14c: {  	v0 =	vmul.f32 v0, v1;
	_ =	sdelay $0x1  }
0x14d: {  	v0 =	vadd.f32 v0, v3;
	v3 =	vmul.f32 v59, v4;
	_ =	sdelay $0x1  }
0x14e: {  	v61 =	vmul.f32 v60, v2;
	v0 =	vadd.f32 v3, v0;
	_ =	sdelay $0x1  }
0x14f: {  	v0 =	vadd.f32 v61, v0;
	_ =	sdelay $0x1  }
0x150: {  	[tilespmem:s17+$0x20] =	vst v0  }
0x151: {  	v0 =	vld [tilespmem:s15+$0x30]  }
0x152: {  	v3 =	vld [tilespmem:s16+$0x30]  }
0x153: {  	v62 =	vld [tilespmem:s14+$0x30];
	_ =	sdelay $0x1  }
0x154: {  	v63 =	vld [tilespmem:s18+$0x30]  }
0x155: {  	v0 =	vmul.f32 v0, v1;
	_ =	sdelay $0x1  }
0x156: {  	v1 =	vmul.f32 v62, v4;
	v0 =	vadd.f32 v0, v3;
	_ =	sdelay $0x1  }
0x157: {  	v2 =	vmul.f32 v63, v2;
	v0 =	vadd.f32 v1, v0;
	_ =	sdelay $0x1  }
0x158: {  	s19 =	simm.s32 $0xACC0;
	s20 =	simm.s32 $0x10CC0;
	s18 =	simm.s32 $0x1;
	v0 =	vadd.f32 v2, v0  }
.LBB2_4:
0x159: {  	s16 =	sadd.s32 $0x80, s16;
	s15 =	sadd.s32 $0x80, s15  }
0x15a: {  	[tilespmem:s17+$0x30] =	vst v0;
	s14 =	sadd.s32 $0x80, s14;
	s21 =	smov.u32 s18;
	s17 =	smov.u32 s20  }
0x15b: {  	p0 =	sne.s32 s18, $0x3F;
	s18 =	sadd.s32 $0x1, s18;
	s22 =	sand.u32 $0x30, s21;
	v3 =	vld [tilespmem:s14+$0xFFFFFFC0]  }
0x15c: {  	v0 =	vld [tilespmem:s22+$0x640]  }
0x15d: {  	v1 =	vmov s21;
	v2 =	vld [tilespmem:s15+$0xFFFFFFC0]  }
0x15e: {  	v1 =	vand.u32 $0xF, v1;
	v4 =	vld [tilespmem:s22+$0x840]  }
0x15f: {  	v5 =	vbroadcast v1, $0x0;
	v6 =	vld [tilespmem:s16+$0xFFFFFFC0]  }
0x160: {  	v7 =	vld [tilespmem:s22+$0xA40]  }
0x161: {  	v0 =	vperm.xlane v0, v5  }
0x162: {  	v8 =	vld [tilespmem:s19+$0xFFFFFFC0]  }
0x163: {  	v1 =	vperm.xlane v4, v5;
	v4 =	vmul.f32 v2, v0;
	_ =	sdelay $0x1  }
0x164: {  	v2 =	vperm.xlane v7, v5;
	v4 =	vadd.f32 v4, v6;
	v3 =	vmul.f32 v3, v1;
	_ =	sdelay $0x1  }
0x165: {  	v3 =	vadd.f32 v3, v4;
	v4 =	vmul.f32 v8, v2;
	_ =	sdelay $0x1  }
0x166: {  	v3 =	vadd.f32 v4, v3;
	_ =	sdelay $0x1  }
0x167: {  	[tilespmem:s20+$0xFFFFFFC0] =	vst v3  }
0x168: {  	v3 =	vld [tilespmem:s15+$0xFFFFFFD0]  }
0x169: {  	v4 =	vld [tilespmem:s14+$0xFFFFFFD0]  }
0x16a: {  	v5 =	vld [tilespmem:s16+$0xFFFFFFD0];
	_ =	sdelay $0x1  }
0x16b: {  	v6 =	vld [tilespmem:s19+$0xFFFFFFD0]  }
0x16c: {  	v3 =	vmul.f32 v3, v0  }
0x16d: {  	v4 =	vmul.f32 v4, v1  }
0x16e: {  	v3 =	vadd.f32 v3, v5;
	_ =	sdelay $0x1  }
0x16f: {  	v3 =	vadd.f32 v4, v3;
	v4 =	vmul.f32 v6, v2;
	_ =	sdelay $0x1  }
0x170: {  	v3 =	vadd.f32 v4, v3;
	_ =	sdelay $0x1  }
0x171: {  	[tilespmem:s20+$0xFFFFFFD0] =	vst v3  }
0x172: {  	v3 =	vld [tilespmem:s15+$0xFFFFFFE0]  }
0x173: {  	v4 =	vld [tilespmem:s14+$0xFFFFFFE0]  }
0x174: {  	v5 =	vld [tilespmem:s16+$0xFFFFFFE0];
	_ =	sdelay $0x1  }
0x175: {  	v6 =	vld [tilespmem:s19+$0xFFFFFFE0]  }
0x176: {  	v3 =	vmul.f32 v3, v0  }
0x177: {  	v4 =	vmul.f32 v4, v1  }
0x178: {  	v3 =	vadd.f32 v3, v5;
	_ =	sdelay $0x1  }
0x179: {  	v3 =	vadd.f32 v4, v3;
	v4 =	vmul.f32 v6, v2;
	_ =	sdelay $0x1  }
0x17a: {  	v3 =	vadd.f32 v4, v3;
	_ =	sdelay $0x1  }
0x17b: {  	[tilespmem:s20+$0xFFFFFFE0] =	vst v3  }
0x17c: {  	v3 =	vld [tilespmem:s15+$0xFFFFFFF0]  }
0x17d: {  	v4 =	vld [tilespmem:s14+$0xFFFFFFF0]  }
0x17e: {  	v5 =	vld [tilespmem:s16+$0xFFFFFFF0];
	_ =	sdelay $0x1  }
0x17f: {  	v6 =	vld [tilespmem:s19+$0xFFFFFFF0]  }
0x180: {  	v3 =	vmul.f32 v3, v0  }
0x181: {  	v4 =	vmul.f32 v4, v1  }
0x182: {  	v3 =	vadd.f32 v3, v5;
	_ =	sdelay $0x1  }
0x183: {  	v3 =	vadd.f32 v4, v3;
	v4 =	vmul.f32 v6, v2;
	_ =	sdelay $0x1  }
0x184: {  	v3 =	vadd.f32 v4, v3;
	_ =	sdelay $0x1  }
0x185: {  	[tilespmem:s20+$0xFFFFFFF0] =	vst v3  }
0x186: {  	v3 =	vld [tilespmem:s15+$0x0]  }
0x187: {  	v4 =	vld [tilespmem:s14+$0x0]  }
0x188: {  	v5 =	vld [tilespmem:s16+$0x0];
	_ =	sdelay $0x1  }
0x189: {  	v6 =	vld [tilespmem:s19+$0x0]  }
0x18a: {  	v3 =	vmul.f32 v3, v0  }
0x18b: {  	v4 =	vmul.f32 v4, v1  }
0x18c: {  	v3 =	vadd.f32 v3, v5;
	_ =	sdelay $0x1  }
0x18d: {  	v3 =	vadd.f32 v4, v3;
	v4 =	vmul.f32 v6, v2;
	_ =	sdelay $0x1  }
0x18e: {  	v3 =	vadd.f32 v4, v3;
	_ =	sdelay $0x1  }
0x18f: {  	[tilespmem:s20+$0x0] =	vst v3  }
0x190: {  	v3 =	vld [tilespmem:s15+$0x10]  }
0x191: {  	v4 =	vld [tilespmem:s16+$0x10]  }
0x192: {  	v5 =	vld [tilespmem:s14+$0x10]  }
0x193: {  	v6 =	vld [tilespmem:s19+$0x10];
	_ =	sdelay $0x1  }
0x194: {  	v3 =	vmul.f32 v3, v0;
	_ =	sdelay $0x1  }
0x195: {  	v3 =	vadd.f32 v3, v4;
	v4 =	vmul.f32 v5, v1  }
0x196: {  	v5 =	vmul.f32 v6, v2  }
0x197: {  	v3 =	vadd.f32 v4, v3;
	_ =	sdelay $0x1  }
0x198: {  	v3 =	vadd.f32 v5, v3;
	_ =	sdelay $0x1  }
0x199: {  	[tilespmem:s20+$0x10] =	vst v3  }
0x19a: {  	v3 =	vld [tilespmem:s15+$0x20]  }
0x19b: {  	v4 =	vld [tilespmem:s16+$0x20]  }
0x19c: {  	v5 =	vld [tilespmem:s14+$0x20]  }
0x19d: {  	v6 =	vld [tilespmem:s19+$0x20];
	_ =	sdelay $0x1  }
0x19e: {  	v3 =	vmul.f32 v3, v0;
	_ =	sdelay $0x1  }
0x19f: {  	v3 =	vadd.f32 v3, v4;
	v4 =	vmul.f32 v5, v1  }
0x1a0: {  	v5 =	vmul.f32 v6, v2  }
0x1a1: {  	v3 =	vadd.f32 v4, v3;
	_ =	sdelay $0x1  }
0x1a2: {  	v3 =	vadd.f32 v5, v3;
	_ =	sdelay $0x1  }
0x1a3: {  	[tilespmem:s20+$0x20] =	vst v3  }
0x1a4: {  	v3 =	vld [tilespmem:s15+$0x30]  }
0x1a5: {  	v4 =	vld [tilespmem:s16+$0x30]  }
0x1a6: {  	v5 =	vld [tilespmem:s14+$0x30]  }
0x1a7: {  	v6 =	vld [tilespmem:s19+$0x30];
	_ =	sdelay $0x1  }
0x1a8: {  	v0 =	vmul.f32 v3, v0;
	_ =	sdelay $0x1  }
0x1a9: {  	v0 =	vadd.f32 v0, v4;
	v1 =	vmul.f32 v5, v1  }
.Ltmp1:
0x1aa: {  	v2 =	vmul.f32 v6, v2;
	(pc) =	sbr.rel @p0 .LBB2_4-.Ltmp1, $3  }
0x1ab: {  	v0 =	vadd.f32 v1, v0;
	_ =	sdelay $0x1  }
0x1ac: {  	v0 =	vadd.f32 v2, v0  }
0x1ad: {  	s20 =	sadd.s32 $0x80, s20;
	s19 =	sadd.s32 $0x80, s19  }
0x1ae: {  	[tilespmem:s17+$0x30] =	vst v0;
	s16 =	simm.s32 $0x0;
	s14 =	rddreg [dreg:$0xc]  }
0x1af: {  	[hbm4b:s14+s16] =	stream.linear.scatter [tilespmem:s10], [sflag:$0x5], $0x2000, $0x38;
	[tilespmem:$0x12C00] =	vst v63  }
0x1b0: {  	_ =	swait.ge [sflag:s28], $0x2000  }
0x1b1: {  	[sflag:s28] =	ssyncset.done $0x0  }
0x1b2: {  	s18 =	simm.s32 $0xC0;
	[sflag:s28] =	ssyncadd.s32 $0xFFFFE000  }
0x1b3: {  	[tilespmem:s4], [sflag:$0x2] =	stream.indirect.gather [hbm4b:s3+s31], $0x80, s18, s31, $0xb8;
	[tilespmem:$0x12C00] =	vst v63  }
0x1b4: {  	s19 =	simm.s32 $0x2C0  }
0x1b5: {  	[tilespmem:s5], [sflag:$0x2] =	stream.indirect.gather [hbm4b:s3+s31], $0x80, s19, s31, $0xb8;
	[tilespmem:$0x12C00] =	vst v63  }
0x1b6: {  	s20 =	simm.s32 $0x4C0  }
0x1b7: {  	[tilespmem:s6], [sflag:$0x2] =	stream.indirect.gather [hbm4b:s3+s31], $0x80, s20, s31, $0xb8;
	[tilespmem:$0x12C00] =	vst v63  }
0x1b8: {  	s21 =	rddreg [dreg:$0xd]  }
0x1b9: {  	[tilespmem:s7], [sflag:$0x4] =	stream.linear.gather [hbm4b:s21+s16], $0x2000, $0x38;
	[tilespmem:$0x12C00] =	vst v63  }
0x1ba: {  	_ =	swait.ge [sflag:s8], $0x2000  }
0x1bb: {  	[sflag:s8] =	ssyncset.done $0x0  }
0x1bc: {  	[sflag:s8] =	ssyncadd.s32 $0xFFFFE000  }
0x1bd: {  	_ =	swait.ge [sflag:s8], $0x2000  }
0x1be: {  	[sflag:s8] =	ssyncset.done $0x0  }
0x1bf: {  	[sflag:s8] =	ssyncadd.s32 $0xFFFFE000  }
0x1c0: {  	_ =	swait.ge [sflag:s8], $0x2000  }
0x1c1: {  	[sflag:s8] =	ssyncset.done $0x0  }
0x1c2: {  	[sflag:s8] =	ssyncadd.s32 $0xFFFFE000  }
0x1c3: {  	_ =	swait.ge [sflag:s9], $0x2000  }
0x1c4: {  	[sflag:s9] =	ssyncset.done $0x0  }
0x1c5: {  	s14 =	simm.s32 $0x2C40;
	[sflag:s9] =	ssyncadd.s32 $0xFFFFE000  }
0x1c6: {  	s22 =	sand.u32 $0x30, s16;
	v0 =	vld [tilespmem:s14+$0xFFFFFFC0]  }
0x1c7: {  	s15 =	simm.s32 $0xC40;
	v1 =	vld [tilespmem:s22+$0x680]  }
0x1c8: {  	v2 =	vmov s16;
	v3 =	vld [tilespmem:s15+$0xFFFFFFC0]  }
0x1c9: {  	v2 =	vand.u32 $0xF, v2;
	s16 =	simm.s32 $0xCC40;
	v4 =	vld [tilespmem:s22+$0x880]  }
0x1ca: {  	v2 =	vbroadcast v2, $0x0;
	v5 =	vld [tilespmem:s16+$0xFFFFFFC0]  }
0x1cb: {  	v6 =	vld [tilespmem:s22+$0xA80]  }
0x1cc: {  	s18 =	simm.s32 $0x4C40;
	v1 =	vperm.xlane v1, v2  }
0x1cd: {  	v7 =	vld [tilespmem:s18+$0xFFFFFFC0]  }
0x1ce: {  	v4 =	vperm.xlane v4, v2;
	v3 =	vmul.f32 v3, v1;
	_ =	sdelay $0x1  }
0x1cf: {  	v2 =	vperm.xlane v6, v2;
	v0 =	vmul.f32 v0, v4;
	v3 =	vadd.f32 v3, v5;
	_ =	sdelay $0x1  }
0x1d0: {  	v0 =	vadd.f32 v0, v3;
	v3 =	vmul.f32 v7, v2;
	_ =	sdelay $0x1  }
0x1d1: {  	v0 =	vadd.f32 v3, v0  }
0x1d2: {  	s17 =	simm.s32 $0x10C40  }
0x1d3: {  	[tilespmem:s17+$0xFFFFFFC0] =	vst v0  }
0x1d4: {  	v0 =	vld [tilespmem:s15+$0xFFFFFFD0]  }
0x1d5: {  	v3 =	vld [tilespmem:s14+$0xFFFFFFD0]  }
0x1d6: {  	v48 =	vld [tilespmem:s16+$0xFFFFFFD0];
	_ =	sdelay $0x1  }
0x1d7: {  	v49 =	vld [tilespmem:s18+$0xFFFFFFD0]  }
0x1d8: {  	v0 =	vmul.f32 v0, v1;
	_ =	sdelay $0x1  }
0x1d9: {  	v3 =	vmul.f32 v3, v4;
	v0 =	vadd.f32 v0, v48;
	_ =	sdelay $0x1  }
0x1da: {  	v0 =	vadd.f32 v3, v0;
	v3 =	vmul.f32 v49, v2;
	_ =	sdelay $0x1  }
0x1db: {  	v0 =	vadd.f32 v3, v0;
	_ =	sdelay $0x1  }
0x1dc: {  	[tilespmem:s17+$0xFFFFFFD0] =	vst v0  }
0x1dd: {  	v0 =	vld [tilespmem:s15+$0xFFFFFFE0]  }
0x1de: {  	v3 =	vld [tilespmem:s14+$0xFFFFFFE0]  }
0x1df: {  	v50 =	vld [tilespmem:s16+$0xFFFFFFE0];
	_ =	sdelay $0x1  }
0x1e0: {  	v51 =	vld [tilespmem:s18+$0xFFFFFFE0]  }
0x1e1: {  	v0 =	vmul.f32 v0, v1;
	_ =	sdelay $0x1  }
0x1e2: {  	v3 =	vmul.f32 v3, v4;
	v0 =	vadd.f32 v0, v50;
	_ =	sdelay $0x1  }
0x1e3: {  	v0 =	vadd.f32 v3, v0;
	v3 =	vmul.f32 v51, v2;
	_ =	sdelay $0x1  }
0x1e4: {  	v0 =	vadd.f32 v3, v0;
	_ =	sdelay $0x1  }
0x1e5: {  	[tilespmem:s17+$0xFFFFFFE0] =	vst v0  }
0x1e6: {  	v0 =	vld [tilespmem:s15+$0xFFFFFFF0]  }
0x1e7: {  	v3 =	vld [tilespmem:s14+$0xFFFFFFF0]  }
0x1e8: {  	v52 =	vld [tilespmem:s16+$0xFFFFFFF0];
	_ =	sdelay $0x1  }
0x1e9: {  	v53 =	vld [tilespmem:s18+$0xFFFFFFF0]  }
0x1ea: {  	v0 =	vmul.f32 v0, v1;
	_ =	sdelay $0x1  }
0x1eb: {  	v3 =	vmul.f32 v3, v4;
	v0 =	vadd.f32 v0, v52;
	_ =	sdelay $0x1  }
0x1ec: {  	v0 =	vadd.f32 v3, v0;
	v3 =	vmul.f32 v53, v2;
	_ =	sdelay $0x1  }
0x1ed: {  	v0 =	vadd.f32 v3, v0;
	_ =	sdelay $0x1  }
0x1ee: {  	[tilespmem:s17+$0xFFFFFFF0] =	vst v0  }
0x1ef: {  	v0 =	vld [tilespmem:s15+$0x0]  }
0x1f0: {  	v3 =	vld [tilespmem:s14+$0x0]  }
0x1f1: {  	v54 =	vld [tilespmem:s16+$0x0];
	_ =	sdelay $0x1  }
0x1f2: {  	v55 =	vld [tilespmem:s18+$0x0]  }
0x1f3: {  	v0 =	vmul.f32 v0, v1;
	_ =	sdelay $0x1  }
0x1f4: {  	v3 =	vmul.f32 v3, v4;
	v0 =	vadd.f32 v0, v54;
	_ =	sdelay $0x1  }
0x1f5: {  	v0 =	vadd.f32 v3, v0;
	v3 =	vmul.f32 v55, v2;
	_ =	sdelay $0x1  }
0x1f6: {  	v0 =	vadd.f32 v3, v0;
	_ =	sdelay $0x1  }
0x1f7: {  	[tilespmem:s17+$0x0] =	vst v0  }
0x1f8: {  	v0 =	vld [tilespmem:s15+$0x10]  }
0x1f9: {  	v3 =	vld [tilespmem:s16+$0x10]  }
0x1fa: {  	v56 =	vld [tilespmem:s14+$0x10];
	_ =	sdelay $0x1  }
0x1fb: {  	v57 =	vld [tilespmem:s18+$0x10]  }
0x1fc: {  	v0 =	vmul.f32 v0, v1;
	_ =	sdelay $0x1  }
0x1fd: {  	v0 =	vadd.f32 v0, v3;
	v3 =	vmul.f32 v56, v4;
	_ =	sdelay $0x1  }
0x1fe: {  	v58 =	vmul.f32 v57, v2;
	v0 =	vadd.f32 v3, v0;
	_ =	sdelay $0x1  }
0x1ff: {  	v0 =	vadd.f32 v58, v0;
	_ =	sdelay $0x1  }
0x200: {  	[tilespmem:s17+$0x10] =	vst v0  }
0x201: {  	v0 =	vld [tilespmem:s15+$0x20]  }
0x202: {  	v3 =	vld [tilespmem:s16+$0x20]  }
0x203: {  	v59 =	vld [tilespmem:s14+$0x20];
	_ =	sdelay $0x1  }
0x204: {  	v60 =	vld [tilespmem:s18+$0x20]  }
0x205: {  	v0 =	vmul.f32 v0, v1;
	_ =	sdelay $0x1  }
0x206: {  	v0 =	vadd.f32 v0, v3;
	v3 =	vmul.f32 v59, v4;
	_ =	sdelay $0x1  }
0x207: {  	v61 =	vmul.f32 v60, v2;
	v0 =	vadd.f32 v3, v0;
	_ =	sdelay $0x1  }
0x208: {  	v0 =	vadd.f32 v61, v0;
	_ =	sdelay $0x1  }
0x209: {  	[tilespmem:s17+$0x20] =	vst v0  }
0x20a: {  	v0 =	vld [tilespmem:s15+$0x30]  }
0x20b: {  	v3 =	vld [tilespmem:s16+$0x30]  }
0x20c: {  	v62 =	vld [tilespmem:s14+$0x30];
	_ =	sdelay $0x1  }
0x20d: {  	v63 =	vld [tilespmem:s18+$0x30]  }
0x20e: {  	v0 =	vmul.f32 v0, v1;
	_ =	sdelay $0x1  }
0x20f: {  	v1 =	vmul.f32 v62, v4;
	v0 =	vadd.f32 v0, v3;
	_ =	sdelay $0x1  }
0x210: {  	v2 =	vmul.f32 v63, v2;
	v0 =	vadd.f32 v1, v0;
	_ =	sdelay $0x1  }
0x211: {  	s19 =	simm.s32 $0x4CC0;
	s20 =	simm.s32 $0x10CC0;
	s18 =	simm.s32 $0x1;
	v0 =	vadd.f32 v2, v0  }
.LBB2_6:
0x212: {  	s16 =	sadd.s32 $0x80, s16;
	s15 =	sadd.s32 $0x80, s15  }
0x213: {  	[tilespmem:s17+$0x30] =	vst v0;
	s14 =	sadd.s32 $0x80, s14;
	s21 =	smov.u32 s18;
	s17 =	smov.u32 s20  }
0x214: {  	p0 =	sne.s32 s18, $0x3F;
	s18 =	sadd.s32 $0x1, s18;
	s22 =	sand.u32 $0x30, s21;
	v3 =	vld [tilespmem:s14+$0xFFFFFFC0]  }
0x215: {  	v0 =	vld [tilespmem:s22+$0x680]  }
0x216: {  	v1 =	vmov s21;
	v2 =	vld [tilespmem:s15+$0xFFFFFFC0]  }
0x217: {  	v1 =	vand.u32 $0xF, v1;
	v4 =	vld [tilespmem:s22+$0x880]  }
0x218: {  	v5 =	vbroadcast v1, $0x0;
	v6 =	vld [tilespmem:s16+$0xFFFFFFC0]  }
0x219: {  	v7 =	vld [tilespmem:s22+$0xA80]  }
0x21a: {  	v0 =	vperm.xlane v0, v5  }
0x21b: {  	v8 =	vld [tilespmem:s19+$0xFFFFFFC0]  }
0x21c: {  	v1 =	vperm.xlane v4, v5;
	v4 =	vmul.f32 v2, v0;
	_ =	sdelay $0x1  }
0x21d: {  	v2 =	vperm.xlane v7, v5;
	v4 =	vadd.f32 v4, v6;
	v3 =	vmul.f32 v3, v1;
	_ =	sdelay $0x1  }
0x21e: {  	v3 =	vadd.f32 v3, v4;
	v4 =	vmul.f32 v8, v2;
	_ =	sdelay $0x1  }
0x21f: {  	v3 =	vadd.f32 v4, v3;
	_ =	sdelay $0x1  }
0x220: {  	[tilespmem:s20+$0xFFFFFFC0] =	vst v3  }
0x221: {  	v3 =	vld [tilespmem:s15+$0xFFFFFFD0]  }
0x222: {  	v4 =	vld [tilespmem:s14+$0xFFFFFFD0]  }
0x223: {  	v5 =	vld [tilespmem:s16+$0xFFFFFFD0];
	_ =	sdelay $0x1  }
0x224: {  	v6 =	vld [tilespmem:s19+$0xFFFFFFD0]  }
0x225: {  	v3 =	vmul.f32 v3, v0  }
0x226: {  	v4 =	vmul.f32 v4, v1  }
0x227: {  	v3 =	vadd.f32 v3, v5;
	_ =	sdelay $0x1  }
0x228: {  	v3 =	vadd.f32 v4, v3;
	v4 =	vmul.f32 v6, v2;
	_ =	sdelay $0x1  }
0x229: {  	v3 =	vadd.f32 v4, v3;
	_ =	sdelay $0x1  }
0x22a: {  	[tilespmem:s20+$0xFFFFFFD0] =	vst v3  }
0x22b: {  	v3 =	vld [tilespmem:s15+$0xFFFFFFE0]  }
0x22c: {  	v4 =	vld [tilespmem:s14+$0xFFFFFFE0]  }
0x22d: {  	v5 =	vld [tilespmem:s16+$0xFFFFFFE0];
	_ =	sdelay $0x1  }
0x22e: {  	v6 =	vld [tilespmem:s19+$0xFFFFFFE0]  }
0x22f: {  	v3 =	vmul.f32 v3, v0  }
0x230: {  	v4 =	vmul.f32 v4, v1  }
0x231: {  	v3 =	vadd.f32 v3, v5;
	_ =	sdelay $0x1  }
0x232: {  	v3 =	vadd.f32 v4, v3;
	v4 =	vmul.f32 v6, v2;
	_ =	sdelay $0x1  }
0x233: {  	v3 =	vadd.f32 v4, v3;
	_ =	sdelay $0x1  }
0x234: {  	[tilespmem:s20+$0xFFFFFFE0] =	vst v3  }
0x235: {  	v3 =	vld [tilespmem:s15+$0xFFFFFFF0]  }
0x236: {  	v4 =	vld [tilespmem:s14+$0xFFFFFFF0]  }
0x237: {  	v5 =	vld [tilespmem:s16+$0xFFFFFFF0];
	_ =	sdelay $0x1  }
0x238: {  	v6 =	vld [tilespmem:s19+$0xFFFFFFF0]  }
0x239: {  	v3 =	vmul.f32 v3, v0  }
0x23a: {  	v4 =	vmul.f32 v4, v1  }
0x23b: {  	v3 =	vadd.f32 v3, v5;
	_ =	sdelay $0x1  }
0x23c: {  	v3 =	vadd.f32 v4, v3;
	v4 =	vmul.f32 v6, v2;
	_ =	sdelay $0x1  }
0x23d: {  	v3 =	vadd.f32 v4, v3;
	_ =	sdelay $0x1  }
0x23e: {  	[tilespmem:s20+$0xFFFFFFF0] =	vst v3  }
0x23f: {  	v3 =	vld [tilespmem:s15+$0x0]  }
0x240: {  	v4 =	vld [tilespmem:s14+$0x0]  }
0x241: {  	v5 =	vld [tilespmem:s16+$0x0];
	_ =	sdelay $0x1  }
0x242: {  	v6 =	vld [tilespmem:s19+$0x0]  }
0x243: {  	v3 =	vmul.f32 v3, v0  }
0x244: {  	v4 =	vmul.f32 v4, v1  }
0x245: {  	v3 =	vadd.f32 v3, v5;
	_ =	sdelay $0x1  }
0x246: {  	v3 =	vadd.f32 v4, v3;
	v4 =	vmul.f32 v6, v2;
	_ =	sdelay $0x1  }
0x247: {  	v3 =	vadd.f32 v4, v3;
	_ =	sdelay $0x1  }
0x248: {  	[tilespmem:s20+$0x0] =	vst v3  }
0x249: {  	v3 =	vld [tilespmem:s15+$0x10]  }
0x24a: {  	v4 =	vld [tilespmem:s16+$0x10]  }
0x24b: {  	v5 =	vld [tilespmem:s14+$0x10]  }
0x24c: {  	v6 =	vld [tilespmem:s19+$0x10];
	_ =	sdelay $0x1  }
0x24d: {  	v3 =	vmul.f32 v3, v0;
	_ =	sdelay $0x1  }
0x24e: {  	v3 =	vadd.f32 v3, v4;
	v4 =	vmul.f32 v5, v1  }
0x24f: {  	v5 =	vmul.f32 v6, v2  }
0x250: {  	v3 =	vadd.f32 v4, v3;
	_ =	sdelay $0x1  }
0x251: {  	v3 =	vadd.f32 v5, v3;
	_ =	sdelay $0x1  }
0x252: {  	[tilespmem:s20+$0x10] =	vst v3  }
0x253: {  	v3 =	vld [tilespmem:s15+$0x20]  }
0x254: {  	v4 =	vld [tilespmem:s16+$0x20]  }
0x255: {  	v5 =	vld [tilespmem:s14+$0x20]  }
0x256: {  	v6 =	vld [tilespmem:s19+$0x20];
	_ =	sdelay $0x1  }
0x257: {  	v3 =	vmul.f32 v3, v0;
	_ =	sdelay $0x1  }
0x258: {  	v3 =	vadd.f32 v3, v4;
	v4 =	vmul.f32 v5, v1  }
0x259: {  	v5 =	vmul.f32 v6, v2  }
0x25a: {  	v3 =	vadd.f32 v4, v3;
	_ =	sdelay $0x1  }
0x25b: {  	v3 =	vadd.f32 v5, v3;
	_ =	sdelay $0x1  }
0x25c: {  	[tilespmem:s20+$0x20] =	vst v3  }
0x25d: {  	v3 =	vld [tilespmem:s15+$0x30]  }
0x25e: {  	v4 =	vld [tilespmem:s16+$0x30]  }
0x25f: {  	v5 =	vld [tilespmem:s14+$0x30]  }
0x260: {  	v6 =	vld [tilespmem:s19+$0x30];
	_ =	sdelay $0x1  }
0x261: {  	v0 =	vmul.f32 v3, v0;
	_ =	sdelay $0x1  }
0x262: {  	v0 =	vadd.f32 v0, v4;
	v1 =	vmul.f32 v5, v1  }
.Ltmp2:
0x263: {  	v2 =	vmul.f32 v6, v2;
	(pc) =	sbr.rel @p0 .LBB2_6-.Ltmp2, $3  }
0x264: {  	v0 =	vadd.f32 v1, v0;
	_ =	sdelay $0x1  }
0x265: {  	v0 =	vadd.f32 v2, v0  }
0x266: {  	s20 =	sadd.s32 $0x80, s20;
	s19 =	sadd.s32 $0x80, s19  }
0x267: {  	[tilespmem:s17+$0x30] =	vst v0;
	s16 =	simm.s32 $0x0;
	s14 =	rddreg [dreg:$0xe]  }
0x268: {  	[hbm4b:s14+s16] =	stream.linear.scatter [tilespmem:s10], [sflag:$0x5], $0x2000, $0x38;
	[tilespmem:$0x12C00] =	vst v63  }
0x269: {  	_ =	swait.ge [sflag:s28], $0x2000  }
0x26a: {  	[sflag:s28] =	ssyncset.done $0x0  }
0x26b: {  	s18 =	simm.s32 $0x100;
	[sflag:s28] =	ssyncadd.s32 $0xFFFFE000  }
0x26c: {  	[tilespmem:s0], [sflag:$0x1] =	stream.indirect.gather [hbm4b:s3+s31], $0x80, s18, s31, $0xb8;
	[tilespmem:$0x12C00] =	vst v63  }
0x26d: {  	s19 =	simm.s32 $0x300  }
0x26e: {  	[tilespmem:s1], [sflag:$0x1] =	stream.indirect.gather [hbm4b:s3+s31], $0x80, s19, s31, $0xb8;
	[tilespmem:$0x12C00] =	vst v63  }
0x26f: {  	s20 =	simm.s32 $0x500  }
0x270: {  	[tilespmem:s29], [sflag:$0x1] =	stream.indirect.gather [hbm4b:s3+s31], $0x80, s20, s31, $0xb8;
	[tilespmem:$0x12C00] =	vst v63  }
0x271: {  	s21 =	rddreg [dreg:$0xf]  }
0x272: {  	[tilespmem:s30], [sflag:$0x3] =	stream.linear.gather [hbm4b:s21+s16], $0x2000, $0x38;
	[tilespmem:$0x12C00] =	vst v63  }
0x273: {  	_ =	swait.ge [sflag:s11], $0x2000  }
0x274: {  	[sflag:s11] =	ssyncset.done $0x0  }
0x275: {  	[sflag:s11] =	ssyncadd.s32 $0xFFFFE000  }
0x276: {  	_ =	swait.ge [sflag:s11], $0x2000  }
0x277: {  	[sflag:s11] =	ssyncset.done $0x0  }
0x278: {  	[sflag:s11] =	ssyncadd.s32 $0xFFFFE000  }
0x279: {  	_ =	swait.ge [sflag:s11], $0x2000  }
0x27a: {  	[sflag:s11] =	ssyncset.done $0x0  }
0x27b: {  	[sflag:s11] =	ssyncadd.s32 $0xFFFFE000  }
0x27c: {  	_ =	swait.ge [sflag:s12], $0x2000  }
0x27d: {  	[sflag:s12] =	ssyncset.done $0x0  }
0x27e: {  	s14 =	simm.s32 $0x8C40;
	[sflag:s12] =	ssyncadd.s32 $0xFFFFE000  }
0x27f: {  	s22 =	sand.u32 $0x30, s16;
	v0 =	vld [tilespmem:s14+$0xFFFFFFC0]  }
0x280: {  	s15 =	simm.s32 $0x6C40;
	v1 =	vld [tilespmem:s22+$0x6C0]  }
0x281: {  	v2 =	vmov s16;
	v3 =	vld [tilespmem:s15+$0xFFFFFFC0]  }
0x282: {  	v2 =	vand.u32 $0xF, v2;
	s16 =	simm.s32 $0xEC40;
	v4 =	vld [tilespmem:s22+$0x8C0]  }
0x283: {  	v2 =	vbroadcast v2, $0x0;
	v5 =	vld [tilespmem:s16+$0xFFFFFFC0]  }
0x284: {  	v6 =	vld [tilespmem:s22+$0xAC0]  }
0x285: {  	s18 =	simm.s32 $0xAC40;
	v1 =	vperm.xlane v1, v2  }
0x286: {  	v7 =	vld [tilespmem:s18+$0xFFFFFFC0]  }
0x287: {  	v4 =	vperm.xlane v4, v2;
	v3 =	vmul.f32 v3, v1;
	_ =	sdelay $0x1  }
0x288: {  	v2 =	vperm.xlane v6, v2;
	v0 =	vmul.f32 v0, v4;
	v3 =	vadd.f32 v3, v5;
	_ =	sdelay $0x1  }
0x289: {  	v0 =	vadd.f32 v0, v3;
	v3 =	vmul.f32 v7, v2;
	_ =	sdelay $0x1  }
0x28a: {  	v0 =	vadd.f32 v3, v0  }
0x28b: {  	s17 =	simm.s32 $0x10C40  }
0x28c: {  	[tilespmem:s17+$0xFFFFFFC0] =	vst v0  }
0x28d: {  	v0 =	vld [tilespmem:s15+$0xFFFFFFD0]  }
0x28e: {  	v3 =	vld [tilespmem:s14+$0xFFFFFFD0]  }
0x28f: {  	v48 =	vld [tilespmem:s16+$0xFFFFFFD0];
	_ =	sdelay $0x1  }
0x290: {  	v49 =	vld [tilespmem:s18+$0xFFFFFFD0]  }
0x291: {  	v0 =	vmul.f32 v0, v1;
	_ =	sdelay $0x1  }
0x292: {  	v3 =	vmul.f32 v3, v4;
	v0 =	vadd.f32 v0, v48;
	_ =	sdelay $0x1  }
0x293: {  	v0 =	vadd.f32 v3, v0;
	v3 =	vmul.f32 v49, v2;
	_ =	sdelay $0x1  }
0x294: {  	v0 =	vadd.f32 v3, v0;
	_ =	sdelay $0x1  }
0x295: {  	[tilespmem:s17+$0xFFFFFFD0] =	vst v0  }
0x296: {  	v0 =	vld [tilespmem:s15+$0xFFFFFFE0]  }
0x297: {  	v3 =	vld [tilespmem:s14+$0xFFFFFFE0]  }
0x298: {  	v50 =	vld [tilespmem:s16+$0xFFFFFFE0];
	_ =	sdelay $0x1  }
0x299: {  	v51 =	vld [tilespmem:s18+$0xFFFFFFE0]  }
0x29a: {  	v0 =	vmul.f32 v0, v1;
	_ =	sdelay $0x1  }
0x29b: {  	v3 =	vmul.f32 v3, v4;
	v0 =	vadd.f32 v0, v50;
	_ =	sdelay $0x1  }
0x29c: {  	v0 =	vadd.f32 v3, v0;
	v3 =	vmul.f32 v51, v2;
	_ =	sdelay $0x1  }
0x29d: {  	v0 =	vadd.f32 v3, v0;
	_ =	sdelay $0x1  }
0x29e: {  	[tilespmem:s17+$0xFFFFFFE0] =	vst v0  }
0x29f: {  	v0 =	vld [tilespmem:s15+$0xFFFFFFF0]  }
0x2a0: {  	v3 =	vld [tilespmem:s14+$0xFFFFFFF0]  }
0x2a1: {  	v52 =	vld [tilespmem:s16+$0xFFFFFFF0];
	_ =	sdelay $0x1  }
0x2a2: {  	v53 =	vld [tilespmem:s18+$0xFFFFFFF0]  }
0x2a3: {  	v0 =	vmul.f32 v0, v1;
	_ =	sdelay $0x1  }
0x2a4: {  	v3 =	vmul.f32 v3, v4;
	v0 =	vadd.f32 v0, v52;
	_ =	sdelay $0x1  }
0x2a5: {  	v0 =	vadd.f32 v3, v0;
	v3 =	vmul.f32 v53, v2;
	_ =	sdelay $0x1  }
0x2a6: {  	v0 =	vadd.f32 v3, v0;
	_ =	sdelay $0x1  }
0x2a7: {  	[tilespmem:s17+$0xFFFFFFF0] =	vst v0  }
0x2a8: {  	v0 =	vld [tilespmem:s15+$0x0]  }
0x2a9: {  	v3 =	vld [tilespmem:s14+$0x0]  }
0x2aa: {  	v54 =	vld [tilespmem:s16+$0x0];
	_ =	sdelay $0x1  }
0x2ab: {  	v55 =	vld [tilespmem:s18+$0x0]  }
0x2ac: {  	v0 =	vmul.f32 v0, v1;
	_ =	sdelay $0x1  }
0x2ad: {  	v3 =	vmul.f32 v3, v4;
	v0 =	vadd.f32 v0, v54;
	_ =	sdelay $0x1  }
0x2ae: {  	v0 =	vadd.f32 v3, v0;
	v3 =	vmul.f32 v55, v2;
	_ =	sdelay $0x1  }
0x2af: {  	v0 =	vadd.f32 v3, v0;
	_ =	sdelay $0x1  }
0x2b0: {  	[tilespmem:s17+$0x0] =	vst v0  }
0x2b1: {  	v0 =	vld [tilespmem:s15+$0x10]  }
0x2b2: {  	v3 =	vld [tilespmem:s16+$0x10]  }
0x2b3: {  	v56 =	vld [tilespmem:s14+$0x10];
	_ =	sdelay $0x1  }
0x2b4: {  	v57 =	vld [tilespmem:s18+$0x10]  }
0x2b5: {  	v0 =	vmul.f32 v0, v1;
	_ =	sdelay $0x1  }
0x2b6: {  	v0 =	vadd.f32 v0, v3;
	v3 =	vmul.f32 v56, v4;
	_ =	sdelay $0x1  }
0x2b7: {  	v58 =	vmul.f32 v57, v2;
	v0 =	vadd.f32 v3, v0;
	_ =	sdelay $0x1  }
0x2b8: {  	v0 =	vadd.f32 v58, v0;
	_ =	sdelay $0x1  }
0x2b9: {  	[tilespmem:s17+$0x10] =	vst v0  }
0x2ba: {  	v0 =	vld [tilespmem:s15+$0x20]  }
0x2bb: {  	v3 =	vld [tilespmem:s16+$0x20]  }
0x2bc: {  	v59 =	vld [tilespmem:s14+$0x20];
	_ =	sdelay $0x1  }
0x2bd: {  	v60 =	vld [tilespmem:s18+$0x20]  }
0x2be: {  	v0 =	vmul.f32 v0, v1;
	_ =	sdelay $0x1  }
0x2bf: {  	v0 =	vadd.f32 v0, v3;
	v3 =	vmul.f32 v59, v4;
	_ =	sdelay $0x1  }
0x2c0: {  	v61 =	vmul.f32 v60, v2;
	v0 =	vadd.f32 v3, v0;
	_ =	sdelay $0x1  }
0x2c1: {  	v0 =	vadd.f32 v61, v0;
	_ =	sdelay $0x1  }
0x2c2: {  	[tilespmem:s17+$0x20] =	vst v0  }
0x2c3: {  	v0 =	vld [tilespmem:s15+$0x30]  }
0x2c4: {  	v3 =	vld [tilespmem:s16+$0x30]  }
0x2c5: {  	v62 =	vld [tilespmem:s14+$0x30];
	_ =	sdelay $0x1  }
0x2c6: {  	v63 =	vld [tilespmem:s18+$0x30]  }
0x2c7: {  	v0 =	vmul.f32 v0, v1;
	_ =	sdelay $0x1  }
0x2c8: {  	v1 =	vmul.f32 v62, v4;
	v0 =	vadd.f32 v0, v3;
	_ =	sdelay $0x1  }
0x2c9: {  	v2 =	vmul.f32 v63, v2;
	v0 =	vadd.f32 v1, v0;
	_ =	sdelay $0x1  }
0x2ca: {  	s19 =	simm.s32 $0xACC0;
	s20 =	simm.s32 $0x10CC0;
	s18 =	simm.s32 $0x1;
	v0 =	vadd.f32 v2, v0  }
.LBB2_8:
0x2cb: {  	s16 =	sadd.s32 $0x80, s16;
	s15 =	sadd.s32 $0x80, s15  }
0x2cc: {  	[tilespmem:s17+$0x30] =	vst v0;
	s14 =	sadd.s32 $0x80, s14;
	s21 =	smov.u32 s18;
	s17 =	smov.u32 s20  }
0x2cd: {  	p0 =	sne.s32 s18, $0x3F;
	s18 =	sadd.s32 $0x1, s18;
	s22 =	sand.u32 $0x30, s21;
	v3 =	vld [tilespmem:s14+$0xFFFFFFC0]  }
0x2ce: {  	v0 =	vld [tilespmem:s22+$0x6C0]  }
0x2cf: {  	v1 =	vmov s21;
	v2 =	vld [tilespmem:s15+$0xFFFFFFC0]  }
0x2d0: {  	v1 =	vand.u32 $0xF, v1;
	v4 =	vld [tilespmem:s22+$0x8C0]  }
0x2d1: {  	v5 =	vbroadcast v1, $0x0;
	v6 =	vld [tilespmem:s16+$0xFFFFFFC0]  }
0x2d2: {  	v7 =	vld [tilespmem:s22+$0xAC0]  }
0x2d3: {  	v0 =	vperm.xlane v0, v5  }
0x2d4: {  	v8 =	vld [tilespmem:s19+$0xFFFFFFC0]  }
0x2d5: {  	v1 =	vperm.xlane v4, v5;
	v4 =	vmul.f32 v2, v0;
	_ =	sdelay $0x1  }
0x2d6: {  	v2 =	vperm.xlane v7, v5;
	v4 =	vadd.f32 v4, v6;
	v3 =	vmul.f32 v3, v1;
	_ =	sdelay $0x1  }
0x2d7: {  	v3 =	vadd.f32 v3, v4;
	v4 =	vmul.f32 v8, v2;
	_ =	sdelay $0x1  }
0x2d8: {  	v3 =	vadd.f32 v4, v3;
	_ =	sdelay $0x1  }
0x2d9: {  	[tilespmem:s20+$0xFFFFFFC0] =	vst v3  }
0x2da: {  	v3 =	vld [tilespmem:s15+$0xFFFFFFD0]  }
0x2db: {  	v4 =	vld [tilespmem:s14+$0xFFFFFFD0]  }
0x2dc: {  	v5 =	vld [tilespmem:s16+$0xFFFFFFD0];
	_ =	sdelay $0x1  }
0x2dd: {  	v6 =	vld [tilespmem:s19+$0xFFFFFFD0]  }
0x2de: {  	v3 =	vmul.f32 v3, v0  }
0x2df: {  	v4 =	vmul.f32 v4, v1  }
0x2e0: {  	v3 =	vadd.f32 v3, v5;
	_ =	sdelay $0x1  }
0x2e1: {  	v3 =	vadd.f32 v4, v3;
	v4 =	vmul.f32 v6, v2;
	_ =	sdelay $0x1  }
0x2e2: {  	v3 =	vadd.f32 v4, v3;
	_ =	sdelay $0x1  }
0x2e3: {  	[tilespmem:s20+$0xFFFFFFD0] =	vst v3  }
0x2e4: {  	v3 =	vld [tilespmem:s15+$0xFFFFFFE0]  }
0x2e5: {  	v4 =	vld [tilespmem:s14+$0xFFFFFFE0]  }
0x2e6: {  	v5 =	vld [tilespmem:s16+$0xFFFFFFE0];
	_ =	sdelay $0x1  }
0x2e7: {  	v6 =	vld [tilespmem:s19+$0xFFFFFFE0]  }
0x2e8: {  	v3 =	vmul.f32 v3, v0  }
0x2e9: {  	v4 =	vmul.f32 v4, v1  }
0x2ea: {  	v3 =	vadd.f32 v3, v5;
	_ =	sdelay $0x1  }
0x2eb: {  	v3 =	vadd.f32 v4, v3;
	v4 =	vmul.f32 v6, v2;
	_ =	sdelay $0x1  }
0x2ec: {  	v3 =	vadd.f32 v4, v3;
	_ =	sdelay $0x1  }
0x2ed: {  	[tilespmem:s20+$0xFFFFFFE0] =	vst v3  }
0x2ee: {  	v3 =	vld [tilespmem:s15+$0xFFFFFFF0]  }
0x2ef: {  	v4 =	vld [tilespmem:s14+$0xFFFFFFF0]  }
0x2f0: {  	v5 =	vld [tilespmem:s16+$0xFFFFFFF0];
	_ =	sdelay $0x1  }
0x2f1: {  	v6 =	vld [tilespmem:s19+$0xFFFFFFF0]  }
0x2f2: {  	v3 =	vmul.f32 v3, v0  }
0x2f3: {  	v4 =	vmul.f32 v4, v1  }
0x2f4: {  	v3 =	vadd.f32 v3, v5;
	_ =	sdelay $0x1  }
0x2f5: {  	v3 =	vadd.f32 v4, v3;
	v4 =	vmul.f32 v6, v2;
	_ =	sdelay $0x1  }
0x2f6: {  	v3 =	vadd.f32 v4, v3;
	_ =	sdelay $0x1  }
0x2f7: {  	[tilespmem:s20+$0xFFFFFFF0] =	vst v3  }
0x2f8: {  	v3 =	vld [tilespmem:s15+$0x0]  }
0x2f9: {  	v4 =	vld [tilespmem:s14+$0x0]  }
0x2fa: {  	v5 =	vld [tilespmem:s16+$0x0];
	_ =	sdelay $0x1  }
0x2fb: {  	v6 =	vld [tilespmem:s19+$0x0]  }
0x2fc: {  	v3 =	vmul.f32 v3, v0  }
0x2fd: {  	v4 =	vmul.f32 v4, v1  }
0x2fe: {  	v3 =	vadd.f32 v3, v5;
	_ =	sdelay $0x1  }
0x2ff: {  	v3 =	vadd.f32 v4, v3;
	v4 =	vmul.f32 v6, v2;
	_ =	sdelay $0x1  }
0x300: {  	v3 =	vadd.f32 v4, v3;
	_ =	sdelay $0x1  }
0x301: {  	[tilespmem:s20+$0x0] =	vst v3  }
0x302: {  	v3 =	vld [tilespmem:s15+$0x10]  }
0x303: {  	v4 =	vld [tilespmem:s16+$0x10]  }
0x304: {  	v5 =	vld [tilespmem:s14+$0x10]  }
0x305: {  	v6 =	vld [tilespmem:s19+$0x10];
	_ =	sdelay $0x1  }
0x306: {  	v3 =	vmul.f32 v3, v0;
	_ =	sdelay $0x1  }
0x307: {  	v3 =	vadd.f32 v3, v4;
	v4 =	vmul.f32 v5, v1  }
0x308: {  	v5 =	vmul.f32 v6, v2  }
0x309: {  	v3 =	vadd.f32 v4, v3;
	_ =	sdelay $0x1  }
0x30a: {  	v3 =	vadd.f32 v5, v3;
	_ =	sdelay $0x1  }
0x30b: {  	[tilespmem:s20+$0x10] =	vst v3  }
0x30c: {  	v3 =	vld [tilespmem:s15+$0x20]  }
0x30d: {  	v4 =	vld [tilespmem:s16+$0x20]  }
0x30e: {  	v5 =	vld [tilespmem:s14+$0x20]  }
0x30f: {  	v6 =	vld [tilespmem:s19+$0x20];
	_ =	sdelay $0x1  }
0x310: {  	v3 =	vmul.f32 v3, v0;
	_ =	sdelay $0x1  }
0x311: {  	v3 =	vadd.f32 v3, v4;
	v4 =	vmul.f32 v5, v1  }
0x312: {  	v5 =	vmul.f32 v6, v2  }
0x313: {  	v3 =	vadd.f32 v4, v3;
	_ =	sdelay $0x1  }
0x314: {  	v3 =	vadd.f32 v5, v3;
	_ =	sdelay $0x1  }
0x315: {  	[tilespmem:s20+$0x20] =	vst v3  }
0x316: {  	v3 =	vld [tilespmem:s15+$0x30]  }
0x317: {  	v4 =	vld [tilespmem:s16+$0x30]  }
0x318: {  	v5 =	vld [tilespmem:s14+$0x30]  }
0x319: {  	v6 =	vld [tilespmem:s19+$0x30];
	_ =	sdelay $0x1  }
0x31a: {  	v0 =	vmul.f32 v3, v0;
	_ =	sdelay $0x1  }
0x31b: {  	v0 =	vadd.f32 v0, v4;
	v1 =	vmul.f32 v5, v1  }
.Ltmp3:
0x31c: {  	v2 =	vmul.f32 v6, v2;
	(pc) =	sbr.rel @p0 .LBB2_8-.Ltmp3, $3  }
0x31d: {  	v0 =	vadd.f32 v1, v0;
	_ =	sdelay $0x1  }
0x31e: {  	v0 =	vadd.f32 v2, v0  }
0x31f: {  	s20 =	sadd.s32 $0x80, s20;
	s19 =	sadd.s32 $0x80, s19  }
0x320: {  	[tilespmem:s17+$0x30] =	vst v0;
	s16 =	simm.s32 $0x0;
	s14 =	rddreg [dreg:$0x10]  }
0x321: {  	[hbm4b:s14+s16] =	stream.linear.scatter [tilespmem:s10], [sflag:$0x5], $0x2000, $0x38;
	[tilespmem:$0x12C00] =	vst v63  }
0x322: {  	_ =	swait.ge [sflag:s28], $0x2000  }
0x323: {  	[sflag:s28] =	ssyncset.done $0x0  }
0x324: {  	s18 =	simm.s32 $0x140;
	[sflag:s28] =	ssyncadd.s32 $0xFFFFE000  }
0x325: {  	[tilespmem:s4], [sflag:$0x2] =	stream.indirect.gather [hbm4b:s3+s31], $0x80, s18, s31, $0xb8;
	[tilespmem:$0x12C00] =	vst v63  }
0x326: {  	s19 =	simm.s32 $0x340  }
0x327: {  	[tilespmem:s5], [sflag:$0x2] =	stream.indirect.gather [hbm4b:s3+s31], $0x80, s19, s31, $0xb8;
	[tilespmem:$0x12C00] =	vst v63  }
0x328: {  	s20 =	simm.s32 $0x540  }
0x329: {  	[tilespmem:s6], [sflag:$0x2] =	stream.indirect.gather [hbm4b:s3+s31], $0x80, s20, s31, $0xb8;
	[tilespmem:$0x12C00] =	vst v63  }
0x32a: {  	s21 =	rddreg [dreg:$0x11]  }
0x32b: {  	[tilespmem:s7], [sflag:$0x4] =	stream.linear.gather [hbm4b:s21+s16], $0x2000, $0x38;
	[tilespmem:$0x12C00] =	vst v63  }
0x32c: {  	_ =	swait.ge [sflag:s8], $0x2000  }
0x32d: {  	[sflag:s8] =	ssyncset.done $0x0  }
0x32e: {  	[sflag:s8] =	ssyncadd.s32 $0xFFFFE000  }
0x32f: {  	_ =	swait.ge [sflag:s8], $0x2000  }
0x330: {  	[sflag:s8] =	ssyncset.done $0x0  }
0x331: {  	[sflag:s8] =	ssyncadd.s32 $0xFFFFE000  }
0x332: {  	_ =	swait.ge [sflag:s8], $0x2000  }
0x333: {  	[sflag:s8] =	ssyncset.done $0x0  }
0x334: {  	[sflag:s8] =	ssyncadd.s32 $0xFFFFE000  }
0x335: {  	_ =	swait.ge [sflag:s9], $0x2000  }
0x336: {  	[sflag:s9] =	ssyncset.done $0x0  }
0x337: {  	s14 =	simm.s32 $0x2C40;
	[sflag:s9] =	ssyncadd.s32 $0xFFFFE000  }
0x338: {  	s22 =	sand.u32 $0x30, s16;
	v0 =	vld [tilespmem:s14+$0xFFFFFFC0]  }
0x339: {  	s15 =	simm.s32 $0xC40;
	v1 =	vld [tilespmem:s22+$0x700]  }
0x33a: {  	v2 =	vmov s16;
	v3 =	vld [tilespmem:s15+$0xFFFFFFC0]  }
0x33b: {  	v2 =	vand.u32 $0xF, v2;
	s16 =	simm.s32 $0xCC40;
	v4 =	vld [tilespmem:s22+$0x900]  }
0x33c: {  	v2 =	vbroadcast v2, $0x0;
	v5 =	vld [tilespmem:s16+$0xFFFFFFC0]  }
0x33d: {  	v6 =	vld [tilespmem:s22+$0xB00]  }
0x33e: {  	s18 =	simm.s32 $0x4C40;
	v1 =	vperm.xlane v1, v2  }
0x33f: {  	v7 =	vld [tilespmem:s18+$0xFFFFFFC0]  }
0x340: {  	v4 =	vperm.xlane v4, v2;
	v3 =	vmul.f32 v3, v1;
	_ =	sdelay $0x1  }
0x341: {  	v2 =	vperm.xlane v6, v2;
	v0 =	vmul.f32 v0, v4;
	v3 =	vadd.f32 v3, v5;
	_ =	sdelay $0x1  }
0x342: {  	v0 =	vadd.f32 v0, v3;
	v3 =	vmul.f32 v7, v2;
	_ =	sdelay $0x1  }
0x343: {  	v0 =	vadd.f32 v3, v0  }
0x344: {  	s17 =	simm.s32 $0x10C40  }
0x345: {  	[tilespmem:s17+$0xFFFFFFC0] =	vst v0  }
0x346: {  	v0 =	vld [tilespmem:s15+$0xFFFFFFD0]  }
0x347: {  	v3 =	vld [tilespmem:s14+$0xFFFFFFD0]  }
0x348: {  	v48 =	vld [tilespmem:s16+$0xFFFFFFD0];
	_ =	sdelay $0x1  }
0x349: {  	v49 =	vld [tilespmem:s18+$0xFFFFFFD0]  }
0x34a: {  	v0 =	vmul.f32 v0, v1;
	_ =	sdelay $0x1  }
0x34b: {  	v3 =	vmul.f32 v3, v4;
	v0 =	vadd.f32 v0, v48;
	_ =	sdelay $0x1  }
0x34c: {  	v0 =	vadd.f32 v3, v0;
	v3 =	vmul.f32 v49, v2;
	_ =	sdelay $0x1  }
0x34d: {  	v0 =	vadd.f32 v3, v0;
	_ =	sdelay $0x1  }
0x34e: {  	[tilespmem:s17+$0xFFFFFFD0] =	vst v0  }
0x34f: {  	v0 =	vld [tilespmem:s15+$0xFFFFFFE0]  }
0x350: {  	v3 =	vld [tilespmem:s14+$0xFFFFFFE0]  }
0x351: {  	v50 =	vld [tilespmem:s16+$0xFFFFFFE0];
	_ =	sdelay $0x1  }
0x352: {  	v51 =	vld [tilespmem:s18+$0xFFFFFFE0]  }
0x353: {  	v0 =	vmul.f32 v0, v1;
	_ =	sdelay $0x1  }
0x354: {  	v3 =	vmul.f32 v3, v4;
	v0 =	vadd.f32 v0, v50;
	_ =	sdelay $0x1  }
0x355: {  	v0 =	vadd.f32 v3, v0;
	v3 =	vmul.f32 v51, v2;
	_ =	sdelay $0x1  }
0x356: {  	v0 =	vadd.f32 v3, v0;
	_ =	sdelay $0x1  }
0x357: {  	[tilespmem:s17+$0xFFFFFFE0] =	vst v0  }
0x358: {  	v0 =	vld [tilespmem:s15+$0xFFFFFFF0]  }
0x359: {  	v3 =	vld [tilespmem:s14+$0xFFFFFFF0]  }
0x35a: {  	v52 =	vld [tilespmem:s16+$0xFFFFFFF0];
	_ =	sdelay $0x1  }
0x35b: {  	v53 =	vld [tilespmem:s18+$0xFFFFFFF0]  }
0x35c: {  	v0 =	vmul.f32 v0, v1;
	_ =	sdelay $0x1  }
0x35d: {  	v3 =	vmul.f32 v3, v4;
	v0 =	vadd.f32 v0, v52;
	_ =	sdelay $0x1  }
0x35e: {  	v0 =	vadd.f32 v3, v0;
	v3 =	vmul.f32 v53, v2;
	_ =	sdelay $0x1  }
0x35f: {  	v0 =	vadd.f32 v3, v0;
	_ =	sdelay $0x1  }
0x360: {  	[tilespmem:s17+$0xFFFFFFF0] =	vst v0  }
0x361: {  	v0 =	vld [tilespmem:s15+$0x0]  }
0x362: {  	v3 =	vld [tilespmem:s14+$0x0]  }
0x363: {  	v54 =	vld [tilespmem:s16+$0x0];
	_ =	sdelay $0x1  }
0x364: {  	v55 =	vld [tilespmem:s18+$0x0]  }
0x365: {  	v0 =	vmul.f32 v0, v1;
	_ =	sdelay $0x1  }
0x366: {  	v3 =	vmul.f32 v3, v4;
	v0 =	vadd.f32 v0, v54;
	_ =	sdelay $0x1  }
0x367: {  	v0 =	vadd.f32 v3, v0;
	v3 =	vmul.f32 v55, v2;
	_ =	sdelay $0x1  }
0x368: {  	v0 =	vadd.f32 v3, v0;
	_ =	sdelay $0x1  }
0x369: {  	[tilespmem:s17+$0x0] =	vst v0  }
0x36a: {  	v0 =	vld [tilespmem:s15+$0x10]  }
0x36b: {  	v3 =	vld [tilespmem:s16+$0x10]  }
0x36c: {  	v56 =	vld [tilespmem:s14+$0x10];
	_ =	sdelay $0x1  }
0x36d: {  	v57 =	vld [tilespmem:s18+$0x10]  }
0x36e: {  	v0 =	vmul.f32 v0, v1;
	_ =	sdelay $0x1  }
0x36f: {  	v0 =	vadd.f32 v0, v3;
	v3 =	vmul.f32 v56, v4;
	_ =	sdelay $0x1  }
0x370: {  	v58 =	vmul.f32 v57, v2;
	v0 =	vadd.f32 v3, v0;
	_ =	sdelay $0x1  }
0x371: {  	v0 =	vadd.f32 v58, v0;
	_ =	sdelay $0x1  }
0x372: {  	[tilespmem:s17+$0x10] =	vst v0  }
0x373: {  	v0 =	vld [tilespmem:s15+$0x20]  }
0x374: {  	v3 =	vld [tilespmem:s16+$0x20]  }
0x375: {  	v59 =	vld [tilespmem:s14+$0x20];
	_ =	sdelay $0x1  }
0x376: {  	v60 =	vld [tilespmem:s18+$0x20]  }
0x377: {  	v0 =	vmul.f32 v0, v1;
	_ =	sdelay $0x1  }
0x378: {  	v0 =	vadd.f32 v0, v3;
	v3 =	vmul.f32 v59, v4;
	_ =	sdelay $0x1  }
0x379: {  	v61 =	vmul.f32 v60, v2;
	v0 =	vadd.f32 v3, v0;
	_ =	sdelay $0x1  }
0x37a: {  	v0 =	vadd.f32 v61, v0;
	_ =	sdelay $0x1  }
0x37b: {  	[tilespmem:s17+$0x20] =	vst v0  }
0x37c: {  	v0 =	vld [tilespmem:s15+$0x30]  }
0x37d: {  	v3 =	vld [tilespmem:s16+$0x30]  }
0x37e: {  	v62 =	vld [tilespmem:s14+$0x30];
	_ =	sdelay $0x1  }
0x37f: {  	v63 =	vld [tilespmem:s18+$0x30]  }
0x380: {  	v0 =	vmul.f32 v0, v1;
	_ =	sdelay $0x1  }
0x381: {  	v1 =	vmul.f32 v62, v4;
	v0 =	vadd.f32 v0, v3;
	_ =	sdelay $0x1  }
0x382: {  	v2 =	vmul.f32 v63, v2;
	v0 =	vadd.f32 v1, v0;
	_ =	sdelay $0x1  }
0x383: {  	s19 =	simm.s32 $0x4CC0;
	s20 =	simm.s32 $0x10CC0;
	s18 =	simm.s32 $0x1;
	v0 =	vadd.f32 v2, v0  }
.LBB2_10:
0x384: {  	s16 =	sadd.s32 $0x80, s16;
	s15 =	sadd.s32 $0x80, s15  }
0x385: {  	[tilespmem:s17+$0x30] =	vst v0;
	s14 =	sadd.s32 $0x80, s14;
	s21 =	smov.u32 s18;
	s17 =	smov.u32 s20  }
0x386: {  	p0 =	sne.s32 s18, $0x3F;
	s18 =	sadd.s32 $0x1, s18;
	s22 =	sand.u32 $0x30, s21;
	v3 =	vld [tilespmem:s14+$0xFFFFFFC0]  }
0x387: {  	v0 =	vld [tilespmem:s22+$0x700]  }
0x388: {  	v1 =	vmov s21;
	v2 =	vld [tilespmem:s15+$0xFFFFFFC0]  }
0x389: {  	v1 =	vand.u32 $0xF, v1;
	v4 =	vld [tilespmem:s22+$0x900]  }
0x38a: {  	v5 =	vbroadcast v1, $0x0;
	v6 =	vld [tilespmem:s16+$0xFFFFFFC0]  }
0x38b: {  	v7 =	vld [tilespmem:s22+$0xB00]  }
0x38c: {  	v0 =	vperm.xlane v0, v5  }
0x38d: {  	v8 =	vld [tilespmem:s19+$0xFFFFFFC0]  }
0x38e: {  	v1 =	vperm.xlane v4, v5;
	v4 =	vmul.f32 v2, v0;
	_ =	sdelay $0x1  }
0x38f: {  	v2 =	vperm.xlane v7, v5;
	v4 =	vadd.f32 v4, v6;
	v3 =	vmul.f32 v3, v1;
	_ =	sdelay $0x1  }
0x390: {  	v3 =	vadd.f32 v3, v4;
	v4 =	vmul.f32 v8, v2;
	_ =	sdelay $0x1  }
0x391: {  	v3 =	vadd.f32 v4, v3;
	_ =	sdelay $0x1  }
0x392: {  	[tilespmem:s20+$0xFFFFFFC0] =	vst v3  }
0x393: {  	v3 =	vld [tilespmem:s15+$0xFFFFFFD0]  }
0x394: {  	v4 =	vld [tilespmem:s14+$0xFFFFFFD0]  }
0x395: {  	v5 =	vld [tilespmem:s16+$0xFFFFFFD0];
	_ =	sdelay $0x1  }
0x396: {  	v6 =	vld [tilespmem:s19+$0xFFFFFFD0]  }
0x397: {  	v3 =	vmul.f32 v3, v0  }
0x398: {  	v4 =	vmul.f32 v4, v1  }
0x399: {  	v3 =	vadd.f32 v3, v5;
	_ =	sdelay $0x1  }
0x39a: {  	v3 =	vadd.f32 v4, v3;
	v4 =	vmul.f32 v6, v2;
	_ =	sdelay $0x1  }
0x39b: {  	v3 =	vadd.f32 v4, v3;
	_ =	sdelay $0x1  }
0x39c: {  	[tilespmem:s20+$0xFFFFFFD0] =	vst v3  }
0x39d: {  	v3 =	vld [tilespmem:s15+$0xFFFFFFE0]  }
0x39e: {  	v4 =	vld [tilespmem:s14+$0xFFFFFFE0]  }
0x39f: {  	v5 =	vld [tilespmem:s16+$0xFFFFFFE0];
	_ =	sdelay $0x1  }
0x3a0: {  	v6 =	vld [tilespmem:s19+$0xFFFFFFE0]  }
0x3a1: {  	v3 =	vmul.f32 v3, v0  }
0x3a2: {  	v4 =	vmul.f32 v4, v1  }
0x3a3: {  	v3 =	vadd.f32 v3, v5;
	_ =	sdelay $0x1  }
0x3a4: {  	v3 =	vadd.f32 v4, v3;
	v4 =	vmul.f32 v6, v2;
	_ =	sdelay $0x1  }
0x3a5: {  	v3 =	vadd.f32 v4, v3;
	_ =	sdelay $0x1  }
0x3a6: {  	[tilespmem:s20+$0xFFFFFFE0] =	vst v3  }
0x3a7: {  	v3 =	vld [tilespmem:s15+$0xFFFFFFF0]  }
0x3a8: {  	v4 =	vld [tilespmem:s14+$0xFFFFFFF0]  }
0x3a9: {  	v5 =	vld [tilespmem:s16+$0xFFFFFFF0];
	_ =	sdelay $0x1  }
0x3aa: {  	v6 =	vld [tilespmem:s19+$0xFFFFFFF0]  }
0x3ab: {  	v3 =	vmul.f32 v3, v0  }
0x3ac: {  	v4 =	vmul.f32 v4, v1  }
0x3ad: {  	v3 =	vadd.f32 v3, v5;
	_ =	sdelay $0x1  }
0x3ae: {  	v3 =	vadd.f32 v4, v3;
	v4 =	vmul.f32 v6, v2;
	_ =	sdelay $0x1  }
0x3af: {  	v3 =	vadd.f32 v4, v3;
	_ =	sdelay $0x1  }
0x3b0: {  	[tilespmem:s20+$0xFFFFFFF0] =	vst v3  }
0x3b1: {  	v3 =	vld [tilespmem:s15+$0x0]  }
0x3b2: {  	v4 =	vld [tilespmem:s14+$0x0]  }
0x3b3: {  	v5 =	vld [tilespmem:s16+$0x0];
	_ =	sdelay $0x1  }
0x3b4: {  	v6 =	vld [tilespmem:s19+$0x0]  }
0x3b5: {  	v3 =	vmul.f32 v3, v0  }
0x3b6: {  	v4 =	vmul.f32 v4, v1  }
0x3b7: {  	v3 =	vadd.f32 v3, v5;
	_ =	sdelay $0x1  }
0x3b8: {  	v3 =	vadd.f32 v4, v3;
	v4 =	vmul.f32 v6, v2;
	_ =	sdelay $0x1  }
0x3b9: {  	v3 =	vadd.f32 v4, v3;
	_ =	sdelay $0x1  }
0x3ba: {  	[tilespmem:s20+$0x0] =	vst v3  }
0x3bb: {  	v3 =	vld [tilespmem:s15+$0x10]  }
0x3bc: {  	v4 =	vld [tilespmem:s16+$0x10]  }
0x3bd: {  	v5 =	vld [tilespmem:s14+$0x10]  }
0x3be: {  	v6 =	vld [tilespmem:s19+$0x10];
	_ =	sdelay $0x1  }
0x3bf: {  	v3 =	vmul.f32 v3, v0;
	_ =	sdelay $0x1  }
0x3c0: {  	v3 =	vadd.f32 v3, v4;
	v4 =	vmul.f32 v5, v1  }
0x3c1: {  	v5 =	vmul.f32 v6, v2  }
0x3c2: {  	v3 =	vadd.f32 v4, v3;
	_ =	sdelay $0x1  }
0x3c3: {  	v3 =	vadd.f32 v5, v3;
	_ =	sdelay $0x1  }
0x3c4: {  	[tilespmem:s20+$0x10] =	vst v3  }
0x3c5: {  	v3 =	vld [tilespmem:s15+$0x20]  }
0x3c6: {  	v4 =	vld [tilespmem:s16+$0x20]  }
0x3c7: {  	v5 =	vld [tilespmem:s14+$0x20]  }
0x3c8: {  	v6 =	vld [tilespmem:s19+$0x20];
	_ =	sdelay $0x1  }
0x3c9: {  	v3 =	vmul.f32 v3, v0;
	_ =	sdelay $0x1  }
0x3ca: {  	v3 =	vadd.f32 v3, v4;
	v4 =	vmul.f32 v5, v1  }
0x3cb: {  	v5 =	vmul.f32 v6, v2  }
0x3cc: {  	v3 =	vadd.f32 v4, v3;
	_ =	sdelay $0x1  }
0x3cd: {  	v3 =	vadd.f32 v5, v3;
	_ =	sdelay $0x1  }
0x3ce: {  	[tilespmem:s20+$0x20] =	vst v3  }
0x3cf: {  	v3 =	vld [tilespmem:s15+$0x30]  }
0x3d0: {  	v4 =	vld [tilespmem:s16+$0x30]  }
0x3d1: {  	v5 =	vld [tilespmem:s14+$0x30]  }
0x3d2: {  	v6 =	vld [tilespmem:s19+$0x30];
	_ =	sdelay $0x1  }
0x3d3: {  	v0 =	vmul.f32 v3, v0;
	_ =	sdelay $0x1  }
0x3d4: {  	v0 =	vadd.f32 v0, v4;
	v1 =	vmul.f32 v5, v1  }
.Ltmp4:
0x3d5: {  	v2 =	vmul.f32 v6, v2;
	(pc) =	sbr.rel @p0 .LBB2_10-.Ltmp4, $3  }
0x3d6: {  	v0 =	vadd.f32 v1, v0;
	_ =	sdelay $0x1  }
0x3d7: {  	v0 =	vadd.f32 v2, v0  }
0x3d8: {  	s20 =	sadd.s32 $0x80, s20;
	s19 =	sadd.s32 $0x80, s19  }
0x3d9: {  	[tilespmem:s17+$0x30] =	vst v0;
	s16 =	simm.s32 $0x0;
	s14 =	rddreg [dreg:$0x12]  }
0x3da: {  	[hbm4b:s14+s16] =	stream.linear.scatter [tilespmem:s10], [sflag:$0x5], $0x2000, $0x38;
	[tilespmem:$0x12C00] =	vst v63  }
0x3db: {  	_ =	swait.ge [sflag:s28], $0x2000  }
0x3dc: {  	[sflag:s28] =	ssyncset.done $0x0  }
0x3dd: {  	s18 =	simm.s32 $0x180;
	[sflag:s28] =	ssyncadd.s32 $0xFFFFE000  }
0x3de: {  	[tilespmem:s0], [sflag:$0x1] =	stream.indirect.gather [hbm4b:s3+s31], $0x80, s18, s31, $0xb8;
	[tilespmem:$0x12C00] =	vst v63  }
0x3df: {  	s19 =	simm.s32 $0x380  }
0x3e0: {  	[tilespmem:s1], [sflag:$0x1] =	stream.indirect.gather [hbm4b:s3+s31], $0x80, s19, s31, $0xb8;
	[tilespmem:$0x12C00] =	vst v63  }
0x3e1: {  	s20 =	simm.s32 $0x580  }
0x3e2: {  	[tilespmem:s29], [sflag:$0x1] =	stream.indirect.gather [hbm4b:s3+s31], $0x80, s20, s31, $0xb8;
	[tilespmem:$0x12C00] =	vst v63  }
0x3e3: {  	s21 =	rddreg [dreg:$0x13]  }
0x3e4: {  	[tilespmem:s30], [sflag:$0x3] =	stream.linear.gather [hbm4b:s21+s16], $0x2000, $0x38;
	[tilespmem:$0x12C00] =	vst v63  }
0x3e5: {  	_ =	swait.ge [sflag:s11], $0x2000  }
0x3e6: {  	[sflag:s11] =	ssyncset.done $0x0  }
0x3e7: {  	[sflag:s11] =	ssyncadd.s32 $0xFFFFE000  }
0x3e8: {  	_ =	swait.ge [sflag:s11], $0x2000  }
0x3e9: {  	[sflag:s11] =	ssyncset.done $0x0  }
0x3ea: {  	[sflag:s11] =	ssyncadd.s32 $0xFFFFE000  }
0x3eb: {  	_ =	swait.ge [sflag:s11], $0x2000  }
0x3ec: {  	[sflag:s11] =	ssyncset.done $0x0  }
0x3ed: {  	[sflag:s11] =	ssyncadd.s32 $0xFFFFE000  }
0x3ee: {  	_ =	swait.ge [sflag:s12], $0x2000  }
0x3ef: {  	[sflag:s12] =	ssyncset.done $0x0  }
0x3f0: {  	s14 =	simm.s32 $0x8C40;
	[sflag:s12] =	ssyncadd.s32 $0xFFFFE000  }
0x3f1: {  	s22 =	sand.u32 $0x30, s16;
	v0 =	vld [tilespmem:s14+$0xFFFFFFC0]  }
0x3f2: {  	s15 =	simm.s32 $0x6C40;
	v1 =	vld [tilespmem:s22+$0x740]  }
0x3f3: {  	v2 =	vmov s16;
	v3 =	vld [tilespmem:s15+$0xFFFFFFC0]  }
0x3f4: {  	v2 =	vand.u32 $0xF, v2;
	s16 =	simm.s32 $0xEC40;
	v4 =	vld [tilespmem:s22+$0x940]  }
0x3f5: {  	v2 =	vbroadcast v2, $0x0;
	v5 =	vld [tilespmem:s16+$0xFFFFFFC0]  }
0x3f6: {  	v6 =	vld [tilespmem:s22+$0xB40]  }
0x3f7: {  	s18 =	simm.s32 $0xAC40;
	v1 =	vperm.xlane v1, v2  }
0x3f8: {  	v7 =	vld [tilespmem:s18+$0xFFFFFFC0]  }
0x3f9: {  	v4 =	vperm.xlane v4, v2;
	v3 =	vmul.f32 v3, v1;
	_ =	sdelay $0x1  }
0x3fa: {  	v2 =	vperm.xlane v6, v2;
	v0 =	vmul.f32 v0, v4;
	v3 =	vadd.f32 v3, v5;
	_ =	sdelay $0x1  }
0x3fb: {  	v0 =	vadd.f32 v0, v3;
	v3 =	vmul.f32 v7, v2;
	_ =	sdelay $0x1  }
0x3fc: {  	v0 =	vadd.f32 v3, v0  }
0x3fd: {  	s17 =	simm.s32 $0x10C40  }
0x3fe: {  	[tilespmem:s17+$0xFFFFFFC0] =	vst v0  }
0x3ff: {  	v0 =	vld [tilespmem:s15+$0xFFFFFFD0]  }
0x400: {  	v3 =	vld [tilespmem:s14+$0xFFFFFFD0]  }
0x401: {  	v48 =	vld [tilespmem:s16+$0xFFFFFFD0];
	_ =	sdelay $0x1  }
0x402: {  	v49 =	vld [tilespmem:s18+$0xFFFFFFD0]  }
0x403: {  	v0 =	vmul.f32 v0, v1;
	_ =	sdelay $0x1  }
0x404: {  	v3 =	vmul.f32 v3, v4;
	v0 =	vadd.f32 v0, v48;
	_ =	sdelay $0x1  }
0x405: {  	v0 =	vadd.f32 v3, v0;
	v3 =	vmul.f32 v49, v2;
	_ =	sdelay $0x1  }
0x406: {  	v0 =	vadd.f32 v3, v0;
	_ =	sdelay $0x1  }
0x407: {  	[tilespmem:s17+$0xFFFFFFD0] =	vst v0  }
0x408: {  	v0 =	vld [tilespmem:s15+$0xFFFFFFE0]  }
0x409: {  	v3 =	vld [tilespmem:s14+$0xFFFFFFE0]  }
0x40a: {  	v50 =	vld [tilespmem:s16+$0xFFFFFFE0];
	_ =	sdelay $0x1  }
0x40b: {  	v51 =	vld [tilespmem:s18+$0xFFFFFFE0]  }
0x40c: {  	v0 =	vmul.f32 v0, v1;
	_ =	sdelay $0x1  }
0x40d: {  	v3 =	vmul.f32 v3, v4;
	v0 =	vadd.f32 v0, v50;
	_ =	sdelay $0x1  }
0x40e: {  	v0 =	vadd.f32 v3, v0;
	v3 =	vmul.f32 v51, v2;
	_ =	sdelay $0x1  }
0x40f: {  	v0 =	vadd.f32 v3, v0;
	_ =	sdelay $0x1  }
0x410: {  	[tilespmem:s17+$0xFFFFFFE0] =	vst v0  }
0x411: {  	v0 =	vld [tilespmem:s15+$0xFFFFFFF0]  }
0x412: {  	v3 =	vld [tilespmem:s14+$0xFFFFFFF0]  }
0x413: {  	v52 =	vld [tilespmem:s16+$0xFFFFFFF0];
	_ =	sdelay $0x1  }
0x414: {  	v53 =	vld [tilespmem:s18+$0xFFFFFFF0]  }
0x415: {  	v0 =	vmul.f32 v0, v1;
	_ =	sdelay $0x1  }
0x416: {  	v3 =	vmul.f32 v3, v4;
	v0 =	vadd.f32 v0, v52;
	_ =	sdelay $0x1  }
0x417: {  	v0 =	vadd.f32 v3, v0;
	v3 =	vmul.f32 v53, v2;
	_ =	sdelay $0x1  }
0x418: {  	v0 =	vadd.f32 v3, v0;
	_ =	sdelay $0x1  }
0x419: {  	[tilespmem:s17+$0xFFFFFFF0] =	vst v0  }
0x41a: {  	v0 =	vld [tilespmem:s15+$0x0]  }
0x41b: {  	v3 =	vld [tilespmem:s14+$0x0]  }
0x41c: {  	v54 =	vld [tilespmem:s16+$0x0];
	_ =	sdelay $0x1  }
0x41d: {  	v55 =	vld [tilespmem:s18+$0x0]  }
0x41e: {  	v0 =	vmul.f32 v0, v1;
	_ =	sdelay $0x1  }
0x41f: {  	v3 =	vmul.f32 v3, v4;
	v0 =	vadd.f32 v0, v54;
	_ =	sdelay $0x1  }
0x420: {  	v0 =	vadd.f32 v3, v0;
	v3 =	vmul.f32 v55, v2;
	_ =	sdelay $0x1  }
0x421: {  	v0 =	vadd.f32 v3, v0;
	_ =	sdelay $0x1  }
0x422: {  	[tilespmem:s17+$0x0] =	vst v0  }
0x423: {  	v0 =	vld [tilespmem:s15+$0x10]  }
0x424: {  	v3 =	vld [tilespmem:s16+$0x10]  }
0x425: {  	v56 =	vld [tilespmem:s14+$0x10];
	_ =	sdelay $0x1  }
0x426: {  	v57 =	vld [tilespmem:s18+$0x10]  }
0x427: {  	v0 =	vmul.f32 v0, v1;
	_ =	sdelay $0x1  }
0x428: {  	v0 =	vadd.f32 v0, v3;
	v3 =	vmul.f32 v56, v4;
	_ =	sdelay $0x1  }
0x429: {  	v58 =	vmul.f32 v57, v2;
	v0 =	vadd.f32 v3, v0;
	_ =	sdelay $0x1  }
0x42a: {  	v0 =	vadd.f32 v58, v0;
	_ =	sdelay $0x1  }
0x42b: {  	[tilespmem:s17+$0x10] =	vst v0  }
0x42c: {  	v0 =	vld [tilespmem:s15+$0x20]  }
0x42d: {  	v3 =	vld [tilespmem:s16+$0x20]  }
0x42e: {  	v59 =	vld [tilespmem:s14+$0x20];
	_ =	sdelay $0x1  }
0x42f: {  	v60 =	vld [tilespmem:s18+$0x20]  }
0x430: {  	v0 =	vmul.f32 v0, v1;
	_ =	sdelay $0x1  }
0x431: {  	v0 =	vadd.f32 v0, v3;
	v3 =	vmul.f32 v59, v4;
	_ =	sdelay $0x1  }
0x432: {  	v61 =	vmul.f32 v60, v2;
	v0 =	vadd.f32 v3, v0;
	_ =	sdelay $0x1  }
0x433: {  	v0 =	vadd.f32 v61, v0;
	_ =	sdelay $0x1  }
0x434: {  	[tilespmem:s17+$0x20] =	vst v0  }
0x435: {  	v0 =	vld [tilespmem:s15+$0x30]  }
0x436: {  	v3 =	vld [tilespmem:s16+$0x30]  }
0x437: {  	v62 =	vld [tilespmem:s14+$0x30];
	_ =	sdelay $0x1  }
0x438: {  	v63 =	vld [tilespmem:s18+$0x30]  }
0x439: {  	v0 =	vmul.f32 v0, v1;
	_ =	sdelay $0x1  }
0x43a: {  	v1 =	vmul.f32 v62, v4;
	v0 =	vadd.f32 v0, v3;
	_ =	sdelay $0x1  }
0x43b: {  	v2 =	vmul.f32 v63, v2;
	v0 =	vadd.f32 v1, v0;
	_ =	sdelay $0x1  }
0x43c: {  	s19 =	simm.s32 $0xACC0;
	s20 =	simm.s32 $0x10CC0;
	s18 =	simm.s32 $0x1;
	v0 =	vadd.f32 v2, v0  }
.LBB2_12:
0x43d: {  	s16 =	sadd.s32 $0x80, s16;
	s15 =	sadd.s32 $0x80, s15  }
0x43e: {  	[tilespmem:s17+$0x30] =	vst v0;
	s14 =	sadd.s32 $0x80, s14;
	s21 =	smov.u32 s18;
	s17 =	smov.u32 s20  }
0x43f: {  	p0 =	sne.s32 s18, $0x3F;
	s18 =	sadd.s32 $0x1, s18;
	s22 =	sand.u32 $0x30, s21;
	v3 =	vld [tilespmem:s14+$0xFFFFFFC0]  }
0x440: {  	v0 =	vld [tilespmem:s22+$0x740]  }
0x441: {  	v1 =	vmov s21;
	v2 =	vld [tilespmem:s15+$0xFFFFFFC0]  }
0x442: {  	v1 =	vand.u32 $0xF, v1;
	v4 =	vld [tilespmem:s22+$0x940]  }
0x443: {  	v5 =	vbroadcast v1, $0x0;
	v6 =	vld [tilespmem:s16+$0xFFFFFFC0]  }
0x444: {  	v7 =	vld [tilespmem:s22+$0xB40]  }
0x445: {  	v0 =	vperm.xlane v0, v5  }
0x446: {  	v8 =	vld [tilespmem:s19+$0xFFFFFFC0]  }
0x447: {  	v1 =	vperm.xlane v4, v5;
	v4 =	vmul.f32 v2, v0;
	_ =	sdelay $0x1  }
0x448: {  	v2 =	vperm.xlane v7, v5;
	v4 =	vadd.f32 v4, v6;
	v3 =	vmul.f32 v3, v1;
	_ =	sdelay $0x1  }
0x449: {  	v3 =	vadd.f32 v3, v4;
	v4 =	vmul.f32 v8, v2;
	_ =	sdelay $0x1  }
0x44a: {  	v3 =	vadd.f32 v4, v3;
	_ =	sdelay $0x1  }
0x44b: {  	[tilespmem:s20+$0xFFFFFFC0] =	vst v3  }
0x44c: {  	v3 =	vld [tilespmem:s15+$0xFFFFFFD0]  }
0x44d: {  	v4 =	vld [tilespmem:s14+$0xFFFFFFD0]  }
0x44e: {  	v5 =	vld [tilespmem:s16+$0xFFFFFFD0];
	_ =	sdelay $0x1  }
0x44f: {  	v6 =	vld [tilespmem:s19+$0xFFFFFFD0]  }
0x450: {  	v3 =	vmul.f32 v3, v0  }
0x451: {  	v4 =	vmul.f32 v4, v1  }
0x452: {  	v3 =	vadd.f32 v3, v5;
	_ =	sdelay $0x1  }
0x453: {  	v3 =	vadd.f32 v4, v3;
	v4 =	vmul.f32 v6, v2;
	_ =	sdelay $0x1  }
0x454: {  	v3 =	vadd.f32 v4, v3;
	_ =	sdelay $0x1  }
0x455: {  	[tilespmem:s20+$0xFFFFFFD0] =	vst v3  }
0x456: {  	v3 =	vld [tilespmem:s15+$0xFFFFFFE0]  }
0x457: {  	v4 =	vld [tilespmem:s14+$0xFFFFFFE0]  }
0x458: {  	v5 =	vld [tilespmem:s16+$0xFFFFFFE0];
	_ =	sdelay $0x1  }
0x459: {  	v6 =	vld [tilespmem:s19+$0xFFFFFFE0]  }
0x45a: {  	v3 =	vmul.f32 v3, v0  }
0x45b: {  	v4 =	vmul.f32 v4, v1  }
0x45c: {  	v3 =	vadd.f32 v3, v5;
	_ =	sdelay $0x1  }
0x45d: {  	v3 =	vadd.f32 v4, v3;
	v4 =	vmul.f32 v6, v2;
	_ =	sdelay $0x1  }
0x45e: {  	v3 =	vadd.f32 v4, v3;
	_ =	sdelay $0x1  }
0x45f: {  	[tilespmem:s20+$0xFFFFFFE0] =	vst v3  }
0x460: {  	v3 =	vld [tilespmem:s15+$0xFFFFFFF0]  }
0x461: {  	v4 =	vld [tilespmem:s14+$0xFFFFFFF0]  }
0x462: {  	v5 =	vld [tilespmem:s16+$0xFFFFFFF0];
	_ =	sdelay $0x1  }
0x463: {  	v6 =	vld [tilespmem:s19+$0xFFFFFFF0]  }
0x464: {  	v3 =	vmul.f32 v3, v0  }
0x465: {  	v4 =	vmul.f32 v4, v1  }
0x466: {  	v3 =	vadd.f32 v3, v5;
	_ =	sdelay $0x1  }
0x467: {  	v3 =	vadd.f32 v4, v3;
	v4 =	vmul.f32 v6, v2;
	_ =	sdelay $0x1  }
0x468: {  	v3 =	vadd.f32 v4, v3;
	_ =	sdelay $0x1  }
0x469: {  	[tilespmem:s20+$0xFFFFFFF0] =	vst v3  }
0x46a: {  	v3 =	vld [tilespmem:s15+$0x0]  }
0x46b: {  	v4 =	vld [tilespmem:s14+$0x0]  }
0x46c: {  	v5 =	vld [tilespmem:s16+$0x0];
	_ =	sdelay $0x1  }
0x46d: {  	v6 =	vld [tilespmem:s19+$0x0]  }
0x46e: {  	v3 =	vmul.f32 v3, v0  }
0x46f: {  	v4 =	vmul.f32 v4, v1  }
0x470: {  	v3 =	vadd.f32 v3, v5;
	_ =	sdelay $0x1  }
0x471: {  	v3 =	vadd.f32 v4, v3;
	v4 =	vmul.f32 v6, v2;
	_ =	sdelay $0x1  }
0x472: {  	v3 =	vadd.f32 v4, v3;
	_ =	sdelay $0x1  }
0x473: {  	[tilespmem:s20+$0x0] =	vst v3  }
0x474: {  	v3 =	vld [tilespmem:s15+$0x10]  }
0x475: {  	v4 =	vld [tilespmem:s16+$0x10]  }
0x476: {  	v5 =	vld [tilespmem:s14+$0x10]  }
0x477: {  	v6 =	vld [tilespmem:s19+$0x10];
	_ =	sdelay $0x1  }
0x478: {  	v3 =	vmul.f32 v3, v0;
	_ =	sdelay $0x1  }
0x479: {  	v3 =	vadd.f32 v3, v4;
	v4 =	vmul.f32 v5, v1  }
0x47a: {  	v5 =	vmul.f32 v6, v2  }
0x47b: {  	v3 =	vadd.f32 v4, v3;
	_ =	sdelay $0x1  }
0x47c: {  	v3 =	vadd.f32 v5, v3;
	_ =	sdelay $0x1  }
0x47d: {  	[tilespmem:s20+$0x10] =	vst v3  }
0x47e: {  	v3 =	vld [tilespmem:s15+$0x20]  }
0x47f: {  	v4 =	vld [tilespmem:s16+$0x20]  }
0x480: {  	v5 =	vld [tilespmem:s14+$0x20]  }
0x481: {  	v6 =	vld [tilespmem:s19+$0x20];
	_ =	sdelay $0x1  }
0x482: {  	v3 =	vmul.f32 v3, v0;
	_ =	sdelay $0x1  }
0x483: {  	v3 =	vadd.f32 v3, v4;
	v4 =	vmul.f32 v5, v1  }
0x484: {  	v5 =	vmul.f32 v6, v2  }
0x485: {  	v3 =	vadd.f32 v4, v3;
	_ =	sdelay $0x1  }
0x486: {  	v3 =	vadd.f32 v5, v3;
	_ =	sdelay $0x1  }
0x487: {  	[tilespmem:s20+$0x20] =	vst v3  }
0x488: {  	v3 =	vld [tilespmem:s15+$0x30]  }
0x489: {  	v4 =	vld [tilespmem:s16+$0x30]  }
0x48a: {  	v5 =	vld [tilespmem:s14+$0x30]  }
0x48b: {  	v6 =	vld [tilespmem:s19+$0x30];
	_ =	sdelay $0x1  }
0x48c: {  	v0 =	vmul.f32 v3, v0;
	_ =	sdelay $0x1  }
0x48d: {  	v0 =	vadd.f32 v0, v4;
	v1 =	vmul.f32 v5, v1  }
.Ltmp5:
0x48e: {  	v2 =	vmul.f32 v6, v2;
	(pc) =	sbr.rel @p0 .LBB2_12-.Ltmp5, $3  }
0x48f: {  	v0 =	vadd.f32 v1, v0;
	_ =	sdelay $0x1  }
0x490: {  	v0 =	vadd.f32 v2, v0  }
0x491: {  	s20 =	sadd.s32 $0x80, s20;
	s19 =	sadd.s32 $0x80, s19  }
0x492: {  	[tilespmem:s17+$0x30] =	vst v0;
	s16 =	simm.s32 $0x0;
	s14 =	rddreg [dreg:$0x14]  }
0x493: {  	[hbm4b:s14+s16] =	stream.linear.scatter [tilespmem:s10], [sflag:$0x5], $0x2000, $0x38;
	[tilespmem:$0x12C00] =	vst v63  }
0x494: {  	_ =	swait.ge [sflag:s28], $0x2000  }
0x495: {  	[sflag:s28] =	ssyncset.done $0x0  }
0x496: {  	s18 =	simm.s32 $0x1C0;
	[sflag:s28] =	ssyncadd.s32 $0xFFFFE000  }
0x497: {  	[tilespmem:s4], [sflag:$0x2] =	stream.indirect.gather [hbm4b:s3+s31], $0x80, s18, s31, $0xb8;
	[tilespmem:$0x12C00] =	vst v63  }
0x498: {  	s19 =	simm.s32 $0x3C0  }
0x499: {  	[tilespmem:s5], [sflag:$0x2] =	stream.indirect.gather [hbm4b:s3+s31], $0x80, s19, s31, $0xb8;
	[tilespmem:$0x12C00] =	vst v63  }
0x49a: {  	s20 =	simm.s32 $0x5C0  }
0x49b: {  	[tilespmem:s6], [sflag:$0x2] =	stream.indirect.gather [hbm4b:s3+s31], $0x80, s20, s31, $0xb8;
	[tilespmem:$0x12C00] =	vst v63  }
0x49c: {  	s21 =	rddreg [dreg:$0x15]  }
0x49d: {  	[tilespmem:s7], [sflag:$0x4] =	stream.linear.gather [hbm4b:s21+s16], $0x2000, $0x38;
	[tilespmem:$0x12C00] =	vst v63  }
0x49e: {  	_ =	swait.ge [sflag:s8], $0x2000  }
0x49f: {  	[sflag:s8] =	ssyncset.done $0x0  }
0x4a0: {  	[sflag:s8] =	ssyncadd.s32 $0xFFFFE000  }
0x4a1: {  	_ =	swait.ge [sflag:s8], $0x2000  }
0x4a2: {  	[sflag:s8] =	ssyncset.done $0x0  }
0x4a3: {  	[sflag:s8] =	ssyncadd.s32 $0xFFFFE000  }
0x4a4: {  	_ =	swait.ge [sflag:s8], $0x2000  }
0x4a5: {  	[sflag:s8] =	ssyncset.done $0x0  }
0x4a6: {  	[sflag:s8] =	ssyncadd.s32 $0xFFFFE000  }
0x4a7: {  	_ =	swait.ge [sflag:s9], $0x2000  }
0x4a8: {  	[sflag:s9] =	ssyncset.done $0x0  }
0x4a9: {  	s14 =	simm.s32 $0x2C40;
	[sflag:s9] =	ssyncadd.s32 $0xFFFFE000  }
0x4aa: {  	s22 =	sand.u32 $0x30, s16;
	v0 =	vld [tilespmem:s14+$0xFFFFFFC0]  }
0x4ab: {  	s15 =	simm.s32 $0xC40;
	v1 =	vld [tilespmem:s22+$0x780]  }
0x4ac: {  	v2 =	vmov s16;
	v3 =	vld [tilespmem:s15+$0xFFFFFFC0]  }
0x4ad: {  	v2 =	vand.u32 $0xF, v2;
	s16 =	simm.s32 $0xCC40;
	v4 =	vld [tilespmem:s22+$0x980]  }
0x4ae: {  	v2 =	vbroadcast v2, $0x0;
	v5 =	vld [tilespmem:s16+$0xFFFFFFC0]  }
0x4af: {  	v6 =	vld [tilespmem:s22+$0xB80]  }
0x4b0: {  	s18 =	simm.s32 $0x4C40;
	v1 =	vperm.xlane v1, v2  }
0x4b1: {  	v7 =	vld [tilespmem:s18+$0xFFFFFFC0]  }
0x4b2: {  	v4 =	vperm.xlane v4, v2;
	v3 =	vmul.f32 v3, v1;
	_ =	sdelay $0x1  }
0x4b3: {  	v2 =	vperm.xlane v6, v2;
	v0 =	vmul.f32 v0, v4;
	v3 =	vadd.f32 v3, v5;
	_ =	sdelay $0x1  }
0x4b4: {  	v0 =	vadd.f32 v0, v3;
	v3 =	vmul.f32 v7, v2;
	_ =	sdelay $0x1  }
0x4b5: {  	v0 =	vadd.f32 v3, v0  }
0x4b6: {  	s17 =	simm.s32 $0x10C40  }
0x4b7: {  	[tilespmem:s17+$0xFFFFFFC0] =	vst v0  }
0x4b8: {  	v0 =	vld [tilespmem:s15+$0xFFFFFFD0]  }
0x4b9: {  	v3 =	vld [tilespmem:s14+$0xFFFFFFD0]  }
0x4ba: {  	v48 =	vld [tilespmem:s16+$0xFFFFFFD0];
	_ =	sdelay $0x1  }
0x4bb: {  	v49 =	vld [tilespmem:s18+$0xFFFFFFD0]  }
0x4bc: {  	v0 =	vmul.f32 v0, v1;
	_ =	sdelay $0x1  }
0x4bd: {  	v3 =	vmul.f32 v3, v4;
	v0 =	vadd.f32 v0, v48;
	_ =	sdelay $0x1  }
0x4be: {  	v0 =	vadd.f32 v3, v0;
	v3 =	vmul.f32 v49, v2;
	_ =	sdelay $0x1  }
0x4bf: {  	v0 =	vadd.f32 v3, v0;
	_ =	sdelay $0x1  }
0x4c0: {  	[tilespmem:s17+$0xFFFFFFD0] =	vst v0  }
0x4c1: {  	v0 =	vld [tilespmem:s15+$0xFFFFFFE0]  }
0x4c2: {  	v3 =	vld [tilespmem:s14+$0xFFFFFFE0]  }
0x4c3: {  	v50 =	vld [tilespmem:s16+$0xFFFFFFE0];
	_ =	sdelay $0x1  }
0x4c4: {  	v51 =	vld [tilespmem:s18+$0xFFFFFFE0]  }
0x4c5: {  	v0 =	vmul.f32 v0, v1;
	_ =	sdelay $0x1  }
0x4c6: {  	v3 =	vmul.f32 v3, v4;
	v0 =	vadd.f32 v0, v50;
	_ =	sdelay $0x1  }
0x4c7: {  	v0 =	vadd.f32 v3, v0;
	v3 =	vmul.f32 v51, v2;
	_ =	sdelay $0x1  }
0x4c8: {  	v0 =	vadd.f32 v3, v0;
	_ =	sdelay $0x1  }
0x4c9: {  	[tilespmem:s17+$0xFFFFFFE0] =	vst v0  }
0x4ca: {  	v0 =	vld [tilespmem:s15+$0xFFFFFFF0]  }
0x4cb: {  	v3 =	vld [tilespmem:s14+$0xFFFFFFF0]  }
0x4cc: {  	v52 =	vld [tilespmem:s16+$0xFFFFFFF0];
	_ =	sdelay $0x1  }
0x4cd: {  	v53 =	vld [tilespmem:s18+$0xFFFFFFF0]  }
0x4ce: {  	v0 =	vmul.f32 v0, v1;
	_ =	sdelay $0x1  }
0x4cf: {  	v3 =	vmul.f32 v3, v4;
	v0 =	vadd.f32 v0, v52;
	_ =	sdelay $0x1  }
0x4d0: {  	v0 =	vadd.f32 v3, v0;
	v3 =	vmul.f32 v53, v2;
	_ =	sdelay $0x1  }
0x4d1: {  	v0 =	vadd.f32 v3, v0;
	_ =	sdelay $0x1  }
0x4d2: {  	[tilespmem:s17+$0xFFFFFFF0] =	vst v0  }
0x4d3: {  	v0 =	vld [tilespmem:s15+$0x0]  }
0x4d4: {  	v3 =	vld [tilespmem:s14+$0x0]  }
0x4d5: {  	v54 =	vld [tilespmem:s16+$0x0];
	_ =	sdelay $0x1  }
0x4d6: {  	v55 =	vld [tilespmem:s18+$0x0]  }
0x4d7: {  	v0 =	vmul.f32 v0, v1;
	_ =	sdelay $0x1  }
0x4d8: {  	v3 =	vmul.f32 v3, v4;
	v0 =	vadd.f32 v0, v54;
	_ =	sdelay $0x1  }
0x4d9: {  	v0 =	vadd.f32 v3, v0;
	v3 =	vmul.f32 v55, v2;
	_ =	sdelay $0x1  }
0x4da: {  	v0 =	vadd.f32 v3, v0;
	_ =	sdelay $0x1  }
0x4db: {  	[tilespmem:s17+$0x0] =	vst v0  }
0x4dc: {  	v0 =	vld [tilespmem:s15+$0x10]  }
0x4dd: {  	v3 =	vld [tilespmem:s16+$0x10]  }
0x4de: {  	v56 =	vld [tilespmem:s14+$0x10];
	_ =	sdelay $0x1  }
0x4df: {  	v57 =	vld [tilespmem:s18+$0x10]  }
0x4e0: {  	v0 =	vmul.f32 v0, v1;
	_ =	sdelay $0x1  }
0x4e1: {  	v0 =	vadd.f32 v0, v3;
	v3 =	vmul.f32 v56, v4;
	_ =	sdelay $0x1  }
0x4e2: {  	v58 =	vmul.f32 v57, v2;
	v0 =	vadd.f32 v3, v0;
	_ =	sdelay $0x1  }
0x4e3: {  	v0 =	vadd.f32 v58, v0;
	_ =	sdelay $0x1  }
0x4e4: {  	[tilespmem:s17+$0x10] =	vst v0  }
0x4e5: {  	v0 =	vld [tilespmem:s15+$0x20]  }
0x4e6: {  	v3 =	vld [tilespmem:s16+$0x20]  }
0x4e7: {  	v59 =	vld [tilespmem:s14+$0x20];
	_ =	sdelay $0x1  }
0x4e8: {  	v60 =	vld [tilespmem:s18+$0x20]  }
0x4e9: {  	v0 =	vmul.f32 v0, v1;
	_ =	sdelay $0x1  }
0x4ea: {  	v0 =	vadd.f32 v0, v3;
	v3 =	vmul.f32 v59, v4;
	_ =	sdelay $0x1  }
0x4eb: {  	v61 =	vmul.f32 v60, v2;
	v0 =	vadd.f32 v3, v0;
	_ =	sdelay $0x1  }
0x4ec: {  	v0 =	vadd.f32 v61, v0;
	_ =	sdelay $0x1  }
0x4ed: {  	[tilespmem:s17+$0x20] =	vst v0  }
0x4ee: {  	v0 =	vld [tilespmem:s15+$0x30]  }
0x4ef: {  	v3 =	vld [tilespmem:s16+$0x30]  }
0x4f0: {  	v62 =	vld [tilespmem:s14+$0x30];
	_ =	sdelay $0x1  }
0x4f1: {  	v63 =	vld [tilespmem:s18+$0x30]  }
0x4f2: {  	v0 =	vmul.f32 v0, v1;
	_ =	sdelay $0x1  }
0x4f3: {  	v1 =	vmul.f32 v62, v4;
	v0 =	vadd.f32 v0, v3;
	_ =	sdelay $0x1  }
0x4f4: {  	v2 =	vmul.f32 v63, v2;
	v0 =	vadd.f32 v1, v0;
	_ =	sdelay $0x1  }
0x4f5: {  	s19 =	simm.s32 $0x4CC0;
	s20 =	simm.s32 $0x10CC0;
	s18 =	simm.s32 $0x1;
	v0 =	vadd.f32 v2, v0  }
.LBB2_14:
0x4f6: {  	s16 =	sadd.s32 $0x80, s16;
	s15 =	sadd.s32 $0x80, s15  }
0x4f7: {  	[tilespmem:s17+$0x30] =	vst v0;
	s14 =	sadd.s32 $0x80, s14;
	s21 =	smov.u32 s18;
	s17 =	smov.u32 s20  }
0x4f8: {  	p0 =	sne.s32 s18, $0x3F;
	s18 =	sadd.s32 $0x1, s18;
	s22 =	sand.u32 $0x30, s21;
	v3 =	vld [tilespmem:s14+$0xFFFFFFC0]  }
0x4f9: {  	v0 =	vld [tilespmem:s22+$0x780]  }
0x4fa: {  	v1 =	vmov s21;
	v2 =	vld [tilespmem:s15+$0xFFFFFFC0]  }
0x4fb: {  	v1 =	vand.u32 $0xF, v1;
	v4 =	vld [tilespmem:s22+$0x980]  }
0x4fc: {  	v5 =	vbroadcast v1, $0x0;
	v6 =	vld [tilespmem:s16+$0xFFFFFFC0]  }
0x4fd: {  	v7 =	vld [tilespmem:s22+$0xB80]  }
0x4fe: {  	v0 =	vperm.xlane v0, v5  }
0x4ff: {  	v8 =	vld [tilespmem:s19+$0xFFFFFFC0]  }
0x500: {  	v1 =	vperm.xlane v4, v5;
	v4 =	vmul.f32 v2, v0;
	_ =	sdelay $0x1  }
0x501: {  	v2 =	vperm.xlane v7, v5;
	v4 =	vadd.f32 v4, v6;
	v3 =	vmul.f32 v3, v1;
	_ =	sdelay $0x1  }
0x502: {  	v3 =	vadd.f32 v3, v4;
	v4 =	vmul.f32 v8, v2;
	_ =	sdelay $0x1  }
0x503: {  	v3 =	vadd.f32 v4, v3;
	_ =	sdelay $0x1  }
0x504: {  	[tilespmem:s20+$0xFFFFFFC0] =	vst v3  }
0x505: {  	v3 =	vld [tilespmem:s15+$0xFFFFFFD0]  }
0x506: {  	v4 =	vld [tilespmem:s14+$0xFFFFFFD0]  }
0x507: {  	v5 =	vld [tilespmem:s16+$0xFFFFFFD0];
	_ =	sdelay $0x1  }
0x508: {  	v6 =	vld [tilespmem:s19+$0xFFFFFFD0]  }
0x509: {  	v3 =	vmul.f32 v3, v0  }
0x50a: {  	v4 =	vmul.f32 v4, v1  }
0x50b: {  	v3 =	vadd.f32 v3, v5;
	_ =	sdelay $0x1  }
0x50c: {  	v3 =	vadd.f32 v4, v3;
	v4 =	vmul.f32 v6, v2;
	_ =	sdelay $0x1  }
0x50d: {  	v3 =	vadd.f32 v4, v3;
	_ =	sdelay $0x1  }
0x50e: {  	[tilespmem:s20+$0xFFFFFFD0] =	vst v3  }
0x50f: {  	v3 =	vld [tilespmem:s15+$0xFFFFFFE0]  }
0x510: {  	v4 =	vld [tilespmem:s14+$0xFFFFFFE0]  }
0x511: {  	v5 =	vld [tilespmem:s16+$0xFFFFFFE0];
	_ =	sdelay $0x1  }
0x512: {  	v6 =	vld [tilespmem:s19+$0xFFFFFFE0]  }
0x513: {  	v3 =	vmul.f32 v3, v0  }
0x514: {  	v4 =	vmul.f32 v4, v1  }
0x515: {  	v3 =	vadd.f32 v3, v5;
	_ =	sdelay $0x1  }
0x516: {  	v3 =	vadd.f32 v4, v3;
	v4 =	vmul.f32 v6, v2;
	_ =	sdelay $0x1  }
0x517: {  	v3 =	vadd.f32 v4, v3;
	_ =	sdelay $0x1  }
0x518: {  	[tilespmem:s20+$0xFFFFFFE0] =	vst v3  }
0x519: {  	v3 =	vld [tilespmem:s15+$0xFFFFFFF0]  }
0x51a: {  	v4 =	vld [tilespmem:s14+$0xFFFFFFF0]  }
0x51b: {  	v5 =	vld [tilespmem:s16+$0xFFFFFFF0];
	_ =	sdelay $0x1  }
0x51c: {  	v6 =	vld [tilespmem:s19+$0xFFFFFFF0]  }
0x51d: {  	v3 =	vmul.f32 v3, v0  }
0x51e: {  	v4 =	vmul.f32 v4, v1  }
0x51f: {  	v3 =	vadd.f32 v3, v5;
	_ =	sdelay $0x1  }
0x520: {  	v3 =	vadd.f32 v4, v3;
	v4 =	vmul.f32 v6, v2;
	_ =	sdelay $0x1  }
0x521: {  	v3 =	vadd.f32 v4, v3;
	_ =	sdelay $0x1  }
0x522: {  	[tilespmem:s20+$0xFFFFFFF0] =	vst v3  }
0x523: {  	v3 =	vld [tilespmem:s15+$0x0]  }
0x524: {  	v4 =	vld [tilespmem:s14+$0x0]  }
0x525: {  	v5 =	vld [tilespmem:s16+$0x0];
	_ =	sdelay $0x1  }
0x526: {  	v6 =	vld [tilespmem:s19+$0x0]  }
0x527: {  	v3 =	vmul.f32 v3, v0  }
0x528: {  	v4 =	vmul.f32 v4, v1  }
0x529: {  	v3 =	vadd.f32 v3, v5;
	_ =	sdelay $0x1  }
0x52a: {  	v3 =	vadd.f32 v4, v3;
	v4 =	vmul.f32 v6, v2;
	_ =	sdelay $0x1  }
0x52b: {  	v3 =	vadd.f32 v4, v3;
	_ =	sdelay $0x1  }
0x52c: {  	[tilespmem:s20+$0x0] =	vst v3  }
0x52d: {  	v3 =	vld [tilespmem:s15+$0x10]  }
0x52e: {  	v4 =	vld [tilespmem:s16+$0x10]  }
0x52f: {  	v5 =	vld [tilespmem:s14+$0x10]  }
0x530: {  	v6 =	vld [tilespmem:s19+$0x10];
	_ =	sdelay $0x1  }
0x531: {  	v3 =	vmul.f32 v3, v0;
	_ =	sdelay $0x1  }
0x532: {  	v3 =	vadd.f32 v3, v4;
	v4 =	vmul.f32 v5, v1  }
0x533: {  	v5 =	vmul.f32 v6, v2  }
0x534: {  	v3 =	vadd.f32 v4, v3;
	_ =	sdelay $0x1  }
0x535: {  	v3 =	vadd.f32 v5, v3;
	_ =	sdelay $0x1  }
0x536: {  	[tilespmem:s20+$0x10] =	vst v3  }
0x537: {  	v3 =	vld [tilespmem:s15+$0x20]  }
0x538: {  	v4 =	vld [tilespmem:s16+$0x20]  }
0x539: {  	v5 =	vld [tilespmem:s14+$0x20]  }
0x53a: {  	v6 =	vld [tilespmem:s19+$0x20];
	_ =	sdelay $0x1  }
0x53b: {  	v3 =	vmul.f32 v3, v0;
	_ =	sdelay $0x1  }
0x53c: {  	v3 =	vadd.f32 v3, v4;
	v4 =	vmul.f32 v5, v1  }
0x53d: {  	v5 =	vmul.f32 v6, v2  }
0x53e: {  	v3 =	vadd.f32 v4, v3;
	_ =	sdelay $0x1  }
0x53f: {  	v3 =	vadd.f32 v5, v3;
	_ =	sdelay $0x1  }
0x540: {  	[tilespmem:s20+$0x20] =	vst v3  }
0x541: {  	v3 =	vld [tilespmem:s15+$0x30]  }
0x542: {  	v4 =	vld [tilespmem:s16+$0x30]  }
0x543: {  	v5 =	vld [tilespmem:s14+$0x30]  }
0x544: {  	v6 =	vld [tilespmem:s19+$0x30];
	_ =	sdelay $0x1  }
0x545: {  	v0 =	vmul.f32 v3, v0;
	_ =	sdelay $0x1  }
0x546: {  	v0 =	vadd.f32 v0, v4;
	v1 =	vmul.f32 v5, v1  }
.Ltmp6:
0x547: {  	v2 =	vmul.f32 v6, v2;
	(pc) =	sbr.rel @p0 .LBB2_14-.Ltmp6, $3  }
0x548: {  	v0 =	vadd.f32 v1, v0;
	_ =	sdelay $0x1  }
0x549: {  	v0 =	vadd.f32 v2, v0  }
0x54a: {  	s20 =	sadd.s32 $0x80, s20;
	s19 =	sadd.s32 $0x80, s19  }
0x54b: {  	[tilespmem:s17+$0x30] =	vst v0;
	s16 =	simm.s32 $0x0;
	s14 =	rddreg [dreg:$0x16]  }
0x54c: {  	[hbm4b:s14+s16] =	stream.linear.scatter [tilespmem:s10], [sflag:$0x5], $0x2000, $0x38;
	[tilespmem:$0x12C00] =	vst v63  }
0x54d: {  	_ =	swait.ge [sflag:s28], $0x2000  }
0x54e: {  	[sflag:s28] =	ssyncset.done $0x0  }
0x54f: {  	[sflag:s28] =	ssyncadd.s32 $0xFFFFE000  }
0x550: {  	_ =	swait.ge [sflag:s11], $0x2000  }
0x551: {  	[sflag:s11] =	ssyncset.done $0x0  }
0x552: {  	[sflag:s11] =	ssyncadd.s32 $0xFFFFE000  }
0x553: {  	_ =	swait.ge [sflag:s11], $0x2000  }
0x554: {  	[sflag:s11] =	ssyncset.done $0x0  }
0x555: {  	[sflag:s11] =	ssyncadd.s32 $0xFFFFE000  }
0x556: {  	_ =	swait.ge [sflag:s11], $0x2000  }
0x557: {  	[sflag:s11] =	ssyncset.done $0x0  }
0x558: {  	[sflag:s11] =	ssyncadd.s32 $0xFFFFE000  }
0x559: {  	_ =	swait.ge [sflag:s12], $0x2000  }
0x55a: {  	[sflag:s12] =	ssyncset.done $0x0  }
0x55b: {  	s14 =	simm.s32 $0x8C40;
	[sflag:s12] =	ssyncadd.s32 $0xFFFFE000  }
0x55c: {  	s22 =	sand.u32 $0x30, s16;
	v0 =	vld [tilespmem:s14+$0xFFFFFFC0]  }
0x55d: {  	s15 =	simm.s32 $0x6C40;
	v1 =	vld [tilespmem:s22+$0x7C0]  }
0x55e: {  	v2 =	vmov s16;
	v3 =	vld [tilespmem:s15+$0xFFFFFFC0]  }
0x55f: {  	s16 =	simm.s32 $0xEC40;
	v2 =	vand.u32 $0xF, v2;
	v4 =	vld [tilespmem:s22+$0x9C0]  }
0x560: {  	v2 =	vbroadcast v2, $0x0;
	v5 =	vld [tilespmem:s16+$0xFFFFFFC0]  }
0x561: {  	v6 =	vld [tilespmem:s22+$0xBC0]  }
0x562: {  	s18 =	simm.s32 $0xAC40;
	v1 =	vperm.xlane v1, v2  }
0x563: {  	v7 =	vld [tilespmem:s18+$0xFFFFFFC0]  }
0x564: {  	v4 =	vperm.xlane v4, v2;
	v3 =	vmul.f32 v3, v1;
	_ =	sdelay $0x1  }
0x565: {  	v2 =	vperm.xlane v6, v2;
	v0 =	vmul.f32 v0, v4;
	v3 =	vadd.f32 v3, v5;
	_ =	sdelay $0x1  }
0x566: {  	v0 =	vadd.f32 v0, v3;
	v3 =	vmul.f32 v7, v2;
	_ =	sdelay $0x1  }
0x567: {  	v0 =	vadd.f32 v3, v0  }
0x568: {  	s17 =	simm.s32 $0x10C40  }
0x569: {  	[tilespmem:s17+$0xFFFFFFC0] =	vst v0  }
0x56a: {  	v0 =	vld [tilespmem:s15+$0xFFFFFFD0]  }
0x56b: {  	v3 =	vld [tilespmem:s14+$0xFFFFFFD0]  }
0x56c: {  	v48 =	vld [tilespmem:s16+$0xFFFFFFD0];
	_ =	sdelay $0x1  }
0x56d: {  	v49 =	vld [tilespmem:s18+$0xFFFFFFD0]  }
0x56e: {  	v0 =	vmul.f32 v0, v1;
	_ =	sdelay $0x1  }
0x56f: {  	v3 =	vmul.f32 v3, v4;
	v0 =	vadd.f32 v0, v48;
	_ =	sdelay $0x1  }
0x570: {  	v0 =	vadd.f32 v3, v0;
	v3 =	vmul.f32 v49, v2;
	_ =	sdelay $0x1  }
0x571: {  	v0 =	vadd.f32 v3, v0;
	_ =	sdelay $0x1  }
0x572: {  	[tilespmem:s17+$0xFFFFFFD0] =	vst v0  }
0x573: {  	v0 =	vld [tilespmem:s15+$0xFFFFFFE0]  }
0x574: {  	v3 =	vld [tilespmem:s14+$0xFFFFFFE0]  }
0x575: {  	v50 =	vld [tilespmem:s16+$0xFFFFFFE0];
	_ =	sdelay $0x1  }
0x576: {  	v51 =	vld [tilespmem:s18+$0xFFFFFFE0]  }
0x577: {  	v0 =	vmul.f32 v0, v1;
	_ =	sdelay $0x1  }
0x578: {  	v3 =	vmul.f32 v3, v4;
	v0 =	vadd.f32 v0, v50;
	_ =	sdelay $0x1  }
0x579: {  	v0 =	vadd.f32 v3, v0;
	v3 =	vmul.f32 v51, v2;
	_ =	sdelay $0x1  }
0x57a: {  	v0 =	vadd.f32 v3, v0;
	_ =	sdelay $0x1  }
0x57b: {  	[tilespmem:s17+$0xFFFFFFE0] =	vst v0  }
0x57c: {  	v0 =	vld [tilespmem:s15+$0xFFFFFFF0]  }
0x57d: {  	v3 =	vld [tilespmem:s14+$0xFFFFFFF0]  }
0x57e: {  	v52 =	vld [tilespmem:s16+$0xFFFFFFF0];
	_ =	sdelay $0x1  }
0x57f: {  	v53 =	vld [tilespmem:s18+$0xFFFFFFF0]  }
0x580: {  	v0 =	vmul.f32 v0, v1;
	_ =	sdelay $0x1  }
0x581: {  	v3 =	vmul.f32 v3, v4;
	v0 =	vadd.f32 v0, v52;
	_ =	sdelay $0x1  }
0x582: {  	v0 =	vadd.f32 v3, v0;
	v3 =	vmul.f32 v53, v2;
	_ =	sdelay $0x1  }
0x583: {  	v0 =	vadd.f32 v3, v0;
	_ =	sdelay $0x1  }
0x584: {  	[tilespmem:s17+$0xFFFFFFF0] =	vst v0  }
0x585: {  	v0 =	vld [tilespmem:s15+$0x0]  }
0x586: {  	v3 =	vld [tilespmem:s14+$0x0]  }
0x587: {  	v54 =	vld [tilespmem:s16+$0x0];
	_ =	sdelay $0x1  }
0x588: {  	v55 =	vld [tilespmem:s18+$0x0]  }
0x589: {  	v0 =	vmul.f32 v0, v1;
	_ =	sdelay $0x1  }
0x58a: {  	v3 =	vmul.f32 v3, v4;
	v0 =	vadd.f32 v0, v54;
	_ =	sdelay $0x1  }
0x58b: {  	v0 =	vadd.f32 v3, v0;
	v3 =	vmul.f32 v55, v2;
	_ =	sdelay $0x1  }
0x58c: {  	v0 =	vadd.f32 v3, v0;
	_ =	sdelay $0x1  }
0x58d: {  	[tilespmem:s17+$0x0] =	vst v0  }
0x58e: {  	v0 =	vld [tilespmem:s15+$0x10]  }
0x58f: {  	v3 =	vld [tilespmem:s16+$0x10]  }
0x590: {  	v56 =	vld [tilespmem:s14+$0x10];
	_ =	sdelay $0x1  }
0x591: {  	v57 =	vld [tilespmem:s18+$0x10]  }
0x592: {  	v0 =	vmul.f32 v0, v1;
	_ =	sdelay $0x1  }
0x593: {  	v0 =	vadd.f32 v0, v3;
	v3 =	vmul.f32 v56, v4;
	_ =	sdelay $0x1  }
0x594: {  	v58 =	vmul.f32 v57, v2;
	v0 =	vadd.f32 v3, v0;
	_ =	sdelay $0x1  }
0x595: {  	v0 =	vadd.f32 v58, v0;
	_ =	sdelay $0x1  }
0x596: {  	[tilespmem:s17+$0x10] =	vst v0  }
0x597: {  	v0 =	vld [tilespmem:s15+$0x20]  }
0x598: {  	v3 =	vld [tilespmem:s16+$0x20]  }
0x599: {  	v59 =	vld [tilespmem:s14+$0x20];
	_ =	sdelay $0x1  }
0x59a: {  	v60 =	vld [tilespmem:s18+$0x20]  }
0x59b: {  	v0 =	vmul.f32 v0, v1;
	_ =	sdelay $0x1  }
0x59c: {  	v0 =	vadd.f32 v0, v3;
	v3 =	vmul.f32 v59, v4;
	_ =	sdelay $0x1  }
0x59d: {  	v61 =	vmul.f32 v60, v2;
	v0 =	vadd.f32 v3, v0;
	_ =	sdelay $0x1  }
0x59e: {  	v0 =	vadd.f32 v61, v0;
	_ =	sdelay $0x1  }
0x59f: {  	[tilespmem:s17+$0x20] =	vst v0  }
0x5a0: {  	v0 =	vld [tilespmem:s15+$0x30]  }
0x5a1: {  	v3 =	vld [tilespmem:s16+$0x30]  }
0x5a2: {  	v62 =	vld [tilespmem:s14+$0x30];
	_ =	sdelay $0x1  }
0x5a3: {  	v63 =	vld [tilespmem:s18+$0x30]  }
0x5a4: {  	v0 =	vmul.f32 v0, v1;
	_ =	sdelay $0x1  }
0x5a5: {  	v1 =	vmul.f32 v62, v4;
	v0 =	vadd.f32 v0, v3;
	_ =	sdelay $0x1  }
0x5a6: {  	v2 =	vmul.f32 v63, v2;
	v0 =	vadd.f32 v1, v0;
	_ =	sdelay $0x1  }
0x5a7: {  	s19 =	simm.s32 $0xACC0;
	s20 =	simm.s32 $0x10CC0;
	s18 =	simm.s32 $0x1;
	v0 =	vadd.f32 v2, v0  }
.LBB2_16:
0x5a8: {  	s16 =	sadd.s32 $0x80, s16;
	s15 =	sadd.s32 $0x80, s15  }
0x5a9: {  	[tilespmem:s17+$0x30] =	vst v0;
	s14 =	sadd.s32 $0x80, s14;
	s21 =	smov.u32 s18;
	s17 =	smov.u32 s20  }
0x5aa: {  	p0 =	sne.s32 s18, $0x3F;
	s18 =	sadd.s32 $0x1, s18;
	s22 =	sand.u32 $0x30, s21;
	v3 =	vld [tilespmem:s14+$0xFFFFFFC0]  }
0x5ab: {  	v0 =	vld [tilespmem:s22+$0x7C0]  }
0x5ac: {  	v1 =	vmov s21;
	v2 =	vld [tilespmem:s15+$0xFFFFFFC0]  }
0x5ad: {  	v1 =	vand.u32 $0xF, v1;
	v4 =	vld [tilespmem:s22+$0x9C0]  }
0x5ae: {  	v5 =	vbroadcast v1, $0x0;
	v6 =	vld [tilespmem:s16+$0xFFFFFFC0]  }
0x5af: {  	v7 =	vld [tilespmem:s22+$0xBC0]  }
0x5b0: {  	v0 =	vperm.xlane v0, v5  }
0x5b1: {  	v8 =	vld [tilespmem:s19+$0xFFFFFFC0]  }
0x5b2: {  	v1 =	vperm.xlane v4, v5;
	v4 =	vmul.f32 v2, v0;
	_ =	sdelay $0x1  }
0x5b3: {  	v2 =	vperm.xlane v7, v5;
	v4 =	vadd.f32 v4, v6;
	v3 =	vmul.f32 v3, v1;
	_ =	sdelay $0x1  }
0x5b4: {  	v3 =	vadd.f32 v3, v4;
	v4 =	vmul.f32 v8, v2;
	_ =	sdelay $0x1  }
0x5b5: {  	v3 =	vadd.f32 v4, v3;
	_ =	sdelay $0x1  }
0x5b6: {  	[tilespmem:s20+$0xFFFFFFC0] =	vst v3  }
0x5b7: {  	v3 =	vld [tilespmem:s15+$0xFFFFFFD0]  }
0x5b8: {  	v4 =	vld [tilespmem:s14+$0xFFFFFFD0]  }
0x5b9: {  	v5 =	vld [tilespmem:s16+$0xFFFFFFD0];
	_ =	sdelay $0x1  }
0x5ba: {  	v6 =	vld [tilespmem:s19+$0xFFFFFFD0]  }
0x5bb: {  	v3 =	vmul.f32 v3, v0  }
0x5bc: {  	v4 =	vmul.f32 v4, v1  }
0x5bd: {  	v3 =	vadd.f32 v3, v5;
	_ =	sdelay $0x1  }
0x5be: {  	v3 =	vadd.f32 v4, v3;
	v4 =	vmul.f32 v6, v2;
	_ =	sdelay $0x1  }
0x5bf: {  	v3 =	vadd.f32 v4, v3;
	_ =	sdelay $0x1  }
0x5c0: {  	[tilespmem:s20+$0xFFFFFFD0] =	vst v3  }
0x5c1: {  	v3 =	vld [tilespmem:s15+$0xFFFFFFE0]  }
0x5c2: {  	v4 =	vld [tilespmem:s14+$0xFFFFFFE0]  }
0x5c3: {  	v5 =	vld [tilespmem:s16+$0xFFFFFFE0];
	_ =	sdelay $0x1  }
0x5c4: {  	v6 =	vld [tilespmem:s19+$0xFFFFFFE0]  }
0x5c5: {  	v3 =	vmul.f32 v3, v0  }
0x5c6: {  	v4 =	vmul.f32 v4, v1  }
0x5c7: {  	v3 =	vadd.f32 v3, v5;
	_ =	sdelay $0x1  }
0x5c8: {  	v3 =	vadd.f32 v4, v3;
	v4 =	vmul.f32 v6, v2;
	_ =	sdelay $0x1  }
0x5c9: {  	v3 =	vadd.f32 v4, v3;
	_ =	sdelay $0x1  }
0x5ca: {  	[tilespmem:s20+$0xFFFFFFE0] =	vst v3  }
0x5cb: {  	v3 =	vld [tilespmem:s15+$0xFFFFFFF0]  }
0x5cc: {  	v4 =	vld [tilespmem:s14+$0xFFFFFFF0]  }
0x5cd: {  	v5 =	vld [tilespmem:s16+$0xFFFFFFF0];
	_ =	sdelay $0x1  }
0x5ce: {  	v6 =	vld [tilespmem:s19+$0xFFFFFFF0]  }
0x5cf: {  	v3 =	vmul.f32 v3, v0  }
0x5d0: {  	v4 =	vmul.f32 v4, v1  }
0x5d1: {  	v3 =	vadd.f32 v3, v5;
	_ =	sdelay $0x1  }
0x5d2: {  	v3 =	vadd.f32 v4, v3;
	v4 =	vmul.f32 v6, v2;
	_ =	sdelay $0x1  }
0x5d3: {  	v3 =	vadd.f32 v4, v3;
	_ =	sdelay $0x1  }
0x5d4: {  	[tilespmem:s20+$0xFFFFFFF0] =	vst v3  }
0x5d5: {  	v3 =	vld [tilespmem:s15+$0x0]  }
0x5d6: {  	v4 =	vld [tilespmem:s14+$0x0]  }
0x5d7: {  	v5 =	vld [tilespmem:s16+$0x0];
	_ =	sdelay $0x1  }
0x5d8: {  	v6 =	vld [tilespmem:s19+$0x0]  }
0x5d9: {  	v3 =	vmul.f32 v3, v0  }
0x5da: {  	v4 =	vmul.f32 v4, v1  }
0x5db: {  	v3 =	vadd.f32 v3, v5;
	_ =	sdelay $0x1  }
0x5dc: {  	v3 =	vadd.f32 v4, v3;
	v4 =	vmul.f32 v6, v2;
	_ =	sdelay $0x1  }
0x5dd: {  	v3 =	vadd.f32 v4, v3;
	_ =	sdelay $0x1  }
0x5de: {  	[tilespmem:s20+$0x0] =	vst v3  }
0x5df: {  	v3 =	vld [tilespmem:s15+$0x10]  }
0x5e0: {  	v4 =	vld [tilespmem:s16+$0x10]  }
0x5e1: {  	v5 =	vld [tilespmem:s14+$0x10]  }
0x5e2: {  	v6 =	vld [tilespmem:s19+$0x10];
	_ =	sdelay $0x1  }
0x5e3: {  	v3 =	vmul.f32 v3, v0;
	_ =	sdelay $0x1  }
0x5e4: {  	v3 =	vadd.f32 v3, v4;
	v4 =	vmul.f32 v5, v1  }
0x5e5: {  	v5 =	vmul.f32 v6, v2  }
0x5e6: {  	v3 =	vadd.f32 v4, v3;
	_ =	sdelay $0x1  }
0x5e7: {  	v3 =	vadd.f32 v5, v3;
	_ =	sdelay $0x1  }
0x5e8: {  	[tilespmem:s20+$0x10] =	vst v3  }
0x5e9: {  	v3 =	vld [tilespmem:s15+$0x20]  }
0x5ea: {  	v4 =	vld [tilespmem:s16+$0x20]  }
0x5eb: {  	v5 =	vld [tilespmem:s14+$0x20]  }
0x5ec: {  	v6 =	vld [tilespmem:s19+$0x20];
	_ =	sdelay $0x1  }
0x5ed: {  	v3 =	vmul.f32 v3, v0;
	_ =	sdelay $0x1  }
0x5ee: {  	v3 =	vadd.f32 v3, v4;
	v4 =	vmul.f32 v5, v1  }
0x5ef: {  	v5 =	vmul.f32 v6, v2  }
0x5f0: {  	v3 =	vadd.f32 v4, v3;
	_ =	sdelay $0x1  }
0x5f1: {  	v3 =	vadd.f32 v5, v3;
	_ =	sdelay $0x1  }
0x5f2: {  	[tilespmem:s20+$0x20] =	vst v3  }
0x5f3: {  	v3 =	vld [tilespmem:s15+$0x30]  }
0x5f4: {  	v4 =	vld [tilespmem:s16+$0x30]  }
0x5f5: {  	v5 =	vld [tilespmem:s14+$0x30]  }
0x5f6: {  	v6 =	vld [tilespmem:s19+$0x30];
	_ =	sdelay $0x1  }
0x5f7: {  	v0 =	vmul.f32 v3, v0;
	_ =	sdelay $0x1  }
0x5f8: {  	v0 =	vadd.f32 v0, v4;
	v1 =	vmul.f32 v5, v1  }
.Ltmp7:
0x5f9: {  	v2 =	vmul.f32 v6, v2;
	(pc) =	sbr.rel @p0 .LBB2_16-.Ltmp7, $3  }
0x5fa: {  	v0 =	vadd.f32 v1, v0;
	_ =	sdelay $0x1  }
0x5fb: {  	v0 =	vadd.f32 v2, v0  }
0x5fc: {  	s20 =	sadd.s32 $0x80, s20;
	s19 =	sadd.s32 $0x80, s19  }
0x5fd: {  	s13 =	sadd.s32 $0x1, s13  }
0x5fe: {  	p0 =	sne.s32 s13, s26  }
.Ltmp8:
0x5ff: {  	[tilespmem:s17+$0x30] =	vst v0;
	s14 =	rddreg [dreg:$0x17];
	(pc) =	sbr.rel @p0 .LBB2_1-.Ltmp8, $4  }
0x600: {  	[hbm4b:s14+s2] =	stream.linear.scatter [tilespmem:s10], [sflag:$0x5], $0x2000, $0x38;
	[tilespmem:$0x12C00] =	vst v63  }
0x601: {  	_ =	swait.ge [sflag:s28], $0x2000  }
0x602: {  	[sflag:s28] =	ssyncset.done $0x0  }
0x603: {  	[sflag:s28] =	ssyncadd.s32 $0xFFFFE000  }
0x604: {  	_ =	sfence.sel $0x180000  }
0x605: {  	[bflag:$0x0] =	sbarrier.arrive $0xFFFF  }
0x606: {  	_ =	strace $0x90000047  }
0x607: {  	s0 =	stileid.u32;
	[bflag:$0x2] =	sbarrier.arrive $0xFFFF  }
0x608: {  	p0 =	sne.s32 s0, $0x0;
	s0 =	rddreg [dreg:$0x4]  }
0x609: {  	s0 =	sadd.s32 @!p0 $0x100000, s0  }
0x60a: {  	[sflag:s0] =	ssyncadd.tile.s32 @!p0 $0x1;
	_ =	shalt  }
.Lfunc_end2:
_tile_overlayer_lowered:
.L_overlay_start_2:
0x60b: {  	(tag) =	ssettag $0x2  }
0x60c: {  	s0 =	rddreg [dreg:$0x0];
	s2 =	stileid.u32  }
0x60d: {  	s1 =	rddreg [dreg:$0x1];
	p0 =	sne.s32 s2, $0x0  }
0x60e: {  	s3 =	rddreg [dreg:$0x2];
	[bflag:$0x3] =	sbarrier.arrive $0xFFFF;
	s2 =	simm.s32 @!p0 $0x1C05  }
0x60f: {  	[timem:s3], [sflag:s2] =	dma.local @!p0 [hbm:s0], s1  }
0x610: {  	s0 =	simm.s32 @!p0 $0x5  }
0x611: {  	_ =	swait.ge @!p0 [sflag:s0], s1  }
0x612: {  	s1 =	ssub.s32 @!p0 $0x0, s1;
	[sflag:s0] =	ssyncset.done @!p0 $0x0  }
0x613: {  	[sflag:s0] =	ssyncadd.s32 @!p0 s1  }
0x614: {  	[bflag:$0x3] =	sbarrier.arrive $0xFFFF  }
0x615: {  	_ =	shalt  }

</sc_bundles>
